<compile_context>
chip_gen: v7x
topology: tpu7x:2x2x1
jax: 0.10.2.dev20260603
libtpu: 0.0.44.dev20260713+nightly
codegen_flags: <defaults>
</compile_context>

<pallas_src>
import functools

import jax
import jax.numpy as jnp
from jax import lax
from jax.experimental import pallas as pl
from jax.experimental.pallas import tpu as pltpu
from jax.experimental.pallas import tpu_sc as plsc

_N = 10000
_E = 320000
_D = 128
_H = 128

_NC = 2
_NS = 16
_NW = _NC * _NS
_EPW = _E // _NW
_C = 100
_NCHUNK = _EPW // _C
_W = 20
_NWIN = _NCHUNK // _W
_RPT = 640
_RPT_LAST = _N - 15 * _RPT
_DEGP = 10240
_DPT = _DEGP // _NS


def _seg_body(h_hbm, zero_hbm, src_hbm, dst_hbm, agg_out,
              src_v, dst_v, rows_v, rows_v2, acc_sh,
              gsem, gsem2, ssem, ssem2):
    c = lax.axis_index("c")
    s = lax.axis_index("s")
    wid = s * _NC + c

    @pl.when(s < 15)
    def _():
        pltpu.sync_copy(zero_hbm.at[pl.ds(s * _RPT, _RPT)],
                        acc_sh.at[pl.ds(s * _RPT, _RPT)])

    @pl.when(s == 15)
    def _():
        pltpu.sync_copy(zero_hbm.at[pl.ds(15 * _RPT, _RPT_LAST)],
                        acc_sh.at[pl.ds(15 * _RPT, _RPT_LAST)])

    plsc.subcore_barrier()

    rows = (rows_v, rows_v2)
    gsems = (gsem, gsem2)
    ssems = (ssem, ssem2)

    def win(w, carry):
        pltpu.sync_copy(src_hbm.at[wid, w], src_v)
        pltpu.sync_copy(dst_hbm.at[wid, w], dst_v)

        gd = [None, None]
        sd = [None, None]
        gd[0] = pltpu.async_copy(h_hbm.at[src_v.at[0]], rows[0], gsems[0])
        for j in range(_W):
            b = j % 2
            nb = (j + 1) % 2
            gd[b].wait()
            sd[b] = pltpu.async_copy(rows[b], acc_sh.at[dst_v.at[j]],
                                     ssems[b], add=True)
            if j + 1 < _W:
                if sd[nb] is not None:
                    sd[nb].wait()
                gd[nb] = pltpu.async_copy(h_hbm.at[src_v.at[j + 1]],
                                          rows[nb], gsems[nb])
        sd[(_W - 1) % 2].wait()
        sd[_W % 2].wait()
        return carry

    lax.fori_loop(0, _NWIN, win, 0)
    plsc.subcore_barrier()

    @pl.when(s < 15)
    def _():
        pltpu.sync_copy(acc_sh.at[pl.ds(s * _RPT, _RPT)],
                        agg_out.at[c, pl.ds(s * _RPT, _RPT)])

    @pl.when(s == 15)
    def _():
        pltpu.sync_copy(acc_sh.at[pl.ds(15 * _RPT, _RPT_LAST)],
                        agg_out.at[c, pl.ds(15 * _RPT, _RPT_LAST)])


def _make_segsum():
    mesh = plsc.VectorSubcoreMesh(core_axis_name="c", subcore_axis_name="s")
    return pl.kernel(
        _seg_body,
        out_type=[jax.ShapeDtypeStruct((_NC, _N, _H), jnp.float32)],
        mesh=mesh,
        scratch_types=[
            pltpu.VMEM((_W, _C), jnp.int32),
            pltpu.VMEM((_W, _C), jnp.int32),
            pltpu.VMEM((_C, _H), jnp.float32),
            pltpu.VMEM((_C, _H), jnp.float32),
            pltpu.VMEM_SHARED((_N, _H), jnp.float32),
            pltpu.SemaphoreType.DMA,
            pltpu.SemaphoreType.DMA,
            pltpu.SemaphoreType.DMA,
            pltpu.SemaphoreType.DMA,
        ],
    )


_segsum = _make_segsum()


def _deg_body(ones_hbm, zero_hbm, src_hbm, deg_out,
              src_v, ones_v, deg_sh, gsem):
    c = lax.axis_index("c")
    s = lax.axis_index("s")
    wid = s * _NC + c

    pltpu.sync_copy(zero_hbm.at[pl.ds(s * _DPT, _DPT)],
                    deg_sh.at[pl.ds(s * _DPT, _DPT)])
    pltpu.sync_copy(ones_hbm, ones_v)
    plsc.subcore_barrier()

    def win(w, carry):
        pltpu.sync_copy(src_hbm.at[wid, w], src_v)
        ds = [pltpu.async_copy(ones_v, deg_sh.at[src_v.at[j]], gsem,
                               add=True) for j in range(_W)]
        for d in ds:
            d.wait()
        return carry

    lax.fori_loop(0, _NWIN, win, 0)
    plsc.subcore_barrier()

    pltpu.sync_copy(deg_sh.at[pl.ds(s * _DPT, _DPT)],
                    deg_out.at[c, pl.ds(s * _DPT, _DPT)])


def _make_deg():
    mesh = plsc.VectorSubcoreMesh(core_axis_name="c", subcore_axis_name="s")
    return pl.kernel(
        _deg_body,
        out_type=[jax.ShapeDtypeStruct((_NC, _DEGP, _H), jnp.float32)],
        mesh=mesh,
        scratch_types=[
            pltpu.VMEM((_W, _C), jnp.int32),
            pltpu.VMEM((_C, _H), jnp.float32),
            pltpu.VMEM_SHARED((_DEGP, _H), jnp.float32),
            pltpu.SemaphoreType.DMA,
        ],
    )


_deghist = _make_deg()


def _bdot(a, b):
    return jnp.dot(a.astype(jnp.bfloat16), b.astype(jnp.bfloat16),
                   preferred_element_type=jnp.float32)


def _layer_body(a_ref, h_ref, wr_ref, wo_ref, b_ref, o_ref):
    agg = a_ref[0] + a_ref[1]
    o_ref[...] = jnp.maximum(
        _bdot(agg, wr_ref[...]) + _bdot(h_ref[...], wo_ref[...])
        + b_ref[...], 0.0)


def _final_body(a_ref, h_ref, deg_ref, wr_ref, wo_ref, b_ref,
                w3r_ref, w3o_ref, b3_ref, out_ref, sall_acc, sdeg_acc):
    i = pl.program_id(0)

    @pl.when(i == 0)
    def _():
        sall_acc[...] = jnp.zeros_like(sall_acc)
        sdeg_acc[...] = jnp.zeros_like(sdeg_acc)

    agg = a_ref[0] + a_ref[1]
    h2 = jnp.maximum(
        _bdot(agg, wr_ref[...]) + _bdot(h_ref[...], wo_ref[...])
        + b_ref[...], 0.0)
    sall_acc[...] += jnp.sum(h2, axis=0, keepdims=True)
    sdeg_acc[...] += jnp.sum(deg_ref[...] * h2, axis=0, keepdims=True)

    @pl.when(i == pl.num_programs(0) - 1)
    def _():
        w3r = w3r_ref[...].astype(jnp.bfloat16).astype(jnp.float32)
        w3o = w3o_ref[...].astype(jnp.bfloat16).astype(jnp.float32)
        out_ref[...] = (
            jnp.sum(sdeg_acc[...] * w3r, axis=1, keepdims=True) / _N
            + jnp.sum(sall_acc[...] * w3o, axis=1, keepdims=True) / _N
            + b3_ref[...])


_BLK_R = 2000


def _layer(a, h, wr_t, wo_t, b):
    return pl.pallas_call(
        _layer_body,
        grid=(_N // _BLK_R,),
        in_specs=[
            pl.BlockSpec((_NC, _BLK_R, _H), lambda i: (0, i, 0)),
            pl.BlockSpec((_BLK_R, _H), lambda i: (i, 0)),
            pl.BlockSpec((_H, _H), lambda i: (0, 0)),
            pl.BlockSpec((_H, _H), lambda i: (0, 0)),
            pl.BlockSpec((1, _H), lambda i: (0, 0)),
        ],
        out_specs=pl.BlockSpec((_BLK_R, _H), lambda i: (i, 0)),
        out_shape=jax.ShapeDtypeStruct((_N, _H), jnp.float32),
    )(a, h, wr_t, wo_t, b)


def _final(a, h, degv, wr_t, wo_t, b, w3r, w3o, b3):
    return pl.pallas_call(
        _final_body,
        grid=(_N // _BLK_R,),
        in_specs=[
            pl.BlockSpec((_NC, _BLK_R, _H), lambda i: (0, i, 0)),
            pl.BlockSpec((_BLK_R, _H), lambda i: (i, 0)),
            pl.BlockSpec((_BLK_R, 1), lambda i: (i, 0)),
            pl.BlockSpec((_H, _H), lambda i: (0, 0)),
            pl.BlockSpec((_H, _H), lambda i: (0, 0)),
            pl.BlockSpec((1, _H), lambda i: (0, 0)),
            pl.BlockSpec((1, _H), lambda i: (0, 0)),
            pl.BlockSpec((1, _H), lambda i: (0, 0)),
            pl.BlockSpec((1, 1), lambda i: (0, 0)),
        ],
        out_specs=pl.BlockSpec((1, 1), lambda i: (0, 0)),
        out_shape=jax.ShapeDtypeStruct((1, 1), jnp.float32),
        scratch_shapes=[
            pltpu.VMEM((1, _H), jnp.float32),
            pltpu.VMEM((1, _H), jnp.float32),
        ],
    )(a, h, degv, wr_t, wo_t, b, w3r, w3o, b3)


def kernel(x, edge_index, W1_rel, b1_rel, W1_root, W2_rel, b2_rel, W2_root,
           W3_rel, b3_rel, W3_root):
    src = edge_index[0].reshape(_NW, _NWIN, _W, _C)
    dst = edge_index[1].reshape(_NW, _NWIN, _W, _C)
    zero = jnp.zeros((_N, _H), jnp.float32)

    ones = jnp.ones((_C, _H), jnp.float32)
    zdeg = jnp.zeros((_DEGP, _H), jnp.float32)

    (agg1,) = _segsum(x, zero, src, dst)
    (deg,) = _deghist(ones, zdeg, src)
    h1 = _layer(agg1, x, W1_rel.T, W1_root.T, b1_rel.reshape(1, _H))
    (agg2,) = _segsum(h1, zero, src, dst)
    degv = deg[0, :_N, :1] + deg[1, :_N, :1]
    return _final(agg2, h1, degv, W2_rel.T, W2_root.T, b2_rel.reshape(1, _H),
                  W3_rel, W3_root, b3_rel.reshape(1, 1))

# --- scband reference (transcript-rebuilt; emitter-appended) ---
"""Pipeline reference for scband-gcn-scalar-86157043958238 (READ-ONLY COPY).

The authoritative reference and input builder live on the scoring server;
editing this copy changes nothing except your own understanding.
"""

import jax, jax.numpy as jnp
import numpy as np

N = 10000
E = 320000
D = 128
H = 128


def setup_inputs(seed: int = 0) -> dict:
    key = jax.random.key(seed)
    ks = jax.random.split(key, 12)
    x = jax.random.normal(ks[0], (N, D), dtype=jnp.float32)
    edge_index = jax.random.randint(ks[1], (2, E), 0, N, dtype=jnp.int32)
    s = 0.05
    W1_rel = jax.random.normal(ks[2], (H, D), dtype=jnp.float32) * s
    b1_rel = jax.random.normal(ks[3], (H,), dtype=jnp.float32) * s
    W1_root = jax.random.normal(ks[4], (H, D), dtype=jnp.float32) * s
    W2_rel = jax.random.normal(ks[5], (H, H), dtype=jnp.float32) * s
    b2_rel = jax.random.normal(ks[6], (H,), dtype=jnp.float32) * s
    W2_root = jax.random.normal(ks[7], (H, H), dtype=jnp.float32) * s
    W3_rel = jax.random.normal(ks[8], (1, H), dtype=jnp.float32) * s
    b3_rel = jax.random.normal(ks[9], (1,), dtype=jnp.float32) * s
    W3_root = jax.random.normal(ks[10], (1, H), dtype=jnp.float32) * s
    return {"x": x, "edge_index": edge_index,
            "W1_rel": W1_rel, "b1_rel": b1_rel, "W1_root": W1_root,
            "W2_rel": W2_rel, "b2_rel": b2_rel, "W2_root": W2_root,
            "W3_rel": W3_rel, "b3_rel": b3_rel, "W3_root": W3_root}


def reference(x, edge_index, W1_rel, b1_rel, W1_root, W2_rel, b2_rel, W2_root, W3_rel, b3_rel, W3_root):
    # PyG GraphConv: out = lin_rel(sum_{j in N(i)} x_j) + lin_root(x_i)
    src = edge_index[0]
    dst = edge_index[1]

    def conv(h, Wr, br, Wroot):
        msg = jnp.take(h, src, axis=0)              # gather x_j over edges
        agg = jax.ops.segment_sum(msg, dst, num_segments=N)  # scatter-add to dst
        return agg @ Wr.T + br + h @ Wroot.T

    h = jax.nn.relu(conv(x, W1_rel, b1_rel, W1_root))
    h = jax.nn.relu(conv(h, W2_rel, b2_rel, W2_root))
    h = conv(h, W3_rel, b3_rel, W3_root)
    # global_mean_pool with batch = zeros -> mean over all nodes, shape [1, 1]
    out = jnp.mean(h, axis=0, keepdims=True)
    return out

if __name__ == "__main__":
    import jax
    _d = setup_inputs()
    print(jax.jit(kernel)(*tuple(_d.values())))

</pallas_src>

<mosaic_0001>
#map = affine_map<(d0, d1) -> (0, 0)>
#map1 = affine_map<(d0, d1) -> (0, 0, 0, 0)>
#map2 = affine_map<(d0, d1) -> (0, 0, 0)>
module attributes {stable_mosaic.version = 14 : i64} {
  func.func @_deg_body(%arg0: i32, %arg1: i32, %arg2: memref<100x128xf32, #tpu.memory_space<hbm>>, %arg3: memref<10240x128xf32, #tpu.memory_space<hbm>>, %arg4: memref<32x5x20x100xi32, #tpu.memory_space<hbm>>, %arg5: memref<2x10240x128xf32, #tpu.memory_space<hbm>>, %arg6: memref<20x100xi32, #tpu.memory_space<vmem>>, %arg7: memref<100x128xf32, #tpu.memory_space<vmem>>, %arg8: memref<10240x128xf32, #tpu.memory_space<vmem_shared>>, %arg9: memref<!tpu.dma_semaphore, #tpu.memory_space<semaphore_mem>>) attributes {dimension_semantics = [#tpu.dimension_semantics<core_parallel>, #tpu.dimension_semantics<subcore_parallel>], iteration_bounds = array<i64: 2, 16>, scalar_prefetch = 0 : i64, scratch_operands = 4 : i64, tpu.core_type = #tpu.core_type<sc_vector_subcore>, window_params = [{transform_indices = #map}, {transform_indices = #map}, {transform_indices = #map1}, {transform_indices = #map2}]} {
    %mul3A = arith.constant 2 : i32
    %mul3A_0 = arith.muli %arg1, %mul3A : i32
    %add3A = arith.addi %mul3A_0, %arg0 : i32
    %mul3A_1 = arith.constant 640 : i32
    %mul3A_2 = arith.muli %arg1, %mul3A_1 : i32
    %mul3A_3 = arith.constant 640 : i32
    %mul3A_4 = arith.muli %arg1, %mul3A_3 : i32
    "tpu.region"() ({
      %run_scoped3A = tpu.sem_alloc : memref<!tpu.dma_semaphore, #tpu.memory_space<semaphore_mem>>
      %dma_start3A = arith.constant 0 : i32
      %dma_start3A_15 = tpu.memref_slice %arg8[%mul3A_4, %dma_start3A] : memref<10240x128xf32, #tpu.memory_space<vmem_shared>> -> memref<640x128xf32, #tpu.memory_space<vmem_shared>>
      %dma_start3A_16 = arith.constant 0 : i32
      %dma_start3A_17 = tpu.memref_slice %arg3[%mul3A_2, %dma_start3A_16] : memref<10240x128xf32, #tpu.memory_space<hbm>> -> memref<640x128xf32, #tpu.memory_space<hbm>>
      tpu.enqueue_dma source(%dma_start3A_17 : memref<640x128xf32, #tpu.memory_space<hbm>>) target(%dma_start3A_15 : memref<640x128xf32, #tpu.memory_space<vmem_shared>>) target_semaphore(%run_scoped3A : memref<!tpu.dma_semaphore, #tpu.memory_space<semaphore_mem>>)
      %dma_wait3A = arith.constant 0 : i32
      %dma_wait3A_18 = tpu.memref_slice %arg8[%mul3A_4, %dma_wait3A] : memref<10240x128xf32, #tpu.memory_space<vmem_shared>> -> memref<640x128xf32, #tpu.memory_space<vmem_shared>>
      %dma_wait3A_19 = arith.constant 0 : i32
      %dma_wait3A_20 = tpu.memref_slice %arg3[%mul3A_2, %dma_wait3A_19] : memref<10240x128xf32, #tpu.memory_space<hbm>> -> memref<640x128xf32, #tpu.memory_space<hbm>>
      tpu.wait_dma2 semaphore(%run_scoped3A : memref<!tpu.dma_semaphore, #tpu.memory_space<semaphore_mem>>) src(%dma_wait3A_20 : memref<640x128xf32, #tpu.memory_space<hbm>>) dst(%dma_wait3A_18 : memref<640x128xf32, #tpu.memory_space<vmem_shared>>)
      tpu.yield
    }) : () -> ()
    "tpu.region"() ({
      %run_scoped3A = tpu.sem_alloc : memref<!tpu.dma_semaphore, #tpu.memory_space<semaphore_mem>>
      tpu.enqueue_dma source(%arg2 : memref<100x128xf32, #tpu.memory_space<hbm>>) target(%arg7 : memref<100x128xf32, #tpu.memory_space<vmem>>) target_semaphore(%run_scoped3A : memref<!tpu.dma_semaphore, #tpu.memory_space<semaphore_mem>>)
      tpu.wait_dma2 semaphore(%run_scoped3A : memref<!tpu.dma_semaphore, #tpu.memory_space<semaphore_mem>>) src(%arg2 : memref<100x128xf32, #tpu.memory_space<hbm>>) dst(%arg7 : memref<100x128xf32, #tpu.memory_space<vmem>>)
      tpu.yield
    }) : () -> ()
    %barrier3A = arith.constant 0 : index
    tpu.barrier barrier_id(%barrier3A)
    %scan3A = arith.constant 0 : i32
    %scan3A_5 = arith.constant 0 : i32
    %scan3A_6 = arith.constant 5 : i32
    %scan3A_7 = arith.addi %scan3A_5, %scan3A_6 : i32
    %scan3A_8 = arith.constant 1 : i32
    scf.for %scan3A_15 = %scan3A_5 to %scan3A_7 step %scan3A_8  : i32 {
      "tpu.region"() ({
        %run_scoped3A = tpu.sem_alloc : memref<!tpu.dma_semaphore, #tpu.memory_space<semaphore_mem>>
        %dma_start3A_294 = arith.constant 0 : i32
        %dma_start3A_295 = arith.constant 0 : i32
        %dma_start3A_296 = tpu.memref_slice %arg4[%add3A, %scan3A_15, %dma_start3A_294, %dma_start3A_295] : memref<32x5x20x100xi32, #tpu.memory_space<hbm>> -> memref<1x1x20x100xi32, #tpu.memory_space<hbm>>
        %dma_start3A_297 = tpu.memref_squeeze %dma_start3A_296 : memref<1x1x20x100xi32, #tpu.memory_space<hbm>> -> memref<20x100xi32, #tpu.memory_space<hbm>>
        %dma_start3A_298 = arith.constant 0 : i32
        %dma_start3A_299 = arith.constant 0 : i32
        %dma_start3A_300 = tpu.memref_slice %arg4[%add3A, %scan3A_15, %dma_start3A_298, %dma_start3A_299] : memref<32x5x20x100xi32, #tpu.memory_space<hbm>> -> memref<1x1x20x100xi32, #tpu.memory_space<hbm>>
        %dma_start3A_301 = tpu.memref_squeeze %dma_start3A_300 : memref<1x1x20x100xi32, #tpu.memory_space<hbm>> -> memref<20x100xi32, #tpu.memory_space<hbm>>
        tpu.enqueue_dma source(%dma_start3A_301 : memref<20x100xi32, #tpu.memory_space<hbm>>) target(%arg6 : memref<20x100xi32, #tpu.memory_space<vmem>>) target_semaphore(%run_scoped3A : memref<!tpu.dma_semaphore, #tpu.memory_space<semaphore_mem>>)
        %dma_wait3A_302 = arith.constant 0 : i32
        %dma_wait3A_303 = arith.constant 0 : i32
        %dma_wait3A_304 = tpu.memref_slice %arg4[%add3A, %scan3A_15, %dma_wait3A_302, %dma_wait3A_303] : memref<32x5x20x100xi32, #tpu.memory_space<hbm>> -> memref<1x1x20x100xi32, #tpu.memory_space<hbm>>
        %dma_wait3A_305 = tpu.memref_squeeze %dma_wait3A_304 : memref<1x1x20x100xi32, #tpu.memory_space<hbm>> -> memref<20x100xi32, #tpu.memory_space<hbm>>
        %dma_wait3A_306 = arith.constant 0 : i32
        %dma_wait3A_307 = arith.constant 0 : i32
        %dma_wait3A_308 = tpu.memref_slice %arg4[%add3A, %scan3A_15, %dma_wait3A_306, %dma_wait3A_307] : memref<32x5x20x100xi32, #tpu.memory_space<hbm>> -> memref<1x1x20x100xi32, #tpu.memory_space<hbm>>
        %dma_wait3A_309 = tpu.memref_squeeze %dma_wait3A_308 : memref<1x1x20x100xi32, #tpu.memory_space<hbm>> -> memref<20x100xi32, #tpu.memory_space<hbm>>
        tpu.wait_dma2 semaphore(%run_scoped3A : memref<!tpu.dma_semaphore, #tpu.memory_space<semaphore_mem>>) src(%dma_wait3A_309 : memref<20x100xi32, #tpu.memory_space<hbm>>) dst(%arg6 : memref<20x100xi32, #tpu.memory_space<vmem>>)
        tpu.yield
      }) : () -> ()
      %dma_start3A = arith.constant 0 : i32
      %dma_start3A_16 = arith.constant 0 : i32
      %dma_start3A_17 = tpu.memref_slice %arg6[%dma_start3A, %dma_start3A_16] : memref<20x100xi32, #tpu.memory_space<vmem>> -> memref<1x100xi32, #tpu.memory_space<vmem>>
      %dma_start3A_18 = tpu.memref_squeeze %dma_start3A_17 : memref<1x100xi32, #tpu.memory_space<vmem>> -> memref<100xi32, #tpu.memory_space<vmem>>
      %dma_start3A_19 = arith.constant 0 : i32
      %dma_start3A_20 = arith.constant 0 : i32
      %dma_start3A_21 = tpu.memref_slice %arg8[%dma_start3A_19, %dma_start3A_20] : memref<10240x128xf32, #tpu.memory_space<vmem_shared>> -> memref<10240x128xf32, #tpu.memory_space<vmem_shared>>
      tpu.enqueue_indirect_dma source(%arg7 : memref<100x128xf32, #tpu.memory_space<vmem>>) target(%dma_start3A_21 : memref<10240x128xf32, #tpu.memory_space<vmem_shared>>) offsets(%dma_start3A_18 : memref<100xi32, #tpu.memory_space<vmem>>) semaphore(%arg9 : memref<!tpu.dma_semaphore, #tpu.memory_space<semaphore_mem>>) {add = true}
      %dma_start3A_22 = arith.constant 1 : i32
      %dma_start3A_23 = arith.constant 0 : i32
      %dma_start3A_24 = tpu.memref_slice %arg6[%dma_start3A_22, %dma_start3A_23] : memref<20x100xi32, #tpu.memory_space<vmem>> -> memref<1x100xi32, #tpu.memory_space<vmem>>
      %dma_start3A_25 = tpu.memref_squeeze %dma_start3A_24 : memref<1x100xi32, #tpu.memory_space<vmem>> -> memref<100xi32, #tpu.memory_space<vmem>>
      %dma_start3A_26 = arith.constant 0 : i32
      %dma_start3A_27 = arith.constant 0 : i32
      %dma_start3A_28 = tpu.memref_slice %arg8[%dma_start3A_26, %dma_start3A_27] : memref<10240x128xf32, #tpu.memory_space<vmem_shared>> -> memref<10240x128xf32, #tpu.memory_space<vmem_shared>>
      tpu.enqueue_indirect_dma source(%arg7 : memref<100x128xf32, #tpu.memory_space<vmem>>) target(%dma_start3A_28 : memref<10240x128xf32, #tpu.memory_space<vmem_shared>>) offsets(%dma_start3A_25 : memref<100xi32, #tpu.memory_space<vmem>>) semaphore(%arg9 : memref<!tpu.dma_semaphore, #tpu.memory_space<semaphore_mem>>) {add = true}
      %dma_start3A_29 = arith.constant 2 : i32
      %dma_start3A_30 = arith.constant 0 : i32
      %dma_start3A_31 = tpu.memref_slice %arg6[%dma_start3A_29, %dma_start3A_30] : memref<20x100xi32, #tpu.memory_space<vmem>> -> memref<1x100xi32, #tpu.memory_space<vmem>>
      %dma_start3A_32 = tpu.memref_squeeze %dma_start3A_31 : memref<1x100xi32, #tpu.memory_space<vmem>> -> memref<100xi32, #tpu.memory_space<vmem>>
      %dma_start3A_33 = arith.constant 0 : i32
      %dma_start3A_34 = arith.constant 0 : i32
      %dma_start3A_35 = tpu.memref_slice %arg8[%dma_start3A_33, %dma_start3A_34] : memref<10240x128xf32, #tpu.memory_space<vmem_shared>> -> memref<10240x128xf32, #tpu.memory_space<vmem_shared>>
      tpu.enqueue_indirect_dma source(%arg7 : memref<100x128xf32, #tpu.memory_space<vmem>>) target(%dma_start3A_35 : memref<10240x128xf32, #tpu.memory_space<vmem_shared>>) offsets(%dma_start3A_32 : memref<100xi32, #tpu.memory_space<vmem>>) semaphore(%arg9 : memref<!tpu.dma_semaphore, #tpu.memory_space<semaphore_mem>>) {add = true}
      %dma_start3A_36 = arith.constant 3 : i32
      %dma_start3A_37 = arith.constant 0 : i32
      %dma_start3A_38 = tpu.memref_slice %arg6[%dma_start3A_36, %dma_start3A_37] : memref<20x100xi32, #tpu.memory_space<vmem>> -> memref<1x100xi32, #tpu.memory_space<vmem>>
      %dma_start3A_39 = tpu.memref_squeeze %dma_start3A_38 : memref<1x100xi32, #tpu.memory_space<vmem>> -> memref<100xi32, #tpu.memory_space<vmem>>
      %dma_start3A_40 = arith.constant 0 : i32
      %dma_start3A_41 = arith.constant 0 : i32
      %dma_start3A_42 = tpu.memref_slice %arg8[%dma_start3A_40, %dma_start3A_41] : memref<10240x128xf32, #tpu.memory_space<vmem_shared>> -> memref<10240x128xf32, #tpu.memory_space<vmem_shared>>
      tpu.enqueue_indirect_dma source(%arg7 : memref<100x128xf32, #tpu.memory_space<vmem>>) target(%dma_start3A_42 : memref<10240x128xf32, #tpu.memory_space<vmem_shared>>) offsets(%dma_start3A_39 : memref<100xi32, #tpu.memory_space<vmem>>) semaphore(%arg9 : memref<!tpu.dma_semaphore, #tpu.memory_space<semaphore_mem>>) {add = true}
      %dma_start3A_43 = arith.constant 4 : i32
      %dma_start3A_44 = arith.constant 0 : i32
      %dma_start3A_45 = tpu.memref_slice %arg6[%dma_start3A_43, %dma_start3A_44] : memref<20x100xi32, #tpu.memory_space<vmem>> -> memref<1x100xi32, #tpu.memory_space<vmem>>
      %dma_start3A_46 = tpu.memref_squeeze %dma_start3A_45 : memref<1x100xi32, #tpu.memory_space<vmem>> -> memref<100xi32, #tpu.memory_space<vmem>>
      %dma_start3A_47 = arith.constant 0 : i32
      %dma_start3A_48 = arith.constant 0 : i32
      %dma_start3A_49 = tpu.memref_slice %arg8[%dma_start3A_47, %dma_start3A_48] : memref<10240x128xf32, #tpu.memory_space<vmem_shared>> -> memref<10240x128xf32, #tpu.memory_space<vmem_shared>>
      tpu.enqueue_indirect_dma source(%arg7 : memref<100x128xf32, #tpu.memory_space<vmem>>) target(%dma_start3A_49 : memref<10240x128xf32, #tpu.memory_space<vmem_shared>>) offsets(%dma_start3A_46 : memref<100xi32, #tpu.memory_space<vmem>>) semaphore(%arg9 : memref<!tpu.dma_semaphore, #tpu.memory_space<semaphore_mem>>) {add = true}
      %dma_start3A_50 = arith.constant 5 : i32
      %dma_start3A_51 = arith.constant 0 : i32
      %dma_start3A_52 = tpu.memref_slice %arg6[%dma_start3A_50, %dma_start3A_51] : memref<20x100xi32, #tpu.memory_space<vmem>> -> memref<1x100xi32, #tpu.memory_space<vmem>>
      %dma_start3A_53 = tpu.memref_squeeze %dma_start3A_52 : memref<1x100xi32, #tpu.memory_space<vmem>> -> memref<100xi32, #tpu.memory_space<vmem>>
      %dma_start3A_54 = arith.constant 0 : i32
      %dma_start3A_55 = arith.constant 0 : i32
      %dma_start3A_56 = tpu.memref_slice %arg8[%dma_start3A_54, %dma_start3A_55] : memref<10240x128xf32, #tpu.memory_space<vmem_shared>> -> memref<10240x128xf32, #tpu.memory_space<vmem_shared>>
      tpu.enqueue_indirect_dma source(%arg7 : memref<100x128xf32, #tpu.memory_space<vmem>>) target(%dma_start3A_56 : memref<10240x128xf32, #tpu.memory_space<vmem_shared>>) offsets(%dma_start3A_53 : memref<100xi32, #tpu.memory_space<vmem>>) semaphore(%arg9 : memref<!tpu.dma_semaphore, #tpu.memory_space<semaphore_mem>>) {add = true}
      %dma_start3A_57 = arith.constant 6 : i32
      %dma_start3A_58 = arith.constant 0 : i32
      %dma_start3A_59 = tpu.memref_slice %arg6[%dma_start3A_57, %dma_start3A_58] : memref<20x100xi32, #tpu.memory_space<vmem>> -> memref<1x100xi32, #tpu.memory_space<vmem>>
      %dma_start3A_60 = tpu.memref_squeeze %dma_start3A_59 : memref<1x100xi32, #tpu.memory_space<vmem>> -> memref<100xi32, #tpu.memory_space<vmem>>
      %dma_start3A_61 = arith.constant 0 : i32
      %dma_start3A_62 = arith.constant 0 : i32
      %dma_start3A_63 = tpu.memref_slice %arg8[%dma_start3A_61, %dma_start3A_62] : memref<10240x128xf32, #tpu.memory_space<vmem_shared>> -> memref<10240x128xf32, #tpu.memory_space<vmem_shared>>
      tpu.enqueue_indirect_dma source(%arg7 : memref<100x128xf32, #tpu.memory_space<vmem>>) target(%dma_start3A_63 : memref<10240x128xf32, #tpu.memory_space<vmem_shared>>) offsets(%dma_start3A_60 : memref<100xi32, #tpu.memory_space<vmem>>) semaphore(%arg9 : memref<!tpu.dma_semaphore, #tpu.memory_space<semaphore_mem>>) {add = true}
      %dma_start3A_64 = arith.constant 7 : i32
      %dma_start3A_65 = arith.constant 0 : i32
      %dma_start3A_66 = tpu.memref_slice %arg6[%dma_start3A_64, %dma_start3A_65] : memref<20x100xi32, #tpu.memory_space<vmem>> -> memref<1x100xi32, #tpu.memory_space<vmem>>
      %dma_start3A_67 = tpu.memref_squeeze %dma_start3A_66 : memref<1x100xi32, #tpu.memory_space<vmem>> -> memref<100xi32, #tpu.memory_space<vmem>>
      %dma_start3A_68 = arith.constant 0 : i32
      %dma_start3A_69 = arith.constant 0 : i32
      %dma_start3A_70 = tpu.memref_slice %arg8[%dma_start3A_68, %dma_start3A_69] : memref<10240x128xf32, #tpu.memory_space<vmem_shared>> -> memref<10240x128xf32, #tpu.memory_space<vmem_shared>>
      tpu.enqueue_indirect_dma source(%arg7 : memref<100x128xf32, #tpu.memory_space<vmem>>) target(%dma_start3A_70 : memref<10240x128xf32, #tpu.memory_space<vmem_shared>>) offsets(%dma_start3A_67 : memref<100xi32, #tpu.memory_space<vmem>>) semaphore(%arg9 : memref<!tpu.dma_semaphore, #tpu.memory_space<semaphore_mem>>) {add = true}
      %dma_start3A_71 = arith.constant 8 : i32
      %dma_start3A_72 = arith.constant 0 : i32
      %dma_start3A_73 = tpu.memref_slice %arg6[%dma_start3A_71, %dma_start3A_72] : memref<20x100xi32, #tpu.memory_space<vmem>> -> memref<1x100xi32, #tpu.memory_space<vmem>>
      %dma_start3A_74 = tpu.memref_squeeze %dma_start3A_73 : memref<1x100xi32, #tpu.memory_space<vmem>> -> memref<100xi32, #tpu.memory_space<vmem>>
      %dma_start3A_75 = arith.constant 0 : i32
      %dma_start3A_76 = arith.constant 0 : i32
      %dma_start3A_77 = tpu.memref_slice %arg8[%dma_start3A_75, %dma_start3A_76] : memref<10240x128xf32, #tpu.memory_space<vmem_shared>> -> memref<10240x128xf32, #tpu.memory_space<vmem_shared>>
      tpu.enqueue_indirect_dma source(%arg7 : memref<100x128xf32, #tpu.memory_space<vmem>>) target(%dma_start3A_77 : memref<10240x128xf32, #tpu.memory_space<vmem_shared>>) offsets(%dma_start3A_74 : memref<100xi32, #tpu.memory_space<vmem>>) semaphore(%arg9 : memref<!tpu.dma_semaphore, #tpu.memory_space<semaphore_mem>>) {add = true}
      %dma_start3A_78 = arith.constant 9 : i32
      %dma_start3A_79 = arith.constant 0 : i32
      %dma_start3A_80 = tpu.memref_slice %arg6[%dma_start3A_78, %dma_start3A_79] : memref<20x100xi32, #tpu.memory_space<vmem>> -> memref<1x100xi32, #tpu.memory_space<vmem>>
      %dma_start3A_81 = tpu.memref_squeeze %dma_start3A_80 : memref<1x100xi32, #tpu.memory_space<vmem>> -> memref<100xi32, #tpu.memory_space<vmem>>
      %dma_start3A_82 = arith.constant 0 : i32
      %dma_start3A_83 = arith.constant 0 : i32
      %dma_start3A_84 = tpu.memref_slice %arg8[%dma_start3A_82, %dma_start3A_83] : memref<10240x128xf32, #tpu.memory_space<vmem_shared>> -> memref<10240x128xf32, #tpu.memory_space<vmem_shared>>
      tpu.enqueue_indirect_dma source(%arg7 : memref<100x128xf32, #tpu.memory_space<vmem>>) target(%dma_start3A_84 : memref<10240x128xf32, #tpu.memory_space<vmem_shared>>) offsets(%dma_start3A_81 : memref<100xi32, #tpu.memory_space<vmem>>) semaphore(%arg9 : memref<!tpu.dma_semaphore, #tpu.memory_space<semaphore_mem>>) {add = true}
      %dma_start3A_85 = arith.constant 10 : i32
      %dma_start3A_86 = arith.constant 0 : i32
      %dma_start3A_87 = tpu.memref_slice %arg6[%dma_start3A_85, %dma_start3A_86] : memref<20x100xi32, #tpu.memory_space<vmem>> -> memref<1x100xi32, #tpu.memory_space<vmem>>
      %dma_start3A_88 = tpu.memref_squeeze %dma_start3A_87 : memref<1x100xi32, #tpu.memory_space<vmem>> -> memref<100xi32, #tpu.memory_space<vmem>>
      %dma_start3A_89 = arith.constant 0 : i32
      %dma_start3A_90 = arith.constant 0 : i32
      %dma_start3A_91 = tpu.memref_slice %arg8[%dma_start3A_89, %dma_start3A_90] : memref<10240x128xf32, #tpu.memory_space<vmem_shared>> -> memref<10240x128xf32, #tpu.memory_space<vmem_shared>>
      tpu.enqueue_indirect_dma source(%arg7 : memref<100x128xf32, #tpu.memory_space<vmem>>) target(%dma_start3A_91 : memref<10240x128xf32, #tpu.memory_space<vmem_shared>>) offsets(%dma_start3A_88 : memref<100xi32, #tpu.memory_space<vmem>>) semaphore(%arg9 : memref<!tpu.dma_semaphore, #tpu.memory_space<semaphore_mem>>) {add = true}
      %dma_start3A_92 = arith.constant 11 : i32
      %dma_start3A_93 = arith.constant 0 : i32
      %dma_start3A_94 = tpu.memref_slice %arg6[%dma_start3A_92, %dma_start3A_93] : memref<20x100xi32, #tpu.memory_space<vmem>> -> memref<1x100xi32, #tpu.memory_space<vmem>>
      %dma_start3A_95 = tpu.memref_squeeze %dma_start3A_94 : memref<1x100xi32, #tpu.memory_space<vmem>> -> memref<100xi32, #tpu.memory_space<vmem>>
      %dma_start3A_96 = arith.constant 0 : i32
      %dma_start3A_97 = arith.constant 0 : i32
      %dma_start3A_98 = tpu.memref_slice %arg8[%dma_start3A_96, %dma_start3A_97] : memref<10240x128xf32, #tpu.memory_space<vmem_shared>> -> memref<10240x128xf32, #tpu.memory_space<vmem_shared>>
      tpu.enqueue_indirect_dma source(%arg7 : memref<100x128xf32, #tpu.memory_space<vmem>>) target(%dma_start3A_98 : memref<10240x128xf32, #tpu.memory_space<vmem_shared>>) offsets(%dma_start3A_95 : memref<100xi32, #tpu.memory_space<vmem>>) semaphore(%arg9 : memref<!tpu.dma_semaphore, #tpu.memory_space<semaphore_mem>>) {add = true}
      %dma_start3A_99 = arith.constant 12 : i32
      %dma_start3A_100 = arith.constant 0 : i32
      %dma_start3A_101 = tpu.memref_slice %arg6[%dma_start3A_99, %dma_start3A_100] : memref<20x100xi32, #tpu.memory_space<vmem>> -> memref<1x100xi32, #tpu.memory_space<vmem>>
      %dma_start3A_102 = tpu.memref_squeeze %dma_start3A_101 : memref<1x100xi32, #tpu.memory_space<vmem>> -> memref<100xi32, #tpu.memory_space<vmem>>
      %dma_start3A_103 = arith.constant 0 : i32
      %dma_start3A_104 = arith.constant 0 : i32
      %dma_start3A_105 = tpu.memref_slice %arg8[%dma_start3A_103, %dma_start3A_104] : memref<10240x128xf32, #tpu.memory_space<vmem_shared>> -> memref<10240x128xf32, #tpu.memory_space<vmem_shared>>
      tpu.enqueue_indirect_dma source(%arg7 : memref<100x128xf32, #tpu.memory_space<vmem>>) target(%dma_start3A_105 : memref<10240x128xf32, #tpu.memory_space<vmem_shared>>) offsets(%dma_start3A_102 : memref<100xi32, #tpu.memory_space<vmem>>) semaphore(%arg9 : memref<!tpu.dma_semaphore, #tpu.memory_space<semaphore_mem>>) {add = true}
      %dma_start3A_106 = arith.constant 13 : i32
      %dma_start3A_107 = arith.constant 0 : i32
      %dma_start3A_108 = tpu.memref_slice %arg6[%dma_start3A_106, %dma_start3A_107] : memref<20x100xi32, #tpu.memory_space<vmem>> -> memref<1x100xi32, #tpu.memory_space<vmem>>
      %dma_start3A_109 = tpu.memref_squeeze %dma_start3A_108 : memref<1x100xi32, #tpu.memory_space<vmem>> -> memref<100xi32, #tpu.memory_space<vmem>>
      %dma_start3A_110 = arith.constant 0 : i32
      %dma_start3A_111 = arith.constant 0 : i32
      %dma_start3A_112 = tpu.memref_slice %arg8[%dma_start3A_110, %dma_start3A_111] : memref<10240x128xf32, #tpu.memory_space<vmem_shared>> -> memref<10240x128xf32, #tpu.memory_space<vmem_shared>>
      tpu.enqueue_indirect_dma source(%arg7 : memref<100x128xf32, #tpu.memory_space<vmem>>) target(%dma_start3A_112 : memref<10240x128xf32, #tpu.memory_space<vmem_shared>>) offsets(%dma_start3A_109 : memref<100xi32, #tpu.memory_space<vmem>>) semaphore(%arg9 : memref<!tpu.dma_semaphore, #tpu.memory_space<semaphore_mem>>) {add = true}
      %dma_start3A_113 = arith.constant 14 : i32
      %dma_start3A_114 = arith.constant 0 : i32
      %dma_start3A_115 = tpu.memref_slice %arg6[%dma_start3A_113, %dma_start3A_114] : memref<20x100xi32, #tpu.memory_space<vmem>> -> memref<1x100xi32, #tpu.memory_space<vmem>>
      %dma_start3A_116 = tpu.memref_squeeze %dma_start3A_115 : memref<1x100xi32, #tpu.memory_space<vmem>> -> memref<100xi32, #tpu.memory_space<vmem>>
      %dma_start3A_117 = arith.constant 0 : i32
      %dma_start3A_118 = arith.constant 0 : i32
      %dma_start3A_119 = tpu.memref_slice %arg8[%dma_start3A_117, %dma_start3A_118] : memref<10240x128xf32, #tpu.memory_space<vmem_shared>> -> memref<10240x128xf32, #tpu.memory_space<vmem_shared>>
      tpu.enqueue_indirect_dma source(%arg7 : memref<100x128xf32, #tpu.memory_space<vmem>>) target(%dma_start3A_119 : memref<10240x128xf32, #tpu.memory_space<vmem_shared>>) offsets(%dma_start3A_116 : memref<100xi32, #tpu.memory_space<vmem>>) semaphore(%arg9 : memref<!tpu.dma_semaphore, #tpu.memory_space<semaphore_mem>>) {add = true}
      %dma_start3A_120 = arith.constant 15 : i32
      %dma_start3A_121 = arith.constant 0 : i32
      %dma_start3A_122 = tpu.memref_slice %arg6[%dma_start3A_120, %dma_start3A_121] : memref<20x100xi32, #tpu.memory_space<vmem>> -> memref<1x100xi32, #tpu.memory_space<vmem>>
      %dma_start3A_123 = tpu.memref_squeeze %dma_start3A_122 : memref<1x100xi32, #tpu.memory_space<vmem>> -> memref<100xi32, #tpu.memory_space<vmem>>
      %dma_start3A_124 = arith.constant 0 : i32
      %dma_start3A_125 = arith.constant 0 : i32
      %dma_start3A_126 = tpu.memref_slice %arg8[%dma_start3A_124, %dma_start3A_125] : memref<10240x128xf32, #tpu.memory_space<vmem_shared>> -> memref<10240x128xf32, #tpu.memory_space<vmem_shared>>
      tpu.enqueue_indirect_dma source(%arg7 : memref<100x128xf32, #tpu.memory_space<vmem>>) target(%dma_start3A_126 : memref<10240x128xf32, #tpu.memory_space<vmem_shared>>) offsets(%dma_start3A_123 : memref<100xi32, #tpu.memory_space<vmem>>) semaphore(%arg9 : memref<!tpu.dma_semaphore, #tpu.memory_space<semaphore_mem>>) {add = true}
      %dma_start3A_127 = arith.constant 16 : i32
      %dma_start3A_128 = arith.constant 0 : i32
      %dma_start3A_129 = tpu.memref_slice %arg6[%dma_start3A_127, %dma_start3A_128] : memref<20x100xi32, #tpu.memory_space<vmem>> -> memref<1x100xi32, #tpu.memory_space<vmem>>
      %dma_start3A_130 = tpu.memref_squeeze %dma_start3A_129 : memref<1x100xi32, #tpu.memory_space<vmem>> -> memref<100xi32, #tpu.memory_space<vmem>>
      %dma_start3A_131 = arith.constant 0 : i32
      %dma_start3A_132 = arith.constant 0 : i32
      %dma_start3A_133 = tpu.memref_slice %arg8[%dma_start3A_131, %dma_start3A_132] : memref<10240x128xf32, #tpu.memory_space<vmem_shared>> -> memref<10240x128xf32, #tpu.memory_space<vmem_shared>>
      tpu.enqueue_indirect_dma source(%arg7 : memref<100x128xf32, #tpu.memory_space<vmem>>) target(%dma_start3A_133 : memref<10240x128xf32, #tpu.memory_space<vmem_shared>>) offsets(%dma_start3A_130 : memref<100xi32, #tpu.memory_space<vmem>>) semaphore(%arg9 : memref<!tpu.dma_semaphore, #tpu.memory_space<semaphore_mem>>) {add = true}
      %dma_start3A_134 = arith.constant 17 : i32
      %dma_start3A_135 = arith.constant 0 : i32
      %dma_start3A_136 = tpu.memref_slice %arg6[%dma_start3A_134, %dma_start3A_135] : memref<20x100xi32, #tpu.memory_space<vmem>> -> memref<1x100xi32, #tpu.memory_space<vmem>>
      %dma_start3A_137 = tpu.memref_squeeze %dma_start3A_136 : memref<1x100xi32, #tpu.memory_space<vmem>> -> memref<100xi32, #tpu.memory_space<vmem>>
      %dma_start3A_138 = arith.constant 0 : i32
      %dma_start3A_139 = arith.constant 0 : i32
      %dma_start3A_140 = tpu.memref_slice %arg8[%dma_start3A_138, %dma_start3A_139] : memref<10240x128xf32, #tpu.memory_space<vmem_shared>> -> memref<10240x128xf32, #tpu.memory_space<vmem_shared>>
      tpu.enqueue_indirect_dma source(%arg7 : memref<100x128xf32, #tpu.memory_space<vmem>>) target(%dma_start3A_140 : memref<10240x128xf32, #tpu.memory_space<vmem_shared>>) offsets(%dma_start3A_137 : memref<100xi32, #tpu.memory_space<vmem>>) semaphore(%arg9 : memref<!tpu.dma_semaphore, #tpu.memory_space<semaphore_mem>>) {add = true}
      %dma_start3A_141 = arith.constant 18 : i32
      %dma_start3A_142 = arith.constant 0 : i32
      %dma_start3A_143 = tpu.memref_slice %arg6[%dma_start3A_141, %dma_start3A_142] : memref<20x100xi32, #tpu.memory_space<vmem>> -> memref<1x100xi32, #tpu.memory_space<vmem>>
      %dma_start3A_144 = tpu.memref_squeeze %dma_start3A_143 : memref<1x100xi32, #tpu.memory_space<vmem>> -> memref<100xi32, #tpu.memory_space<vmem>>
      %dma_start3A_145 = arith.constant 0 : i32
      %dma_start3A_146 = arith.constant 0 : i32
      %dma_start3A_147 = tpu.memref_slice %arg8[%dma_start3A_145, %dma_start3A_146] : memref<10240x128xf32, #tpu.memory_space<vmem_shared>> -> memref<10240x128xf32, #tpu.memory_space<vmem_shared>>
      tpu.enqueue_indirect_dma source(%arg7 : memref<100x128xf32, #tpu.memory_space<vmem>>) target(%dma_start3A_147 : memref<10240x128xf32, #tpu.memory_space<vmem_shared>>) offsets(%dma_start3A_144 : memref<100xi32, #tpu.memory_space<vmem>>) semaphore(%arg9 : memref<!tpu.dma_semaphore, #tpu.memory_space<semaphore_mem>>) {add = true}
      %dma_start3A_148 = arith.constant 19 : i32
      %dma_start3A_149 = arith.constant 0 : i32
      %dma_start3A_150 = tpu.memref_slice %arg6[%dma_start3A_148, %dma_start3A_149] : memref<20x100xi32, #tpu.memory_space<vmem>> -> memref<1x100xi32, #tpu.memory_space<vmem>>
      %dma_start3A_151 = tpu.memref_squeeze %dma_start3A_150 : memref<1x100xi32, #tpu.memory_space<vmem>> -> memref<100xi32, #tpu.memory_space<vmem>>
      %dma_start3A_152 = arith.constant 0 : i32
      %dma_start3A_153 = arith.constant 0 : i32
      %dma_start3A_154 = tpu.memref_slice %arg8[%dma_start3A_152, %dma_start3A_153] : memref<10240x128xf32, #tpu.memory_space<vmem_shared>> -> memref<10240x128xf32, #tpu.memory_space<vmem_shared>>
      tpu.enqueue_indirect_dma source(%arg7 : memref<100x128xf32, #tpu.memory_space<vmem>>) target(%dma_start3A_154 : memref<10240x128xf32, #tpu.memory_space<vmem_shared>>) offsets(%dma_start3A_151 : memref<100xi32, #tpu.memory_space<vmem>>) semaphore(%arg9 : memref<!tpu.dma_semaphore, #tpu.memory_space<semaphore_mem>>) {add = true}
      %dma_wait3A = arith.constant 0 : i32
      %dma_wait3A_155 = arith.constant 0 : i32
      %dma_wait3A_156 = tpu.memref_slice %arg6[%dma_wait3A, %dma_wait3A_155] : memref<20x100xi32, #tpu.memory_space<vmem>> -> memref<1x100xi32, #tpu.memory_space<vmem>>
      %dma_wait3A_157 = tpu.memref_squeeze %dma_wait3A_156 : memref<1x100xi32, #tpu.memory_space<vmem>> -> memref<100xi32, #tpu.memory_space<vmem>>
      %dma_wait3A_158 = arith.constant 0 : i32
      %dma_wait3A_159 = arith.constant 0 : i32
      %dma_wait3A_160 = tpu.memref_slice %arg8[%dma_wait3A_158, %dma_wait3A_159] : memref<10240x128xf32, #tpu.memory_space<vmem_shared>> -> memref<10240x128xf32, #tpu.memory_space<vmem_shared>>
      tpu.wait_indirect_dma semaphore(%arg9 : memref<!tpu.dma_semaphore, #tpu.memory_space<semaphore_mem>>) src(%arg7 : memref<100x128xf32, #tpu.memory_space<vmem>>) dst(%dma_wait3A_160 : memref<10240x128xf32, #tpu.memory_space<vmem_shared>>)
      %dma_wait3A_161 = arith.constant 1 : i32
      %dma_wait3A_162 = arith.constant 0 : i32
      %dma_wait3A_163 = tpu.memref_slice %arg6[%dma_wait3A_161, %dma_wait3A_162] : memref<20x100xi32, #tpu.memory_space<vmem>> -> memref<1x100xi32, #tpu.memory_space<vmem>>
      %dma_wait3A_164 = tpu.memref_squeeze %dma_wait3A_163 : memref<1x100xi32, #tpu.memory_space<vmem>> -> memref<100xi32, #tpu.memory_space<vmem>>
      %dma_wait3A_165 = arith.constant 0 : i32
      %dma_wait3A_166 = arith.constant 0 : i32
      %dma_wait3A_167 = tpu.memref_slice %arg8[%dma_wait3A_165, %dma_wait3A_166] : memref<10240x128xf32, #tpu.memory_space<vmem_shared>> -> memref<10240x128xf32, #tpu.memory_space<vmem_shared>>
      tpu.wait_indirect_dma semaphore(%arg9 : memref<!tpu.dma_semaphore, #tpu.memory_space<semaphore_mem>>) src(%arg7 : memref<100x128xf32, #tpu.memory_space<vmem>>) dst(%dma_wait3A_167 : memref<10240x128xf32, #tpu.memory_space<vmem_shared>>)
      %dma_wait3A_168 = arith.constant 2 : i32
      %dma_wait3A_169 = arith.constant 0 : i32
      %dma_wait3A_170 = tpu.memref_slice %arg6[%dma_wait3A_168, %dma_wait3A_169] : memref<20x100xi32, #tpu.memory_space<vmem>> -> memref<1x100xi32, #tpu.memory_space<vmem>>
      %dma_wait3A_171 = tpu.memref_squeeze %dma_wait3A_170 : memref<1x100xi32, #tpu.memory_space<vmem>> -> memref<100xi32, #tpu.memory_space<vmem>>
      %dma_wait3A_172 = arith.constant 0 : i32
      %dma_wait3A_173 = arith.constant 0 : i32
      %dma_wait3A_174 = tpu.memref_slice %arg8[%dma_wait3A_172, %dma_wait3A_173] : memref<10240x128xf32, #tpu.memory_space<vmem_shared>> -> memref<10240x128xf32, #tpu.memory_space<vmem_shared>>
      tpu.wait_indirect_dma semaphore(%arg9 : memref<!tpu.dma_semaphore, #tpu.memory_space<semaphore_mem>>) src(%arg7 : memref<100x128xf32, #tpu.memory_space<vmem>>) dst(%dma_wait3A_174 : memref<10240x128xf32, #tpu.memory_space<vmem_shared>>)
      %dma_wait3A_175 = arith.constant 3 : i32
      %dma_wait3A_176 = arith.constant 0 : i32
      %dma_wait3A_177 = tpu.memref_slice %arg6[%dma_wait3A_175, %dma_wait3A_176] : memref<20x100xi32, #tpu.memory_space<vmem>> -> memref<1x100xi32, #tpu.memory_space<vmem>>
      %dma_wait3A_178 = tpu.memref_squeeze %dma_wait3A_177 : memref<1x100xi32, #tpu.memory_space<vmem>> -> memref<100xi32, #tpu.memory_space<vmem>>
      %dma_wait3A_179 = arith.constant 0 : i32
      %dma_wait3A_180 = arith.constant 0 : i32
      %dma_wait3A_181 = tpu.memref_slice %arg8[%dma_wait3A_179, %dma_wait3A_180] : memref<10240x128xf32, #tpu.memory_space<vmem_shared>> -> memref<10240x128xf32, #tpu.memory_space<vmem_shared>>
      tpu.wait_indirect_dma semaphore(%arg9 : memref<!tpu.dma_semaphore, #tpu.memory_space<semaphore_mem>>) src(%arg7 : memref<100x128xf32, #tpu.memory_space<vmem>>) dst(%dma_wait3A_181 : memref<10240x128xf32, #tpu.memory_space<vmem_shared>>)
      %dma_wait3A_182 = arith.constant 4 : i32
      %dma_wait3A_183 = arith.constant 0 : i32
      %dma_wait3A_184 = tpu.memref_slice %arg6[%dma_wait3A_182, %dma_wait3A_183] : memref<20x100xi32, #tpu.memory_space<vmem>> -> memref<1x100xi32, #tpu.memory_space<vmem>>
      %dma_wait3A_185 = tpu.memref_squeeze %dma_wait3A_184 : memref<1x100xi32, #tpu.memory_space<vmem>> -> memref<100xi32, #tpu.memory_space<vmem>>
      %dma_wait3A_186 = arith.constant 0 : i32
      %dma_wait3A_187 = arith.constant 0 : i32
      %dma_wait3A_188 = tpu.memref_slice %arg8[%dma_wait3A_186, %dma_wait3A_187] : memref<10240x128xf32, #tpu.memory_space<vmem_shared>> -> memref<10240x128xf32, #tpu.memory_space<vmem_shared>>
      tpu.wait_indirect_dma semaphore(%arg9 : memref<!tpu.dma_semaphore, #tpu.memory_space<semaphore_mem>>) src(%arg7 : memref<100x128xf32, #tpu.memory_space<vmem>>) dst(%dma_wait3A_188 : memref<10240x128xf32, #tpu.memory_space<vmem_shared>>)
      %dma_wait3A_189 = arith.constant 5 : i32
      %dma_wait3A_190 = arith.constant 0 : i32
      %dma_wait3A_191 = tpu.memref_slice %arg6[%dma_wait3A_189, %dma_wait3A_190] : memref<20x100xi32, #tpu.memory_space<vmem>> -> memref<1x100xi32, #tpu.memory_space<vmem>>
      %dma_wait3A_192 = tpu.memref_squeeze %dma_wait3A_191 : memref<1x100xi32, #tpu.memory_space<vmem>> -> memref<100xi32, #tpu.memory_space<vmem>>
      %dma_wait3A_193 = arith.constant 0 : i32
      %dma_wait3A_194 = arith.constant 0 : i32
      %dma_wait3A_195 = tpu.memref_slice %arg8[%dma_wait3A_193, %dma_wait3A_194] : memref<10240x128xf32, #tpu.memory_space<vmem_shared>> -> memref<10240x128xf32, #tpu.memory_space<vmem_shared>>
      tpu.wait_indirect_dma semaphore(%arg9 : memref<!tpu.dma_semaphore, #tpu.memory_space<semaphore_mem>>) src(%arg7 : memref<100x128xf32, #tpu.memory_space<vmem>>) dst(%dma_wait3A_195 : memref<10240x128xf32, #tpu.memory_space<vmem_shared>>)
      %dma_wait3A_196 = arith.constant 6 : i32
      %dma_wait3A_197 = arith.constant 0 : i32
      %dma_wait3A_198 = tpu.memref_slice %arg6[%dma_wait3A_196, %dma_wait3A_197] : memref<20x100xi32, #tpu.memory_space<vmem>> -> memref<1x100xi32, #tpu.memory_space<vmem>>
      %dma_wait3A_199 = tpu.memref_squeeze %dma_wait3A_198 : memref<1x100xi32, #tpu.memory_space<vmem>> -> memref<100xi32, #tpu.memory_space<vmem>>
      %dma_wait3A_200 = arith.constant 0 : i32
      %dma_wait3A_201 = arith.constant 0 : i32
      %dma_wait3A_202 = tpu.memref_slice %arg8[%dma_wait3A_200, %dma_wait3A_201] : memref<10240x128xf32, #tpu.memory_space<vmem_shared>> -> memref<10240x128xf32, #tpu.memory_space<vmem_shared>>
      tpu.wait_indirect_dma semaphore(%arg9 : memref<!tpu.dma_semaphore, #tpu.memory_space<semaphore_mem>>) src(%arg7 : memref<100x128xf32, #tpu.memory_space<vmem>>) dst(%dma_wait3A_202 : memref<10240x128xf32, #tpu.memory_space<vmem_shared>>)
      %dma_wait3A_203 = arith.constant 7 : i32
      %dma_wait3A_204 = arith.constant 0 : i32
      %dma_wait3A_205 = tpu.memref_slice %arg6[%dma_wait3A_203, %dma_wait3A_204] : memref<20x100xi32, #tpu.memory_space<vmem>> -> memref<1x100xi32, #tpu.memory_space<vmem>>
      %dma_wait3A_206 = tpu.memref_squeeze %dma_wait3A_205 : memref<1x100xi32, #tpu.memory_space<vmem>> -> memref<100xi32, #tpu.memory_space<vmem>>
      %dma_wait3A_207 = arith.constant 0 : i32
      %dma_wait3A_208 = arith.constant 0 : i32
      %dma_wait3A_209 = tpu.memref_slice %arg8[%dma_wait3A_207, %dma_wait3A_208] : memref<10240x128xf32, #tpu.memory_space<vmem_shared>> -> memref<10240x128xf32, #tpu.memory_space<vmem_shared>>
      tpu.wait_indirect_dma semaphore(%arg9 : memref<!tpu.dma_semaphore, #tpu.memory_space<semaphore_mem>>) src(%arg7 : memref<100x128xf32, #tpu.memory_space<vmem>>) dst(%dma_wait3A_209 : memref<10240x128xf32, #tpu.memory_space<vmem_shared>>)
      %dma_wait3A_210 = arith.constant 8 : i32
      %dma_wait3A_211 = arith.constant 0 : i32
      %dma_wait3A_212 = tpu.memref_slice %arg6[%dma_wait3A_210, %dma_wait3A_211] : memref<20x100xi32, #tpu.memory_space<vmem>> -> memref<1x100xi32, #tpu.memory_space<vmem>>
      %dma_wait3A_213 = tpu.memref_squeeze %dma_wait3A_212 : memref<1x100xi32, #tpu.memory_space<vmem>> -> memref<100xi32, #tpu.memory_space<vmem>>
      %dma_wait3A_214 = arith.constant 0 : i32
      %dma_wait3A_215 = arith.constant 0 : i32
      %dma_wait3A_216 = tpu.memref_slice %arg8[%dma_wait3A_214, %dma_wait3A_215] : memref<10240x128xf32, #tpu.memory_space<vmem_shared>> -> memref<10240x128xf32, #tpu.memory_space<vmem_shared>>
      tpu.wait_indirect_dma semaphore(%arg9 : memref<!tpu.dma_semaphore, #tpu.memory_space<semaphore_mem>>) src(%arg7 : memref<100x128xf32, #tpu.memory_space<vmem>>) dst(%dma_wait3A_216 : memref<10240x128xf32, #tpu.memory_space<vmem_shared>>)
      %dma_wait3A_217 = arith.constant 9 : i32
      %dma_wait3A_218 = arith.constant 0 : i32
      %dma_wait3A_219 = tpu.memref_slice %arg6[%dma_wait3A_217, %dma_wait3A_218] : memref<20x100xi32, #tpu.memory_space<vmem>> -> memref<1x100xi32, #tpu.memory_space<vmem>>
      %dma_wait3A_220 = tpu.memref_squeeze %dma_wait3A_219 : memref<1x100xi32, #tpu.memory_space<vmem>> -> memref<100xi32, #tpu.memory_space<vmem>>
      %dma_wait3A_221 = arith.constant 0 : i32
      %dma_wait3A_222 = arith.constant 0 : i32
      %dma_wait3A_223 = tpu.memref_slice %arg8[%dma_wait3A_221, %dma_wait3A_222] : memref<10240x128xf32, #tpu.memory_space<vmem_shared>> -> memref<10240x128xf32, #tpu.memory_space<vmem_shared>>
      tpu.wait_indirect_dma semaphore(%arg9 : memref<!tpu.dma_semaphore, #tpu.memory_space<semaphore_mem>>) src(%arg7 : memref<100x128xf32, #tpu.memory_space<vmem>>) dst(%dma_wait3A_223 : memref<10240x128xf32, #tpu.memory_space<vmem_shared>>)
      %dma_wait3A_224 = arith.constant 10 : i32
      %dma_wait3A_225 = arith.constant 0 : i32
      %dma_wait3A_226 = tpu.memref_slice %arg6[%dma_wait3A_224, %dma_wait3A_225] : memref<20x100xi32, #tpu.memory_space<vmem>> -> memref<1x100xi32, #tpu.memory_space<vmem>>
      %dma_wait3A_227 = tpu.memref_squeeze %dma_wait3A_226 : memref<1x100xi32, #tpu.memory_space<vmem>> -> memref<100xi32, #tpu.memory_space<vmem>>
      %dma_wait3A_228 = arith.constant 0 : i32
      %dma_wait3A_229 = arith.constant 0 : i32
      %dma_wait3A_230 = tpu.memref_slice %arg8[%dma_wait3A_228, %dma_wait3A_229] : memref<10240x128xf32, #tpu.memory_space<vmem_shared>> -> memref<10240x128xf32, #tpu.memory_space<vmem_shared>>
      tpu.wait_indirect_dma semaphore(%arg9 : memref<!tpu.dma_semaphore, #tpu.memory_space<semaphore_mem>>) src(%arg7 : memref<100x128xf32, #tpu.memory_space<vmem>>) dst(%dma_wait3A_230 : memref<10240x128xf32, #tpu.memory_space<vmem_shared>>)
      %dma_wait3A_231 = arith.constant 11 : i32
      %dma_wait3A_232 = arith.constant 0 : i32
      %dma_wait3A_233 = tpu.memref_slice %arg6[%dma_wait3A_231, %dma_wait3A_232] : memref<20x100xi32, #tpu.memory_space<vmem>> -> memref<1x100xi32, #tpu.memory_space<vmem>>
      %dma_wait3A_234 = tpu.memref_squeeze %dma_wait3A_233 : memref<1x100xi32, #tpu.memory_space<vmem>> -> memref<100xi32, #tpu.memory_space<vmem>>
      %dma_wait3A_235 = arith.constant 0 : i32
      %dma_wait3A_236 = arith.constant 0 : i32
      %dma_wait3A_237 = tpu.memref_slice %arg8[%dma_wait3A_235, %dma_wait3A_236] : memref<10240x128xf32, #tpu.memory_space<vmem_shared>> -> memref<10240x128xf32, #tpu.memory_space<vmem_shared>>
      tpu.wait_indirect_dma semaphore(%arg9 : memref<!tpu.dma_semaphore, #tpu.memory_space<semaphore_mem>>) src(%arg7 : memref<100x128xf32, #tpu.memory_space<vmem>>) dst(%dma_wait3A_237 : memref<10240x128xf32, #tpu.memory_space<vmem_shared>>)
      %dma_wait3A_238 = arith.constant 12 : i32
      %dma_wait3A_239 = arith.constant 0 : i32
      %dma_wait3A_240 = tpu.memref_slice %arg6[%dma_wait3A_238, %dma_wait3A_239] : memref<20x100xi32, #tpu.memory_space<vmem>> -> memref<1x100xi32, #tpu.memory_space<vmem>>
      %dma_wait3A_241 = tpu.memref_squeeze %dma_wait3A_240 : memref<1x100xi32, #tpu.memory_space<vmem>> -> memref<100xi32, #tpu.memory_space<vmem>>
      %dma_wait3A_242 = arith.constant 0 : i32
      %dma_wait3A_243 = arith.constant 0 : i32
      %dma_wait3A_244 = tpu.memref_slice %arg8[%dma_wait3A_242, %dma_wait3A_243] : memref<10240x128xf32, #tpu.memory_space<vmem_shared>> -> memref<10240x128xf32, #tpu.memory_space<vmem_shared>>
      tpu.wait_indirect_dma semaphore(%arg9 : memref<!tpu.dma_semaphore, #tpu.memory_space<semaphore_mem>>) src(%arg7 : memref<100x128xf32, #tpu.memory_space<vmem>>) dst(%dma_wait3A_244 : memref<10240x128xf32, #tpu.memory_space<vmem_shared>>)
      %dma_wait3A_245 = arith.constant 13 : i32
      %dma_wait3A_246 = arith.constant 0 : i32
      %dma_wait3A_247 = tpu.memref_slice %arg6[%dma_wait3A_245, %dma_wait3A_246] : memref<20x100xi32, #tpu.memory_space<vmem>> -> memref<1x100xi32, #tpu.memory_space<vmem>>
      %dma_wait3A_248 = tpu.memref_squeeze %dma_wait3A_247 : memref<1x100xi32, #tpu.memory_space<vmem>> -> memref<100xi32, #tpu.memory_space<vmem>>
      %dma_wait3A_249 = arith.constant 0 : i32
      %dma_wait3A_250 = arith.constant 0 : i32
      %dma_wait3A_251 = tpu.memref_slice %arg8[%dma_wait3A_249, %dma_wait3A_250] : memref<10240x128xf32, #tpu.memory_space<vmem_shared>> -> memref<10240x128xf32, #tpu.memory_space<vmem_shared>>
      tpu.wait_indirect_dma semaphore(%arg9 : memref<!tpu.dma_semaphore, #tpu.memory_space<semaphore_mem>>) src(%arg7 : memref<100x128xf32, #tpu.memory_space<vmem>>) dst(%dma_wait3A_251 : memref<10240x128xf32, #tpu.memory_space<vmem_shared>>)
      %dma_wait3A_252 = arith.constant 14 : i32
      %dma_wait3A_253 = arith.constant 0 : i32
      %dma_wait3A_254 = tpu.memref_slice %arg6[%dma_wait3A_252, %dma_wait3A_253] : memref<20x100xi32, #tpu.memory_space<vmem>> -> memref<1x100xi32, #tpu.memory_space<vmem>>
      %dma_wait3A_255 = tpu.memref_squeeze %dma_wait3A_254 : memref<1x100xi32, #tpu.memory_space<vmem>> -> memref<100xi32, #tpu.memory_space<vmem>>
      %dma_wait3A_256 = arith.constant 0 : i32
      %dma_wait3A_257 = arith.constant 0 : i32
      %dma_wait3A_258 = tpu.memref_slice %arg8[%dma_wait3A_256, %dma_wait3A_257] : memref<10240x128xf32, #tpu.memory_space<vmem_shared>> -> memref<10240x128xf32, #tpu.memory_space<vmem_shared>>
      tpu.wait_indirect_dma semaphore(%arg9 : memref<!tpu.dma_semaphore, #tpu.memory_space<semaphore_mem>>) src(%arg7 : memref<100x128xf32, #tpu.memory_space<vmem>>) dst(%dma_wait3A_258 : memref<10240x128xf32, #tpu.memory_space<vmem_shared>>)
      %dma_wait3A_259 = arith.constant 15 : i32
      %dma_wait3A_260 = arith.constant 0 : i32
      %dma_wait3A_261 = tpu.memref_slice %arg6[%dma_wait3A_259, %dma_wait3A_260] : memref<20x100xi32, #tpu.memory_space<vmem>> -> memref<1x100xi32, #tpu.memory_space<vmem>>
      %dma_wait3A_262 = tpu.memref_squeeze %dma_wait3A_261 : memref<1x100xi32, #tpu.memory_space<vmem>> -> memref<100xi32, #tpu.memory_space<vmem>>
      %dma_wait3A_263 = arith.constant 0 : i32
      %dma_wait3A_264 = arith.constant 0 : i32
      %dma_wait3A_265 = tpu.memref_slice %arg8[%dma_wait3A_263, %dma_wait3A_264] : memref<10240x128xf32, #tpu.memory_space<vmem_shared>> -> memref<10240x128xf32, #tpu.memory_space<vmem_shared>>
      tpu.wait_indirect_dma semaphore(%arg9 : memref<!tpu.dma_semaphore, #tpu.memory_space<semaphore_mem>>) src(%arg7 : memref<100x128xf32, #tpu.memory_space<vmem>>) dst(%dma_wait3A_265 : memref<10240x128xf32, #tpu.memory_space<vmem_shared>>)
      %dma_wait3A_266 = arith.constant 16 : i32
      %dma_wait3A_267 = arith.constant 0 : i32
      %dma_wait3A_268 = tpu.memref_slice %arg6[%dma_wait3A_266, %dma_wait3A_267] : memref<20x100xi32, #tpu.memory_space<vmem>> -> memref<1x100xi32, #tpu.memory_space<vmem>>
      %dma_wait3A_269 = tpu.memref_squeeze %dma_wait3A_268 : memref<1x100xi32, #tpu.memory_space<vmem>> -> memref<100xi32, #tpu.memory_space<vmem>>
      %dma_wait3A_270 = arith.constant 0 : i32
      %dma_wait3A_271 = arith.constant 0 : i32
      %dma_wait3A_272 = tpu.memref_slice %arg8[%dma_wait3A_270, %dma_wait3A_271] : memref<10240x128xf32, #tpu.memory_space<vmem_shared>> -> memref<10240x128xf32, #tpu.memory_space<vmem_shared>>
      tpu.wait_indirect_dma semaphore(%arg9 : memref<!tpu.dma_semaphore, #tpu.memory_space<semaphore_mem>>) src(%arg7 : memref<100x128xf32, #tpu.memory_space<vmem>>) dst(%dma_wait3A_272 : memref<10240x128xf32, #tpu.memory_space<vmem_shared>>)
      %dma_wait3A_273 = arith.constant 17 : i32
      %dma_wait3A_274 = arith.constant 0 : i32
      %dma_wait3A_275 = tpu.memref_slice %arg6[%dma_wait3A_273, %dma_wait3A_274] : memref<20x100xi32, #tpu.memory_space<vmem>> -> memref<1x100xi32, #tpu.memory_space<vmem>>
      %dma_wait3A_276 = tpu.memref_squeeze %dma_wait3A_275 : memref<1x100xi32, #tpu.memory_space<vmem>> -> memref<100xi32, #tpu.memory_space<vmem>>
      %dma_wait3A_277 = arith.constant 0 : i32
      %dma_wait3A_278 = arith.constant 0 : i32
      %dma_wait3A_279 = tpu.memref_slice %arg8[%dma_wait3A_277, %dma_wait3A_278] : memref<10240x128xf32, #tpu.memory_space<vmem_shared>> -> memref<10240x128xf32, #tpu.memory_space<vmem_shared>>
      tpu.wait_indirect_dma semaphore(%arg9 : memref<!tpu.dma_semaphore, #tpu.memory_space<semaphore_mem>>) src(%arg7 : memref<100x128xf32, #tpu.memory_space<vmem>>) dst(%dma_wait3A_279 : memref<10240x128xf32, #tpu.memory_space<vmem_shared>>)
      %dma_wait3A_280 = arith.constant 18 : i32
      %dma_wait3A_281 = arith.constant 0 : i32
      %dma_wait3A_282 = tpu.memref_slice %arg6[%dma_wait3A_280, %dma_wait3A_281] : memref<20x100xi32, #tpu.memory_space<vmem>> -> memref<1x100xi32, #tpu.memory_space<vmem>>
      %dma_wait3A_283 = tpu.memref_squeeze %dma_wait3A_282 : memref<1x100xi32, #tpu.memory_space<vmem>> -> memref<100xi32, #tpu.memory_space<vmem>>
      %dma_wait3A_284 = arith.constant 0 : i32
      %dma_wait3A_285 = arith.constant 0 : i32
      %dma_wait3A_286 = tpu.memref_slice %arg8[%dma_wait3A_284, %dma_wait3A_285] : memref<10240x128xf32, #tpu.memory_space<vmem_shared>> -> memref<10240x128xf32, #tpu.memory_space<vmem_shared>>
      tpu.wait_indirect_dma semaphore(%arg9 : memref<!tpu.dma_semaphore, #tpu.memory_space<semaphore_mem>>) src(%arg7 : memref<100x128xf32, #tpu.memory_space<vmem>>) dst(%dma_wait3A_286 : memref<10240x128xf32, #tpu.memory_space<vmem_shared>>)
      %dma_wait3A_287 = arith.constant 19 : i32
      %dma_wait3A_288 = arith.constant 0 : i32
      %dma_wait3A_289 = tpu.memref_slice %arg6[%dma_wait3A_287, %dma_wait3A_288] : memref<20x100xi32, #tpu.memory_space<vmem>> -> memref<1x100xi32, #tpu.memory_space<vmem>>
      %dma_wait3A_290 = tpu.memref_squeeze %dma_wait3A_289 : memref<1x100xi32, #tpu.memory_space<vmem>> -> memref<100xi32, #tpu.memory_space<vmem>>
      %dma_wait3A_291 = arith.constant 0 : i32
      %dma_wait3A_292 = arith.constant 0 : i32
      %dma_wait3A_293 = tpu.memref_slice %arg8[%dma_wait3A_291, %dma_wait3A_292] : memref<10240x128xf32, #tpu.memory_space<vmem_shared>> -> memref<10240x128xf32, #tpu.memory_space<vmem_shared>>
      tpu.wait_indirect_dma semaphore(%arg9 : memref<!tpu.dma_semaphore, #tpu.memory_space<semaphore_mem>>) src(%arg7 : memref<100x128xf32, #tpu.memory_space<vmem>>) dst(%dma_wait3A_293 : memref<10240x128xf32, #tpu.memory_space<vmem_shared>>)
    }
    %scan3A_9 = arith.constant 5 : i32
    %barrier3A_10 = arith.constant 0 : index
    tpu.barrier barrier_id(%barrier3A_10)
    %mul3A_11 = arith.constant 640 : i32
    %mul3A_12 = arith.muli %arg1, %mul3A_11 : i32
    %mul3A_13 = arith.constant 640 : i32
    %mul3A_14 = arith.muli %arg1, %mul3A_13 : i32
    "tpu.region"() ({
      %run_scoped3A = tpu.sem_alloc : memref<!tpu.dma_semaphore, #tpu.memory_space<semaphore_mem>>
      %dma_start3A = arith.constant 0 : i32
      %dma_start3A_15 = tpu.memref_slice %arg5[%arg0, %mul3A_14, %dma_start3A] : memref<2x10240x128xf32, #tpu.memory_space<hbm>> -> memref<1x640x128xf32, #tpu.memory_space<hbm>>
      %dma_start3A_16 = tpu.memref_squeeze %dma_start3A_15 : memref<1x640x128xf32, #tpu.memory_space<hbm>> -> memref<640x128xf32, #tpu.memory_space<hbm>>
      %dma_start3A_17 = arith.constant 0 : i32
      %dma_start3A_18 = tpu.memref_slice %arg8[%mul3A_12, %dma_start3A_17] : memref<10240x128xf32, #tpu.memory_space<vmem_shared>> -> memref<640x128xf32, #tpu.memory_space<vmem_shared>>
      tpu.enqueue_dma source(%dma_start3A_18 : memref<640x128xf32, #tpu.memory_space<vmem_shared>>) target(%dma_start3A_16 : memref<640x128xf32, #tpu.memory_space<hbm>>) target_semaphore(%run_scoped3A : memref<!tpu.dma_semaphore, #tpu.memory_space<semaphore_mem>>)
      %dma_wait3A = arith.constant 0 : i32
      %dma_wait3A_19 = tpu.memref_slice %arg5[%arg0, %mul3A_14, %dma_wait3A] : memref<2x10240x128xf32, #tpu.memory_space<hbm>> -> memref<1x640x128xf32, #tpu.memory_space<hbm>>
      %dma_wait3A_20 = tpu.memref_squeeze %dma_wait3A_19 : memref<1x640x128xf32, #tpu.memory_space<hbm>> -> memref<640x128xf32, #tpu.memory_space<hbm>>
      %dma_wait3A_21 = arith.constant 0 : i32
      %dma_wait3A_22 = tpu.memref_slice %arg8[%mul3A_12, %dma_wait3A_21] : memref<10240x128xf32, #tpu.memory_space<vmem_shared>> -> memref<640x128xf32, #tpu.memory_space<vmem_shared>>
      tpu.wait_dma2 semaphore(%run_scoped3A : memref<!tpu.dma_semaphore, #tpu.memory_space<semaphore_mem>>) src(%dma_wait3A_22 : memref<640x128xf32, #tpu.memory_space<vmem_shared>>) dst(%dma_wait3A_20 : memref<640x128xf32, #tpu.memory_space<hbm>>)
      tpu.yield
    }) : () -> ()
    return
  }
}

#map = affine_map<(d0, d1) -> (0, 0)>
#map1 = affine_map<(d0, d1) -> (0, 0, 0, 0)>
#map2 = affine_map<(d0, d1) -> (0, 0, 0)>
module attributes {stable_mosaic.version = 14 : i64} {
  func.func @_seg_body(%arg0: i32, %arg1: i32, %arg2: memref<10000x128xf32, #tpu.memory_space<hbm>>, %arg3: memref<10000x128xf32, #tpu.memory_space<hbm>>, %arg4: memref<32x5x20x100xi32, #tpu.memory_space<hbm>>, %arg5: memref<32x5x20x100xi32, #tpu.memory_space<hbm>>, %arg6: memref<2x10000x128xf32, #tpu.memory_space<hbm>>, %arg7: memref<20x100xi32, #tpu.memory_space<vmem>>, %arg8: memref<20x100xi32, #tpu.memory_space<vmem>>, %arg9: memref<100x128xf32, #tpu.memory_space<vmem>>, %arg10: memref<100x128xf32, #tpu.memory_space<vmem>>, %arg11: memref<10000x128xf32, #tpu.memory_space<vmem_shared>>, %arg12: memref<!tpu.dma_semaphore, #tpu.memory_space<semaphore_mem>>, %arg13: memref<!tpu.dma_semaphore, #tpu.memory_space<semaphore_mem>>, %arg14: memref<!tpu.dma_semaphore, #tpu.memory_space<semaphore_mem>>, %arg15: memref<!tpu.dma_semaphore, #tpu.memory_space<semaphore_mem>>) attributes {dimension_semantics = [#tpu.dimension_semantics<core_parallel>, #tpu.dimension_semantics<subcore_parallel>], iteration_bounds = array<i64: 2, 16>, scalar_prefetch = 0 : i64, scratch_operands = 9 : i64, tpu.core_type = #tpu.core_type<sc_vector_subcore>, window_params = [{transform_indices = #map}, {transform_indices = #map}, {transform_indices = #map1}, {transform_indices = #map1}, {transform_indices = #map2}]} {
    %mul3A = arith.constant 2 : i32
    %mul3A_0 = arith.muli %arg1, %mul3A : i32
    %add3A = arith.addi %mul3A_0, %arg0 : i32
    %lt3A = arith.constant 15 : i32
    %lt3A_1 = arith.cmpi slt, %arg1, %lt3A : i32
    %convert_element_type3A = arith.extui %lt3A_1 : i1 to i32
    %cond3A = arith.constant 0 : i32
    %cond3A_2 = arith.cmpi ne, %convert_element_type3A, %cond3A : i32
    scf.if %cond3A_2 {
      %mul3A_23 = arith.constant 640 : i32
      %mul3A_24 = arith.muli %arg1, %mul3A_23 : i32
      %mul3A_25 = arith.constant 640 : i32
      %mul3A_26 = arith.muli %arg1, %mul3A_25 : i32
      "tpu.region"() ({
        %run_scoped3A = tpu.sem_alloc : memref<!tpu.dma_semaphore, #tpu.memory_space<semaphore_mem>>
        %dma_start3A = arith.constant 0 : i32
        %dma_start3A_27 = tpu.memref_slice %arg11[%mul3A_26, %dma_start3A] : memref<10000x128xf32, #tpu.memory_space<vmem_shared>> -> memref<640x128xf32, #tpu.memory_space<vmem_shared>>
        %dma_start3A_28 = arith.constant 0 : i32
        %dma_start3A_29 = tpu.memref_slice %arg3[%mul3A_24, %dma_start3A_28] : memref<10000x128xf32, #tpu.memory_space<hbm>> -> memref<640x128xf32, #tpu.memory_space<hbm>>
        tpu.enqueue_dma source(%dma_start3A_29 : memref<640x128xf32, #tpu.memory_space<hbm>>) target(%dma_start3A_27 : memref<640x128xf32, #tpu.memory_space<vmem_shared>>) target_semaphore(%run_scoped3A : memref<!tpu.dma_semaphore, #tpu.memory_space<semaphore_mem>>)
        %dma_wait3A = arith.constant 0 : i32
        %dma_wait3A_30 = tpu.memref_slice %arg11[%mul3A_26, %dma_wait3A] : memref<10000x128xf32, #tpu.memory_space<vmem_shared>> -> memref<640x128xf32, #tpu.memory_space<vmem_shared>>
        %dma_wait3A_31 = arith.constant 0 : i32
        %dma_wait3A_32 = tpu.memref_slice %arg3[%mul3A_24, %dma_wait3A_31] : memref<10000x128xf32, #tpu.memory_space<hbm>> -> memref<640x128xf32, #tpu.memory_space<hbm>>
        tpu.wait_dma2 semaphore(%run_scoped3A : memref<!tpu.dma_semaphore, #tpu.memory_space<semaphore_mem>>) src(%dma_wait3A_32 : memref<640x128xf32, #tpu.memory_space<hbm>>) dst(%dma_wait3A_30 : memref<640x128xf32, #tpu.memory_space<vmem_shared>>)
        tpu.yield
      }) : () -> ()
    } else {
    }
    %eq3A = arith.constant 15 : i32
    %eq3A_3 = arith.cmpi eq, %arg1, %eq3A : i32
    %convert_element_type3A_4 = arith.extui %eq3A_3 : i1 to i32
    %cond3A_5 = arith.constant 0 : i32
    %cond3A_6 = arith.cmpi ne, %convert_element_type3A_4, %cond3A_5 : i32
    scf.if %cond3A_6 {
      "tpu.region"() ({
        %run_scoped3A = tpu.sem_alloc : memref<!tpu.dma_semaphore, #tpu.memory_space<semaphore_mem>>
        %dma_start3A = arith.constant 9600 : i32
        %dma_start3A_23 = arith.constant 0 : i32
        %dma_start3A_24 = tpu.memref_slice %arg11[%dma_start3A, %dma_start3A_23] : memref<10000x128xf32, #tpu.memory_space<vmem_shared>> -> memref<400x128xf32, #tpu.memory_space<vmem_shared>>
        %dma_start3A_25 = arith.constant 9600 : i32
        %dma_start3A_26 = arith.constant 0 : i32
        %dma_start3A_27 = tpu.memref_slice %arg3[%dma_start3A_25, %dma_start3A_26] : memref<10000x128xf32, #tpu.memory_space<hbm>> -> memref<400x128xf32, #tpu.memory_space<hbm>>
        tpu.enqueue_dma source(%dma_start3A_27 : memref<400x128xf32, #tpu.memory_space<hbm>>) target(%dma_start3A_24 : memref<400x128xf32, #tpu.memory_space<vmem_shared>>) target_semaphore(%run_scoped3A : memref<!tpu.dma_semaphore, #tpu.memory_space<semaphore_mem>>)
        %dma_wait3A = arith.constant 9600 : i32
        %dma_wait3A_28 = arith.constant 0 : i32
        %dma_wait3A_29 = tpu.memref_slice %arg11[%dma_wait3A, %dma_wait3A_28] : memref<10000x128xf32, #tpu.memory_space<vmem_shared>> -> memref<400x128xf32, #tpu.memory_space<vmem_shared>>
        %dma_wait3A_30 = arith.constant 9600 : i32
        %dma_wait3A_31 = arith.constant 0 : i32
        %dma_wait3A_32 = tpu.memref_slice %arg3[%dma_wait3A_30, %dma_wait3A_31] : memref<10000x128xf32, #tpu.memory_space<hbm>> -> memref<400x128xf32, #tpu.memory_space<hbm>>
        tpu.wait_dma2 semaphore(%run_scoped3A : memref<!tpu.dma_semaphore, #tpu.memory_space<semaphore_mem>>) src(%dma_wait3A_32 : memref<400x128xf32, #tpu.memory_space<hbm>>) dst(%dma_wait3A_29 : memref<400x128xf32, #tpu.memory_space<vmem_shared>>)
        tpu.yield
      }) : () -> ()
    } else {
    }
    %barrier3A = arith.constant 0 : index
    tpu.barrier barrier_id(%barrier3A)
    %scan3A = arith.constant 0 : i32
    %scan3A_7 = arith.constant 0 : i32
    %scan3A_8 = arith.constant 5 : i32
    %scan3A_9 = arith.addi %scan3A_7, %scan3A_8 : i32
    %scan3A_10 = arith.constant 1 : i32
    scf.for %scan3A_23 = %scan3A_7 to %scan3A_9 step %scan3A_10  : i32 {
      "tpu.region"() ({
        %run_scoped3A = tpu.sem_alloc : memref<!tpu.dma_semaphore, #tpu.memory_space<semaphore_mem>>
        %dma_start3A_582 = arith.constant 0 : i32
        %dma_start3A_583 = arith.constant 0 : i32
        %dma_start3A_584 = tpu.memref_slice %arg4[%add3A, %scan3A_23, %dma_start3A_582, %dma_start3A_583] : memref<32x5x20x100xi32, #tpu.memory_space<hbm>> -> memref<1x1x20x100xi32, #tpu.memory_space<hbm>>
        %dma_start3A_585 = tpu.memref_squeeze %dma_start3A_584 : memref<1x1x20x100xi32, #tpu.memory_space<hbm>> -> memref<20x100xi32, #tpu.memory_space<hbm>>
        %dma_start3A_586 = arith.constant 0 : i32
        %dma_start3A_587 = arith.constant 0 : i32
        %dma_start3A_588 = tpu.memref_slice %arg4[%add3A, %scan3A_23, %dma_start3A_586, %dma_start3A_587] : memref<32x5x20x100xi32, #tpu.memory_space<hbm>> -> memref<1x1x20x100xi32, #tpu.memory_space<hbm>>
        %dma_start3A_589 = tpu.memref_squeeze %dma_start3A_588 : memref<1x1x20x100xi32, #tpu.memory_space<hbm>> -> memref<20x100xi32, #tpu.memory_space<hbm>>
        tpu.enqueue_dma source(%dma_start3A_589 : memref<20x100xi32, #tpu.memory_space<hbm>>) target(%arg7 : memref<20x100xi32, #tpu.memory_space<vmem>>) target_semaphore(%run_scoped3A : memref<!tpu.dma_semaphore, #tpu.memory_space<semaphore_mem>>)
        %dma_wait3A_590 = arith.constant 0 : i32
        %dma_wait3A_591 = arith.constant 0 : i32
        %dma_wait3A_592 = tpu.memref_slice %arg4[%add3A, %scan3A_23, %dma_wait3A_590, %dma_wait3A_591] : memref<32x5x20x100xi32, #tpu.memory_space<hbm>> -> memref<1x1x20x100xi32, #tpu.memory_space<hbm>>
        %dma_wait3A_593 = tpu.memref_squeeze %dma_wait3A_592 : memref<1x1x20x100xi32, #tpu.memory_space<hbm>> -> memref<20x100xi32, #tpu.memory_space<hbm>>
        %dma_wait3A_594 = arith.constant 0 : i32
        %dma_wait3A_595 = arith.constant 0 : i32
        %dma_wait3A_596 = tpu.memref_slice %arg4[%add3A, %scan3A_23, %dma_wait3A_594, %dma_wait3A_595] : memref<32x5x20x100xi32, #tpu.memory_space<hbm>> -> memref<1x1x20x100xi32, #tpu.memory_space<hbm>>
        %dma_wait3A_597 = tpu.memref_squeeze %dma_wait3A_596 : memref<1x1x20x100xi32, #tpu.memory_space<hbm>> -> memref<20x100xi32, #tpu.memory_space<hbm>>
        tpu.wait_dma2 semaphore(%run_scoped3A : memref<!tpu.dma_semaphore, #tpu.memory_space<semaphore_mem>>) src(%dma_wait3A_597 : memref<20x100xi32, #tpu.memory_space<hbm>>) dst(%arg7 : memref<20x100xi32, #tpu.memory_space<vmem>>)
        tpu.yield
      }) : () -> ()
      "tpu.region"() ({
        %run_scoped3A = tpu.sem_alloc : memref<!tpu.dma_semaphore, #tpu.memory_space<semaphore_mem>>
        %dma_start3A_582 = arith.constant 0 : i32
        %dma_start3A_583 = arith.constant 0 : i32
        %dma_start3A_584 = tpu.memref_slice %arg5[%add3A, %scan3A_23, %dma_start3A_582, %dma_start3A_583] : memref<32x5x20x100xi32, #tpu.memory_space<hbm>> -> memref<1x1x20x100xi32, #tpu.memory_space<hbm>>
        %dma_start3A_585 = tpu.memref_squeeze %dma_start3A_584 : memref<1x1x20x100xi32, #tpu.memory_space<hbm>> -> memref<20x100xi32, #tpu.memory_space<hbm>>
        %dma_start3A_586 = arith.constant 0 : i32
        %dma_start3A_587 = arith.constant 0 : i32
        %dma_start3A_588 = tpu.memref_slice %arg5[%add3A, %scan3A_23, %dma_start3A_586, %dma_start3A_587] : memref<32x5x20x100xi32, #tpu.memory_space<hbm>> -> memref<1x1x20x100xi32, #tpu.memory_space<hbm>>
        %dma_start3A_589 = tpu.memref_squeeze %dma_start3A_588 : memref<1x1x20x100xi32, #tpu.memory_space<hbm>> -> memref<20x100xi32, #tpu.memory_space<hbm>>
        tpu.enqueue_dma source(%dma_start3A_589 : memref<20x100xi32, #tpu.memory_space<hbm>>) target(%arg8 : memref<20x100xi32, #tpu.memory_space<vmem>>) target_semaphore(%run_scoped3A : memref<!tpu.dma_semaphore, #tpu.memory_space<semaphore_mem>>)
        %dma_wait3A_590 = arith.constant 0 : i32
        %dma_wait3A_591 = arith.constant 0 : i32
        %dma_wait3A_592 = tpu.memref_slice %arg5[%add3A, %scan3A_23, %dma_wait3A_590, %dma_wait3A_591] : memref<32x5x20x100xi32, #tpu.memory_space<hbm>> -> memref<1x1x20x100xi32, #tpu.memory_space<hbm>>
        %dma_wait3A_593 = tpu.memref_squeeze %dma_wait3A_592 : memref<1x1x20x100xi32, #tpu.memory_space<hbm>> -> memref<20x100xi32, #tpu.memory_space<hbm>>
        %dma_wait3A_594 = arith.constant 0 : i32
        %dma_wait3A_595 = arith.constant 0 : i32
        %dma_wait3A_596 = tpu.memref_slice %arg5[%add3A, %scan3A_23, %dma_wait3A_594, %dma_wait3A_595] : memref<32x5x20x100xi32, #tpu.memory_space<hbm>> -> memref<1x1x20x100xi32, #tpu.memory_space<hbm>>
        %dma_wait3A_597 = tpu.memref_squeeze %dma_wait3A_596 : memref<1x1x20x100xi32, #tpu.memory_space<hbm>> -> memref<20x100xi32, #tpu.memory_space<hbm>>
        tpu.wait_dma2 semaphore(%run_scoped3A : memref<!tpu.dma_semaphore, #tpu.memory_space<semaphore_mem>>) src(%dma_wait3A_597 : memref<20x100xi32, #tpu.memory_space<hbm>>) dst(%arg8 : memref<20x100xi32, #tpu.memory_space<vmem>>)
        tpu.yield
      }) : () -> ()
      %dma_start3A = arith.constant 0 : i32
      %dma_start3A_24 = arith.constant 0 : i32
      %dma_start3A_25 = tpu.memref_slice %arg7[%dma_start3A, %dma_start3A_24] : memref<20x100xi32, #tpu.memory_space<vmem>> -> memref<1x100xi32, #tpu.memory_space<vmem>>
      %dma_start3A_26 = tpu.memref_squeeze %dma_start3A_25 : memref<1x100xi32, #tpu.memory_space<vmem>> -> memref<100xi32, #tpu.memory_space<vmem>>
      %dma_start3A_27 = arith.constant 0 : i32
      %dma_start3A_28 = arith.constant 0 : i32
      %dma_start3A_29 = tpu.memref_slice %arg2[%dma_start3A_27, %dma_start3A_28] : memref<10000x128xf32, #tpu.memory_space<hbm>> -> memref<10000x128xf32, #tpu.memory_space<hbm>>
      tpu.enqueue_indirect_dma source(%dma_start3A_29 : memref<10000x128xf32, #tpu.memory_space<hbm>>) target(%arg9 : memref<100x128xf32, #tpu.memory_space<vmem>>) offsets(%dma_start3A_26 : memref<100xi32, #tpu.memory_space<vmem>>) semaphore(%arg12 : memref<!tpu.dma_semaphore, #tpu.memory_space<semaphore_mem>>)
      %dma_wait3A = arith.constant 0 : i32
      %dma_wait3A_30 = arith.constant 0 : i32
      %dma_wait3A_31 = tpu.memref_slice %arg7[%dma_wait3A, %dma_wait3A_30] : memref<20x100xi32, #tpu.memory_space<vmem>> -> memref<1x100xi32, #tpu.memory_space<vmem>>
      %dma_wait3A_32 = tpu.memref_squeeze %dma_wait3A_31 : memref<1x100xi32, #tpu.memory_space<vmem>> -> memref<100xi32, #tpu.memory_space<vmem>>
      %dma_wait3A_33 = arith.constant 0 : i32
      %dma_wait3A_34 = arith.constant 0 : i32
      %dma_wait3A_35 = tpu.memref_slice %arg2[%dma_wait3A_33, %dma_wait3A_34] : memref<10000x128xf32, #tpu.memory_space<hbm>> -> memref<10000x128xf32, #tpu.memory_space<hbm>>
      tpu.wait_indirect_dma semaphore(%arg12 : memref<!tpu.dma_semaphore, #tpu.memory_space<semaphore_mem>>) src(%dma_wait3A_35 : memref<10000x128xf32, #tpu.memory_space<hbm>>) dst(%arg9 : memref<100x128xf32, #tpu.memory_space<vmem>>)
      %dma_start3A_36 = arith.constant 0 : i32
      %dma_start3A_37 = arith.constant 0 : i32
      %dma_start3A_38 = tpu.memref_slice %arg8[%dma_start3A_36, %dma_start3A_37] : memref<20x100xi32, #tpu.memory_space<vmem>> -> memref<1x100xi32, #tpu.memory_space<vmem>>
      %dma_start3A_39 = tpu.memref_squeeze %dma_start3A_38 : memref<1x100xi32, #tpu.memory_space<vmem>> -> memref<100xi32, #tpu.memory_space<vmem>>
      %dma_start3A_40 = arith.constant 0 : i32
      %dma_start3A_41 = arith.constant 0 : i32
      %dma_start3A_42 = tpu.memref_slice %arg11[%dma_start3A_40, %dma_start3A_41] : memref<10000x128xf32, #tpu.memory_space<vmem_shared>> -> memref<10000x128xf32, #tpu.memory_space<vmem_shared>>
      tpu.enqueue_indirect_dma source(%arg9 : memref<100x128xf32, #tpu.memory_space<vmem>>) target(%dma_start3A_42 : memref<10000x128xf32, #tpu.memory_space<vmem_shared>>) offsets(%dma_start3A_39 : memref<100xi32, #tpu.memory_space<vmem>>) semaphore(%arg14 : memref<!tpu.dma_semaphore, #tpu.memory_space<semaphore_mem>>) {add = true}
      %dma_start3A_43 = arith.constant 1 : i32
      %dma_start3A_44 = arith.constant 0 : i32
      %dma_start3A_45 = tpu.memref_slice %arg7[%dma_start3A_43, %dma_start3A_44] : memref<20x100xi32, #tpu.memory_space<vmem>> -> memref<1x100xi32, #tpu.memory_space<vmem>>
      %dma_start3A_46 = tpu.memref_squeeze %dma_start3A_45 : memref<1x100xi32, #tpu.memory_space<vmem>> -> memref<100xi32, #tpu.memory_space<vmem>>
      %dma_start3A_47 = arith.constant 0 : i32
      %dma_start3A_48 = arith.constant 0 : i32
      %dma_start3A_49 = tpu.memref_slice %arg2[%dma_start3A_47, %dma_start3A_48] : memref<10000x128xf32, #tpu.memory_space<hbm>> -> memref<10000x128xf32, #tpu.memory_space<hbm>>
      tpu.enqueue_indirect_dma source(%dma_start3A_49 : memref<10000x128xf32, #tpu.memory_space<hbm>>) target(%arg10 : memref<100x128xf32, #tpu.memory_space<vmem>>) offsets(%dma_start3A_46 : memref<100xi32, #tpu.memory_space<vmem>>) semaphore(%arg13 : memref<!tpu.dma_semaphore, #tpu.memory_space<semaphore_mem>>)
      %dma_wait3A_50 = arith.constant 1 : i32
      %dma_wait3A_51 = arith.constant 0 : i32
      %dma_wait3A_52 = tpu.memref_slice %arg7[%dma_wait3A_50, %dma_wait3A_51] : memref<20x100xi32, #tpu.memory_space<vmem>> -> memref<1x100xi32, #tpu.memory_space<vmem>>
      %dma_wait3A_53 = tpu.memref_squeeze %dma_wait3A_52 : memref<1x100xi32, #tpu.memory_space<vmem>> -> memref<100xi32, #tpu.memory_space<vmem>>
      %dma_wait3A_54 = arith.constant 0 : i32
      %dma_wait3A_55 = arith.constant 0 : i32
      %dma_wait3A_56 = tpu.memref_slice %arg2[%dma_wait3A_54, %dma_wait3A_55] : memref<10000x128xf32, #tpu.memory_space<hbm>> -> memref<10000x128xf32, #tpu.memory_space<hbm>>
      tpu.wait_indirect_dma semaphore(%arg13 : memref<!tpu.dma_semaphore, #tpu.memory_space<semaphore_mem>>) src(%dma_wait3A_56 : memref<10000x128xf32, #tpu.memory_space<hbm>>) dst(%arg10 : memref<100x128xf32, #tpu.memory_space<vmem>>)
      %dma_start3A_57 = arith.constant 1 : i32
      %dma_start3A_58 = arith.constant 0 : i32
      %dma_start3A_59 = tpu.memref_slice %arg8[%dma_start3A_57, %dma_start3A_58] : memref<20x100xi32, #tpu.memory_space<vmem>> -> memref<1x100xi32, #tpu.memory_space<vmem>>
      %dma_start3A_60 = tpu.memref_squeeze %dma_start3A_59 : memref<1x100xi32, #tpu.memory_space<vmem>> -> memref<100xi32, #tpu.memory_space<vmem>>
      %dma_start3A_61 = arith.constant 0 : i32
      %dma_start3A_62 = arith.constant 0 : i32
      %dma_start3A_63 = tpu.memref_slice %arg11[%dma_start3A_61, %dma_start3A_62] : memref<10000x128xf32, #tpu.memory_space<vmem_shared>> -> memref<10000x128xf32, #tpu.memory_space<vmem_shared>>
      tpu.enqueue_indirect_dma source(%arg10 : memref<100x128xf32, #tpu.memory_space<vmem>>) target(%dma_start3A_63 : memref<10000x128xf32, #tpu.memory_space<vmem_shared>>) offsets(%dma_start3A_60 : memref<100xi32, #tpu.memory_space<vmem>>) semaphore(%arg15 : memref<!tpu.dma_semaphore, #tpu.memory_space<semaphore_mem>>) {add = true}
      %dma_wait3A_64 = arith.constant 0 : i32
      %dma_wait3A_65 = arith.constant 0 : i32
      %dma_wait3A_66 = tpu.memref_slice %arg8[%dma_wait3A_64, %dma_wait3A_65] : memref<20x100xi32, #tpu.memory_space<vmem>> -> memref<1x100xi32, #tpu.memory_space<vmem>>
      %dma_wait3A_67 = tpu.memref_squeeze %dma_wait3A_66 : memref<1x100xi32, #tpu.memory_space<vmem>> -> memref<100xi32, #tpu.memory_space<vmem>>
      %dma_wait3A_68 = arith.constant 0 : i32
      %dma_wait3A_69 = arith.constant 0 : i32
      %dma_wait3A_70 = tpu.memref_slice %arg11[%dma_wait3A_68, %dma_wait3A_69] : memref<10000x128xf32, #tpu.memory_space<vmem_shared>> -> memref<10000x128xf32, #tpu.memory_space<vmem_shared>>
      tpu.wait_indirect_dma semaphore(%arg14 : memref<!tpu.dma_semaphore, #tpu.memory_space<semaphore_mem>>) src(%arg9 : memref<100x128xf32, #tpu.memory_space<vmem>>) dst(%dma_wait3A_70 : memref<10000x128xf32, #tpu.memory_space<vmem_shared>>)
      %dma_start3A_71 = arith.constant 2 : i32
      %dma_start3A_72 = arith.constant 0 : i32
      %dma_start3A_73 = tpu.memref_slice %arg7[%dma_start3A_71, %dma_start3A_72] : memref<20x100xi32, #tpu.memory_space<vmem>> -> memref<1x100xi32, #tpu.memory_space<vmem>>
      %dma_start3A_74 = tpu.memref_squeeze %dma_start3A_73 : memref<1x100xi32, #tpu.memory_space<vmem>> -> memref<100xi32, #tpu.memory_space<vmem>>
      %dma_start3A_75 = arith.constant 0 : i32
      %dma_start3A_76 = arith.constant 0 : i32
      %dma_start3A_77 = tpu.memref_slice %arg2[%dma_start3A_75, %dma_start3A_76] : memref<10000x128xf32, #tpu.memory_space<hbm>> -> memref<10000x128xf32, #tpu.memory_space<hbm>>
      tpu.enqueue_indirect_dma source(%dma_start3A_77 : memref<10000x128xf32, #tpu.memory_space<hbm>>) target(%arg9 : memref<100x128xf32, #tpu.memory_space<vmem>>) offsets(%dma_start3A_74 : memref<100xi32, #tpu.memory_space<vmem>>) semaphore(%arg12 : memref<!tpu.dma_semaphore, #tpu.memory_space<semaphore_mem>>)
      %dma_wait3A_78 = arith.constant 2 : i32
      %dma_wait3A_79 = arith.constant 0 : i32
      %dma_wait3A_80 = tpu.memref_slice %arg7[%dma_wait3A_78, %dma_wait3A_79] : memref<20x100xi32, #tpu.memory_space<vmem>> -> memref<1x100xi32, #tpu.memory_space<vmem>>
      %dma_wait3A_81 = tpu.memref_squeeze %dma_wait3A_80 : memref<1x100xi32, #tpu.memory_space<vmem>> -> memref<100xi32, #tpu.memory_space<vmem>>
      %dma_wait3A_82 = arith.constant 0 : i32
      %dma_wait3A_83 = arith.constant 0 : i32
      %dma_wait3A_84 = tpu.memref_slice %arg2[%dma_wait3A_82, %dma_wait3A_83] : memref<10000x128xf32, #tpu.memory_space<hbm>> -> memref<10000x128xf32, #tpu.memory_space<hbm>>
      tpu.wait_indirect_dma semaphore(%arg12 : memref<!tpu.dma_semaphore, #tpu.memory_space<semaphore_mem>>) src(%dma_wait3A_84 : memref<10000x128xf32, #tpu.memory_space<hbm>>) dst(%arg9 : memref<100x128xf32, #tpu.memory_space<vmem>>)
      %dma_start3A_85 = arith.constant 2 : i32
      %dma_start3A_86 = arith.constant 0 : i32
      %dma_start3A_87 = tpu.memref_slice %arg8[%dma_start3A_85, %dma_start3A_86] : memref<20x100xi32, #tpu.memory_space<vmem>> -> memref<1x100xi32, #tpu.memory_space<vmem>>
      %dma_start3A_88 = tpu.memref_squeeze %dma_start3A_87 : memref<1x100xi32, #tpu.memory_space<vmem>> -> memref<100xi32, #tpu.memory_space<vmem>>
      %dma_start3A_89 = arith.constant 0 : i32
      %dma_start3A_90 = arith.constant 0 : i32
      %dma_start3A_91 = tpu.memref_slice %arg11[%dma_start3A_89, %dma_start3A_90] : memref<10000x128xf32, #tpu.memory_space<vmem_shared>> -> memref<10000x128xf32, #tpu.memory_space<vmem_shared>>
      tpu.enqueue_indirect_dma source(%arg9 : memref<100x128xf32, #tpu.memory_space<vmem>>) target(%dma_start3A_91 : memref<10000x128xf32, #tpu.memory_space<vmem_shared>>) offsets(%dma_start3A_88 : memref<100xi32, #tpu.memory_space<vmem>>) semaphore(%arg14 : memref<!tpu.dma_semaphore, #tpu.memory_space<semaphore_mem>>) {add = true}
      %dma_wait3A_92 = arith.constant 1 : i32
      %dma_wait3A_93 = arith.constant 0 : i32
      %dma_wait3A_94 = tpu.memref_slice %arg8[%dma_wait3A_92, %dma_wait3A_93] : memref<20x100xi32, #tpu.memory_space<vmem>> -> memref<1x100xi32, #tpu.memory_space<vmem>>
      %dma_wait3A_95 = tpu.memref_squeeze %dma_wait3A_94 : memref<1x100xi32, #tpu.memory_space<vmem>> -> memref<100xi32, #tpu.memory_space<vmem>>
      %dma_wait3A_96 = arith.constant 0 : i32
      %dma_wait3A_97 = arith.constant 0 : i32
      %dma_wait3A_98 = tpu.memref_slice %arg11[%dma_wait3A_96, %dma_wait3A_97] : memref<10000x128xf32, #tpu.memory_space<vmem_shared>> -> memref<10000x128xf32, #tpu.memory_space<vmem_shared>>
      tpu.wait_indirect_dma semaphore(%arg15 : memref<!tpu.dma_semaphore, #tpu.memory_space<semaphore_mem>>) src(%arg10 : memref<100x128xf32, #tpu.memory_space<vmem>>) dst(%dma_wait3A_98 : memref<10000x128xf32, #tpu.memory_space<vmem_shared>>)
      %dma_start3A_99 = arith.constant 3 : i32
      %dma_start3A_100 = arith.constant 0 : i32
      %dma_start3A_101 = tpu.memref_slice %arg7[%dma_start3A_99, %dma_start3A_100] : memref<20x100xi32, #tpu.memory_space<vmem>> -> memref<1x100xi32, #tpu.memory_space<vmem>>
      %dma_start3A_102 = tpu.memref_squeeze %dma_start3A_101 : memref<1x100xi32, #tpu.memory_space<vmem>> -> memref<100xi32, #tpu.memory_space<vmem>>
      %dma_start3A_103 = arith.constant 0 : i32
      %dma_start3A_104 = arith.constant 0 : i32
      %dma_start3A_105 = tpu.memref_slice %arg2[%dma_start3A_103, %dma_start3A_104] : memref<10000x128xf32, #tpu.memory_space<hbm>> -> memref<10000x128xf32, #tpu.memory_space<hbm>>
      tpu.enqueue_indirect_dma source(%dma_start3A_105 : memref<10000x128xf32, #tpu.memory_space<hbm>>) target(%arg10 : memref<100x128xf32, #tpu.memory_space<vmem>>) offsets(%dma_start3A_102 : memref<100xi32, #tpu.memory_space<vmem>>) semaphore(%arg13 : memref<!tpu.dma_semaphore, #tpu.memory_space<semaphore_mem>>)
      %dma_wait3A_106 = arith.constant 3 : i32
      %dma_wait3A_107 = arith.constant 0 : i32
      %dma_wait3A_108 = tpu.memref_slice %arg7[%dma_wait3A_106, %dma_wait3A_107] : memref<20x100xi32, #tpu.memory_space<vmem>> -> memref<1x100xi32, #tpu.memory_space<vmem>>
      %dma_wait3A_109 = tpu.memref_squeeze %dma_wait3A_108 : memref<1x100xi32, #tpu.memory_space<vmem>> -> memref<100xi32, #tpu.memory_space<vmem>>
      %dma_wait3A_110 = arith.constant 0 : i32
      %dma_wait3A_111 = arith.constant 0 : i32
      %dma_wait3A_112 = tpu.memref_slice %arg2[%dma_wait3A_110, %dma_wait3A_111] : memref<10000x128xf32, #tpu.memory_space<hbm>> -> memref<10000x128xf32, #tpu.memory_space<hbm>>
      tpu.wait_indirect_dma semaphore(%arg13 : memref<!tpu.dma_semaphore, #tpu.memory_space<semaphore_mem>>) src(%dma_wait3A_112 : memref<10000x128xf32, #tpu.memory_space<hbm>>) dst(%arg10 : memref<100x128xf32, #tpu.memory_space<vmem>>)
      %dma_start3A_113 = arith.constant 3 : i32
      %dma_start3A_114 = arith.constant 0 : i32
      %dma_start3A_115 = tpu.memref_slice %arg8[%dma_start3A_113, %dma_start3A_114] : memref<20x100xi32, #tpu.memory_space<vmem>> -> memref<1x100xi32, #tpu.memory_space<vmem>>
      %dma_start3A_116 = tpu.memref_squeeze %dma_start3A_115 : memref<1x100xi32, #tpu.memory_space<vmem>> -> memref<100xi32, #tpu.memory_space<vmem>>
      %dma_start3A_117 = arith.constant 0 : i32
      %dma_start3A_118 = arith.constant 0 : i32
      %dma_start3A_119 = tpu.memref_slice %arg11[%dma_start3A_117, %dma_start3A_118] : memref<10000x128xf32, #tpu.memory_space<vmem_shared>> -> memref<10000x128xf32, #tpu.memory_space<vmem_shared>>
      tpu.enqueue_indirect_dma source(%arg10 : memref<100x128xf32, #tpu.memory_space<vmem>>) target(%dma_start3A_119 : memref<10000x128xf32, #tpu.memory_space<vmem_shared>>) offsets(%dma_start3A_116 : memref<100xi32, #tpu.memory_space<vmem>>) semaphore(%arg15 : memref<!tpu.dma_semaphore, #tpu.memory_space<semaphore_mem>>) {add = true}
      %dma_wait3A_120 = arith.constant 2 : i32
      %dma_wait3A_121 = arith.constant 0 : i32
      %dma_wait3A_122 = tpu.memref_slice %arg8[%dma_wait3A_120, %dma_wait3A_121] : memref<20x100xi32, #tpu.memory_space<vmem>> -> memref<1x100xi32, #tpu.memory_space<vmem>>
      %dma_wait3A_123 = tpu.memref_squeeze %dma_wait3A_122 : memref<1x100xi32, #tpu.memory_space<vmem>> -> memref<100xi32, #tpu.memory_space<vmem>>
      %dma_wait3A_124 = arith.constant 0 : i32
      %dma_wait3A_125 = arith.constant 0 : i32
      %dma_wait3A_126 = tpu.memref_slice %arg11[%dma_wait3A_124, %dma_wait3A_125] : memref<10000x128xf32, #tpu.memory_space<vmem_shared>> -> memref<10000x128xf32, #tpu.memory_space<vmem_shared>>
      tpu.wait_indirect_dma semaphore(%arg14 : memref<!tpu.dma_semaphore, #tpu.memory_space<semaphore_mem>>) src(%arg9 : memref<100x128xf32, #tpu.memory_space<vmem>>) dst(%dma_wait3A_126 : memref<10000x128xf32, #tpu.memory_space<vmem_shared>>)
      %dma_start3A_127 = arith.constant 4 : i32
      %dma_start3A_128 = arith.constant 0 : i32
      %dma_start3A_129 = tpu.memref_slice %arg7[%dma_start3A_127, %dma_start3A_128] : memref<20x100xi32, #tpu.memory_space<vmem>> -> memref<1x100xi32, #tpu.memory_space<vmem>>
      %dma_start3A_130 = tpu.memref_squeeze %dma_start3A_129 : memref<1x100xi32, #tpu.memory_space<vmem>> -> memref<100xi32, #tpu.memory_space<vmem>>
      %dma_start3A_131 = arith.constant 0 : i32
      %dma_start3A_132 = arith.constant 0 : i32
      %dma_start3A_133 = tpu.memref_slice %arg2[%dma_start3A_131, %dma_start3A_132] : memref<10000x128xf32, #tpu.memory_space<hbm>> -> memref<10000x128xf32, #tpu.memory_space<hbm>>
      tpu.enqueue_indirect_dma source(%dma_start3A_133 : memref<10000x128xf32, #tpu.memory_space<hbm>>) target(%arg9 : memref<100x128xf32, #tpu.memory_space<vmem>>) offsets(%dma_start3A_130 : memref<100xi32, #tpu.memory_space<vmem>>) semaphore(%arg12 : memref<!tpu.dma_semaphore, #tpu.memory_space<semaphore_mem>>)
      %dma_wait3A_134 = arith.constant 4 : i32
      %dma_wait3A_135 = arith.constant 0 : i32
      %dma_wait3A_136 = tpu.memref_slice %arg7[%dma_wait3A_134, %dma_wait3A_135] : memref<20x100xi32, #tpu.memory_space<vmem>> -> memref<1x100xi32, #tpu.memory_space<vmem>>
      %dma_wait3A_137 = tpu.memref_squeeze %dma_wait3A_136 : memref<1x100xi32, #tpu.memory_space<vmem>> -> memref<100xi32, #tpu.memory_space<vmem>>
      %dma_wait3A_138 = arith.constant 0 : i32
      %dma_wait3A_139 = arith.constant 0 : i32
      %dma_wait3A_140 = tpu.memref_slice %arg2[%dma_wait3A_138, %dma_wait3A_139] : memref<10000x128xf32, #tpu.memory_space<hbm>> -> memref<10000x128xf32, #tpu.memory_space<hbm>>
      tpu.wait_indirect_dma semaphore(%arg12 : memref<!tpu.dma_semaphore, #tpu.memory_space<semaphore_mem>>) src(%dma_wait3A_140 : memref<10000x128xf32, #tpu.memory_space<hbm>>) dst(%arg9 : memref<100x128xf32, #tpu.memory_space<vmem>>)
      %dma_start3A_141 = arith.constant 4 : i32
      %dma_start3A_142 = arith.constant 0 : i32
      %dma_start3A_143 = tpu.memref_slice %arg8[%dma_start3A_141, %dma_start3A_142] : memref<20x100xi32, #tpu.memory_space<vmem>> -> memref<1x100xi32, #tpu.memory_space<vmem>>
      %dma_start3A_144 = tpu.memref_squeeze %dma_start3A_143 : memref<1x100xi32, #tpu.memory_space<vmem>> -> memref<100xi32, #tpu.memory_space<vmem>>
      %dma_start3A_145 = arith.constant 0 : i32
      %dma_start3A_146 = arith.constant 0 : i32
      %dma_start3A_147 = tpu.memref_slice %arg11[%dma_start3A_145, %dma_start3A_146] : memref<10000x128xf32, #tpu.memory_space<vmem_shared>> -> memref<10000x128xf32, #tpu.memory_space<vmem_shared>>
      tpu.enqueue_indirect_dma source(%arg9 : memref<100x128xf32, #tpu.memory_space<vmem>>) target(%dma_start3A_147 : memref<10000x128xf32, #tpu.memory_space<vmem_shared>>) offsets(%dma_start3A_144 : memref<100xi32, #tpu.memory_space<vmem>>) semaphore(%arg14 : memref<!tpu.dma_semaphore, #tpu.memory_space<semaphore_mem>>) {add = true}
      %dma_wait3A_148 = arith.constant 3 : i32
      %dma_wait3A_149 = arith.constant 0 : i32
      %dma_wait3A_150 = tpu.memref_slice %arg8[%dma_wait3A_148, %dma_wait3A_149] : memref<20x100xi32, #tpu.memory_space<vmem>> -> memref<1x100xi32, #tpu.memory_space<vmem>>
      %dma_wait3A_151 = tpu.memref_squeeze %dma_wait3A_150 : memref<1x100xi32, #tpu.memory_space<vmem>> -> memref<100xi32, #tpu.memory_space<vmem>>
      %dma_wait3A_152 = arith.constant 0 : i32
      %dma_wait3A_153 = arith.constant 0 : i32
      %dma_wait3A_154 = tpu.memref_slice %arg11[%dma_wait3A_152, %dma_wait3A_153] : memref<10000x128xf32, #tpu.memory_space<vmem_shared>> -> memref<10000x128xf32, #tpu.memory_space<vmem_shared>>
      tpu.wait_indirect_dma semaphore(%arg15 : memref<!tpu.dma_semaphore, #tpu.memory_space<semaphore_mem>>) src(%arg10 : memref<100x128xf32, #tpu.memory_space<vmem>>) dst(%dma_wait3A_154 : memref<10000x128xf32, #tpu.memory_space<vmem_shared>>)
      %dma_start3A_155 = arith.constant 5 : i32
      %dma_start3A_156 = arith.constant 0 : i32
      %dma_start3A_157 = tpu.memref_slice %arg7[%dma_start3A_155, %dma_start3A_156] : memref<20x100xi32, #tpu.memory_space<vmem>> -> memref<1x100xi32, #tpu.memory_space<vmem>>
      %dma_start3A_158 = tpu.memref_squeeze %dma_start3A_157 : memref<1x100xi32, #tpu.memory_space<vmem>> -> memref<100xi32, #tpu.memory_space<vmem>>
      %dma_start3A_159 = arith.constant 0 : i32
      %dma_start3A_160 = arith.constant 0 : i32
      %dma_start3A_161 = tpu.memref_slice %arg2[%dma_start3A_159, %dma_start3A_160] : memref<10000x128xf32, #tpu.memory_space<hbm>> -> memref<10000x128xf32, #tpu.memory_space<hbm>>
      tpu.enqueue_indirect_dma source(%dma_start3A_161 : memref<10000x128xf32, #tpu.memory_space<hbm>>) target(%arg10 : memref<100x128xf32, #tpu.memory_space<vmem>>) offsets(%dma_start3A_158 : memref<100xi32, #tpu.memory_space<vmem>>) semaphore(%arg13 : memref<!tpu.dma_semaphore, #tpu.memory_space<semaphore_mem>>)
      %dma_wait3A_162 = arith.constant 5 : i32
      %dma_wait3A_163 = arith.constant 0 : i32
      %dma_wait3A_164 = tpu.memref_slice %arg7[%dma_wait3A_162, %dma_wait3A_163] : memref<20x100xi32, #tpu.memory_space<vmem>> -> memref<1x100xi32, #tpu.memory_space<vmem>>
      %dma_wait3A_165 = tpu.memref_squeeze %dma_wait3A_164 : memref<1x100xi32, #tpu.memory_space<vmem>> -> memref<100xi32, #tpu.memory_space<vmem>>
      %dma_wait3A_166 = arith.constant 0 : i32
      %dma_wait3A_167 = arith.constant 0 : i32
      %dma_wait3A_168 = tpu.memref_slice %arg2[%dma_wait3A_166, %dma_wait3A_167] : memref<10000x128xf32, #tpu.memory_space<hbm>> -> memref<10000x128xf32, #tpu.memory_space<hbm>>
      tpu.wait_indirect_dma semaphore(%arg13 : memref<!tpu.dma_semaphore, #tpu.memory_space<semaphore_mem>>) src(%dma_wait3A_168 : memref<10000x128xf32, #tpu.memory_space<hbm>>) dst(%arg10 : memref<100x128xf32, #tpu.memory_space<vmem>>)
      %dma_start3A_169 = arith.constant 5 : i32
      %dma_start3A_170 = arith.constant 0 : i32
      %dma_start3A_171 = tpu.memref_slice %arg8[%dma_start3A_169, %dma_start3A_170] : memref<20x100xi32, #tpu.memory_space<vmem>> -> memref<1x100xi32, #tpu.memory_space<vmem>>
      %dma_start3A_172 = tpu.memref_squeeze %dma_start3A_171 : memref<1x100xi32, #tpu.memory_space<vmem>> -> memref<100xi32, #tpu.memory_space<vmem>>
      %dma_start3A_173 = arith.constant 0 : i32
      %dma_start3A_174 = arith.constant 0 : i32
      %dma_start3A_175 = tpu.memref_slice %arg11[%dma_start3A_173, %dma_start3A_174] : memref<10000x128xf32, #tpu.memory_space<vmem_shared>> -> memref<10000x128xf32, #tpu.memory_space<vmem_shared>>
      tpu.enqueue_indirect_dma source(%arg10 : memref<100x128xf32, #tpu.memory_space<vmem>>) target(%dma_start3A_175 : memref<10000x128xf32, #tpu.memory_space<vmem_shared>>) offsets(%dma_start3A_172 : memref<100xi32, #tpu.memory_space<vmem>>) semaphore(%arg15 : memref<!tpu.dma_semaphore, #tpu.memory_space<semaphore_mem>>) {add = true}
      %dma_wait3A_176 = arith.constant 4 : i32
      %dma_wait3A_177 = arith.constant 0 : i32
      %dma_wait3A_178 = tpu.memref_slice %arg8[%dma_wait3A_176, %dma_wait3A_177] : memref<20x100xi32, #tpu.memory_space<vmem>> -> memref<1x100xi32, #tpu.memory_space<vmem>>
      %dma_wait3A_179 = tpu.memref_squeeze %dma_wait3A_178 : memref<1x100xi32, #tpu.memory_space<vmem>> -> memref<100xi32, #tpu.memory_space<vmem>>
      %dma_wait3A_180 = arith.constant 0 : i32
      %dma_wait3A_181 = arith.constant 0 : i32
      %dma_wait3A_182 = tpu.memref_slice %arg11[%dma_wait3A_180, %dma_wait3A_181] : memref<10000x128xf32, #tpu.memory_space<vmem_shared>> -> memref<10000x128xf32, #tpu.memory_space<vmem_shared>>
      tpu.wait_indirect_dma semaphore(%arg14 : memref<!tpu.dma_semaphore, #tpu.memory_space<semaphore_mem>>) src(%arg9 : memref<100x128xf32, #tpu.memory_space<vmem>>) dst(%dma_wait3A_182 : memref<10000x128xf32, #tpu.memory_space<vmem_shared>>)
      %dma_start3A_183 = arith.constant 6 : i32
      %dma_start3A_184 = arith.constant 0 : i32
      %dma_start3A_185 = tpu.memref_slice %arg7[%dma_start3A_183, %dma_start3A_184] : memref<20x100xi32, #tpu.memory_space<vmem>> -> memref<1x100xi32, #tpu.memory_space<vmem>>
      %dma_start3A_186 = tpu.memref_squeeze %dma_start3A_185 : memref<1x100xi32, #tpu.memory_space<vmem>> -> memref<100xi32, #tpu.memory_space<vmem>>
      %dma_start3A_187 = arith.constant 0 : i32
      %dma_start3A_188 = arith.constant 0 : i32
      %dma_start3A_189 = tpu.memref_slice %arg2[%dma_start3A_187, %dma_start3A_188] : memref<10000x128xf32, #tpu.memory_space<hbm>> -> memref<10000x128xf32, #tpu.memory_space<hbm>>
      tpu.enqueue_indirect_dma source(%dma_start3A_189 : memref<10000x128xf32, #tpu.memory_space<hbm>>) target(%arg9 : memref<100x128xf32, #tpu.memory_space<vmem>>) offsets(%dma_start3A_186 : memref<100xi32, #tpu.memory_space<vmem>>) semaphore(%arg12 : memref<!tpu.dma_semaphore, #tpu.memory_space<semaphore_mem>>)
      %dma_wait3A_190 = arith.constant 6 : i32
      %dma_wait3A_191 = arith.constant 0 : i32
      %dma_wait3A_192 = tpu.memref_slice %arg7[%dma_wait3A_190, %dma_wait3A_191] : memref<20x100xi32, #tpu.memory_space<vmem>> -> memref<1x100xi32, #tpu.memory_space<vmem>>
      %dma_wait3A_193 = tpu.memref_squeeze %dma_wait3A_192 : memref<1x100xi32, #tpu.memory_space<vmem>> -> memref<100xi32, #tpu.memory_space<vmem>>
      %dma_wait3A_194 = arith.constant 0 : i32
      %dma_wait3A_195 = arith.constant 0 : i32
      %dma_wait3A_196 = tpu.memref_slice %arg2[%dma_wait3A_194, %dma_wait3A_195] : memref<10000x128xf32, #tpu.memory_space<hbm>> -> memref<10000x128xf32, #tpu.memory_space<hbm>>
      tpu.wait_indirect_dma semaphore(%arg12 : memref<!tpu.dma_semaphore, #tpu.memory_space<semaphore_mem>>) src(%dma_wait3A_196 : memref<10000x128xf32, #tpu.memory_space<hbm>>) dst(%arg9 : memref<100x128xf32, #tpu.memory_space<vmem>>)
      %dma_start3A_197 = arith.constant 6 : i32
      %dma_start3A_198 = arith.constant 0 : i32
      %dma_start3A_199 = tpu.memref_slice %arg8[%dma_start3A_197, %dma_start3A_198] : memref<20x100xi32, #tpu.memory_space<vmem>> -> memref<1x100xi32, #tpu.memory_space<vmem>>
      %dma_start3A_200 = tpu.memref_squeeze %dma_start3A_199 : memref<1x100xi32, #tpu.memory_space<vmem>> -> memref<100xi32, #tpu.memory_space<vmem>>
      %dma_start3A_201 = arith.constant 0 : i32
      %dma_start3A_202 = arith.constant 0 : i32
      %dma_start3A_203 = tpu.memref_slice %arg11[%dma_start3A_201, %dma_start3A_202] : memref<10000x128xf32, #tpu.memory_space<vmem_shared>> -> memref<10000x128xf32, #tpu.memory_space<vmem_shared>>
      tpu.enqueue_indirect_dma source(%arg9 : memref<100x128xf32, #tpu.memory_space<vmem>>) target(%dma_start3A_203 : memref<10000x128xf32, #tpu.memory_space<vmem_shared>>) offsets(%dma_start3A_200 : memref<100xi32, #tpu.memory_space<vmem>>) semaphore(%arg14 : memref<!tpu.dma_semaphore, #tpu.memory_space<semaphore_mem>>) {add = true}
      %dma_wait3A_204 = arith.constant 5 : i32
      %dma_wait3A_205 = arith.constant 0 : i32
      %dma_wait3A_206 = tpu.memref_slice %arg8[%dma_wait3A_204, %dma_wait3A_205] : memref<20x100xi32, #tpu.memory_space<vmem>> -> memref<1x100xi32, #tpu.memory_space<vmem>>
      %dma_wait3A_207 = tpu.memref_squeeze %dma_wait3A_206 : memref<1x100xi32, #tpu.memory_space<vmem>> -> memref<100xi32, #tpu.memory_space<vmem>>
      %dma_wait3A_208 = arith.constant 0 : i32
      %dma_wait3A_209 = arith.constant 0 : i32
      %dma_wait3A_210 = tpu.memref_slice %arg11[%dma_wait3A_208, %dma_wait3A_209] : memref<10000x128xf32, #tpu.memory_space<vmem_shared>> -> memref<10000x128xf32, #tpu.memory_space<vmem_shared>>
      tpu.wait_indirect_dma semaphore(%arg15 : memref<!tpu.dma_semaphore, #tpu.memory_space<semaphore_mem>>) src(%arg10 : memref<100x128xf32, #tpu.memory_space<vmem>>) dst(%dma_wait3A_210 : memref<10000x128xf32, #tpu.memory_space<vmem_shared>>)
      %dma_start3A_211 = arith.constant 7 : i32
      %dma_start3A_212 = arith.constant 0 : i32
      %dma_start3A_213 = tpu.memref_slice %arg7[%dma_start3A_211, %dma_start3A_212] : memref<20x100xi32, #tpu.memory_space<vmem>> -> memref<1x100xi32, #tpu.memory_space<vmem>>
      %dma_start3A_214 = tpu.memref_squeeze %dma_start3A_213 : memref<1x100xi32, #tpu.memory_space<vmem>> -> memref<100xi32, #tpu.memory_space<vmem>>
      %dma_start3A_215 = arith.constant 0 : i32
      %dma_start3A_216 = arith.constant 0 : i32
      %dma_start3A_217 = tpu.memref_slice %arg2[%dma_start3A_215, %dma_start3A_216] : memref<10000x128xf32, #tpu.memory_space<hbm>> -> memref<10000x128xf32, #tpu.memory_space<hbm>>
      tpu.enqueue_indirect_dma source(%dma_start3A_217 : memref<10000x128xf32, #tpu.memory_space<hbm>>) target(%arg10 : memref<100x128xf32, #tpu.memory_space<vmem>>) offsets(%dma_start3A_214 : memref<100xi32, #tpu.memory_space<vmem>>) semaphore(%arg13 : memref<!tpu.dma_semaphore, #tpu.memory_space<semaphore_mem>>)
      %dma_wait3A_218 = arith.constant 7 : i32
      %dma_wait3A_219 = arith.constant 0 : i32
      %dma_wait3A_220 = tpu.memref_slice %arg7[%dma_wait3A_218, %dma_wait3A_219] : memref<20x100xi32, #tpu.memory_space<vmem>> -> memref<1x100xi32, #tpu.memory_space<vmem>>
      %dma_wait3A_221 = tpu.memref_squeeze %dma_wait3A_220 : memref<1x100xi32, #tpu.memory_space<vmem>> -> memref<100xi32, #tpu.memory_space<vmem>>
      %dma_wait3A_222 = arith.constant 0 : i32
      %dma_wait3A_223 = arith.constant 0 : i32
      %dma_wait3A_224 = tpu.memref_slice %arg2[%dma_wait3A_222, %dma_wait3A_223] : memref<10000x128xf32, #tpu.memory_space<hbm>> -> memref<10000x128xf32, #tpu.memory_space<hbm>>
      tpu.wait_indirect_dma semaphore(%arg13 : memref<!tpu.dma_semaphore, #tpu.memory_space<semaphore_mem>>) src(%dma_wait3A_224 : memref<10000x128xf32, #tpu.memory_space<hbm>>) dst(%arg10 : memref<100x128xf32, #tpu.memory_space<vmem>>)
      %dma_start3A_225 = arith.constant 7 : i32
      %dma_start3A_226 = arith.constant 0 : i32
      %dma_start3A_227 = tpu.memref_slice %arg8[%dma_start3A_225, %dma_start3A_226] : memref<20x100xi32, #tpu.memory_space<vmem>> -> memref<1x100xi32, #tpu.memory_space<vmem>>
      %dma_start3A_228 = tpu.memref_squeeze %dma_start3A_227 : memref<1x100xi32, #tpu.memory_space<vmem>> -> memref<100xi32, #tpu.memory_space<vmem>>
      %dma_start3A_229 = arith.constant 0 : i32
      %dma_start3A_230 = arith.constant 0 : i32
      %dma_start3A_231 = tpu.memref_slice %arg11[%dma_start3A_229, %dma_start3A_230] : memref<10000x128xf32, #tpu.memory_space<vmem_shared>> -> memref<10000x128xf32, #tpu.memory_space<vmem_shared>>
      tpu.enqueue_indirect_dma source(%arg10 : memref<100x128xf32, #tpu.memory_space<vmem>>) target(%dma_start3A_231 : memref<10000x128xf32, #tpu.memory_space<vmem_shared>>) offsets(%dma_start3A_228 : memref<100xi32, #tpu.memory_space<vmem>>) semaphore(%arg15 : memref<!tpu.dma_semaphore, #tpu.memory_space<semaphore_mem>>) {add = true}
      %dma_wait3A_232 = arith.constant 6 : i32
      %dma_wait3A_233 = arith.constant 0 : i32
      %dma_wait3A_234 = tpu.memref_slice %arg8[%dma_wait3A_232, %dma_wait3A_233] : memref<20x100xi32, #tpu.memory_space<vmem>> -> memref<1x100xi32, #tpu.memory_space<vmem>>
      %dma_wait3A_235 = tpu.memref_squeeze %dma_wait3A_234 : memref<1x100xi32, #tpu.memory_space<vmem>> -> memref<100xi32, #tpu.memory_space<vmem>>
      %dma_wait3A_236 = arith.constant 0 : i32
      %dma_wait3A_237 = arith.constant 0 : i32
      %dma_wait3A_238 = tpu.memref_slice %arg11[%dma_wait3A_236, %dma_wait3A_237] : memref<10000x128xf32, #tpu.memory_space<vmem_shared>> -> memref<10000x128xf32, #tpu.memory_space<vmem_shared>>
      tpu.wait_indirect_dma semaphore(%arg14 : memref<!tpu.dma_semaphore, #tpu.memory_space<semaphore_mem>>) src(%arg9 : memref<100x128xf32, #tpu.memory_space<vmem>>) dst(%dma_wait3A_238 : memref<10000x128xf32, #tpu.memory_space<vmem_shared>>)
      %dma_start3A_239 = arith.constant 8 : i32
      %dma_start3A_240 = arith.constant 0 : i32
      %dma_start3A_241 = tpu.memref_slice %arg7[%dma_start3A_239, %dma_start3A_240] : memref<20x100xi32, #tpu.memory_space<vmem>> -> memref<1x100xi32, #tpu.memory_space<vmem>>
      %dma_start3A_242 = tpu.memref_squeeze %dma_start3A_241 : memref<1x100xi32, #tpu.memory_space<vmem>> -> memref<100xi32, #tpu.memory_space<vmem>>
      %dma_start3A_243 = arith.constant 0 : i32
      %dma_start3A_244 = arith.constant 0 : i32
      %dma_start3A_245 = tpu.memref_slice %arg2[%dma_start3A_243, %dma_start3A_244] : memref<10000x128xf32, #tpu.memory_space<hbm>> -> memref<10000x128xf32, #tpu.memory_space<hbm>>
      tpu.enqueue_indirect_dma source(%dma_start3A_245 : memref<10000x128xf32, #tpu.memory_space<hbm>>) target(%arg9 : memref<100x128xf32, #tpu.memory_space<vmem>>) offsets(%dma_start3A_242 : memref<100xi32, #tpu.memory_space<vmem>>) semaphore(%arg12 : memref<!tpu.dma_semaphore, #tpu.memory_space<semaphore_mem>>)
      %dma_wait3A_246 = arith.constant 8 : i32
      %dma_wait3A_247 = arith.constant 0 : i32
      %dma_wait3A_248 = tpu.memref_slice %arg7[%dma_wait3A_246, %dma_wait3A_247] : memref<20x100xi32, #tpu.memory_space<vmem>> -> memref<1x100xi32, #tpu.memory_space<vmem>>
      %dma_wait3A_249 = tpu.memref_squeeze %dma_wait3A_248 : memref<1x100xi32, #tpu.memory_space<vmem>> -> memref<100xi32, #tpu.memory_space<vmem>>
      %dma_wait3A_250 = arith.constant 0 : i32
      %dma_wait3A_251 = arith.constant 0 : i32
      %dma_wait3A_252 = tpu.memref_slice %arg2[%dma_wait3A_250, %dma_wait3A_251] : memref<10000x128xf32, #tpu.memory_space<hbm>> -> memref<10000x128xf32, #tpu.memory_space<hbm>>
      tpu.wait_indirect_dma semaphore(%arg12 : memref<!tpu.dma_semaphore, #tpu.memory_space<semaphore_mem>>) src(%dma_wait3A_252 : memref<10000x128xf32, #tpu.memory_space<hbm>>) dst(%arg9 : memref<100x128xf32, #tpu.memory_space<vmem>>)
      %dma_start3A_253 = arith.constant 8 : i32
      %dma_start3A_254 = arith.constant 0 : i32
      %dma_start3A_255 = tpu.memref_slice %arg8[%dma_start3A_253, %dma_start3A_254] : memref<20x100xi32, #tpu.memory_space<vmem>> -> memref<1x100xi32, #tpu.memory_space<vmem>>
      %dma_start3A_256 = tpu.memref_squeeze %dma_start3A_255 : memref<1x100xi32, #tpu.memory_space<vmem>> -> memref<100xi32, #tpu.memory_space<vmem>>
      %dma_start3A_257 = arith.constant 0 : i32
      %dma_start3A_258 = arith.constant 0 : i32
      %dma_start3A_259 = tpu.memref_slice %arg11[%dma_start3A_257, %dma_start3A_258] : memref<10000x128xf32, #tpu.memory_space<vmem_shared>> -> memref<10000x128xf32, #tpu.memory_space<vmem_shared>>
      tpu.enqueue_indirect_dma source(%arg9 : memref<100x128xf32, #tpu.memory_space<vmem>>) target(%dma_start3A_259 : memref<10000x128xf32, #tpu.memory_space<vmem_shared>>) offsets(%dma_start3A_256 : memref<100xi32, #tpu.memory_space<vmem>>) semaphore(%arg14 : memref<!tpu.dma_semaphore, #tpu.memory_space<semaphore_mem>>) {add = true}
      %dma_wait3A_260 = arith.constant 7 : i32
      %dma_wait3A_261 = arith.constant 0 : i32
      %dma_wait3A_262 = tpu.memref_slice %arg8[%dma_wait3A_260, %dma_wait3A_261] : memref<20x100xi32, #tpu.memory_space<vmem>> -> memref<1x100xi32, #tpu.memory_space<vmem>>
      %dma_wait3A_263 = tpu.memref_squeeze %dma_wait3A_262 : memref<1x100xi32, #tpu.memory_space<vmem>> -> memref<100xi32, #tpu.memory_space<vmem>>
      %dma_wait3A_264 = arith.constant 0 : i32
      %dma_wait3A_265 = arith.constant 0 : i32
      %dma_wait3A_266 = tpu.memref_slice %arg11[%dma_wait3A_264, %dma_wait3A_265] : memref<10000x128xf32, #tpu.memory_space<vmem_shared>> -> memref<10000x128xf32, #tpu.memory_space<vmem_shared>>
      tpu.wait_indirect_dma semaphore(%arg15 : memref<!tpu.dma_semaphore, #tpu.memory_space<semaphore_mem>>) src(%arg10 : memref<100x128xf32, #tpu.memory_space<vmem>>) dst(%dma_wait3A_266 : memref<10000x128xf32, #tpu.memory_space<vmem_shared>>)
      %dma_start3A_267 = arith.constant 9 : i32
      %dma_start3A_268 = arith.constant 0 : i32
      %dma_start3A_269 = tpu.memref_slice %arg7[%dma_start3A_267, %dma_start3A_268] : memref<20x100xi32, #tpu.memory_space<vmem>> -> memref<1x100xi32, #tpu.memory_space<vmem>>
      %dma_start3A_270 = tpu.memref_squeeze %dma_start3A_269 : memref<1x100xi32, #tpu.memory_space<vmem>> -> memref<100xi32, #tpu.memory_space<vmem>>
      %dma_start3A_271 = arith.constant 0 : i32
      %dma_start3A_272 = arith.constant 0 : i32
      %dma_start3A_273 = tpu.memref_slice %arg2[%dma_start3A_271, %dma_start3A_272] : memref<10000x128xf32, #tpu.memory_space<hbm>> -> memref<10000x128xf32, #tpu.memory_space<hbm>>
      tpu.enqueue_indirect_dma source(%dma_start3A_273 : memref<10000x128xf32, #tpu.memory_space<hbm>>) target(%arg10 : memref<100x128xf32, #tpu.memory_space<vmem>>) offsets(%dma_start3A_270 : memref<100xi32, #tpu.memory_space<vmem>>) semaphore(%arg13 : memref<!tpu.dma_semaphore, #tpu.memory_space<semaphore_mem>>)
      %dma_wait3A_274 = arith.constant 9 : i32
      %dma_wait3A_275 = arith.constant 0 : i32
      %dma_wait3A_276 = tpu.memref_slice %arg7[%dma_wait3A_274, %dma_wait3A_275] : memref<20x100xi32, #tpu.memory_space<vmem>> -> memref<1x100xi32, #tpu.memory_space<vmem>>
      %dma_wait3A_277 = tpu.memref_squeeze %dma_wait3A_276 : memref<1x100xi32, #tpu.memory_space<vmem>> -> memref<100xi32, #tpu.memory_space<vmem>>
      %dma_wait3A_278 = arith.constant 0 : i32
      %dma_wait3A_279 = arith.constant 0 : i32
      %dma_wait3A_280 = tpu.memref_slice %arg2[%dma_wait3A_278, %dma_wait3A_279] : memref<10000x128xf32, #tpu.memory_space<hbm>> -> memref<10000x128xf32, #tpu.memory_space<hbm>>
      tpu.wait_indirect_dma semaphore(%arg13 : memref<!tpu.dma_semaphore, #tpu.memory_space<semaphore_mem>>) src(%dma_wait3A_280 : memref<10000x128xf32, #tpu.memory_space<hbm>>) dst(%arg10 : memref<100x128xf32, #tpu.memory_space<vmem>>)
      %dma_start3A_281 = arith.constant 9 : i32
      %dma_start3A_282 = arith.constant 0 : i32
      %dma_start3A_283 = tpu.memref_slice %arg8[%dma_start3A_281, %dma_start3A_282] : memref<20x100xi32, #tpu.memory_space<vmem>> -> memref<1x100xi32, #tpu.memory_space<vmem>>
      %dma_start3A_284 = tpu.memref_squeeze %dma_start3A_283 : memref<1x100xi32, #tpu.memory_space<vmem>> -> memref<100xi32, #tpu.memory_space<vmem>>
      %dma_start3A_285 = arith.constant 0 : i32
      %dma_start3A_286 = arith.constant 0 : i32
      %dma_start3A_287 = tpu.memref_slice %arg11[%dma_start3A_285, %dma_start3A_286] : memref<10000x128xf32, #tpu.memory_space<vmem_shared>> -> memref<10000x128xf32, #tpu.memory_space<vmem_shared>>
      tpu.enqueue_indirect_dma source(%arg10 : memref<100x128xf32, #tpu.memory_space<vmem>>) target(%dma_start3A_287 : memref<10000x128xf32, #tpu.memory_space<vmem_shared>>) offsets(%dma_start3A_284 : memref<100xi32, #tpu.memory_space<vmem>>) semaphore(%arg15 : memref<!tpu.dma_semaphore, #tpu.memory_space<semaphore_mem>>) {add = true}
      %dma_wait3A_288 = arith.constant 8 : i32
      %dma_wait3A_289 = arith.constant 0 : i32
      %dma_wait3A_290 = tpu.memref_slice %arg8[%dma_wait3A_288, %dma_wait3A_289] : memref<20x100xi32, #tpu.memory_space<vmem>> -> memref<1x100xi32, #tpu.memory_space<vmem>>
      %dma_wait3A_291 = tpu.memref_squeeze %dma_wait3A_290 : memref<1x100xi32, #tpu.memory_space<vmem>> -> memref<100xi32, #tpu.memory_space<vmem>>
      %dma_wait3A_292 = arith.constant 0 : i32
      %dma_wait3A_293 = arith.constant 0 : i32
      %dma_wait3A_294 = tpu.memref_slice %arg11[%dma_wait3A_292, %dma_wait3A_293] : memref<10000x128xf32, #tpu.memory_space<vmem_shared>> -> memref<10000x128xf32, #tpu.memory_space<vmem_shared>>
      tpu.wait_indirect_dma semaphore(%arg14 : memref<!tpu.dma_semaphore, #tpu.memory_space<semaphore_mem>>) src(%arg9 : memref<100x128xf32, #tpu.memory_space<vmem>>) dst(%dma_wait3A_294 : memref<10000x128xf32, #tpu.memory_space<vmem_shared>>)
      %dma_start3A_295 = arith.constant 10 : i32
      %dma_start3A_296 = arith.constant 0 : i32
      %dma_start3A_297 = tpu.memref_slice %arg7[%dma_start3A_295, %dma_start3A_296] : memref<20x100xi32, #tpu.memory_space<vmem>> -> memref<1x100xi32, #tpu.memory_space<vmem>>
      %dma_start3A_298 = tpu.memref_squeeze %dma_start3A_297 : memref<1x100xi32, #tpu.memory_space<vmem>> -> memref<100xi32, #tpu.memory_space<vmem>>
      %dma_start3A_299 = arith.constant 0 : i32
      %dma_start3A_300 = arith.constant 0 : i32
      %dma_start3A_301 = tpu.memref_slice %arg2[%dma_start3A_299, %dma_start3A_300] : memref<10000x128xf32, #tpu.memory_space<hbm>> -> memref<10000x128xf32, #tpu.memory_space<hbm>>
      tpu.enqueue_indirect_dma source(%dma_start3A_301 : memref<10000x128xf32, #tpu.memory_space<hbm>>) target(%arg9 : memref<100x128xf32, #tpu.memory_space<vmem>>) offsets(%dma_start3A_298 : memref<100xi32, #tpu.memory_space<vmem>>) semaphore(%arg12 : memref<!tpu.dma_semaphore, #tpu.memory_space<semaphore_mem>>)
      %dma_wait3A_302 = arith.constant 10 : i32
      %dma_wait3A_303 = arith.constant 0 : i32
      %dma_wait3A_304 = tpu.memref_slice %arg7[%dma_wait3A_302, %dma_wait3A_303] : memref<20x100xi32, #tpu.memory_space<vmem>> -> memref<1x100xi32, #tpu.memory_space<vmem>>
      %dma_wait3A_305 = tpu.memref_squeeze %dma_wait3A_304 : memref<1x100xi32, #tpu.memory_space<vmem>> -> memref<100xi32, #tpu.memory_space<vmem>>
      %dma_wait3A_306 = arith.constant 0 : i32
      %dma_wait3A_307 = arith.constant 0 : i32
      %dma_wait3A_308 = tpu.memref_slice %arg2[%dma_wait3A_306, %dma_wait3A_307] : memref<10000x128xf32, #tpu.memory_space<hbm>> -> memref<10000x128xf32, #tpu.memory_space<hbm>>
      tpu.wait_indirect_dma semaphore(%arg12 : memref<!tpu.dma_semaphore, #tpu.memory_space<semaphore_mem>>) src(%dma_wait3A_308 : memref<10000x128xf32, #tpu.memory_space<hbm>>) dst(%arg9 : memref<100x128xf32, #tpu.memory_space<vmem>>)
      %dma_start3A_309 = arith.constant 10 : i32
      %dma_start3A_310 = arith.constant 0 : i32
      %dma_start3A_311 = tpu.memref_slice %arg8[%dma_start3A_309, %dma_start3A_310] : memref<20x100xi32, #tpu.memory_space<vmem>> -> memref<1x100xi32, #tpu.memory_space<vmem>>
      %dma_start3A_312 = tpu.memref_squeeze %dma_start3A_311 : memref<1x100xi32, #tpu.memory_space<vmem>> -> memref<100xi32, #tpu.memory_space<vmem>>
      %dma_start3A_313 = arith.constant 0 : i32
      %dma_start3A_314 = arith.constant 0 : i32
      %dma_start3A_315 = tpu.memref_slice %arg11[%dma_start3A_313, %dma_start3A_314] : memref<10000x128xf32, #tpu.memory_space<vmem_shared>> -> memref<10000x128xf32, #tpu.memory_space<vmem_shared>>
      tpu.enqueue_indirect_dma source(%arg9 : memref<100x128xf32, #tpu.memory_space<vmem>>) target(%dma_start3A_315 : memref<10000x128xf32, #tpu.memory_space<vmem_shared>>) offsets(%dma_start3A_312 : memref<100xi32, #tpu.memory_space<vmem>>) semaphore(%arg14 : memref<!tpu.dma_semaphore, #tpu.memory_space<semaphore_mem>>) {add = true}
      %dma_wait3A_316 = arith.constant 9 : i32
      %dma_wait3A_317 = arith.constant 0 : i32
      %dma_wait3A_318 = tpu.memref_slice %arg8[%dma_wait3A_316, %dma_wait3A_317] : memref<20x100xi32, #tpu.memory_space<vmem>> -> memref<1x100xi32, #tpu.memory_space<vmem>>
      %dma_wait3A_319 = tpu.memref_squeeze %dma_wait3A_318 : memref<1x100xi32, #tpu.memory_space<vmem>> -> memref<100xi32, #tpu.memory_space<vmem>>
      %dma_wait3A_320 = arith.constant 0 : i32
      %dma_wait3A_321 = arith.constant 0 : i32
      %dma_wait3A_322 = tpu.memref_slice %arg11[%dma_wait3A_320, %dma_wait3A_321] : memref<10000x128xf32, #tpu.memory_space<vmem_shared>> -> memref<10000x128xf32, #tpu.memory_space<vmem_shared>>
      tpu.wait_indirect_dma semaphore(%arg15 : memref<!tpu.dma_semaphore, #tpu.memory_space<semaphore_mem>>) src(%arg10 : memref<100x128xf32, #tpu.memory_space<vmem>>) dst(%dma_wait3A_322 : memref<10000x128xf32, #tpu.memory_space<vmem_shared>>)
      %dma_start3A_323 = arith.constant 11 : i32
      %dma_start3A_324 = arith.constant 0 : i32
      %dma_start3A_325 = tpu.memref_slice %arg7[%dma_start3A_323, %dma_start3A_324] : memref<20x100xi32, #tpu.memory_space<vmem>> -> memref<1x100xi32, #tpu.memory_space<vmem>>
      %dma_start3A_326 = tpu.memref_squeeze %dma_start3A_325 : memref<1x100xi32, #tpu.memory_space<vmem>> -> memref<100xi32, #tpu.memory_space<vmem>>
      %dma_start3A_327 = arith.constant 0 : i32
      %dma_start3A_328 = arith.constant 0 : i32
      %dma_start3A_329 = tpu.memref_slice %arg2[%dma_start3A_327, %dma_start3A_328] : memref<10000x128xf32, #tpu.memory_space<hbm>> -> memref<10000x128xf32, #tpu.memory_space<hbm>>
      tpu.enqueue_indirect_dma source(%dma_start3A_329 : memref<10000x128xf32, #tpu.memory_space<hbm>>) target(%arg10 : memref<100x128xf32, #tpu.memory_space<vmem>>) offsets(%dma_start3A_326 : memref<100xi32, #tpu.memory_space<vmem>>) semaphore(%arg13 : memref<!tpu.dma_semaphore, #tpu.memory_space<semaphore_mem>>)
      %dma_wait3A_330 = arith.constant 11 : i32
      %dma_wait3A_331 = arith.constant 0 : i32
      %dma_wait3A_332 = tpu.memref_slice %arg7[%dma_wait3A_330, %dma_wait3A_331] : memref<20x100xi32, #tpu.memory_space<vmem>> -> memref<1x100xi32, #tpu.memory_space<vmem>>
      %dma_wait3A_333 = tpu.memref_squeeze %dma_wait3A_332 : memref<1x100xi32, #tpu.memory_space<vmem>> -> memref<100xi32, #tpu.memory_space<vmem>>
      %dma_wait3A_334 = arith.constant 0 : i32
      %dma_wait3A_335 = arith.constant 0 : i32
      %dma_wait3A_336 = tpu.memref_slice %arg2[%dma_wait3A_334, %dma_wait3A_335] : memref<10000x128xf32, #tpu.memory_space<hbm>> -> memref<10000x128xf32, #tpu.memory_space<hbm>>
      tpu.wait_indirect_dma semaphore(%arg13 : memref<!tpu.dma_semaphore, #tpu.memory_space<semaphore_mem>>) src(%dma_wait3A_336 : memref<10000x128xf32, #tpu.memory_space<hbm>>) dst(%arg10 : memref<100x128xf32, #tpu.memory_space<vmem>>)
      %dma_start3A_337 = arith.constant 11 : i32
      %dma_start3A_338 = arith.constant 0 : i32
      %dma_start3A_339 = tpu.memref_slice %arg8[%dma_start3A_337, %dma_start3A_338] : memref<20x100xi32, #tpu.memory_space<vmem>> -> memref<1x100xi32, #tpu.memory_space<vmem>>
      %dma_start3A_340 = tpu.memref_squeeze %dma_start3A_339 : memref<1x100xi32, #tpu.memory_space<vmem>> -> memref<100xi32, #tpu.memory_space<vmem>>
      %dma_start3A_341 = arith.constant 0 : i32
      %dma_start3A_342 = arith.constant 0 : i32
      %dma_start3A_343 = tpu.memref_slice %arg11[%dma_start3A_341, %dma_start3A_342] : memref<10000x128xf32, #tpu.memory_space<vmem_shared>> -> memref<10000x128xf32, #tpu.memory_space<vmem_shared>>
      tpu.enqueue_indirect_dma source(%arg10 : memref<100x128xf32, #tpu.memory_space<vmem>>) target(%dma_start3A_343 : memref<10000x128xf32, #tpu.memory_space<vmem_shared>>) offsets(%dma_start3A_340 : memref<100xi32, #tpu.memory_space<vmem>>) semaphore(%arg15 : memref<!tpu.dma_semaphore, #tpu.memory_space<semaphore_mem>>) {add = true}
      %dma_wait3A_344 = arith.constant 10 : i32
      %dma_wait3A_345 = arith.constant 0 : i32
      %dma_wait3A_346 = tpu.memref_slice %arg8[%dma_wait3A_344, %dma_wait3A_345] : memref<20x100xi32, #tpu.memory_space<vmem>> -> memref<1x100xi32, #tpu.memory_space<vmem>>
      %dma_wait3A_347 = tpu.memref_squeeze %dma_wait3A_346 : memref<1x100xi32, #tpu.memory_space<vmem>> -> memref<100xi32, #tpu.memory_space<vmem>>
      %dma_wait3A_348 = arith.constant 0 : i32
      %dma_wait3A_349 = arith.constant 0 : i32
      %dma_wait3A_350 = tpu.memref_slice %arg11[%dma_wait3A_348, %dma_wait3A_349] : memref<10000x128xf32, #tpu.memory_space<vmem_shared>> -> memref<10000x128xf32, #tpu.memory_space<vmem_shared>>
      tpu.wait_indirect_dma semaphore(%arg14 : memref<!tpu.dma_semaphore, #tpu.memory_space<semaphore_mem>>) src(%arg9 : memref<100x128xf32, #tpu.memory_space<vmem>>) dst(%dma_wait3A_350 : memref<10000x128xf32, #tpu.memory_space<vmem_shared>>)
      %dma_start3A_351 = arith.constant 12 : i32
      %dma_start3A_352 = arith.constant 0 : i32
      %dma_start3A_353 = tpu.memref_slice %arg7[%dma_start3A_351, %dma_start3A_352] : memref<20x100xi32, #tpu.memory_space<vmem>> -> memref<1x100xi32, #tpu.memory_space<vmem>>
      %dma_start3A_354 = tpu.memref_squeeze %dma_start3A_353 : memref<1x100xi32, #tpu.memory_space<vmem>> -> memref<100xi32, #tpu.memory_space<vmem>>
      %dma_start3A_355 = arith.constant 0 : i32
      %dma_start3A_356 = arith.constant 0 : i32
      %dma_start3A_357 = tpu.memref_slice %arg2[%dma_start3A_355, %dma_start3A_356] : memref<10000x128xf32, #tpu.memory_space<hbm>> -> memref<10000x128xf32, #tpu.memory_space<hbm>>
      tpu.enqueue_indirect_dma source(%dma_start3A_357 : memref<10000x128xf32, #tpu.memory_space<hbm>>) target(%arg9 : memref<100x128xf32, #tpu.memory_space<vmem>>) offsets(%dma_start3A_354 : memref<100xi32, #tpu.memory_space<vmem>>) semaphore(%arg12 : memref<!tpu.dma_semaphore, #tpu.memory_space<semaphore_mem>>)
      %dma_wait3A_358 = arith.constant 12 : i32
      %dma_wait3A_359 = arith.constant 0 : i32
      %dma_wait3A_360 = tpu.memref_slice %arg7[%dma_wait3A_358, %dma_wait3A_359] : memref<20x100xi32, #tpu.memory_space<vmem>> -> memref<1x100xi32, #tpu.memory_space<vmem>>
      %dma_wait3A_361 = tpu.memref_squeeze %dma_wait3A_360 : memref<1x100xi32, #tpu.memory_space<vmem>> -> memref<100xi32, #tpu.memory_space<vmem>>
      %dma_wait3A_362 = arith.constant 0 : i32
      %dma_wait3A_363 = arith.constant 0 : i32
      %dma_wait3A_364 = tpu.memref_slice %arg2[%dma_wait3A_362, %dma_wait3A_363] : memref<10000x128xf32, #tpu.memory_space<hbm>> -> memref<10000x128xf32, #tpu.memory_space<hbm>>
      tpu.wait_indirect_dma semaphore(%arg12 : memref<!tpu.dma_semaphore, #tpu.memory_space<semaphore_mem>>) src(%dma_wait3A_364 : memref<10000x128xf32, #tpu.memory_space<hbm>>) dst(%arg9 : memref<100x128xf32, #tpu.memory_space<vmem>>)
      %dma_start3A_365 = arith.constant 12 : i32
      %dma_start3A_366 = arith.constant 0 : i32
      %dma_start3A_367 = tpu.memref_slice %arg8[%dma_start3A_365, %dma_start3A_366] : memref<20x100xi32, #tpu.memory_space<vmem>> -> memref<1x100xi32, #tpu.memory_space<vmem>>
      %dma_start3A_368 = tpu.memref_squeeze %dma_start3A_367 : memref<1x100xi32, #tpu.memory_space<vmem>> -> memref<100xi32, #tpu.memory_space<vmem>>
      %dma_start3A_369 = arith.constant 0 : i32
      %dma_start3A_370 = arith.constant 0 : i32
      %dma_start3A_371 = tpu.memref_slice %arg11[%dma_start3A_369, %dma_start3A_370] : memref<10000x128xf32, #tpu.memory_space<vmem_shared>> -> memref<10000x128xf32, #tpu.memory_space<vmem_shared>>
      tpu.enqueue_indirect_dma source(%arg9 : memref<100x128xf32, #tpu.memory_space<vmem>>) target(%dma_start3A_371 : memref<10000x128xf32, #tpu.memory_space<vmem_shared>>) offsets(%dma_start3A_368 : memref<100xi32, #tpu.memory_space<vmem>>) semaphore(%arg14 : memref<!tpu.dma_semaphore, #tpu.memory_space<semaphore_mem>>) {add = true}
      %dma_wait3A_372 = arith.constant 11 : i32
      %dma_wait3A_373 = arith.constant 0 : i32
      %dma_wait3A_374 = tpu.memref_slice %arg8[%dma_wait3A_372, %dma_wait3A_373] : memref<20x100xi32, #tpu.memory_space<vmem>> -> memref<1x100xi32, #tpu.memory_space<vmem>>
      %dma_wait3A_375 = tpu.memref_squeeze %dma_wait3A_374 : memref<1x100xi32, #tpu.memory_space<vmem>> -> memref<100xi32, #tpu.memory_space<vmem>>
      %dma_wait3A_376 = arith.constant 0 : i32
      %dma_wait3A_377 = arith.constant 0 : i32
      %dma_wait3A_378 = tpu.memref_slice %arg11[%dma_wait3A_376, %dma_wait3A_377] : memref<10000x128xf32, #tpu.memory_space<vmem_shared>> -> memref<10000x128xf32, #tpu.memory_space<vmem_shared>>
      tpu.wait_indirect_dma semaphore(%arg15 : memref<!tpu.dma_semaphore, #tpu.memory_space<semaphore_mem>>) src(%arg10 : memref<100x128xf32, #tpu.memory_space<vmem>>) dst(%dma_wait3A_378 : memref<10000x128xf32, #tpu.memory_space<vmem_shared>>)
      %dma_start3A_379 = arith.constant 13 : i32
      %dma_start3A_380 = arith.constant 0 : i32
      %dma_start3A_381 = tpu.memref_slice %arg7[%dma_start3A_379, %dma_start3A_380] : memref<20x100xi32, #tpu.memory_space<vmem>> -> memref<1x100xi32, #tpu.memory_space<vmem>>
      %dma_start3A_382 = tpu.memref_squeeze %dma_start3A_381 : memref<1x100xi32, #tpu.memory_space<vmem>> -> memref<100xi32, #tpu.memory_space<vmem>>
      %dma_start3A_383 = arith.constant 0 : i32
      %dma_start3A_384 = arith.constant 0 : i32
      %dma_start3A_385 = tpu.memref_slice %arg2[%dma_start3A_383, %dma_start3A_384] : memref<10000x128xf32, #tpu.memory_space<hbm>> -> memref<10000x128xf32, #tpu.memory_space<hbm>>
      tpu.enqueue_indirect_dma source(%dma_start3A_385 : memref<10000x128xf32, #tpu.memory_space<hbm>>) target(%arg10 : memref<100x128xf32, #tpu.memory_space<vmem>>) offsets(%dma_start3A_382 : memref<100xi32, #tpu.memory_space<vmem>>) semaphore(%arg13 : memref<!tpu.dma_semaphore, #tpu.memory_space<semaphore_mem>>)
      %dma_wait3A_386 = arith.constant 13 : i32
      %dma_wait3A_387 = arith.constant 0 : i32
      %dma_wait3A_388 = tpu.memref_slice %arg7[%dma_wait3A_386, %dma_wait3A_387] : memref<20x100xi32, #tpu.memory_space<vmem>> -> memref<1x100xi32, #tpu.memory_space<vmem>>
      %dma_wait3A_389 = tpu.memref_squeeze %dma_wait3A_388 : memref<1x100xi32, #tpu.memory_space<vmem>> -> memref<100xi32, #tpu.memory_space<vmem>>
      %dma_wait3A_390 = arith.constant 0 : i32
      %dma_wait3A_391 = arith.constant 0 : i32
      %dma_wait3A_392 = tpu.memref_slice %arg2[%dma_wait3A_390, %dma_wait3A_391] : memref<10000x128xf32, #tpu.memory_space<hbm>> -> memref<10000x128xf32, #tpu.memory_space<hbm>>
      tpu.wait_indirect_dma semaphore(%arg13 : memref<!tpu.dma_semaphore, #tpu.memory_space<semaphore_mem>>) src(%dma_wait3A_392 : memref<10000x128xf32, #tpu.memory_space<hbm>>) dst(%arg10 : memref<100x128xf32, #tpu.memory_space<vmem>>)
      %dma_start3A_393 = arith.constant 13 : i32
      %dma_start3A_394 = arith.constant 0 : i32
      %dma_start3A_395 = tpu.memref_slice %arg8[%dma_start3A_393, %dma_start3A_394] : memref<20x100xi32, #tpu.memory_space<vmem>> -> memref<1x100xi32, #tpu.memory_space<vmem>>
      %dma_start3A_396 = tpu.memref_squeeze %dma_start3A_395 : memref<1x100xi32, #tpu.memory_space<vmem>> -> memref<100xi32, #tpu.memory_space<vmem>>
      %dma_start3A_397 = arith.constant 0 : i32
      %dma_start3A_398 = arith.constant 0 : i32
      %dma_start3A_399 = tpu.memref_slice %arg11[%dma_start3A_397, %dma_start3A_398] : memref<10000x128xf32, #tpu.memory_space<vmem_shared>> -> memref<10000x128xf32, #tpu.memory_space<vmem_shared>>
      tpu.enqueue_indirect_dma source(%arg10 : memref<100x128xf32, #tpu.memory_space<vmem>>) target(%dma_start3A_399 : memref<10000x128xf32, #tpu.memory_space<vmem_shared>>) offsets(%dma_start3A_396 : memref<100xi32, #tpu.memory_space<vmem>>) semaphore(%arg15 : memref<!tpu.dma_semaphore, #tpu.memory_space<semaphore_mem>>) {add = true}
      %dma_wait3A_400 = arith.constant 12 : i32
      %dma_wait3A_401 = arith.constant 0 : i32
      %dma_wait3A_402 = tpu.memref_slice %arg8[%dma_wait3A_400, %dma_wait3A_401] : memref<20x100xi32, #tpu.memory_space<vmem>> -> memref<1x100xi32, #tpu.memory_space<vmem>>
      %dma_wait3A_403 = tpu.memref_squeeze %dma_wait3A_402 : memref<1x100xi32, #tpu.memory_space<vmem>> -> memref<100xi32, #tpu.memory_space<vmem>>
      %dma_wait3A_404 = arith.constant 0 : i32
      %dma_wait3A_405 = arith.constant 0 : i32
      %dma_wait3A_406 = tpu.memref_slice %arg11[%dma_wait3A_404, %dma_wait3A_405] : memref<10000x128xf32, #tpu.memory_space<vmem_shared>> -> memref<10000x128xf32, #tpu.memory_space<vmem_shared>>
      tpu.wait_indirect_dma semaphore(%arg14 : memref<!tpu.dma_semaphore, #tpu.memory_space<semaphore_mem>>) src(%arg9 : memref<100x128xf32, #tpu.memory_space<vmem>>) dst(%dma_wait3A_406 : memref<10000x128xf32, #tpu.memory_space<vmem_shared>>)
      %dma_start3A_407 = arith.constant 14 : i32
      %dma_start3A_408 = arith.constant 0 : i32
      %dma_start3A_409 = tpu.memref_slice %arg7[%dma_start3A_407, %dma_start3A_408] : memref<20x100xi32, #tpu.memory_space<vmem>> -> memref<1x100xi32, #tpu.memory_space<vmem>>
      %dma_start3A_410 = tpu.memref_squeeze %dma_start3A_409 : memref<1x100xi32, #tpu.memory_space<vmem>> -> memref<100xi32, #tpu.memory_space<vmem>>
      %dma_start3A_411 = arith.constant 0 : i32
      %dma_start3A_412 = arith.constant 0 : i32
      %dma_start3A_413 = tpu.memref_slice %arg2[%dma_start3A_411, %dma_start3A_412] : memref<10000x128xf32, #tpu.memory_space<hbm>> -> memref<10000x128xf32, #tpu.memory_space<hbm>>
      tpu.enqueue_indirect_dma source(%dma_start3A_413 : memref<10000x128xf32, #tpu.memory_space<hbm>>) target(%arg9 : memref<100x128xf32, #tpu.memory_space<vmem>>) offsets(%dma_start3A_410 : memref<100xi32, #tpu.memory_space<vmem>>) semaphore(%arg12 : memref<!tpu.dma_semaphore, #tpu.memory_space<semaphore_mem>>)
      %dma_wait3A_414 = arith.constant 14 : i32
      %dma_wait3A_415 = arith.constant 0 : i32
      %dma_wait3A_416 = tpu.memref_slice %arg7[%dma_wait3A_414, %dma_wait3A_415] : memref<20x100xi32, #tpu.memory_space<vmem>> -> memref<1x100xi32, #tpu.memory_space<vmem>>
      %dma_wait3A_417 = tpu.memref_squeeze %dma_wait3A_416 : memref<1x100xi32, #tpu.memory_space<vmem>> -> memref<100xi32, #tpu.memory_space<vmem>>
      %dma_wait3A_418 = arith.constant 0 : i32
      %dma_wait3A_419 = arith.constant 0 : i32
      %dma_wait3A_420 = tpu.memref_slice %arg2[%dma_wait3A_418, %dma_wait3A_419] : memref<10000x128xf32, #tpu.memory_space<hbm>> -> memref<10000x128xf32, #tpu.memory_space<hbm>>
      tpu.wait_indirect_dma semaphore(%arg12 : memref<!tpu.dma_semaphore, #tpu.memory_space<semaphore_mem>>) src(%dma_wait3A_420 : memref<10000x128xf32, #tpu.memory_space<hbm>>) dst(%arg9 : memref<100x128xf32, #tpu.memory_space<vmem>>)
      %dma_start3A_421 = arith.constant 14 : i32
      %dma_start3A_422 = arith.constant 0 : i32
      %dma_start3A_423 = tpu.memref_slice %arg8[%dma_start3A_421, %dma_start3A_422] : memref<20x100xi32, #tpu.memory_space<vmem>> -> memref<1x100xi32, #tpu.memory_space<vmem>>
      %dma_start3A_424 = tpu.memref_squeeze %dma_start3A_423 : memref<1x100xi32, #tpu.memory_space<vmem>> -> memref<100xi32, #tpu.memory_space<vmem>>
      %dma_start3A_425 = arith.constant 0 : i32
      %dma_start3A_426 = arith.constant 0 : i32
      %dma_start3A_427 = tpu.memref_slice %arg11[%dma_start3A_425, %dma_start3A_426] : memref<10000x128xf32, #tpu.memory_space<vmem_shared>> -> memref<10000x128xf32, #tpu.memory_space<vmem_shared>>
      tpu.enqueue_indirect_dma source(%arg9 : memref<100x128xf32, #tpu.memory_space<vmem>>) target(%dma_start3A_427 : memref<10000x128xf32, #tpu.memory_space<vmem_shared>>) offsets(%dma_start3A_424 : memref<100xi32, #tpu.memory_space<vmem>>) semaphore(%arg14 : memref<!tpu.dma_semaphore, #tpu.memory_space<semaphore_mem>>) {add = true}
      %dma_wait3A_428 = arith.constant 13 : i32
      %dma_wait3A_429 = arith.constant 0 : i32
      %dma_wait3A_430 = tpu.memref_slice %arg8[%dma_wait3A_428, %dma_wait3A_429] : memref<20x100xi32, #tpu.memory_space<vmem>> -> memref<1x100xi32, #tpu.memory_space<vmem>>
      %dma_wait3A_431 = tpu.memref_squeeze %dma_wait3A_430 : memref<1x100xi32, #tpu.memory_space<vmem>> -> memref<100xi32, #tpu.memory_space<vmem>>
      %dma_wait3A_432 = arith.constant 0 : i32
      %dma_wait3A_433 = arith.constant 0 : i32
      %dma_wait3A_434 = tpu.memref_slice %arg11[%dma_wait3A_432, %dma_wait3A_433] : memref<10000x128xf32, #tpu.memory_space<vmem_shared>> -> memref<10000x128xf32, #tpu.memory_space<vmem_shared>>
      tpu.wait_indirect_dma semaphore(%arg15 : memref<!tpu.dma_semaphore, #tpu.memory_space<semaphore_mem>>) src(%arg10 : memref<100x128xf32, #tpu.memory_space<vmem>>) dst(%dma_wait3A_434 : memref<10000x128xf32, #tpu.memory_space<vmem_shared>>)
      %dma_start3A_435 = arith.constant 15 : i32
      %dma_start3A_436 = arith.constant 0 : i32
      %dma_start3A_437 = tpu.memref_slice %arg7[%dma_start3A_435, %dma_start3A_436] : memref<20x100xi32, #tpu.memory_space<vmem>> -> memref<1x100xi32, #tpu.memory_space<vmem>>
      %dma_start3A_438 = tpu.memref_squeeze %dma_start3A_437 : memref<1x100xi32, #tpu.memory_space<vmem>> -> memref<100xi32, #tpu.memory_space<vmem>>
      %dma_start3A_439 = arith.constant 0 : i32
      %dma_start3A_440 = arith.constant 0 : i32
      %dma_start3A_441 = tpu.memref_slice %arg2[%dma_start3A_439, %dma_start3A_440] : memref<10000x128xf32, #tpu.memory_space<hbm>> -> memref<10000x128xf32, #tpu.memory_space<hbm>>
      tpu.enqueue_indirect_dma source(%dma_start3A_441 : memref<10000x128xf32, #tpu.memory_space<hbm>>) target(%arg10 : memref<100x128xf32, #tpu.memory_space<vmem>>) offsets(%dma_start3A_438 : memref<100xi32, #tpu.memory_space<vmem>>) semaphore(%arg13 : memref<!tpu.dma_semaphore, #tpu.memory_space<semaphore_mem>>)
      %dma_wait3A_442 = arith.constant 15 : i32
      %dma_wait3A_443 = arith.constant 0 : i32
      %dma_wait3A_444 = tpu.memref_slice %arg7[%dma_wait3A_442, %dma_wait3A_443] : memref<20x100xi32, #tpu.memory_space<vmem>> -> memref<1x100xi32, #tpu.memory_space<vmem>>
      %dma_wait3A_445 = tpu.memref_squeeze %dma_wait3A_444 : memref<1x100xi32, #tpu.memory_space<vmem>> -> memref<100xi32, #tpu.memory_space<vmem>>
      %dma_wait3A_446 = arith.constant 0 : i32
      %dma_wait3A_447 = arith.constant 0 : i32
      %dma_wait3A_448 = tpu.memref_slice %arg2[%dma_wait3A_446, %dma_wait3A_447] : memref<10000x128xf32, #tpu.memory_space<hbm>> -> memref<10000x128xf32, #tpu.memory_space<hbm>>
      tpu.wait_indirect_dma semaphore(%arg13 : memref<!tpu.dma_semaphore, #tpu.memory_space<semaphore_mem>>) src(%dma_wait3A_448 : memref<10000x128xf32, #tpu.memory_space<hbm>>) dst(%arg10 : memref<100x128xf32, #tpu.memory_space<vmem>>)
      %dma_start3A_449 = arith.constant 15 : i32
      %dma_start3A_450 = arith.constant 0 : i32
      %dma_start3A_451 = tpu.memref_slice %arg8[%dma_start3A_449, %dma_start3A_450] : memref<20x100xi32, #tpu.memory_space<vmem>> -> memref<1x100xi32, #tpu.memory_space<vmem>>
      %dma_start3A_452 = tpu.memref_squeeze %dma_start3A_451 : memref<1x100xi32, #tpu.memory_space<vmem>> -> memref<100xi32, #tpu.memory_space<vmem>>
      %dma_start3A_453 = arith.constant 0 : i32
      %dma_start3A_454 = arith.constant 0 : i32
      %dma_start3A_455 = tpu.memref_slice %arg11[%dma_start3A_453, %dma_start3A_454] : memref<10000x128xf32, #tpu.memory_space<vmem_shared>> -> memref<10000x128xf32, #tpu.memory_space<vmem_shared>>
      tpu.enqueue_indirect_dma source(%arg10 : memref<100x128xf32, #tpu.memory_space<vmem>>) target(%dma_start3A_455 : memref<10000x128xf32, #tpu.memory_space<vmem_shared>>) offsets(%dma_start3A_452 : memref<100xi32, #tpu.memory_space<vmem>>) semaphore(%arg15 : memref<!tpu.dma_semaphore, #tpu.memory_space<semaphore_mem>>) {add = true}
      %dma_wait3A_456 = arith.constant 14 : i32
      %dma_wait3A_457 = arith.constant 0 : i32
      %dma_wait3A_458 = tpu.memref_slice %arg8[%dma_wait3A_456, %dma_wait3A_457] : memref<20x100xi32, #tpu.memory_space<vmem>> -> memref<1x100xi32, #tpu.memory_space<vmem>>
      %dma_wait3A_459 = tpu.memref_squeeze %dma_wait3A_458 : memref<1x100xi32, #tpu.memory_space<vmem>> -> memref<100xi32, #tpu.memory_space<vmem>>
      %dma_wait3A_460 = arith.constant 0 : i32
      %dma_wait3A_461 = arith.constant 0 : i32
      %dma_wait3A_462 = tpu.memref_slice %arg11[%dma_wait3A_460, %dma_wait3A_461] : memref<10000x128xf32, #tpu.memory_space<vmem_shared>> -> memref<10000x128xf32, #tpu.memory_space<vmem_shared>>
      tpu.wait_indirect_dma semaphore(%arg14 : memref<!tpu.dma_semaphore, #tpu.memory_space<semaphore_mem>>) src(%arg9 : memref<100x128xf32, #tpu.memory_space<vmem>>) dst(%dma_wait3A_462 : memref<10000x128xf32, #tpu.memory_space<vmem_shared>>)
      %dma_start3A_463 = arith.constant 16 : i32
      %dma_start3A_464 = arith.constant 0 : i32
      %dma_start3A_465 = tpu.memref_slice %arg7[%dma_start3A_463, %dma_start3A_464] : memref<20x100xi32, #tpu.memory_space<vmem>> -> memref<1x100xi32, #tpu.memory_space<vmem>>
      %dma_start3A_466 = tpu.memref_squeeze %dma_start3A_465 : memref<1x100xi32, #tpu.memory_space<vmem>> -> memref<100xi32, #tpu.memory_space<vmem>>
      %dma_start3A_467 = arith.constant 0 : i32
      %dma_start3A_468 = arith.constant 0 : i32
      %dma_start3A_469 = tpu.memref_slice %arg2[%dma_start3A_467, %dma_start3A_468] : memref<10000x128xf32, #tpu.memory_space<hbm>> -> memref<10000x128xf32, #tpu.memory_space<hbm>>
      tpu.enqueue_indirect_dma source(%dma_start3A_469 : memref<10000x128xf32, #tpu.memory_space<hbm>>) target(%arg9 : memref<100x128xf32, #tpu.memory_space<vmem>>) offsets(%dma_start3A_466 : memref<100xi32, #tpu.memory_space<vmem>>) semaphore(%arg12 : memref<!tpu.dma_semaphore, #tpu.memory_space<semaphore_mem>>)
      %dma_wait3A_470 = arith.constant 16 : i32
      %dma_wait3A_471 = arith.constant 0 : i32
      %dma_wait3A_472 = tpu.memref_slice %arg7[%dma_wait3A_470, %dma_wait3A_471] : memref<20x100xi32, #tpu.memory_space<vmem>> -> memref<1x100xi32, #tpu.memory_space<vmem>>
      %dma_wait3A_473 = tpu.memref_squeeze %dma_wait3A_472 : memref<1x100xi32, #tpu.memory_space<vmem>> -> memref<100xi32, #tpu.memory_space<vmem>>
      %dma_wait3A_474 = arith.constant 0 : i32
      %dma_wait3A_475 = arith.constant 0 : i32
      %dma_wait3A_476 = tpu.memref_slice %arg2[%dma_wait3A_474, %dma_wait3A_475] : memref<10000x128xf32, #tpu.memory_space<hbm>> -> memref<10000x128xf32, #tpu.memory_space<hbm>>
      tpu.wait_indirect_dma semaphore(%arg12 : memref<!tpu.dma_semaphore, #tpu.memory_space<semaphore_mem>>) src(%dma_wait3A_476 : memref<10000x128xf32, #tpu.memory_space<hbm>>) dst(%arg9 : memref<100x128xf32, #tpu.memory_space<vmem>>)
      %dma_start3A_477 = arith.constant 16 : i32
      %dma_start3A_478 = arith.constant 0 : i32
      %dma_start3A_479 = tpu.memref_slice %arg8[%dma_start3A_477, %dma_start3A_478] : memref<20x100xi32, #tpu.memory_space<vmem>> -> memref<1x100xi32, #tpu.memory_space<vmem>>
      %dma_start3A_480 = tpu.memref_squeeze %dma_start3A_479 : memref<1x100xi32, #tpu.memory_space<vmem>> -> memref<100xi32, #tpu.memory_space<vmem>>
      %dma_start3A_481 = arith.constant 0 : i32
      %dma_start3A_482 = arith.constant 0 : i32
      %dma_start3A_483 = tpu.memref_slice %arg11[%dma_start3A_481, %dma_start3A_482] : memref<10000x128xf32, #tpu.memory_space<vmem_shared>> -> memref<10000x128xf32, #tpu.memory_space<vmem_shared>>
      tpu.enqueue_indirect_dma source(%arg9 : memref<100x128xf32, #tpu.memory_space<vmem>>) target(%dma_start3A_483 : memref<10000x128xf32, #tpu.memory_space<vmem_shared>>) offsets(%dma_start3A_480 : memref<100xi32, #tpu.memory_space<vmem>>) semaphore(%arg14 : memref<!tpu.dma_semaphore, #tpu.memory_space<semaphore_mem>>) {add = true}
      %dma_wait3A_484 = arith.constant 15 : i32
      %dma_wait3A_485 = arith.constant 0 : i32
      %dma_wait3A_486 = tpu.memref_slice %arg8[%dma_wait3A_484, %dma_wait3A_485] : memref<20x100xi32, #tpu.memory_space<vmem>> -> memref<1x100xi32, #tpu.memory_space<vmem>>
      %dma_wait3A_487 = tpu.memref_squeeze %dma_wait3A_486 : memref<1x100xi32, #tpu.memory_space<vmem>> -> memref<100xi32, #tpu.memory_space<vmem>>
      %dma_wait3A_488 = arith.constant 0 : i32
      %dma_wait3A_489 = arith.constant 0 : i32
      %dma_wait3A_490 = tpu.memref_slice %arg11[%dma_wait3A_488, %dma_wait3A_489] : memref<10000x128xf32, #tpu.memory_space<vmem_shared>> -> memref<10000x128xf32, #tpu.memory_space<vmem_shared>>
      tpu.wait_indirect_dma semaphore(%arg15 : memref<!tpu.dma_semaphore, #tpu.memory_space<semaphore_mem>>) src(%arg10 : memref<100x128xf32, #tpu.memory_space<vmem>>) dst(%dma_wait3A_490 : memref<10000x128xf32, #tpu.memory_space<vmem_shared>>)
      %dma_start3A_491 = arith.constant 17 : i32
      %dma_start3A_492 = arith.constant 0 : i32
      %dma_start3A_493 = tpu.memref_slice %arg7[%dma_start3A_491, %dma_start3A_492] : memref<20x100xi32, #tpu.memory_space<vmem>> -> memref<1x100xi32, #tpu.memory_space<vmem>>
      %dma_start3A_494 = tpu.memref_squeeze %dma_start3A_493 : memref<1x100xi32, #tpu.memory_space<vmem>> -> memref<100xi32, #tpu.memory_space<vmem>>
      %dma_start3A_495 = arith.constant 0 : i32
      %dma_start3A_496 = arith.constant 0 : i32
      %dma_start3A_497 = tpu.memref_slice %arg2[%dma_start3A_495, %dma_start3A_496] : memref<10000x128xf32, #tpu.memory_space<hbm>> -> memref<10000x128xf32, #tpu.memory_space<hbm>>
      tpu.enqueue_indirect_dma source(%dma_start3A_497 : memref<10000x128xf32, #tpu.memory_space<hbm>>) target(%arg10 : memref<100x128xf32, #tpu.memory_space<vmem>>) offsets(%dma_start3A_494 : memref<100xi32, #tpu.memory_space<vmem>>) semaphore(%arg13 : memref<!tpu.dma_semaphore, #tpu.memory_space<semaphore_mem>>)
      %dma_wait3A_498 = arith.constant 17 : i32
      %dma_wait3A_499 = arith.constant 0 : i32
      %dma_wait3A_500 = tpu.memref_slice %arg7[%dma_wait3A_498, %dma_wait3A_499] : memref<20x100xi32, #tpu.memory_space<vmem>> -> memref<1x100xi32, #tpu.memory_space<vmem>>
      %dma_wait3A_501 = tpu.memref_squeeze %dma_wait3A_500 : memref<1x100xi32, #tpu.memory_space<vmem>> -> memref<100xi32, #tpu.memory_space<vmem>>
      %dma_wait3A_502 = arith.constant 0 : i32
      %dma_wait3A_503 = arith.constant 0 : i32
      %dma_wait3A_504 = tpu.memref_slice %arg2[%dma_wait3A_502, %dma_wait3A_503] : memref<10000x128xf32, #tpu.memory_space<hbm>> -> memref<10000x128xf32, #tpu.memory_space<hbm>>
      tpu.wait_indirect_dma semaphore(%arg13 : memref<!tpu.dma_semaphore, #tpu.memory_space<semaphore_mem>>) src(%dma_wait3A_504 : memref<10000x128xf32, #tpu.memory_space<hbm>>) dst(%arg10 : memref<100x128xf32, #tpu.memory_space<vmem>>)
      %dma_start3A_505 = arith.constant 17 : i32
      %dma_start3A_506 = arith.constant 0 : i32
      %dma_start3A_507 = tpu.memref_slice %arg8[%dma_start3A_505, %dma_start3A_506] : memref<20x100xi32, #tpu.memory_space<vmem>> -> memref<1x100xi32, #tpu.memory_space<vmem>>
      %dma_start3A_508 = tpu.memref_squeeze %dma_start3A_507 : memref<1x100xi32, #tpu.memory_space<vmem>> -> memref<100xi32, #tpu.memory_space<vmem>>
      %dma_start3A_509 = arith.constant 0 : i32
      %dma_start3A_510 = arith.constant 0 : i32
      %dma_start3A_511 = tpu.memref_slice %arg11[%dma_start3A_509, %dma_start3A_510] : memref<10000x128xf32, #tpu.memory_space<vmem_shared>> -> memref<10000x128xf32, #tpu.memory_space<vmem_shared>>
      tpu.enqueue_indirect_dma source(%arg10 : memref<100x128xf32, #tpu.memory_space<vmem>>) target(%dma_start3A_511 : memref<10000x128xf32, #tpu.memory_space<vmem_shared>>) offsets(%dma_start3A_508 : memref<100xi32, #tpu.memory_space<vmem>>) semaphore(%arg15 : memref<!tpu.dma_semaphore, #tpu.memory_space<semaphore_mem>>) {add = true}
      %dma_wait3A_512 = arith.constant 16 : i32
      %dma_wait3A_513 = arith.constant 0 : i32
      %dma_wait3A_514 = tpu.memref_slice %arg8[%dma_wait3A_512, %dma_wait3A_513] : memref<20x100xi32, #tpu.memory_space<vmem>> -> memref<1x100xi32, #tpu.memory_space<vmem>>
      %dma_wait3A_515 = tpu.memref_squeeze %dma_wait3A_514 : memref<1x100xi32, #tpu.memory_space<vmem>> -> memref<100xi32, #tpu.memory_space<vmem>>
      %dma_wait3A_516 = arith.constant 0 : i32
      %dma_wait3A_517 = arith.constant 0 : i32
      %dma_wait3A_518 = tpu.memref_slice %arg11[%dma_wait3A_516, %dma_wait3A_517] : memref<10000x128xf32, #tpu.memory_space<vmem_shared>> -> memref<10000x128xf32, #tpu.memory_space<vmem_shared>>
      tpu.wait_indirect_dma semaphore(%arg14 : memref<!tpu.dma_semaphore, #tpu.memory_space<semaphore_mem>>) src(%arg9 : memref<100x128xf32, #tpu.memory_space<vmem>>) dst(%dma_wait3A_518 : memref<10000x128xf32, #tpu.memory_space<vmem_shared>>)
      %dma_start3A_519 = arith.constant 18 : i32
      %dma_start3A_520 = arith.constant 0 : i32
      %dma_start3A_521 = tpu.memref_slice %arg7[%dma_start3A_519, %dma_start3A_520] : memref<20x100xi32, #tpu.memory_space<vmem>> -> memref<1x100xi32, #tpu.memory_space<vmem>>
      %dma_start3A_522 = tpu.memref_squeeze %dma_start3A_521 : memref<1x100xi32, #tpu.memory_space<vmem>> -> memref<100xi32, #tpu.memory_space<vmem>>
      %dma_start3A_523 = arith.constant 0 : i32
      %dma_start3A_524 = arith.constant 0 : i32
      %dma_start3A_525 = tpu.memref_slice %arg2[%dma_start3A_523, %dma_start3A_524] : memref<10000x128xf32, #tpu.memory_space<hbm>> -> memref<10000x128xf32, #tpu.memory_space<hbm>>
      tpu.enqueue_indirect_dma source(%dma_start3A_525 : memref<10000x128xf32, #tpu.memory_space<hbm>>) target(%arg9 : memref<100x128xf32, #tpu.memory_space<vmem>>) offsets(%dma_start3A_522 : memref<100xi32, #tpu.memory_space<vmem>>) semaphore(%arg12 : memref<!tpu.dma_semaphore, #tpu.memory_space<semaphore_mem>>)
      %dma_wait3A_526 = arith.constant 18 : i32
      %dma_wait3A_527 = arith.constant 0 : i32
      %dma_wait3A_528 = tpu.memref_slice %arg7[%dma_wait3A_526, %dma_wait3A_527] : memref<20x100xi32, #tpu.memory_space<vmem>> -> memref<1x100xi32, #tpu.memory_space<vmem>>
      %dma_wait3A_529 = tpu.memref_squeeze %dma_wait3A_528 : memref<1x100xi32, #tpu.memory_space<vmem>> -> memref<100xi32, #tpu.memory_space<vmem>>
      %dma_wait3A_530 = arith.constant 0 : i32
      %dma_wait3A_531 = arith.constant 0 : i32
      %dma_wait3A_532 = tpu.memref_slice %arg2[%dma_wait3A_530, %dma_wait3A_531] : memref<10000x128xf32, #tpu.memory_space<hbm>> -> memref<10000x128xf32, #tpu.memory_space<hbm>>
      tpu.wait_indirect_dma semaphore(%arg12 : memref<!tpu.dma_semaphore, #tpu.memory_space<semaphore_mem>>) src(%dma_wait3A_532 : memref<10000x128xf32, #tpu.memory_space<hbm>>) dst(%arg9 : memref<100x128xf32, #tpu.memory_space<vmem>>)
      %dma_start3A_533 = arith.constant 18 : i32
      %dma_start3A_534 = arith.constant 0 : i32
      %dma_start3A_535 = tpu.memref_slice %arg8[%dma_start3A_533, %dma_start3A_534] : memref<20x100xi32, #tpu.memory_space<vmem>> -> memref<1x100xi32, #tpu.memory_space<vmem>>
      %dma_start3A_536 = tpu.memref_squeeze %dma_start3A_535 : memref<1x100xi32, #tpu.memory_space<vmem>> -> memref<100xi32, #tpu.memory_space<vmem>>
      %dma_start3A_537 = arith.constant 0 : i32
      %dma_start3A_538 = arith.constant 0 : i32
      %dma_start3A_539 = tpu.memref_slice %arg11[%dma_start3A_537, %dma_start3A_538] : memref<10000x128xf32, #tpu.memory_space<vmem_shared>> -> memref<10000x128xf32, #tpu.memory_space<vmem_shared>>
      tpu.enqueue_indirect_dma source(%arg9 : memref<100x128xf32, #tpu.memory_space<vmem>>) target(%dma_start3A_539 : memref<10000x128xf32, #tpu.memory_space<vmem_shared>>) offsets(%dma_start3A_536 : memref<100xi32, #tpu.memory_space<vmem>>) semaphore(%arg14 : memref<!tpu.dma_semaphore, #tpu.memory_space<semaphore_mem>>) {add = true}
      %dma_wait3A_540 = arith.constant 17 : i32
      %dma_wait3A_541 = arith.constant 0 : i32
      %dma_wait3A_542 = tpu.memref_slice %arg8[%dma_wait3A_540, %dma_wait3A_541] : memref<20x100xi32, #tpu.memory_space<vmem>> -> memref<1x100xi32, #tpu.memory_space<vmem>>
      %dma_wait3A_543 = tpu.memref_squeeze %dma_wait3A_542 : memref<1x100xi32, #tpu.memory_space<vmem>> -> memref<100xi32, #tpu.memory_space<vmem>>
      %dma_wait3A_544 = arith.constant 0 : i32
      %dma_wait3A_545 = arith.constant 0 : i32
      %dma_wait3A_546 = tpu.memref_slice %arg11[%dma_wait3A_544, %dma_wait3A_545] : memref<10000x128xf32, #tpu.memory_space<vmem_shared>> -> memref<10000x128xf32, #tpu.memory_space<vmem_shared>>
      tpu.wait_indirect_dma semaphore(%arg15 : memref<!tpu.dma_semaphore, #tpu.memory_space<semaphore_mem>>) src(%arg10 : memref<100x128xf32, #tpu.memory_space<vmem>>) dst(%dma_wait3A_546 : memref<10000x128xf32, #tpu.memory_space<vmem_shared>>)
      %dma_start3A_547 = arith.constant 19 : i32
      %dma_start3A_548 = arith.constant 0 : i32
      %dma_start3A_549 = tpu.memref_slice %arg7[%dma_start3A_547, %dma_start3A_548] : memref<20x100xi32, #tpu.memory_space<vmem>> -> memref<1x100xi32, #tpu.memory_space<vmem>>
      %dma_start3A_550 = tpu.memref_squeeze %dma_start3A_549 : memref<1x100xi32, #tpu.memory_space<vmem>> -> memref<100xi32, #tpu.memory_space<vmem>>
      %dma_start3A_551 = arith.constant 0 : i32
      %dma_start3A_552 = arith.constant 0 : i32
      %dma_start3A_553 = tpu.memref_slice %arg2[%dma_start3A_551, %dma_start3A_552] : memref<10000x128xf32, #tpu.memory_space<hbm>> -> memref<10000x128xf32, #tpu.memory_space<hbm>>
      tpu.enqueue_indirect_dma source(%dma_start3A_553 : memref<10000x128xf32, #tpu.memory_space<hbm>>) target(%arg10 : memref<100x128xf32, #tpu.memory_space<vmem>>) offsets(%dma_start3A_550 : memref<100xi32, #tpu.memory_space<vmem>>) semaphore(%arg13 : memref<!tpu.dma_semaphore, #tpu.memory_space<semaphore_mem>>)
      %dma_wait3A_554 = arith.constant 19 : i32
      %dma_wait3A_555 = arith.constant 0 : i32
      %dma_wait3A_556 = tpu.memref_slice %arg7[%dma_wait3A_554, %dma_wait3A_555] : memref<20x100xi32, #tpu.memory_space<vmem>> -> memref<1x100xi32, #tpu.memory_space<vmem>>
      %dma_wait3A_557 = tpu.memref_squeeze %dma_wait3A_556 : memref<1x100xi32, #tpu.memory_space<vmem>> -> memref<100xi32, #tpu.memory_space<vmem>>
      %dma_wait3A_558 = arith.constant 0 : i32
      %dma_wait3A_559 = arith.constant 0 : i32
      %dma_wait3A_560 = tpu.memref_slice %arg2[%dma_wait3A_558, %dma_wait3A_559] : memref<10000x128xf32, #tpu.memory_space<hbm>> -> memref<10000x128xf32, #tpu.memory_space<hbm>>
      tpu.wait_indirect_dma semaphore(%arg13 : memref<!tpu.dma_semaphore, #tpu.memory_space<semaphore_mem>>) src(%dma_wait3A_560 : memref<10000x128xf32, #tpu.memory_space<hbm>>) dst(%arg10 : memref<100x128xf32, #tpu.memory_space<vmem>>)
      %dma_start3A_561 = arith.constant 19 : i32
      %dma_start3A_562 = arith.constant 0 : i32
      %dma_start3A_563 = tpu.memref_slice %arg8[%dma_start3A_561, %dma_start3A_562] : memref<20x100xi32, #tpu.memory_space<vmem>> -> memref<1x100xi32, #tpu.memory_space<vmem>>
      %dma_start3A_564 = tpu.memref_squeeze %dma_start3A_563 : memref<1x100xi32, #tpu.memory_space<vmem>> -> memref<100xi32, #tpu.memory_space<vmem>>
      %dma_start3A_565 = arith.constant 0 : i32
      %dma_start3A_566 = arith.constant 0 : i32
      %dma_start3A_567 = tpu.memref_slice %arg11[%dma_start3A_565, %dma_start3A_566] : memref<10000x128xf32, #tpu.memory_space<vmem_shared>> -> memref<10000x128xf32, #tpu.memory_space<vmem_shared>>
      tpu.enqueue_indirect_dma source(%arg10 : memref<100x128xf32, #tpu.memory_space<vmem>>) target(%dma_start3A_567 : memref<10000x128xf32, #tpu.memory_space<vmem_shared>>) offsets(%dma_start3A_564 : memref<100xi32, #tpu.memory_space<vmem>>) semaphore(%arg15 : memref<!tpu.dma_semaphore, #tpu.memory_space<semaphore_mem>>) {add = true}
      %dma_wait3A_568 = arith.constant 19 : i32
      %dma_wait3A_569 = arith.constant 0 : i32
      %dma_wait3A_570 = tpu.memref_slice %arg8[%dma_wait3A_568, %dma_wait3A_569] : memref<20x100xi32, #tpu.memory_space<vmem>> -> memref<1x100xi32, #tpu.memory_space<vmem>>
      %dma_wait3A_571 = tpu.memref_squeeze %dma_wait3A_570 : memref<1x100xi32, #tpu.memory_space<vmem>> -> memref<100xi32, #tpu.memory_space<vmem>>
      %dma_wait3A_572 = arith.constant 0 : i32
      %dma_wait3A_573 = arith.constant 0 : i32
      %dma_wait3A_574 = tpu.memref_slice %arg11[%dma_wait3A_572, %dma_wait3A_573] : memref<10000x128xf32, #tpu.memory_space<vmem_shared>> -> memref<10000x128xf32, #tpu.memory_space<vmem_shared>>
      tpu.wait_indirect_dma semaphore(%arg15 : memref<!tpu.dma_semaphore, #tpu.memory_space<semaphore_mem>>) src(%arg10 : memref<100x128xf32, #tpu.memory_space<vmem>>) dst(%dma_wait3A_574 : memref<10000x128xf32, #tpu.memory_space<vmem_shared>>)
      %dma_wait3A_575 = arith.constant 18 : i32
      %dma_wait3A_576 = arith.constant 0 : i32
      %dma_wait3A_577 = tpu.memref_slice %arg8[%dma_wait3A_575, %dma_wait3A_576] : memref<20x100xi32, #tpu.memory_space<vmem>> -> memref<1x100xi32, #tpu.memory_space<vmem>>
      %dma_wait3A_578 = tpu.memref_squeeze %dma_wait3A_577 : memref<1x100xi32, #tpu.memory_space<vmem>> -> memref<100xi32, #tpu.memory_space<vmem>>
      %dma_wait3A_579 = arith.constant 0 : i32
      %dma_wait3A_580 = arith.constant 0 : i32
      %dma_wait3A_581 = tpu.memref_slice %arg11[%dma_wait3A_579, %dma_wait3A_580] : memref<10000x128xf32, #tpu.memory_space<vmem_shared>> -> memref<10000x128xf32, #tpu.memory_space<vmem_shared>>
      tpu.wait_indirect_dma semaphore(%arg14 : memref<!tpu.dma_semaphore, #tpu.memory_space<semaphore_mem>>) src(%arg9 : memref<100x128xf32, #tpu.memory_space<vmem>>) dst(%dma_wait3A_581 : memref<10000x128xf32, #tpu.memory_space<vmem_shared>>)
    }
    %scan3A_11 = arith.constant 5 : i32
    %barrier3A_12 = arith.constant 0 : index
    tpu.barrier barrier_id(%barrier3A_12)
    %lt3A_13 = arith.constant 15 : i32
    %lt3A_14 = arith.cmpi slt, %arg1, %lt3A_13 : i32
    %convert_element_type3A_15 = arith.extui %lt3A_14 : i1 to i32
    %cond3A_16 = arith.constant 0 : i32
    %cond3A_17 = arith.cmpi ne, %convert_element_type3A_15, %cond3A_16 : i32
    scf.if %cond3A_17 {
      %mul3A_23 = arith.constant 640 : i32
      %mul3A_24 = arith.muli %arg1, %mul3A_23 : i32
      %mul3A_25 = arith.constant 640 : i32
      %mul3A_26 = arith.muli %arg1, %mul3A_25 : i32
      "tpu.region"() ({
        %run_scoped3A = tpu.sem_alloc : memref<!tpu.dma_semaphore, #tpu.memory_space<semaphore_mem>>
        %dma_start3A = arith.constant 0 : i32
        %dma_start3A_27 = tpu.memref_slice %arg6[%arg0, %mul3A_26, %dma_start3A] : memref<2x10000x128xf32, #tpu.memory_space<hbm>> -> memref<1x640x128xf32, #tpu.memory_space<hbm>>
        %dma_start3A_28 = tpu.memref_squeeze %dma_start3A_27 : memref<1x640x128xf32, #tpu.memory_space<hbm>> -> memref<640x128xf32, #tpu.memory_space<hbm>>
        %dma_start3A_29 = arith.constant 0 : i32
        %dma_start3A_30 = tpu.memref_slice %arg11[%mul3A_24, %dma_start3A_29] : memref<10000x128xf32, #tpu.memory_space<vmem_shared>> -> memref<640x128xf32, #tpu.memory_space<vmem_shared>>
        tpu.enqueue_dma source(%dma_start3A_30 : memref<640x128xf32, #tpu.memory_space<vmem_shared>>) target(%dma_start3A_28 : memref<640x128xf32, #tpu.memory_space<hbm>>) target_semaphore(%run_scoped3A : memref<!tpu.dma_semaphore, #tpu.memory_space<semaphore_mem>>)
        %dma_wait3A = arith.constant 0 : i32
        %dma_wait3A_31 = tpu.memref_slice %arg6[%arg0, %mul3A_26, %dma_wait3A] : memref<2x10000x128xf32, #tpu.memory_space<hbm>> -> memref<1x640x128xf32, #tpu.memory_space<hbm>>
        %dma_wait3A_32 = tpu.memref_squeeze %dma_wait3A_31 : memref<1x640x128xf32, #tpu.memory_space<hbm>> -> memref<640x128xf32, #tpu.memory_space<hbm>>
        %dma_wait3A_33 = arith.constant 0 : i32
        %dma_wait3A_34 = tpu.memref_slice %arg11[%mul3A_24, %dma_wait3A_33] : memref<10000x128xf32, #tpu.memory_space<vmem_shared>> -> memref<640x128xf32, #tpu.memory_space<vmem_shared>>
        tpu.wait_dma2 semaphore(%run_scoped3A : memref<!tpu.dma_semaphore, #tpu.memory_space<semaphore_mem>>) src(%dma_wait3A_34 : memref<640x128xf32, #tpu.memory_space<vmem_shared>>) dst(%dma_wait3A_32 : memref<640x128xf32, #tpu.memory_space<hbm>>)
        tpu.yield
      }) : () -> ()
    } else {
    }
    %eq3A_18 = arith.constant 15 : i32
    %eq3A_19 = arith.cmpi eq, %arg1, %eq3A_18 : i32
    %convert_element_type3A_20 = arith.extui %eq3A_19 : i1 to i32
    %cond3A_21 = arith.constant 0 : i32
    %cond3A_22 = arith.cmpi ne, %convert_element_type3A_20, %cond3A_21 : i32
    scf.if %cond3A_22 {
      "tpu.region"() ({
        %run_scoped3A = tpu.sem_alloc : memref<!tpu.dma_semaphore, #tpu.memory_space<semaphore_mem>>
        %dma_start3A = arith.constant 9600 : i32
        %dma_start3A_23 = arith.constant 0 : i32
        %dma_start3A_24 = tpu.memref_slice %arg6[%arg0, %dma_start3A, %dma_start3A_23] : memref<2x10000x128xf32, #tpu.memory_space<hbm>> -> memref<1x400x128xf32, #tpu.memory_space<hbm>>
        %dma_start3A_25 = tpu.memref_squeeze %dma_start3A_24 : memref<1x400x128xf32, #tpu.memory_space<hbm>> -> memref<400x128xf32, #tpu.memory_space<hbm>>
        %dma_start3A_26 = arith.constant 9600 : i32
        %dma_start3A_27 = arith.constant 0 : i32
        %dma_start3A_28 = tpu.memref_slice %arg11[%dma_start3A_26, %dma_start3A_27] : memref<10000x128xf32, #tpu.memory_space<vmem_shared>> -> memref<400x128xf32, #tpu.memory_space<vmem_shared>>
        tpu.enqueue_dma source(%dma_start3A_28 : memref<400x128xf32, #tpu.memory_space<vmem_shared>>) target(%dma_start3A_25 : memref<400x128xf32, #tpu.memory_space<hbm>>) target_semaphore(%run_scoped3A : memref<!tpu.dma_semaphore, #tpu.memory_space<semaphore_mem>>)
        %dma_wait3A = arith.constant 9600 : i32
        %dma_wait3A_29 = arith.constant 0 : i32
        %dma_wait3A_30 = tpu.memref_slice %arg6[%arg0, %dma_wait3A, %dma_wait3A_29] : memref<2x10000x128xf32, #tpu.memory_space<hbm>> -> memref<1x400x128xf32, #tpu.memory_space<hbm>>
        %dma_wait3A_31 = tpu.memref_squeeze %dma_wait3A_30 : memref<1x400x128xf32, #tpu.memory_space<hbm>> -> memref<400x128xf32, #tpu.memory_space<hbm>>
        %dma_wait3A_32 = arith.constant 9600 : i32
        %dma_wait3A_33 = arith.constant 0 : i32
        %dma_wait3A_34 = tpu.memref_slice %arg11[%dma_wait3A_32, %dma_wait3A_33] : memref<10000x128xf32, #tpu.memory_space<vmem_shared>> -> memref<400x128xf32, #tpu.memory_space<vmem_shared>>
        tpu.wait_dma2 semaphore(%run_scoped3A : memref<!tpu.dma_semaphore, #tpu.memory_space<semaphore_mem>>) src(%dma_wait3A_34 : memref<400x128xf32, #tpu.memory_space<vmem_shared>>) dst(%dma_wait3A_31 : memref<400x128xf32, #tpu.memory_space<hbm>>)
        tpu.yield
      }) : () -> ()
    } else {
    }
    return
  }
}

#map = affine_map<(d0, d1) -> (0, 0)>
#map1 = affine_map<(d0, d1) -> (0, 0, 0, 0)>
#map2 = affine_map<(d0, d1) -> (0, 0, 0)>
module attributes {stable_mosaic.version = 14 : i64} {
  func.func @_seg_body(%arg0: i32, %arg1: i32, %arg2: memref<10000x128xf32, #tpu.memory_space<hbm>>, %arg3: memref<10000x128xf32, #tpu.memory_space<hbm>>, %arg4: memref<32x5x20x100xi32, #tpu.memory_space<hbm>>, %arg5: memref<32x5x20x100xi32, #tpu.memory_space<hbm>>, %arg6: memref<2x10000x128xf32, #tpu.memory_space<hbm>>, %arg7: memref<20x100xi32, #tpu.memory_space<vmem>>, %arg8: memref<20x100xi32, #tpu.memory_space<vmem>>, %arg9: memref<100x128xf32, #tpu.memory_space<vmem>>, %arg10: memref<100x128xf32, #tpu.memory_space<vmem>>, %arg11: memref<10000x128xf32, #tpu.memory_space<vmem_shared>>, %arg12: memref<!tpu.dma_semaphore, #tpu.memory_space<semaphore_mem>>, %arg13: memref<!tpu.dma_semaphore, #tpu.memory_space<semaphore_mem>>, %arg14: memref<!tpu.dma_semaphore, #tpu.memory_space<semaphore_mem>>, %arg15: memref<!tpu.dma_semaphore, #tpu.memory_space<semaphore_mem>>) attributes {dimension_semantics = [#tpu.dimension_semantics<core_parallel>, #tpu.dimension_semantics<subcore_parallel>], iteration_bounds = array<i64: 2, 16>, scalar_prefetch = 0 : i64, scratch_operands = 9 : i64, tpu.core_type = #tpu.core_type<sc_vector_subcore>, window_params = [{transform_indices = #map}, {transform_indices = #map}, {transform_indices = #map1}, {transform_indices = #map1}, {transform_indices = #map2}]} {
    %mul3A = arith.constant 2 : i32
    %mul3A_0 = arith.muli %arg1, %mul3A : i32
    %add3A = arith.addi %mul3A_0, %arg0 : i32
    %lt3A = arith.constant 15 : i32
    %lt3A_1 = arith.cmpi slt, %arg1, %lt3A : i32
    %convert_element_type3A = arith.extui %lt3A_1 : i1 to i32
    %cond3A = arith.constant 0 : i32
    %cond3A_2 = arith.cmpi ne, %convert_element_type3A, %cond3A : i32
    scf.if %cond3A_2 {
      %mul3A_23 = arith.constant 640 : i32
      %mul3A_24 = arith.muli %arg1, %mul3A_23 : i32
      %mul3A_25 = arith.constant 640 : i32
      %mul3A_26 = arith.muli %arg1, %mul3A_25 : i32
      "tpu.region"() ({
        %run_scoped3A = tpu.sem_alloc : memref<!tpu.dma_semaphore, #tpu.memory_space<semaphore_mem>>
        %dma_start3A = arith.constant 0 : i32
        %dma_start3A_27 = tpu.memref_slice %arg11[%mul3A_26, %dma_start3A] : memref<10000x128xf32, #tpu.memory_space<vmem_shared>> -> memref<640x128xf32, #tpu.memory_space<vmem_shared>>
        %dma_start3A_28 = arith.constant 0 : i32
        %dma_start3A_29 = tpu.memref_slice %arg3[%mul3A_24, %dma_start3A_28] : memref<10000x128xf32, #tpu.memory_space<hbm>> -> memref<640x128xf32, #tpu.memory_space<hbm>>
        tpu.enqueue_dma source(%dma_start3A_29 : memref<640x128xf32, #tpu.memory_space<hbm>>) target(%dma_start3A_27 : memref<640x128xf32, #tpu.memory_space<vmem_shared>>) target_semaphore(%run_scoped3A : memref<!tpu.dma_semaphore, #tpu.memory_space<semaphore_mem>>)
        %dma_wait3A = arith.constant 0 : i32
        %dma_wait3A_30 = tpu.memref_slice %arg11[%mul3A_26, %dma_wait3A] : memref<10000x128xf32, #tpu.memory_space<vmem_shared>> -> memref<640x128xf32, #tpu.memory_space<vmem_shared>>
        %dma_wait3A_31 = arith.constant 0 : i32
        %dma_wait3A_32 = tpu.memref_slice %arg3[%mul3A_24, %dma_wait3A_31] : memref<10000x128xf32, #tpu.memory_space<hbm>> -> memref<640x128xf32, #tpu.memory_space<hbm>>
        tpu.wait_dma2 semaphore(%run_scoped3A : memref<!tpu.dma_semaphore, #tpu.memory_space<semaphore_mem>>) src(%dma_wait3A_32 : memref<640x128xf32, #tpu.memory_space<hbm>>) dst(%dma_wait3A_30 : memref<640x128xf32, #tpu.memory_space<vmem_shared>>)
        tpu.yield
      }) : () -> ()
    } else {
    }
    %eq3A = arith.constant 15 : i32
    %eq3A_3 = arith.cmpi eq, %arg1, %eq3A : i32
    %convert_element_type3A_4 = arith.extui %eq3A_3 : i1 to i32
    %cond3A_5 = arith.constant 0 : i32
    %cond3A_6 = arith.cmpi ne, %convert_element_type3A_4, %cond3A_5 : i32
    scf.if %cond3A_6 {
      "tpu.region"() ({
        %run_scoped3A = tpu.sem_alloc : memref<!tpu.dma_semaphore, #tpu.memory_space<semaphore_mem>>
        %dma_start3A = arith.constant 9600 : i32
        %dma_start3A_23 = arith.constant 0 : i32
        %dma_start3A_24 = tpu.memref_slice %arg11[%dma_start3A, %dma_start3A_23] : memref<10000x128xf32, #tpu.memory_space<vmem_shared>> -> memref<400x128xf32, #tpu.memory_space<vmem_shared>>
        %dma_start3A_25 = arith.constant 9600 : i32
        %dma_start3A_26 = arith.constant 0 : i32
        %dma_start3A_27 = tpu.memref_slice %arg3[%dma_start3A_25, %dma_start3A_26] : memref<10000x128xf32, #tpu.memory_space<hbm>> -> memref<400x128xf32, #tpu.memory_space<hbm>>
        tpu.enqueue_dma source(%dma_start3A_27 : memref<400x128xf32, #tpu.memory_space<hbm>>) target(%dma_start3A_24 : memref<400x128xf32, #tpu.memory_space<vmem_shared>>) target_semaphore(%run_scoped3A : memref<!tpu.dma_semaphore, #tpu.memory_space<semaphore_mem>>)
        %dma_wait3A = arith.constant 9600 : i32
        %dma_wait3A_28 = arith.constant 0 : i32
        %dma_wait3A_29 = tpu.memref_slice %arg11[%dma_wait3A, %dma_wait3A_28] : memref<10000x128xf32, #tpu.memory_space<vmem_shared>> -> memref<400x128xf32, #tpu.memory_space<vmem_shared>>
        %dma_wait3A_30 = arith.constant 9600 : i32
        %dma_wait3A_31 = arith.constant 0 : i32
        %dma_wait3A_32 = tpu.memref_slice %arg3[%dma_wait3A_30, %dma_wait3A_31] : memref<10000x128xf32, #tpu.memory_space<hbm>> -> memref<400x128xf32, #tpu.memory_space<hbm>>
        tpu.wait_dma2 semaphore(%run_scoped3A : memref<!tpu.dma_semaphore, #tpu.memory_space<semaphore_mem>>) src(%dma_wait3A_32 : memref<400x128xf32, #tpu.memory_space<hbm>>) dst(%dma_wait3A_29 : memref<400x128xf32, #tpu.memory_space<vmem_shared>>)
        tpu.yield
      }) : () -> ()
    } else {
    }
    %barrier3A = arith.constant 0 : index
    tpu.barrier barrier_id(%barrier3A)
    %scan3A = arith.constant 0 : i32
    %scan3A_7 = arith.constant 0 : i32
    %scan3A_8 = arith.constant 5 : i32
    %scan3A_9 = arith.addi %scan3A_7, %scan3A_8 : i32
    %scan3A_10 = arith.constant 1 : i32
    scf.for %scan3A_23 = %scan3A_7 to %scan3A_9 step %scan3A_10  : i32 {
      "tpu.region"() ({
        %run_scoped3A = tpu.sem_alloc : memref<!tpu.dma_semaphore, #tpu.memory_space<semaphore_mem>>
        %dma_start3A_582 = arith.constant 0 : i32
        %dma_start3A_583 = arith.constant 0 : i32
        %dma_start3A_584 = tpu.memref_slice %arg4[%add3A, %scan3A_23, %dma_start3A_582, %dma_start3A_583] : memref<32x5x20x100xi32, #tpu.memory_space<hbm>> -> memref<1x1x20x100xi32, #tpu.memory_space<hbm>>
        %dma_start3A_585 = tpu.memref_squeeze %dma_start3A_584 : memref<1x1x20x100xi32, #tpu.memory_space<hbm>> -> memref<20x100xi32, #tpu.memory_space<hbm>>
        %dma_start3A_586 = arith.constant 0 : i32
        %dma_start3A_587 = arith.constant 0 : i32
        %dma_start3A_588 = tpu.memref_slice %arg4[%add3A, %scan3A_23, %dma_start3A_586, %dma_start3A_587] : memref<32x5x20x100xi32, #tpu.memory_space<hbm>> -> memref<1x1x20x100xi32, #tpu.memory_space<hbm>>
        %dma_start3A_589 = tpu.memref_squeeze %dma_start3A_588 : memref<1x1x20x100xi32, #tpu.memory_space<hbm>> -> memref<20x100xi32, #tpu.memory_space<hbm>>
        tpu.enqueue_dma source(%dma_start3A_589 : memref<20x100xi32, #tpu.memory_space<hbm>>) target(%arg7 : memref<20x100xi32, #tpu.memory_space<vmem>>) target_semaphore(%run_scoped3A : memref<!tpu.dma_semaphore, #tpu.memory_space<semaphore_mem>>)
        %dma_wait3A_590 = arith.constant 0 : i32
        %dma_wait3A_591 = arith.constant 0 : i32
        %dma_wait3A_592 = tpu.memref_slice %arg4[%add3A, %scan3A_23, %dma_wait3A_590, %dma_wait3A_591] : memref<32x5x20x100xi32, #tpu.memory_space<hbm>> -> memref<1x1x20x100xi32, #tpu.memory_space<hbm>>
        %dma_wait3A_593 = tpu.memref_squeeze %dma_wait3A_592 : memref<1x1x20x100xi32, #tpu.memory_space<hbm>> -> memref<20x100xi32, #tpu.memory_space<hbm>>
        %dma_wait3A_594 = arith.constant 0 : i32
        %dma_wait3A_595 = arith.constant 0 : i32
        %dma_wait3A_596 = tpu.memref_slice %arg4[%add3A, %scan3A_23, %dma_wait3A_594, %dma_wait3A_595] : memref<32x5x20x100xi32, #tpu.memory_space<hbm>> -> memref<1x1x20x100xi32, #tpu.memory_space<hbm>>
        %dma_wait3A_597 = tpu.memref_squeeze %dma_wait3A_596 : memref<1x1x20x100xi32, #tpu.memory_space<hbm>> -> memref<20x100xi32, #tpu.memory_space<hbm>>
        tpu.wait_dma2 semaphore(%run_scoped3A : memref<!tpu.dma_semaphore, #tpu.memory_space<semaphore_mem>>) src(%dma_wait3A_597 : memref<20x100xi32, #tpu.memory_space<hbm>>) dst(%arg7 : memref<20x100xi32, #tpu.memory_space<vmem>>)
        tpu.yield
      }) : () -> ()
      "tpu.region"() ({
        %run_scoped3A = tpu.sem_alloc : memref<!tpu.dma_semaphore, #tpu.memory_space<semaphore_mem>>
        %dma_start3A_582 = arith.constant 0 : i32
        %dma_start3A_583 = arith.constant 0 : i32
        %dma_start3A_584 = tpu.memref_slice %arg5[%add3A, %scan3A_23, %dma_start3A_582, %dma_start3A_583] : memref<32x5x20x100xi32, #tpu.memory_space<hbm>> -> memref<1x1x20x100xi32, #tpu.memory_space<hbm>>
        %dma_start3A_585 = tpu.memref_squeeze %dma_start3A_584 : memref<1x1x20x100xi32, #tpu.memory_space<hbm>> -> memref<20x100xi32, #tpu.memory_space<hbm>>
        %dma_start3A_586 = arith.constant 0 : i32
        %dma_start3A_587 = arith.constant 0 : i32
        %dma_start3A_588 = tpu.memref_slice %arg5[%add3A, %scan3A_23, %dma_start3A_586, %dma_start3A_587] : memref<32x5x20x100xi32, #tpu.memory_space<hbm>> -> memref<1x1x20x100xi32, #tpu.memory_space<hbm>>
        %dma_start3A_589 = tpu.memref_squeeze %dma_start3A_588 : memref<1x1x20x100xi32, #tpu.memory_space<hbm>> -> memref<20x100xi32, #tpu.memory_space<hbm>>
        tpu.enqueue_dma source(%dma_start3A_589 : memref<20x100xi32, #tpu.memory_space<hbm>>) target(%arg8 : memref<20x100xi32, #tpu.memory_space<vmem>>) target_semaphore(%run_scoped3A : memref<!tpu.dma_semaphore, #tpu.memory_space<semaphore_mem>>)
        %dma_wait3A_590 = arith.constant 0 : i32
        %dma_wait3A_591 = arith.constant 0 : i32
        %dma_wait3A_592 = tpu.memref_slice %arg5[%add3A, %scan3A_23, %dma_wait3A_590, %dma_wait3A_591] : memref<32x5x20x100xi32, #tpu.memory_space<hbm>> -> memref<1x1x20x100xi32, #tpu.memory_space<hbm>>
        %dma_wait3A_593 = tpu.memref_squeeze %dma_wait3A_592 : memref<1x1x20x100xi32, #tpu.memory_space<hbm>> -> memref<20x100xi32, #tpu.memory_space<hbm>>
        %dma_wait3A_594 = arith.constant 0 : i32
        %dma_wait3A_595 = arith.constant 0 : i32
        %dma_wait3A_596 = tpu.memref_slice %arg5[%add3A, %scan3A_23, %dma_wait3A_594, %dma_wait3A_595] : memref<32x5x20x100xi32, #tpu.memory_space<hbm>> -> memref<1x1x20x100xi32, #tpu.memory_space<hbm>>
        %dma_wait3A_597 = tpu.memref_squeeze %dma_wait3A_596 : memref<1x1x20x100xi32, #tpu.memory_space<hbm>> -> memref<20x100xi32, #tpu.memory_space<hbm>>
        tpu.wait_dma2 semaphore(%run_scoped3A : memref<!tpu.dma_semaphore, #tpu.memory_space<semaphore_mem>>) src(%dma_wait3A_597 : memref<20x100xi32, #tpu.memory_space<hbm>>) dst(%arg8 : memref<20x100xi32, #tpu.memory_space<vmem>>)
        tpu.yield
      }) : () -> ()
      %dma_start3A = arith.constant 0 : i32
      %dma_start3A_24 = arith.constant 0 : i32
      %dma_start3A_25 = tpu.memref_slice %arg7[%dma_start3A, %dma_start3A_24] : memref<20x100xi32, #tpu.memory_space<vmem>> -> memref<1x100xi32, #tpu.memory_space<vmem>>
      %dma_start3A_26 = tpu.memref_squeeze %dma_start3A_25 : memref<1x100xi32, #tpu.memory_space<vmem>> -> memref<100xi32, #tpu.memory_space<vmem>>
      %dma_start3A_27 = arith.constant 0 : i32
      %dma_start3A_28 = arith.constant 0 : i32
      %dma_start3A_29 = tpu.memref_slice %arg2[%dma_start3A_27, %dma_start3A_28] : memref<10000x128xf32, #tpu.memory_space<hbm>> -> memref<10000x128xf32, #tpu.memory_space<hbm>>
      tpu.enqueue_indirect_dma source(%dma_start3A_29 : memref<10000x128xf32, #tpu.memory_space<hbm>>) target(%arg9 : memref<100x128xf32, #tpu.memory_space<vmem>>) offsets(%dma_start3A_26 : memref<100xi32, #tpu.memory_space<vmem>>) semaphore(%arg12 : memref<!tpu.dma_semaphore, #tpu.memory_space<semaphore_mem>>)
      %dma_wait3A = arith.constant 0 : i32
      %dma_wait3A_30 = arith.constant 0 : i32
      %dma_wait3A_31 = tpu.memref_slice %arg7[%dma_wait3A, %dma_wait3A_30] : memref<20x100xi32, #tpu.memory_space<vmem>> -> memref<1x100xi32, #tpu.memory_space<vmem>>
      %dma_wait3A_32 = tpu.memref_squeeze %dma_wait3A_31 : memref<1x100xi32, #tpu.memory_space<vmem>> -> memref<100xi32, #tpu.memory_space<vmem>>
      %dma_wait3A_33 = arith.constant 0 : i32
      %dma_wait3A_34 = arith.constant 0 : i32
      %dma_wait3A_35 = tpu.memref_slice %arg2[%dma_wait3A_33, %dma_wait3A_34] : memref<10000x128xf32, #tpu.memory_space<hbm>> -> memref<10000x128xf32, #tpu.memory_space<hbm>>
      tpu.wait_indirect_dma semaphore(%arg12 : memref<!tpu.dma_semaphore, #tpu.memory_space<semaphore_mem>>) src(%dma_wait3A_35 : memref<10000x128xf32, #tpu.memory_space<hbm>>) dst(%arg9 : memref<100x128xf32, #tpu.memory_space<vmem>>)
      %dma_start3A_36 = arith.constant 0 : i32
      %dma_start3A_37 = arith.constant 0 : i32
      %dma_start3A_38 = tpu.memref_slice %arg8[%dma_start3A_36, %dma_start3A_37] : memref<20x100xi32, #tpu.memory_space<vmem>> -> memref<1x100xi32, #tpu.memory_space<vmem>>
      %dma_start3A_39 = tpu.memref_squeeze %dma_start3A_38 : memref<1x100xi32, #tpu.memory_space<vmem>> -> memref<100xi32, #tpu.memory_space<vmem>>
      %dma_start3A_40 = arith.constant 0 : i32
      %dma_start3A_41 = arith.constant 0 : i32
      %dma_start3A_42 = tpu.memref_slice %arg11[%dma_start3A_40, %dma_start3A_41] : memref<10000x128xf32, #tpu.memory_space<vmem_shared>> -> memref<10000x128xf32, #tpu.memory_space<vmem_shared>>
      tpu.enqueue_indirect_dma source(%arg9 : memref<100x128xf32, #tpu.memory_space<vmem>>) target(%dma_start3A_42 : memref<10000x128xf32, #tpu.memory_space<vmem_shared>>) offsets(%dma_start3A_39 : memref<100xi32, #tpu.memory_space<vmem>>) semaphore(%arg14 : memref<!tpu.dma_semaphore, #tpu.memory_space<semaphore_mem>>) {add = true}
      %dma_start3A_43 = arith.constant 1 : i32
      %dma_start3A_44 = arith.constant 0 : i32
      %dma_start3A_45 = tpu.memref_slice %arg7[%dma_start3A_43, %dma_start3A_44] : memref<20x100xi32, #tpu.memory_space<vmem>> -> memref<1x100xi32, #tpu.memory_space<vmem>>
      %dma_start3A_46 = tpu.memref_squeeze %dma_start3A_45 : memref<1x100xi32, #tpu.memory_space<vmem>> -> memref<100xi32, #tpu.memory_space<vmem>>
      %dma_start3A_47 = arith.constant 0 : i32
      %dma_start3A_48 = arith.constant 0 : i32
      %dma_start3A_49 = tpu.memref_slice %arg2[%dma_start3A_47, %dma_start3A_48] : memref<10000x128xf32, #tpu.memory_space<hbm>> -> memref<10000x128xf32, #tpu.memory_space<hbm>>
      tpu.enqueue_indirect_dma source(%dma_start3A_49 : memref<10000x128xf32, #tpu.memory_space<hbm>>) target(%arg10 : memref<100x128xf32, #tpu.memory_space<vmem>>) offsets(%dma_start3A_46 : memref<100xi32, #tpu.memory_space<vmem>>) semaphore(%arg13 : memref<!tpu.dma_semaphore, #tpu.memory_space<semaphore_mem>>)
      %dma_wait3A_50 = arith.constant 1 : i32
      %dma_wait3A_51 = arith.constant 0 : i32
      %dma_wait3A_52 = tpu.memref_slice %arg7[%dma_wait3A_50, %dma_wait3A_51] : memref<20x100xi32, #tpu.memory_space<vmem>> -> memref<1x100xi32, #tpu.memory_space<vmem>>
      %dma_wait3A_53 = tpu.memref_squeeze %dma_wait3A_52 : memref<1x100xi32, #tpu.memory_space<vmem>> -> memref<100xi32, #tpu.memory_space<vmem>>
      %dma_wait3A_54 = arith.constant 0 : i32
      %dma_wait3A_55 = arith.constant 0 : i32
      %dma_wait3A_56 = tpu.memref_slice %arg2[%dma_wait3A_54, %dma_wait3A_55] : memref<10000x128xf32, #tpu.memory_space<hbm>> -> memref<10000x128xf32, #tpu.memory_space<hbm>>
      tpu.wait_indirect_dma semaphore(%arg13 : memref<!tpu.dma_semaphore, #tpu.memory_space<semaphore_mem>>) src(%dma_wait3A_56 : memref<10000x128xf32, #tpu.memory_space<hbm>>) dst(%arg10 : memref<100x128xf32, #tpu.memory_space<vmem>>)
      %dma_start3A_57 = arith.constant 1 : i32
      %dma_start3A_58 = arith.constant 0 : i32
      %dma_start3A_59 = tpu.memref_slice %arg8[%dma_start3A_57, %dma_start3A_58] : memref<20x100xi32, #tpu.memory_space<vmem>> -> memref<1x100xi32, #tpu.memory_space<vmem>>
      %dma_start3A_60 = tpu.memref_squeeze %dma_start3A_59 : memref<1x100xi32, #tpu.memory_space<vmem>> -> memref<100xi32, #tpu.memory_space<vmem>>
      %dma_start3A_61 = arith.constant 0 : i32
      %dma_start3A_62 = arith.constant 0 : i32
      %dma_start3A_63 = tpu.memref_slice %arg11[%dma_start3A_61, %dma_start3A_62] : memref<10000x128xf32, #tpu.memory_space<vmem_shared>> -> memref<10000x128xf32, #tpu.memory_space<vmem_shared>>
      tpu.enqueue_indirect_dma source(%arg10 : memref<100x128xf32, #tpu.memory_space<vmem>>) target(%dma_start3A_63 : memref<10000x128xf32, #tpu.memory_space<vmem_shared>>) offsets(%dma_start3A_60 : memref<100xi32, #tpu.memory_space<vmem>>) semaphore(%arg15 : memref<!tpu.dma_semaphore, #tpu.memory_space<semaphore_mem>>) {add = true}
      %dma_wait3A_64 = arith.constant 0 : i32
      %dma_wait3A_65 = arith.constant 0 : i32
      %dma_wait3A_66 = tpu.memref_slice %arg8[%dma_wait3A_64, %dma_wait3A_65] : memref<20x100xi32, #tpu.memory_space<vmem>> -> memref<1x100xi32, #tpu.memory_space<vmem>>
      %dma_wait3A_67 = tpu.memref_squeeze %dma_wait3A_66 : memref<1x100xi32, #tpu.memory_space<vmem>> -> memref<100xi32, #tpu.memory_space<vmem>>
      %dma_wait3A_68 = arith.constant 0 : i32
      %dma_wait3A_69 = arith.constant 0 : i32
      %dma_wait3A_70 = tpu.memref_slice %arg11[%dma_wait3A_68, %dma_wait3A_69] : memref<10000x128xf32, #tpu.memory_space<vmem_shared>> -> memref<10000x128xf32, #tpu.memory_space<vmem_shared>>
      tpu.wait_indirect_dma semaphore(%arg14 : memref<!tpu.dma_semaphore, #tpu.memory_space<semaphore_mem>>) src(%arg9 : memref<100x128xf32, #tpu.memory_space<vmem>>) dst(%dma_wait3A_70 : memref<10000x128xf32, #tpu.memory_space<vmem_shared>>)
      %dma_start3A_71 = arith.constant 2 : i32
      %dma_start3A_72 = arith.constant 0 : i32
      %dma_start3A_73 = tpu.memref_slice %arg7[%dma_start3A_71, %dma_start3A_72] : memref<20x100xi32, #tpu.memory_space<vmem>> -> memref<1x100xi32, #tpu.memory_space<vmem>>
      %dma_start3A_74 = tpu.memref_squeeze %dma_start3A_73 : memref<1x100xi32, #tpu.memory_space<vmem>> -> memref<100xi32, #tpu.memory_space<vmem>>
      %dma_start3A_75 = arith.constant 0 : i32
      %dma_start3A_76 = arith.constant 0 : i32
      %dma_start3A_77 = tpu.memref_slice %arg2[%dma_start3A_75, %dma_start3A_76] : memref<10000x128xf32, #tpu.memory_space<hbm>> -> memref<10000x128xf32, #tpu.memory_space<hbm>>
      tpu.enqueue_indirect_dma source(%dma_start3A_77 : memref<10000x128xf32, #tpu.memory_space<hbm>>) target(%arg9 : memref<100x128xf32, #tpu.memory_space<vmem>>) offsets(%dma_start3A_74 : memref<100xi32, #tpu.memory_space<vmem>>) semaphore(%arg12 : memref<!tpu.dma_semaphore, #tpu.memory_space<semaphore_mem>>)
      %dma_wait3A_78 = arith.constant 2 : i32
      %dma_wait3A_79 = arith.constant 0 : i32
      %dma_wait3A_80 = tpu.memref_slice %arg7[%dma_wait3A_78, %dma_wait3A_79] : memref<20x100xi32, #tpu.memory_space<vmem>> -> memref<1x100xi32, #tpu.memory_space<vmem>>
      %dma_wait3A_81 = tpu.memref_squeeze %dma_wait3A_80 : memref<1x100xi32, #tpu.memory_space<vmem>> -> memref<100xi32, #tpu.memory_space<vmem>>
      %dma_wait3A_82 = arith.constant 0 : i32
      %dma_wait3A_83 = arith.constant 0 : i32
      %dma_wait3A_84 = tpu.memref_slice %arg2[%dma_wait3A_82, %dma_wait3A_83] : memref<10000x128xf32, #tpu.memory_space<hbm>> -> memref<10000x128xf32, #tpu.memory_space<hbm>>
      tpu.wait_indirect_dma semaphore(%arg12 : memref<!tpu.dma_semaphore, #tpu.memory_space<semaphore_mem>>) src(%dma_wait3A_84 : memref<10000x128xf32, #tpu.memory_space<hbm>>) dst(%arg9 : memref<100x128xf32, #tpu.memory_space<vmem>>)
      %dma_start3A_85 = arith.constant 2 : i32
      %dma_start3A_86 = arith.constant 0 : i32
      %dma_start3A_87 = tpu.memref_slice %arg8[%dma_start3A_85, %dma_start3A_86] : memref<20x100xi32, #tpu.memory_space<vmem>> -> memref<1x100xi32, #tpu.memory_space<vmem>>
      %dma_start3A_88 = tpu.memref_squeeze %dma_start3A_87 : memref<1x100xi32, #tpu.memory_space<vmem>> -> memref<100xi32, #tpu.memory_space<vmem>>
      %dma_start3A_89 = arith.constant 0 : i32
      %dma_start3A_90 = arith.constant 0 : i32
      %dma_start3A_91 = tpu.memref_slice %arg11[%dma_start3A_89, %dma_start3A_90] : memref<10000x128xf32, #tpu.memory_space<vmem_shared>> -> memref<10000x128xf32, #tpu.memory_space<vmem_shared>>
      tpu.enqueue_indirect_dma source(%arg9 : memref<100x128xf32, #tpu.memory_space<vmem>>) target(%dma_start3A_91 : memref<10000x128xf32, #tpu.memory_space<vmem_shared>>) offsets(%dma_start3A_88 : memref<100xi32, #tpu.memory_space<vmem>>) semaphore(%arg14 : memref<!tpu.dma_semaphore, #tpu.memory_space<semaphore_mem>>) {add = true}
      %dma_wait3A_92 = arith.constant 1 : i32
      %dma_wait3A_93 = arith.constant 0 : i32
      %dma_wait3A_94 = tpu.memref_slice %arg8[%dma_wait3A_92, %dma_wait3A_93] : memref<20x100xi32, #tpu.memory_space<vmem>> -> memref<1x100xi32, #tpu.memory_space<vmem>>
      %dma_wait3A_95 = tpu.memref_squeeze %dma_wait3A_94 : memref<1x100xi32, #tpu.memory_space<vmem>> -> memref<100xi32, #tpu.memory_space<vmem>>
      %dma_wait3A_96 = arith.constant 0 : i32
      %dma_wait3A_97 = arith.constant 0 : i32
      %dma_wait3A_98 = tpu.memref_slice %arg11[%dma_wait3A_96, %dma_wait3A_97] : memref<10000x128xf32, #tpu.memory_space<vmem_shared>> -> memref<10000x128xf32, #tpu.memory_space<vmem_shared>>
      tpu.wait_indirect_dma semaphore(%arg15 : memref<!tpu.dma_semaphore, #tpu.memory_space<semaphore_mem>>) src(%arg10 : memref<100x128xf32, #tpu.memory_space<vmem>>) dst(%dma_wait3A_98 : memref<10000x128xf32, #tpu.memory_space<vmem_shared>>)
      %dma_start3A_99 = arith.constant 3 : i32
      %dma_start3A_100 = arith.constant 0 : i32
      %dma_start3A_101 = tpu.memref_slice %arg7[%dma_start3A_99, %dma_start3A_100] : memref<20x100xi32, #tpu.memory_space<vmem>> -> memref<1x100xi32, #tpu.memory_space<vmem>>
      %dma_start3A_102 = tpu.memref_squeeze %dma_start3A_101 : memref<1x100xi32, #tpu.memory_space<vmem>> -> memref<100xi32, #tpu.memory_space<vmem>>
      %dma_start3A_103 = arith.constant 0 : i32
      %dma_start3A_104 = arith.constant 0 : i32
      %dma_start3A_105 = tpu.memref_slice %arg2[%dma_start3A_103, %dma_start3A_104] : memref<10000x128xf32, #tpu.memory_space<hbm>> -> memref<10000x128xf32, #tpu.memory_space<hbm>>
      tpu.enqueue_indirect_dma source(%dma_start3A_105 : memref<10000x128xf32, #tpu.memory_space<hbm>>) target(%arg10 : memref<100x128xf32, #tpu.memory_space<vmem>>) offsets(%dma_start3A_102 : memref<100xi32, #tpu.memory_space<vmem>>) semaphore(%arg13 : memref<!tpu.dma_semaphore, #tpu.memory_space<semaphore_mem>>)
      %dma_wait3A_106 = arith.constant 3 : i32
      %dma_wait3A_107 = arith.constant 0 : i32
      %dma_wait3A_108 = tpu.memref_slice %arg7[%dma_wait3A_106, %dma_wait3A_107] : memref<20x100xi32, #tpu.memory_space<vmem>> -> memref<1x100xi32, #tpu.memory_space<vmem>>
      %dma_wait3A_109 = tpu.memref_squeeze %dma_wait3A_108 : memref<1x100xi32, #tpu.memory_space<vmem>> -> memref<100xi32, #tpu.memory_space<vmem>>
      %dma_wait3A_110 = arith.constant 0 : i32
      %dma_wait3A_111 = arith.constant 0 : i32
      %dma_wait3A_112 = tpu.memref_slice %arg2[%dma_wait3A_110, %dma_wait3A_111] : memref<10000x128xf32, #tpu.memory_space<hbm>> -> memref<10000x128xf32, #tpu.memory_space<hbm>>
      tpu.wait_indirect_dma semaphore(%arg13 : memref<!tpu.dma_semaphore, #tpu.memory_space<semaphore_mem>>) src(%dma_wait3A_112 : memref<10000x128xf32, #tpu.memory_space<hbm>>) dst(%arg10 : memref<100x128xf32, #tpu.memory_space<vmem>>)
      %dma_start3A_113 = arith.constant 3 : i32
      %dma_start3A_114 = arith.constant 0 : i32
      %dma_start3A_115 = tpu.memref_slice %arg8[%dma_start3A_113, %dma_start3A_114] : memref<20x100xi32, #tpu.memory_space<vmem>> -> memref<1x100xi32, #tpu.memory_space<vmem>>
      %dma_start3A_116 = tpu.memref_squeeze %dma_start3A_115 : memref<1x100xi32, #tpu.memory_space<vmem>> -> memref<100xi32, #tpu.memory_space<vmem>>
      %dma_start3A_117 = arith.constant 0 : i32
      %dma_start3A_118 = arith.constant 0 : i32
      %dma_start3A_119 = tpu.memref_slice %arg11[%dma_start3A_117, %dma_start3A_118] : memref<10000x128xf32, #tpu.memory_space<vmem_shared>> -> memref<10000x128xf32, #tpu.memory_space<vmem_shared>>
      tpu.enqueue_indirect_dma source(%arg10 : memref<100x128xf32, #tpu.memory_space<vmem>>) target(%dma_start3A_119 : memref<10000x128xf32, #tpu.memory_space<vmem_shared>>) offsets(%dma_start3A_116 : memref<100xi32, #tpu.memory_space<vmem>>) semaphore(%arg15 : memref<!tpu.dma_semaphore, #tpu.memory_space<semaphore_mem>>) {add = true}
      %dma_wait3A_120 = arith.constant 2 : i32
      %dma_wait3A_121 = arith.constant 0 : i32
      %dma_wait3A_122 = tpu.memref_slice %arg8[%dma_wait3A_120, %dma_wait3A_121] : memref<20x100xi32, #tpu.memory_space<vmem>> -> memref<1x100xi32, #tpu.memory_space<vmem>>
      %dma_wait3A_123 = tpu.memref_squeeze %dma_wait3A_122 : memref<1x100xi32, #tpu.memory_space<vmem>> -> memref<100xi32, #tpu.memory_space<vmem>>
      %dma_wait3A_124 = arith.constant 0 : i32
      %dma_wait3A_125 = arith.constant 0 : i32
      %dma_wait3A_126 = tpu.memref_slice %arg11[%dma_wait3A_124, %dma_wait3A_125] : memref<10000x128xf32, #tpu.memory_space<vmem_shared>> -> memref<10000x128xf32, #tpu.memory_space<vmem_shared>>
      tpu.wait_indirect_dma semaphore(%arg14 : memref<!tpu.dma_semaphore, #tpu.memory_space<semaphore_mem>>) src(%arg9 : memref<100x128xf32, #tpu.memory_space<vmem>>) dst(%dma_wait3A_126 : memref<10000x128xf32, #tpu.memory_space<vmem_shared>>)
      %dma_start3A_127 = arith.constant 4 : i32
      %dma_start3A_128 = arith.constant 0 : i32
      %dma_start3A_129 = tpu.memref_slice %arg7[%dma_start3A_127, %dma_start3A_128] : memref<20x100xi32, #tpu.memory_space<vmem>> -> memref<1x100xi32, #tpu.memory_space<vmem>>
      %dma_start3A_130 = tpu.memref_squeeze %dma_start3A_129 : memref<1x100xi32, #tpu.memory_space<vmem>> -> memref<100xi32, #tpu.memory_space<vmem>>
      %dma_start3A_131 = arith.constant 0 : i32
      %dma_start3A_132 = arith.constant 0 : i32
      %dma_start3A_133 = tpu.memref_slice %arg2[%dma_start3A_131, %dma_start3A_132] : memref<10000x128xf32, #tpu.memory_space<hbm>> -> memref<10000x128xf32, #tpu.memory_space<hbm>>
      tpu.enqueue_indirect_dma source(%dma_start3A_133 : memref<10000x128xf32, #tpu.memory_space<hbm>>) target(%arg9 : memref<100x128xf32, #tpu.memory_space<vmem>>) offsets(%dma_start3A_130 : memref<100xi32, #tpu.memory_space<vmem>>) semaphore(%arg12 : memref<!tpu.dma_semaphore, #tpu.memory_space<semaphore_mem>>)
      %dma_wait3A_134 = arith.constant 4 : i32
      %dma_wait3A_135 = arith.constant 0 : i32
      %dma_wait3A_136 = tpu.memref_slice %arg7[%dma_wait3A_134, %dma_wait3A_135] : memref<20x100xi32, #tpu.memory_space<vmem>> -> memref<1x100xi32, #tpu.memory_space<vmem>>
      %dma_wait3A_137 = tpu.memref_squeeze %dma_wait3A_136 : memref<1x100xi32, #tpu.memory_space<vmem>> -> memref<100xi32, #tpu.memory_space<vmem>>
      %dma_wait3A_138 = arith.constant 0 : i32
      %dma_wait3A_139 = arith.constant 0 : i32
      %dma_wait3A_140 = tpu.memref_slice %arg2[%dma_wait3A_138, %dma_wait3A_139] : memref<10000x128xf32, #tpu.memory_space<hbm>> -> memref<10000x128xf32, #tpu.memory_space<hbm>>
      tpu.wait_indirect_dma semaphore(%arg12 : memref<!tpu.dma_semaphore, #tpu.memory_space<semaphore_mem>>) src(%dma_wait3A_140 : memref<10000x128xf32, #tpu.memory_space<hbm>>) dst(%arg9 : memref<100x128xf32, #tpu.memory_space<vmem>>)
      %dma_start3A_141 = arith.constant 4 : i32
      %dma_start3A_142 = arith.constant 0 : i32
      %dma_start3A_143 = tpu.memref_slice %arg8[%dma_start3A_141, %dma_start3A_142] : memref<20x100xi32, #tpu.memory_space<vmem>> -> memref<1x100xi32, #tpu.memory_space<vmem>>
      %dma_start3A_144 = tpu.memref_squeeze %dma_start3A_143 : memref<1x100xi32, #tpu.memory_space<vmem>> -> memref<100xi32, #tpu.memory_space<vmem>>
      %dma_start3A_145 = arith.constant 0 : i32
      %dma_start3A_146 = arith.constant 0 : i32
      %dma_start3A_147 = tpu.memref_slice %arg11[%dma_start3A_145, %dma_start3A_146] : memref<10000x128xf32, #tpu.memory_space<vmem_shared>> -> memref<10000x128xf32, #tpu.memory_space<vmem_shared>>
      tpu.enqueue_indirect_dma source(%arg9 : memref<100x128xf32, #tpu.memory_space<vmem>>) target(%dma_start3A_147 : memref<10000x128xf32, #tpu.memory_space<vmem_shared>>) offsets(%dma_start3A_144 : memref<100xi32, #tpu.memory_space<vmem>>) semaphore(%arg14 : memref<!tpu.dma_semaphore, #tpu.memory_space<semaphore_mem>>) {add = true}
      %dma_wait3A_148 = arith.constant 3 : i32
      %dma_wait3A_149 = arith.constant 0 : i32
      %dma_wait3A_150 = tpu.memref_slice %arg8[%dma_wait3A_148, %dma_wait3A_149] : memref<20x100xi32, #tpu.memory_space<vmem>> -> memref<1x100xi32, #tpu.memory_space<vmem>>
      %dma_wait3A_151 = tpu.memref_squeeze %dma_wait3A_150 : memref<1x100xi32, #tpu.memory_space<vmem>> -> memref<100xi32, #tpu.memory_space<vmem>>
      %dma_wait3A_152 = arith.constant 0 : i32
      %dma_wait3A_153 = arith.constant 0 : i32
      %dma_wait3A_154 = tpu.memref_slice %arg11[%dma_wait3A_152, %dma_wait3A_153] : memref<10000x128xf32, #tpu.memory_space<vmem_shared>> -> memref<10000x128xf32, #tpu.memory_space<vmem_shared>>
      tpu.wait_indirect_dma semaphore(%arg15 : memref<!tpu.dma_semaphore, #tpu.memory_space<semaphore_mem>>) src(%arg10 : memref<100x128xf32, #tpu.memory_space<vmem>>) dst(%dma_wait3A_154 : memref<10000x128xf32, #tpu.memory_space<vmem_shared>>)
      %dma_start3A_155 = arith.constant 5 : i32
      %dma_start3A_156 = arith.constant 0 : i32
      %dma_start3A_157 = tpu.memref_slice %arg7[%dma_start3A_155, %dma_start3A_156] : memref<20x100xi32, #tpu.memory_space<vmem>> -> memref<1x100xi32, #tpu.memory_space<vmem>>
      %dma_start3A_158 = tpu.memref_squeeze %dma_start3A_157 : memref<1x100xi32, #tpu.memory_space<vmem>> -> memref<100xi32, #tpu.memory_space<vmem>>
      %dma_start3A_159 = arith.constant 0 : i32
      %dma_start3A_160 = arith.constant 0 : i32
      %dma_start3A_161 = tpu.memref_slice %arg2[%dma_start3A_159, %dma_start3A_160] : memref<10000x128xf32, #tpu.memory_space<hbm>> -> memref<10000x128xf32, #tpu.memory_space<hbm>>
      tpu.enqueue_indirect_dma source(%dma_start3A_161 : memref<10000x128xf32, #tpu.memory_space<hbm>>) target(%arg10 : memref<100x128xf32, #tpu.memory_space<vmem>>) offsets(%dma_start3A_158 : memref<100xi32, #tpu.memory_space<vmem>>) semaphore(%arg13 : memref<!tpu.dma_semaphore, #tpu.memory_space<semaphore_mem>>)
      %dma_wait3A_162 = arith.constant 5 : i32
      %dma_wait3A_163 = arith.constant 0 : i32
      %dma_wait3A_164 = tpu.memref_slice %arg7[%dma_wait3A_162, %dma_wait3A_163] : memref<20x100xi32, #tpu.memory_space<vmem>> -> memref<1x100xi32, #tpu.memory_space<vmem>>
      %dma_wait3A_165 = tpu.memref_squeeze %dma_wait3A_164 : memref<1x100xi32, #tpu.memory_space<vmem>> -> memref<100xi32, #tpu.memory_space<vmem>>
      %dma_wait3A_166 = arith.constant 0 : i32
      %dma_wait3A_167 = arith.constant 0 : i32
      %dma_wait3A_168 = tpu.memref_slice %arg2[%dma_wait3A_166, %dma_wait3A_167] : memref<10000x128xf32, #tpu.memory_space<hbm>> -> memref<10000x128xf32, #tpu.memory_space<hbm>>
      tpu.wait_indirect_dma semaphore(%arg13 : memref<!tpu.dma_semaphore, #tpu.memory_space<semaphore_mem>>) src(%dma_wait3A_168 : memref<10000x128xf32, #tpu.memory_space<hbm>>) dst(%arg10 : memref<100x128xf32, #tpu.memory_space<vmem>>)
      %dma_start3A_169 = arith.constant 5 : i32
      %dma_start3A_170 = arith.constant 0 : i32
      %dma_start3A_171 = tpu.memref_slice %arg8[%dma_start3A_169, %dma_start3A_170] : memref<20x100xi32, #tpu.memory_space<vmem>> -> memref<1x100xi32, #tpu.memory_space<vmem>>
      %dma_start3A_172 = tpu.memref_squeeze %dma_start3A_171 : memref<1x100xi32, #tpu.memory_space<vmem>> -> memref<100xi32, #tpu.memory_space<vmem>>
      %dma_start3A_173 = arith.constant 0 : i32
      %dma_start3A_174 = arith.constant 0 : i32
      %dma_start3A_175 = tpu.memref_slice %arg11[%dma_start3A_173, %dma_start3A_174] : memref<10000x128xf32, #tpu.memory_space<vmem_shared>> -> memref<10000x128xf32, #tpu.memory_space<vmem_shared>>
      tpu.enqueue_indirect_dma source(%arg10 : memref<100x128xf32, #tpu.memory_space<vmem>>) target(%dma_start3A_175 : memref<10000x128xf32, #tpu.memory_space<vmem_shared>>) offsets(%dma_start3A_172 : memref<100xi32, #tpu.memory_space<vmem>>) semaphore(%arg15 : memref<!tpu.dma_semaphore, #tpu.memory_space<semaphore_mem>>) {add = true}
      %dma_wait3A_176 = arith.constant 4 : i32
      %dma_wait3A_177 = arith.constant 0 : i32
      %dma_wait3A_178 = tpu.memref_slice %arg8[%dma_wait3A_176, %dma_wait3A_177] : memref<20x100xi32, #tpu.memory_space<vmem>> -> memref<1x100xi32, #tpu.memory_space<vmem>>
      %dma_wait3A_179 = tpu.memref_squeeze %dma_wait3A_178 : memref<1x100xi32, #tpu.memory_space<vmem>> -> memref<100xi32, #tpu.memory_space<vmem>>
      %dma_wait3A_180 = arith.constant 0 : i32
      %dma_wait3A_181 = arith.constant 0 : i32
      %dma_wait3A_182 = tpu.memref_slice %arg11[%dma_wait3A_180, %dma_wait3A_181] : memref<10000x128xf32, #tpu.memory_space<vmem_shared>> -> memref<10000x128xf32, #tpu.memory_space<vmem_shared>>
      tpu.wait_indirect_dma semaphore(%arg14 : memref<!tpu.dma_semaphore, #tpu.memory_space<semaphore_mem>>) src(%arg9 : memref<100x128xf32, #tpu.memory_space<vmem>>) dst(%dma_wait3A_182 : memref<10000x128xf32, #tpu.memory_space<vmem_shared>>)
      %dma_start3A_183 = arith.constant 6 : i32
      %dma_start3A_184 = arith.constant 0 : i32
      %dma_start3A_185 = tpu.memref_slice %arg7[%dma_start3A_183, %dma_start3A_184] : memref<20x100xi32, #tpu.memory_space<vmem>> -> memref<1x100xi32, #tpu.memory_space<vmem>>
      %dma_start3A_186 = tpu.memref_squeeze %dma_start3A_185 : memref<1x100xi32, #tpu.memory_space<vmem>> -> memref<100xi32, #tpu.memory_space<vmem>>
      %dma_start3A_187 = arith.constant 0 : i32
      %dma_start3A_188 = arith.constant 0 : i32
      %dma_start3A_189 = tpu.memref_slice %arg2[%dma_start3A_187, %dma_start3A_188] : memref<10000x128xf32, #tpu.memory_space<hbm>> -> memref<10000x128xf32, #tpu.memory_space<hbm>>
      tpu.enqueue_indirect_dma source(%dma_start3A_189 : memref<10000x128xf32, #tpu.memory_space<hbm>>) target(%arg9 : memref<100x128xf32, #tpu.memory_space<vmem>>) offsets(%dma_start3A_186 : memref<100xi32, #tpu.memory_space<vmem>>) semaphore(%arg12 : memref<!tpu.dma_semaphore, #tpu.memory_space<semaphore_mem>>)
      %dma_wait3A_190 = arith.constant 6 : i32
      %dma_wait3A_191 = arith.constant 0 : i32
      %dma_wait3A_192 = tpu.memref_slice %arg7[%dma_wait3A_190, %dma_wait3A_191] : memref<20x100xi32, #tpu.memory_space<vmem>> -> memref<1x100xi32, #tpu.memory_space<vmem>>
      %dma_wait3A_193 = tpu.memref_squeeze %dma_wait3A_192 : memref<1x100xi32, #tpu.memory_space<vmem>> -> memref<100xi32, #tpu.memory_space<vmem>>
      %dma_wait3A_194 = arith.constant 0 : i32
      %dma_wait3A_195 = arith.constant 0 : i32
      %dma_wait3A_196 = tpu.memref_slice %arg2[%dma_wait3A_194, %dma_wait3A_195] : memref<10000x128xf32, #tpu.memory_space<hbm>> -> memref<10000x128xf32, #tpu.memory_space<hbm>>
      tpu.wait_indirect_dma semaphore(%arg12 : memref<!tpu.dma_semaphore, #tpu.memory_space<semaphore_mem>>) src(%dma_wait3A_196 : memref<10000x128xf32, #tpu.memory_space<hbm>>) dst(%arg9 : memref<100x128xf32, #tpu.memory_space<vmem>>)
      %dma_start3A_197 = arith.constant 6 : i32
      %dma_start3A_198 = arith.constant 0 : i32
      %dma_start3A_199 = tpu.memref_slice %arg8[%dma_start3A_197, %dma_start3A_198] : memref<20x100xi32, #tpu.memory_space<vmem>> -> memref<1x100xi32, #tpu.memory_space<vmem>>
      %dma_start3A_200 = tpu.memref_squeeze %dma_start3A_199 : memref<1x100xi32, #tpu.memory_space<vmem>> -> memref<100xi32, #tpu.memory_space<vmem>>
      %dma_start3A_201 = arith.constant 0 : i32
      %dma_start3A_202 = arith.constant 0 : i32
      %dma_start3A_203 = tpu.memref_slice %arg11[%dma_start3A_201, %dma_start3A_202] : memref<10000x128xf32, #tpu.memory_space<vmem_shared>> -> memref<10000x128xf32, #tpu.memory_space<vmem_shared>>
      tpu.enqueue_indirect_dma source(%arg9 : memref<100x128xf32, #tpu.memory_space<vmem>>) target(%dma_start3A_203 : memref<10000x128xf32, #tpu.memory_space<vmem_shared>>) offsets(%dma_start3A_200 : memref<100xi32, #tpu.memory_space<vmem>>) semaphore(%arg14 : memref<!tpu.dma_semaphore, #tpu.memory_space<semaphore_mem>>) {add = true}
      %dma_wait3A_204 = arith.constant 5 : i32
      %dma_wait3A_205 = arith.constant 0 : i32
      %dma_wait3A_206 = tpu.memref_slice %arg8[%dma_wait3A_204, %dma_wait3A_205] : memref<20x100xi32, #tpu.memory_space<vmem>> -> memref<1x100xi32, #tpu.memory_space<vmem>>
      %dma_wait3A_207 = tpu.memref_squeeze %dma_wait3A_206 : memref<1x100xi32, #tpu.memory_space<vmem>> -> memref<100xi32, #tpu.memory_space<vmem>>
      %dma_wait3A_208 = arith.constant 0 : i32
      %dma_wait3A_209 = arith.constant 0 : i32
      %dma_wait3A_210 = tpu.memref_slice %arg11[%dma_wait3A_208, %dma_wait3A_209] : memref<10000x128xf32, #tpu.memory_space<vmem_shared>> -> memref<10000x128xf32, #tpu.memory_space<vmem_shared>>
      tpu.wait_indirect_dma semaphore(%arg15 : memref<!tpu.dma_semaphore, #tpu.memory_space<semaphore_mem>>) src(%arg10 : memref<100x128xf32, #tpu.memory_space<vmem>>) dst(%dma_wait3A_210 : memref<10000x128xf32, #tpu.memory_space<vmem_shared>>)
      %dma_start3A_211 = arith.constant 7 : i32
      %dma_start3A_212 = arith.constant 0 : i32
      %dma_start3A_213 = tpu.memref_slice %arg7[%dma_start3A_211, %dma_start3A_212] : memref<20x100xi32, #tpu.memory_space<vmem>> -> memref<1x100xi32, #tpu.memory_space<vmem>>
      %dma_start3A_214 = tpu.memref_squeeze %dma_start3A_213 : memref<1x100xi32, #tpu.memory_space<vmem>> -> memref<100xi32, #tpu.memory_space<vmem>>
      %dma_start3A_215 = arith.constant 0 : i32
      %dma_start3A_216 = arith.constant 0 : i32
      %dma_start3A_217 = tpu.memref_slice %arg2[%dma_start3A_215, %dma_start3A_216] : memref<10000x128xf32, #tpu.memory_space<hbm>> -> memref<10000x128xf32, #tpu.memory_space<hbm>>
      tpu.enqueue_indirect_dma source(%dma_start3A_217 : memref<10000x128xf32, #tpu.memory_space<hbm>>) target(%arg10 : memref<100x128xf32, #tpu.memory_space<vmem>>) offsets(%dma_start3A_214 : memref<100xi32, #tpu.memory_space<vmem>>) semaphore(%arg13 : memref<!tpu.dma_semaphore, #tpu.memory_space<semaphore_mem>>)
      %dma_wait3A_218 = arith.constant 7 : i32
      %dma_wait3A_219 = arith.constant 0 : i32
      %dma_wait3A_220 = tpu.memref_slice %arg7[%dma_wait3A_218, %dma_wait3A_219] : memref<20x100xi32, #tpu.memory_space<vmem>> -> memref<1x100xi32, #tpu.memory_space<vmem>>
      %dma_wait3A_221 = tpu.memref_squeeze %dma_wait3A_220 : memref<1x100xi32, #tpu.memory_space<vmem>> -> memref<100xi32, #tpu.memory_space<vmem>>
      %dma_wait3A_222 = arith.constant 0 : i32
      %dma_wait3A_223 = arith.constant 0 : i32
      %dma_wait3A_224 = tpu.memref_slice %arg2[%dma_wait3A_222, %dma_wait3A_223] : memref<10000x128xf32, #tpu.memory_space<hbm>> -> memref<10000x128xf32, #tpu.memory_space<hbm>>
      tpu.wait_indirect_dma semaphore(%arg13 : memref<!tpu.dma_semaphore, #tpu.memory_space<semaphore_mem>>) src(%dma_wait3A_224 : memref<10000x128xf32, #tpu.memory_space<hbm>>) dst(%arg10 : memref<100x128xf32, #tpu.memory_space<vmem>>)
      %dma_start3A_225 = arith.constant 7 : i32
      %dma_start3A_226 = arith.constant 0 : i32
      %dma_start3A_227 = tpu.memref_slice %arg8[%dma_start3A_225, %dma_start3A_226] : memref<20x100xi32, #tpu.memory_space<vmem>> -> memref<1x100xi32, #tpu.memory_space<vmem>>
      %dma_start3A_228 = tpu.memref_squeeze %dma_start3A_227 : memref<1x100xi32, #tpu.memory_space<vmem>> -> memref<100xi32, #tpu.memory_space<vmem>>
      %dma_start3A_229 = arith.constant 0 : i32
      %dma_start3A_230 = arith.constant 0 : i32
      %dma_start3A_231 = tpu.memref_slice %arg11[%dma_start3A_229, %dma_start3A_230] : memref<10000x128xf32, #tpu.memory_space<vmem_shared>> -> memref<10000x128xf32, #tpu.memory_space<vmem_shared>>
      tpu.enqueue_indirect_dma source(%arg10 : memref<100x128xf32, #tpu.memory_space<vmem>>) target(%dma_start3A_231 : memref<10000x128xf32, #tpu.memory_space<vmem_shared>>) offsets(%dma_start3A_228 : memref<100xi32, #tpu.memory_space<vmem>>) semaphore(%arg15 : memref<!tpu.dma_semaphore, #tpu.memory_space<semaphore_mem>>) {add = true}
      %dma_wait3A_232 = arith.constant 6 : i32
      %dma_wait3A_233 = arith.constant 0 : i32
      %dma_wait3A_234 = tpu.memref_slice %arg8[%dma_wait3A_232, %dma_wait3A_233] : memref<20x100xi32, #tpu.memory_space<vmem>> -> memref<1x100xi32, #tpu.memory_space<vmem>>
      %dma_wait3A_235 = tpu.memref_squeeze %dma_wait3A_234 : memref<1x100xi32, #tpu.memory_space<vmem>> -> memref<100xi32, #tpu.memory_space<vmem>>
      %dma_wait3A_236 = arith.constant 0 : i32
      %dma_wait3A_237 = arith.constant 0 : i32
      %dma_wait3A_238 = tpu.memref_slice %arg11[%dma_wait3A_236, %dma_wait3A_237] : memref<10000x128xf32, #tpu.memory_space<vmem_shared>> -> memref<10000x128xf32, #tpu.memory_space<vmem_shared>>
      tpu.wait_indirect_dma semaphore(%arg14 : memref<!tpu.dma_semaphore, #tpu.memory_space<semaphore_mem>>) src(%arg9 : memref<100x128xf32, #tpu.memory_space<vmem>>) dst(%dma_wait3A_238 : memref<10000x128xf32, #tpu.memory_space<vmem_shared>>)
      %dma_start3A_239 = arith.constant 8 : i32
      %dma_start3A_240 = arith.constant 0 : i32
      %dma_start3A_241 = tpu.memref_slice %arg7[%dma_start3A_239, %dma_start3A_240] : memref<20x100xi32, #tpu.memory_space<vmem>> -> memref<1x100xi32, #tpu.memory_space<vmem>>
      %dma_start3A_242 = tpu.memref_squeeze %dma_start3A_241 : memref<1x100xi32, #tpu.memory_space<vmem>> -> memref<100xi32, #tpu.memory_space<vmem>>
      %dma_start3A_243 = arith.constant 0 : i32
      %dma_start3A_244 = arith.constant 0 : i32
      %dma_start3A_245 = tpu.memref_slice %arg2[%dma_start3A_243, %dma_start3A_244] : memref<10000x128xf32, #tpu.memory_space<hbm>> -> memref<10000x128xf32, #tpu.memory_space<hbm>>
      tpu.enqueue_indirect_dma source(%dma_start3A_245 : memref<10000x128xf32, #tpu.memory_space<hbm>>) target(%arg9 : memref<100x128xf32, #tpu.memory_space<vmem>>) offsets(%dma_start3A_242 : memref<100xi32, #tpu.memory_space<vmem>>) semaphore(%arg12 : memref<!tpu.dma_semaphore, #tpu.memory_space<semaphore_mem>>)
      %dma_wait3A_246 = arith.constant 8 : i32
      %dma_wait3A_247 = arith.constant 0 : i32
      %dma_wait3A_248 = tpu.memref_slice %arg7[%dma_wait3A_246, %dma_wait3A_247] : memref<20x100xi32, #tpu.memory_space<vmem>> -> memref<1x100xi32, #tpu.memory_space<vmem>>
      %dma_wait3A_249 = tpu.memref_squeeze %dma_wait3A_248 : memref<1x100xi32, #tpu.memory_space<vmem>> -> memref<100xi32, #tpu.memory_space<vmem>>
      %dma_wait3A_250 = arith.constant 0 : i32
      %dma_wait3A_251 = arith.constant 0 : i32
      %dma_wait3A_252 = tpu.memref_slice %arg2[%dma_wait3A_250, %dma_wait3A_251] : memref<10000x128xf32, #tpu.memory_space<hbm>> -> memref<10000x128xf32, #tpu.memory_space<hbm>>
      tpu.wait_indirect_dma semaphore(%arg12 : memref<!tpu.dma_semaphore, #tpu.memory_space<semaphore_mem>>) src(%dma_wait3A_252 : memref<10000x128xf32, #tpu.memory_space<hbm>>) dst(%arg9 : memref<100x128xf32, #tpu.memory_space<vmem>>)
      %dma_start3A_253 = arith.constant 8 : i32
      %dma_start3A_254 = arith.constant 0 : i32
      %dma_start3A_255 = tpu.memref_slice %arg8[%dma_start3A_253, %dma_start3A_254] : memref<20x100xi32, #tpu.memory_space<vmem>> -> memref<1x100xi32, #tpu.memory_space<vmem>>
      %dma_start3A_256 = tpu.memref_squeeze %dma_start3A_255 : memref<1x100xi32, #tpu.memory_space<vmem>> -> memref<100xi32, #tpu.memory_space<vmem>>
      %dma_start3A_257 = arith.constant 0 : i32
      %dma_start3A_258 = arith.constant 0 : i32
      %dma_start3A_259 = tpu.memref_slice %arg11[%dma_start3A_257, %dma_start3A_258] : memref<10000x128xf32, #tpu.memory_space<vmem_shared>> -> memref<10000x128xf32, #tpu.memory_space<vmem_shared>>
      tpu.enqueue_indirect_dma source(%arg9 : memref<100x128xf32, #tpu.memory_space<vmem>>) target(%dma_start3A_259 : memref<10000x128xf32, #tpu.memory_space<vmem_shared>>) offsets(%dma_start3A_256 : memref<100xi32, #tpu.memory_space<vmem>>) semaphore(%arg14 : memref<!tpu.dma_semaphore, #tpu.memory_space<semaphore_mem>>) {add = true}
      %dma_wait3A_260 = arith.constant 7 : i32
      %dma_wait3A_261 = arith.constant 0 : i32
      %dma_wait3A_262 = tpu.memref_slice %arg8[%dma_wait3A_260, %dma_wait3A_261] : memref<20x100xi32, #tpu.memory_space<vmem>> -> memref<1x100xi32, #tpu.memory_space<vmem>>
      %dma_wait3A_263 = tpu.memref_squeeze %dma_wait3A_262 : memref<1x100xi32, #tpu.memory_space<vmem>> -> memref<100xi32, #tpu.memory_space<vmem>>
      %dma_wait3A_264 = arith.constant 0 : i32
      %dma_wait3A_265 = arith.constant 0 : i32
      %dma_wait3A_266 = tpu.memref_slice %arg11[%dma_wait3A_264, %dma_wait3A_265] : memref<10000x128xf32, #tpu.memory_space<vmem_shared>> -> memref<10000x128xf32, #tpu.memory_space<vmem_shared>>
      tpu.wait_indirect_dma semaphore(%arg15 : memref<!tpu.dma_semaphore, #tpu.memory_space<semaphore_mem>>) src(%arg10 : memref<100x128xf32, #tpu.memory_space<vmem>>) dst(%dma_wait3A_266 : memref<10000x128xf32, #tpu.memory_space<vmem_shared>>)
      %dma_start3A_267 = arith.constant 9 : i32
      %dma_start3A_268 = arith.constant 0 : i32
      %dma_start3A_269 = tpu.memref_slice %arg7[%dma_start3A_267, %dma_start3A_268] : memref<20x100xi32, #tpu.memory_space<vmem>> -> memref<1x100xi32, #tpu.memory_space<vmem>>
      %dma_start3A_270 = tpu.memref_squeeze %dma_start3A_269 : memref<1x100xi32, #tpu.memory_space<vmem>> -> memref<100xi32, #tpu.memory_space<vmem>>
      %dma_start3A_271 = arith.constant 0 : i32
      %dma_start3A_272 = arith.constant 0 : i32
      %dma_start3A_273 = tpu.memref_slice %arg2[%dma_start3A_271, %dma_start3A_272] : memref<10000x128xf32, #tpu.memory_space<hbm>> -> memref<10000x128xf32, #tpu.memory_space<hbm>>
      tpu.enqueue_indirect_dma source(%dma_start3A_273 : memref<10000x128xf32, #tpu.memory_space<hbm>>) target(%arg10 : memref<100x128xf32, #tpu.memory_space<vmem>>) offsets(%dma_start3A_270 : memref<100xi32, #tpu.memory_space<vmem>>) semaphore(%arg13 : memref<!tpu.dma_semaphore, #tpu.memory_space<semaphore_mem>>)
      %dma_wait3A_274 = arith.constant 9 : i32
      %dma_wait3A_275 = arith.constant 0 : i32
      %dma_wait3A_276 = tpu.memref_slice %arg7[%dma_wait3A_274, %dma_wait3A_275] : memref<20x100xi32, #tpu.memory_space<vmem>> -> memref<1x100xi32, #tpu.memory_space<vmem>>
      %dma_wait3A_277 = tpu.memref_squeeze %dma_wait3A_276 : memref<1x100xi32, #tpu.memory_space<vmem>> -> memref<100xi32, #tpu.memory_space<vmem>>
      %dma_wait3A_278 = arith.constant 0 : i32
      %dma_wait3A_279 = arith.constant 0 : i32
      %dma_wait3A_280 = tpu.memref_slice %arg2[%dma_wait3A_278, %dma_wait3A_279] : memref<10000x128xf32, #tpu.memory_space<hbm>> -> memref<10000x128xf32, #tpu.memory_space<hbm>>
      tpu.wait_indirect_dma semaphore(%arg13 : memref<!tpu.dma_semaphore, #tpu.memory_space<semaphore_mem>>) src(%dma_wait3A_280 : memref<10000x128xf32, #tpu.memory_space<hbm>>) dst(%arg10 : memref<100x128xf32, #tpu.memory_space<vmem>>)
      %dma_start3A_281 = arith.constant 9 : i32
      %dma_start3A_282 = arith.constant 0 : i32
      %dma_start3A_283 = tpu.memref_slice %arg8[%dma_start3A_281, %dma_start3A_282] : memref<20x100xi32, #tpu.memory_space<vmem>> -> memref<1x100xi32, #tpu.memory_space<vmem>>
      %dma_start3A_284 = tpu.memref_squeeze %dma_start3A_283 : memref<1x100xi32, #tpu.memory_space<vmem>> -> memref<100xi32, #tpu.memory_space<vmem>>
      %dma_start3A_285 = arith.constant 0 : i32
      %dma_start3A_286 = arith.constant 0 : i32
      %dma_start3A_287 = tpu.memref_slice %arg11[%dma_start3A_285, %dma_start3A_286] : memref<10000x128xf32, #tpu.memory_space<vmem_shared>> -> memref<10000x128xf32, #tpu.memory_space<vmem_shared>>
      tpu.enqueue_indirect_dma source(%arg10 : memref<100x128xf32, #tpu.memory_space<vmem>>) target(%dma_start3A_287 : memref<10000x128xf32, #tpu.memory_space<vmem_shared>>) offsets(%dma_start3A_284 : memref<100xi32, #tpu.memory_space<vmem>>) semaphore(%arg15 : memref<!tpu.dma_semaphore, #tpu.memory_space<semaphore_mem>>) {add = true}
      %dma_wait3A_288 = arith.constant 8 : i32
      %dma_wait3A_289 = arith.constant 0 : i32
      %dma_wait3A_290 = tpu.memref_slice %arg8[%dma_wait3A_288, %dma_wait3A_289] : memref<20x100xi32, #tpu.memory_space<vmem>> -> memref<1x100xi32, #tpu.memory_space<vmem>>
      %dma_wait3A_291 = tpu.memref_squeeze %dma_wait3A_290 : memref<1x100xi32, #tpu.memory_space<vmem>> -> memref<100xi32, #tpu.memory_space<vmem>>
      %dma_wait3A_292 = arith.constant 0 : i32
      %dma_wait3A_293 = arith.constant 0 : i32
      %dma_wait3A_294 = tpu.memref_slice %arg11[%dma_wait3A_292, %dma_wait3A_293] : memref<10000x128xf32, #tpu.memory_space<vmem_shared>> -> memref<10000x128xf32, #tpu.memory_space<vmem_shared>>
      tpu.wait_indirect_dma semaphore(%arg14 : memref<!tpu.dma_semaphore, #tpu.memory_space<semaphore_mem>>) src(%arg9 : memref<100x128xf32, #tpu.memory_space<vmem>>) dst(%dma_wait3A_294 : memref<10000x128xf32, #tpu.memory_space<vmem_shared>>)
      %dma_start3A_295 = arith.constant 10 : i32
      %dma_start3A_296 = arith.constant 0 : i32
      %dma_start3A_297 = tpu.memref_slice %arg7[%dma_start3A_295, %dma_start3A_296] : memref<20x100xi32, #tpu.memory_space<vmem>> -> memref<1x100xi32, #tpu.memory_space<vmem>>
      %dma_start3A_298 = tpu.memref_squeeze %dma_start3A_297 : memref<1x100xi32, #tpu.memory_space<vmem>> -> memref<100xi32, #tpu.memory_space<vmem>>
      %dma_start3A_299 = arith.constant 0 : i32
      %dma_start3A_300 = arith.constant 0 : i32
      %dma_start3A_301 = tpu.memref_slice %arg2[%dma_start3A_299, %dma_start3A_300] : memref<10000x128xf32, #tpu.memory_space<hbm>> -> memref<10000x128xf32, #tpu.memory_space<hbm>>
      tpu.enqueue_indirect_dma source(%dma_start3A_301 : memref<10000x128xf32, #tpu.memory_space<hbm>>) target(%arg9 : memref<100x128xf32, #tpu.memory_space<vmem>>) offsets(%dma_start3A_298 : memref<100xi32, #tpu.memory_space<vmem>>) semaphore(%arg12 : memref<!tpu.dma_semaphore, #tpu.memory_space<semaphore_mem>>)
      %dma_wait3A_302 = arith.constant 10 : i32
      %dma_wait3A_303 = arith.constant 0 : i32
      %dma_wait3A_304 = tpu.memref_slice %arg7[%dma_wait3A_302, %dma_wait3A_303] : memref<20x100xi32, #tpu.memory_space<vmem>> -> memref<1x100xi32, #tpu.memory_space<vmem>>
      %dma_wait3A_305 = tpu.memref_squeeze %dma_wait3A_304 : memref<1x100xi32, #tpu.memory_space<vmem>> -> memref<100xi32, #tpu.memory_space<vmem>>
      %dma_wait3A_306 = arith.constant 0 : i32
      %dma_wait3A_307 = arith.constant 0 : i32
      %dma_wait3A_308 = tpu.memref_slice %arg2[%dma_wait3A_306, %dma_wait3A_307] : memref<10000x128xf32, #tpu.memory_space<hbm>> -> memref<10000x128xf32, #tpu.memory_space<hbm>>
      tpu.wait_indirect_dma semaphore(%arg12 : memref<!tpu.dma_semaphore, #tpu.memory_space<semaphore_mem>>) src(%dma_wait3A_308 : memref<10000x128xf32, #tpu.memory_space<hbm>>) dst(%arg9 : memref<100x128xf32, #tpu.memory_space<vmem>>)
      %dma_start3A_309 = arith.constant 10 : i32
      %dma_start3A_310 = arith.constant 0 : i32
      %dma_start3A_311 = tpu.memref_slice %arg8[%dma_start3A_309, %dma_start3A_310] : memref<20x100xi32, #tpu.memory_space<vmem>> -> memref<1x100xi32, #tpu.memory_space<vmem>>
      %dma_start3A_312 = tpu.memref_squeeze %dma_start3A_311 : memref<1x100xi32, #tpu.memory_space<vmem>> -> memref<100xi32, #tpu.memory_space<vmem>>
      %dma_start3A_313 = arith.constant 0 : i32
      %dma_start3A_314 = arith.constant 0 : i32
      %dma_start3A_315 = tpu.memref_slice %arg11[%dma_start3A_313, %dma_start3A_314] : memref<10000x128xf32, #tpu.memory_space<vmem_shared>> -> memref<10000x128xf32, #tpu.memory_space<vmem_shared>>
      tpu.enqueue_indirect_dma source(%arg9 : memref<100x128xf32, #tpu.memory_space<vmem>>) target(%dma_start3A_315 : memref<10000x128xf32, #tpu.memory_space<vmem_shared>>) offsets(%dma_start3A_312 : memref<100xi32, #tpu.memory_space<vmem>>) semaphore(%arg14 : memref<!tpu.dma_semaphore, #tpu.memory_space<semaphore_mem>>) {add = true}
      %dma_wait3A_316 = arith.constant 9 : i32
      %dma_wait3A_317 = arith.constant 0 : i32
      %dma_wait3A_318 = tpu.memref_slice %arg8[%dma_wait3A_316, %dma_wait3A_317] : memref<20x100xi32, #tpu.memory_space<vmem>> -> memref<1x100xi32, #tpu.memory_space<vmem>>
      %dma_wait3A_319 = tpu.memref_squeeze %dma_wait3A_318 : memref<1x100xi32, #tpu.memory_space<vmem>> -> memref<100xi32, #tpu.memory_space<vmem>>
      %dma_wait3A_320 = arith.constant 0 : i32
      %dma_wait3A_321 = arith.constant 0 : i32
      %dma_wait3A_322 = tpu.memref_slice %arg11[%dma_wait3A_320, %dma_wait3A_321] : memref<10000x128xf32, #tpu.memory_space<vmem_shared>> -> memref<10000x128xf32, #tpu.memory_space<vmem_shared>>
      tpu.wait_indirect_dma semaphore(%arg15 : memref<!tpu.dma_semaphore, #tpu.memory_space<semaphore_mem>>) src(%arg10 : memref<100x128xf32, #tpu.memory_space<vmem>>) dst(%dma_wait3A_322 : memref<10000x128xf32, #tpu.memory_space<vmem_shared>>)
      %dma_start3A_323 = arith.constant 11 : i32
      %dma_start3A_324 = arith.constant 0 : i32
      %dma_start3A_325 = tpu.memref_slice %arg7[%dma_start3A_323, %dma_start3A_324] : memref<20x100xi32, #tpu.memory_space<vmem>> -> memref<1x100xi32, #tpu.memory_space<vmem>>
      %dma_start3A_326 = tpu.memref_squeeze %dma_start3A_325 : memref<1x100xi32, #tpu.memory_space<vmem>> -> memref<100xi32, #tpu.memory_space<vmem>>
      %dma_start3A_327 = arith.constant 0 : i32
      %dma_start3A_328 = arith.constant 0 : i32
      %dma_start3A_329 = tpu.memref_slice %arg2[%dma_start3A_327, %dma_start3A_328] : memref<10000x128xf32, #tpu.memory_space<hbm>> -> memref<10000x128xf32, #tpu.memory_space<hbm>>
      tpu.enqueue_indirect_dma source(%dma_start3A_329 : memref<10000x128xf32, #tpu.memory_space<hbm>>) target(%arg10 : memref<100x128xf32, #tpu.memory_space<vmem>>) offsets(%dma_start3A_326 : memref<100xi32, #tpu.memory_space<vmem>>) semaphore(%arg13 : memref<!tpu.dma_semaphore, #tpu.memory_space<semaphore_mem>>)
      %dma_wait3A_330 = arith.constant 11 : i32
      %dma_wait3A_331 = arith.constant 0 : i32
      %dma_wait3A_332 = tpu.memref_slice %arg7[%dma_wait3A_330, %dma_wait3A_331] : memref<20x100xi32, #tpu.memory_space<vmem>> -> memref<1x100xi32, #tpu.memory_space<vmem>>
      %dma_wait3A_333 = tpu.memref_squeeze %dma_wait3A_332 : memref<1x100xi32, #tpu.memory_space<vmem>> -> memref<100xi32, #tpu.memory_space<vmem>>
      %dma_wait3A_334 = arith.constant 0 : i32
      %dma_wait3A_335 = arith.constant 0 : i32
      %dma_wait3A_336 = tpu.memref_slice %arg2[%dma_wait3A_334, %dma_wait3A_335] : memref<10000x128xf32, #tpu.memory_space<hbm>> -> memref<10000x128xf32, #tpu.memory_space<hbm>>
      tpu.wait_indirect_dma semaphore(%arg13 : memref<!tpu.dma_semaphore, #tpu.memory_space<semaphore_mem>>) src(%dma_wait3A_336 : memref<10000x128xf32, #tpu.memory_space<hbm>>) dst(%arg10 : memref<100x128xf32, #tpu.memory_space<vmem>>)
      %dma_start3A_337 = arith.constant 11 : i32
      %dma_start3A_338 = arith.constant 0 : i32
      %dma_start3A_339 = tpu.memref_slice %arg8[%dma_start3A_337, %dma_start3A_338] : memref<20x100xi32, #tpu.memory_space<vmem>> -> memref<1x100xi32, #tpu.memory_space<vmem>>
      %dma_start3A_340 = tpu.memref_squeeze %dma_start3A_339 : memref<1x100xi32, #tpu.memory_space<vmem>> -> memref<100xi32, #tpu.memory_space<vmem>>
      %dma_start3A_341 = arith.constant 0 : i32
      %dma_start3A_342 = arith.constant 0 : i32
      %dma_start3A_343 = tpu.memref_slice %arg11[%dma_start3A_341, %dma_start3A_342] : memref<10000x128xf32, #tpu.memory_space<vmem_shared>> -> memref<10000x128xf32, #tpu.memory_space<vmem_shared>>
      tpu.enqueue_indirect_dma source(%arg10 : memref<100x128xf32, #tpu.memory_space<vmem>>) target(%dma_start3A_343 : memref<10000x128xf32, #tpu.memory_space<vmem_shared>>) offsets(%dma_start3A_340 : memref<100xi32, #tpu.memory_space<vmem>>) semaphore(%arg15 : memref<!tpu.dma_semaphore, #tpu.memory_space<semaphore_mem>>) {add = true}
      %dma_wait3A_344 = arith.constant 10 : i32
      %dma_wait3A_345 = arith.constant 0 : i32
      %dma_wait3A_346 = tpu.memref_slice %arg8[%dma_wait3A_344, %dma_wait3A_345] : memref<20x100xi32, #tpu.memory_space<vmem>> -> memref<1x100xi32, #tpu.memory_space<vmem>>
      %dma_wait3A_347 = tpu.memref_squeeze %dma_wait3A_346 : memref<1x100xi32, #tpu.memory_space<vmem>> -> memref<100xi32, #tpu.memory_space<vmem>>
      %dma_wait3A_348 = arith.constant 0 : i32
      %dma_wait3A_349 = arith.constant 0 : i32
      %dma_wait3A_350 = tpu.memref_slice %arg11[%dma_wait3A_348, %dma_wait3A_349] : memref<10000x128xf32, #tpu.memory_space<vmem_shared>> -> memref<10000x128xf32, #tpu.memory_space<vmem_shared>>
      tpu.wait_indirect_dma semaphore(%arg14 : memref<!tpu.dma_semaphore, #tpu.memory_space<semaphore_mem>>) src(%arg9 : memref<100x128xf32, #tpu.memory_space<vmem>>) dst(%dma_wait3A_350 : memref<10000x128xf32, #tpu.memory_space<vmem_shared>>)
      %dma_start3A_351 = arith.constant 12 : i32
      %dma_start3A_352 = arith.constant 0 : i32
      %dma_start3A_353 = tpu.memref_slice %arg7[%dma_start3A_351, %dma_start3A_352] : memref<20x100xi32, #tpu.memory_space<vmem>> -> memref<1x100xi32, #tpu.memory_space<vmem>>
      %dma_start3A_354 = tpu.memref_squeeze %dma_start3A_353 : memref<1x100xi32, #tpu.memory_space<vmem>> -> memref<100xi32, #tpu.memory_space<vmem>>
      %dma_start3A_355 = arith.constant 0 : i32
      %dma_start3A_356 = arith.constant 0 : i32
      %dma_start3A_357 = tpu.memref_slice %arg2[%dma_start3A_355, %dma_start3A_356] : memref<10000x128xf32, #tpu.memory_space<hbm>> -> memref<10000x128xf32, #tpu.memory_space<hbm>>
      tpu.enqueue_indirect_dma source(%dma_start3A_357 : memref<10000x128xf32, #tpu.memory_space<hbm>>) target(%arg9 : memref<100x128xf32, #tpu.memory_space<vmem>>) offsets(%dma_start3A_354 : memref<100xi32, #tpu.memory_space<vmem>>) semaphore(%arg12 : memref<!tpu.dma_semaphore, #tpu.memory_space<semaphore_mem>>)
      %dma_wait3A_358 = arith.constant 12 : i32
      %dma_wait3A_359 = arith.constant 0 : i32
      %dma_wait3A_360 = tpu.memref_slice %arg7[%dma_wait3A_358, %dma_wait3A_359] : memref<20x100xi32, #tpu.memory_space<vmem>> -> memref<1x100xi32, #tpu.memory_space<vmem>>
      %dma_wait3A_361 = tpu.memref_squeeze %dma_wait3A_360 : memref<1x100xi32, #tpu.memory_space<vmem>> -> memref<100xi32, #tpu.memory_space<vmem>>
      %dma_wait3A_362 = arith.constant 0 : i32
      %dma_wait3A_363 = arith.constant 0 : i32
      %dma_wait3A_364 = tpu.memref_slice %arg2[%dma_wait3A_362, %dma_wait3A_363] : memref<10000x128xf32, #tpu.memory_space<hbm>> -> memref<10000x128xf32, #tpu.memory_space<hbm>>
      tpu.wait_indirect_dma semaphore(%arg12 : memref<!tpu.dma_semaphore, #tpu.memory_space<semaphore_mem>>) src(%dma_wait3A_364 : memref<10000x128xf32, #tpu.memory_space<hbm>>) dst(%arg9 : memref<100x128xf32, #tpu.memory_space<vmem>>)
      %dma_start3A_365 = arith.constant 12 : i32
      %dma_start3A_366 = arith.constant 0 : i32
      %dma_start3A_367 = tpu.memref_slice %arg8[%dma_start3A_365, %dma_start3A_366] : memref<20x100xi32, #tpu.memory_space<vmem>> -> memref<1x100xi32, #tpu.memory_space<vmem>>
      %dma_start3A_368 = tpu.memref_squeeze %dma_start3A_367 : memref<1x100xi32, #tpu.memory_space<vmem>> -> memref<100xi32, #tpu.memory_space<vmem>>
      %dma_start3A_369 = arith.constant 0 : i32
      %dma_start3A_370 = arith.constant 0 : i32
      %dma_start3A_371 = tpu.memref_slice %arg11[%dma_start3A_369, %dma_start3A_370] : memref<10000x128xf32, #tpu.memory_space<vmem_shared>> -> memref<10000x128xf32, #tpu.memory_space<vmem_shared>>
      tpu.enqueue_indirect_dma source(%arg9 : memref<100x128xf32, #tpu.memory_space<vmem>>) target(%dma_start3A_371 : memref<10000x128xf32, #tpu.memory_space<vmem_shared>>) offsets(%dma_start3A_368 : memref<100xi32, #tpu.memory_space<vmem>>) semaphore(%arg14 : memref<!tpu.dma_semaphore, #tpu.memory_space<semaphore_mem>>) {add = true}
      %dma_wait3A_372 = arith.constant 11 : i32
      %dma_wait3A_373 = arith.constant 0 : i32
      %dma_wait3A_374 = tpu.memref_slice %arg8[%dma_wait3A_372, %dma_wait3A_373] : memref<20x100xi32, #tpu.memory_space<vmem>> -> memref<1x100xi32, #tpu.memory_space<vmem>>
      %dma_wait3A_375 = tpu.memref_squeeze %dma_wait3A_374 : memref<1x100xi32, #tpu.memory_space<vmem>> -> memref<100xi32, #tpu.memory_space<vmem>>
      %dma_wait3A_376 = arith.constant 0 : i32
      %dma_wait3A_377 = arith.constant 0 : i32
      %dma_wait3A_378 = tpu.memref_slice %arg11[%dma_wait3A_376, %dma_wait3A_377] : memref<10000x128xf32, #tpu.memory_space<vmem_shared>> -> memref<10000x128xf32, #tpu.memory_space<vmem_shared>>
      tpu.wait_indirect_dma semaphore(%arg15 : memref<!tpu.dma_semaphore, #tpu.memory_space<semaphore_mem>>) src(%arg10 : memref<100x128xf32, #tpu.memory_space<vmem>>) dst(%dma_wait3A_378 : memref<10000x128xf32, #tpu.memory_space<vmem_shared>>)
      %dma_start3A_379 = arith.constant 13 : i32
      %dma_start3A_380 = arith.constant 0 : i32
      %dma_start3A_381 = tpu.memref_slice %arg7[%dma_start3A_379, %dma_start3A_380] : memref<20x100xi32, #tpu.memory_space<vmem>> -> memref<1x100xi32, #tpu.memory_space<vmem>>
      %dma_start3A_382 = tpu.memref_squeeze %dma_start3A_381 : memref<1x100xi32, #tpu.memory_space<vmem>> -> memref<100xi32, #tpu.memory_space<vmem>>
      %dma_start3A_383 = arith.constant 0 : i32
      %dma_start3A_384 = arith.constant 0 : i32
      %dma_start3A_385 = tpu.memref_slice %arg2[%dma_start3A_383, %dma_start3A_384] : memref<10000x128xf32, #tpu.memory_space<hbm>> -> memref<10000x128xf32, #tpu.memory_space<hbm>>
      tpu.enqueue_indirect_dma source(%dma_start3A_385 : memref<10000x128xf32, #tpu.memory_space<hbm>>) target(%arg10 : memref<100x128xf32, #tpu.memory_space<vmem>>) offsets(%dma_start3A_382 : memref<100xi32, #tpu.memory_space<vmem>>) semaphore(%arg13 : memref<!tpu.dma_semaphore, #tpu.memory_space<semaphore_mem>>)
      %dma_wait3A_386 = arith.constant 13 : i32
      %dma_wait3A_387 = arith.constant 0 : i32
      %dma_wait3A_388 = tpu.memref_slice %arg7[%dma_wait3A_386, %dma_wait3A_387] : memref<20x100xi32, #tpu.memory_space<vmem>> -> memref<1x100xi32, #tpu.memory_space<vmem>>
      %dma_wait3A_389 = tpu.memref_squeeze %dma_wait3A_388 : memref<1x100xi32, #tpu.memory_space<vmem>> -> memref<100xi32, #tpu.memory_space<vmem>>
      %dma_wait3A_390 = arith.constant 0 : i32
      %dma_wait3A_391 = arith.constant 0 : i32
      %dma_wait3A_392 = tpu.memref_slice %arg2[%dma_wait3A_390, %dma_wait3A_391] : memref<10000x128xf32, #tpu.memory_space<hbm>> -> memref<10000x128xf32, #tpu.memory_space<hbm>>
      tpu.wait_indirect_dma semaphore(%arg13 : memref<!tpu.dma_semaphore, #tpu.memory_space<semaphore_mem>>) src(%dma_wait3A_392 : memref<10000x128xf32, #tpu.memory_space<hbm>>) dst(%arg10 : memref<100x128xf32, #tpu.memory_space<vmem>>)
      %dma_start3A_393 = arith.constant 13 : i32
      %dma_start3A_394 = arith.constant 0 : i32
      %dma_start3A_395 = tpu.memref_slice %arg8[%dma_start3A_393, %dma_start3A_394] : memref<20x100xi32, #tpu.memory_space<vmem>> -> memref<1x100xi32, #tpu.memory_space<vmem>>
      %dma_start3A_396 = tpu.memref_squeeze %dma_start3A_395 : memref<1x100xi32, #tpu.memory_space<vmem>> -> memref<100xi32, #tpu.memory_space<vmem>>
      %dma_start3A_397 = arith.constant 0 : i32
      %dma_start3A_398 = arith.constant 0 : i32
      %dma_start3A_399 = tpu.memref_slice %arg11[%dma_start3A_397, %dma_start3A_398] : memref<10000x128xf32, #tpu.memory_space<vmem_shared>> -> memref<10000x128xf32, #tpu.memory_space<vmem_shared>>
      tpu.enqueue_indirect_dma source(%arg10 : memref<100x128xf32, #tpu.memory_space<vmem>>) target(%dma_start3A_399 : memref<10000x128xf32, #tpu.memory_space<vmem_shared>>) offsets(%dma_start3A_396 : memref<100xi32, #tpu.memory_space<vmem>>) semaphore(%arg15 : memref<!tpu.dma_semaphore, #tpu.memory_space<semaphore_mem>>) {add = true}
      %dma_wait3A_400 = arith.constant 12 : i32
      %dma_wait3A_401 = arith.constant 0 : i32
      %dma_wait3A_402 = tpu.memref_slice %arg8[%dma_wait3A_400, %dma_wait3A_401] : memref<20x100xi32, #tpu.memory_space<vmem>> -> memref<1x100xi32, #tpu.memory_space<vmem>>
      %dma_wait3A_403 = tpu.memref_squeeze %dma_wait3A_402 : memref<1x100xi32, #tpu.memory_space<vmem>> -> memref<100xi32, #tpu.memory_space<vmem>>
      %dma_wait3A_404 = arith.constant 0 : i32
      %dma_wait3A_405 = arith.constant 0 : i32
      %dma_wait3A_406 = tpu.memref_slice %arg11[%dma_wait3A_404, %dma_wait3A_405] : memref<10000x128xf32, #tpu.memory_space<vmem_shared>> -> memref<10000x128xf32, #tpu.memory_space<vmem_shared>>
      tpu.wait_indirect_dma semaphore(%arg14 : memref<!tpu.dma_semaphore, #tpu.memory_space<semaphore_mem>>) src(%arg9 : memref<100x128xf32, #tpu.memory_space<vmem>>) dst(%dma_wait3A_406 : memref<10000x128xf32, #tpu.memory_space<vmem_shared>>)
      %dma_start3A_407 = arith.constant 14 : i32
      %dma_start3A_408 = arith.constant 0 : i32
      %dma_start3A_409 = tpu.memref_slice %arg7[%dma_start3A_407, %dma_start3A_408] : memref<20x100xi32, #tpu.memory_space<vmem>> -> memref<1x100xi32, #tpu.memory_space<vmem>>
      %dma_start3A_410 = tpu.memref_squeeze %dma_start3A_409 : memref<1x100xi32, #tpu.memory_space<vmem>> -> memref<100xi32, #tpu.memory_space<vmem>>
      %dma_start3A_411 = arith.constant 0 : i32
      %dma_start3A_412 = arith.constant 0 : i32
      %dma_start3A_413 = tpu.memref_slice %arg2[%dma_start3A_411, %dma_start3A_412] : memref<10000x128xf32, #tpu.memory_space<hbm>> -> memref<10000x128xf32, #tpu.memory_space<hbm>>
      tpu.enqueue_indirect_dma source(%dma_start3A_413 : memref<10000x128xf32, #tpu.memory_space<hbm>>) target(%arg9 : memref<100x128xf32, #tpu.memory_space<vmem>>) offsets(%dma_start3A_410 : memref<100xi32, #tpu.memory_space<vmem>>) semaphore(%arg12 : memref<!tpu.dma_semaphore, #tpu.memory_space<semaphore_mem>>)
      %dma_wait3A_414 = arith.constant 14 : i32
      %dma_wait3A_415 = arith.constant 0 : i32
      %dma_wait3A_416 = tpu.memref_slice %arg7[%dma_wait3A_414, %dma_wait3A_415] : memref<20x100xi32, #tpu.memory_space<vmem>> -> memref<1x100xi32, #tpu.memory_space<vmem>>
      %dma_wait3A_417 = tpu.memref_squeeze %dma_wait3A_416 : memref<1x100xi32, #tpu.memory_space<vmem>> -> memref<100xi32, #tpu.memory_space<vmem>>
      %dma_wait3A_418 = arith.constant 0 : i32
      %dma_wait3A_419 = arith.constant 0 : i32
      %dma_wait3A_420 = tpu.memref_slice %arg2[%dma_wait3A_418, %dma_wait3A_419] : memref<10000x128xf32, #tpu.memory_space<hbm>> -> memref<10000x128xf32, #tpu.memory_space<hbm>>
      tpu.wait_indirect_dma semaphore(%arg12 : memref<!tpu.dma_semaphore, #tpu.memory_space<semaphore_mem>>) src(%dma_wait3A_420 : memref<10000x128xf32, #tpu.memory_space<hbm>>) dst(%arg9 : memref<100x128xf32, #tpu.memory_space<vmem>>)
      %dma_start3A_421 = arith.constant 14 : i32
      %dma_start3A_422 = arith.constant 0 : i32
      %dma_start3A_423 = tpu.memref_slice %arg8[%dma_start3A_421, %dma_start3A_422] : memref<20x100xi32, #tpu.memory_space<vmem>> -> memref<1x100xi32, #tpu.memory_space<vmem>>
      %dma_start3A_424 = tpu.memref_squeeze %dma_start3A_423 : memref<1x100xi32, #tpu.memory_space<vmem>> -> memref<100xi32, #tpu.memory_space<vmem>>
      %dma_start3A_425 = arith.constant 0 : i32
      %dma_start3A_426 = arith.constant 0 : i32
      %dma_start3A_427 = tpu.memref_slice %arg11[%dma_start3A_425, %dma_start3A_426] : memref<10000x128xf32, #tpu.memory_space<vmem_shared>> -> memref<10000x128xf32, #tpu.memory_space<vmem_shared>>
      tpu.enqueue_indirect_dma source(%arg9 : memref<100x128xf32, #tpu.memory_space<vmem>>) target(%dma_start3A_427 : memref<10000x128xf32, #tpu.memory_space<vmem_shared>>) offsets(%dma_start3A_424 : memref<100xi32, #tpu.memory_space<vmem>>) semaphore(%arg14 : memref<!tpu.dma_semaphore, #tpu.memory_space<semaphore_mem>>) {add = true}
      %dma_wait3A_428 = arith.constant 13 : i32
      %dma_wait3A_429 = arith.constant 0 : i32
      %dma_wait3A_430 = tpu.memref_slice %arg8[%dma_wait3A_428, %dma_wait3A_429] : memref<20x100xi32, #tpu.memory_space<vmem>> -> memref<1x100xi32, #tpu.memory_space<vmem>>
      %dma_wait3A_431 = tpu.memref_squeeze %dma_wait3A_430 : memref<1x100xi32, #tpu.memory_space<vmem>> -> memref<100xi32, #tpu.memory_space<vmem>>
      %dma_wait3A_432 = arith.constant 0 : i32
      %dma_wait3A_433 = arith.constant 0 : i32
      %dma_wait3A_434 = tpu.memref_slice %arg11[%dma_wait3A_432, %dma_wait3A_433] : memref<10000x128xf32, #tpu.memory_space<vmem_shared>> -> memref<10000x128xf32, #tpu.memory_space<vmem_shared>>
      tpu.wait_indirect_dma semaphore(%arg15 : memref<!tpu.dma_semaphore, #tpu.memory_space<semaphore_mem>>) src(%arg10 : memref<100x128xf32, #tpu.memory_space<vmem>>) dst(%dma_wait3A_434 : memref<10000x128xf32, #tpu.memory_space<vmem_shared>>)
      %dma_start3A_435 = arith.constant 15 : i32
      %dma_start3A_436 = arith.constant 0 : i32
      %dma_start3A_437 = tpu.memref_slice %arg7[%dma_start3A_435, %dma_start3A_436] : memref<20x100xi32, #tpu.memory_space<vmem>> -> memref<1x100xi32, #tpu.memory_space<vmem>>
      %dma_start3A_438 = tpu.memref_squeeze %dma_start3A_437 : memref<1x100xi32, #tpu.memory_space<vmem>> -> memref<100xi32, #tpu.memory_space<vmem>>
      %dma_start3A_439 = arith.constant 0 : i32
      %dma_start3A_440 = arith.constant 0 : i32
      %dma_start3A_441 = tpu.memref_slice %arg2[%dma_start3A_439, %dma_start3A_440] : memref<10000x128xf32, #tpu.memory_space<hbm>> -> memref<10000x128xf32, #tpu.memory_space<hbm>>
      tpu.enqueue_indirect_dma source(%dma_start3A_441 : memref<10000x128xf32, #tpu.memory_space<hbm>>) target(%arg10 : memref<100x128xf32, #tpu.memory_space<vmem>>) offsets(%dma_start3A_438 : memref<100xi32, #tpu.memory_space<vmem>>) semaphore(%arg13 : memref<!tpu.dma_semaphore, #tpu.memory_space<semaphore_mem>>)
      %dma_wait3A_442 = arith.constant 15 : i32
      %dma_wait3A_443 = arith.constant 0 : i32
      %dma_wait3A_444 = tpu.memref_slice %arg7[%dma_wait3A_442, %dma_wait3A_443] : memref<20x100xi32, #tpu.memory_space<vmem>> -> memref<1x100xi32, #tpu.memory_space<vmem>>
      %dma_wait3A_445 = tpu.memref_squeeze %dma_wait3A_444 : memref<1x100xi32, #tpu.memory_space<vmem>> -> memref<100xi32, #tpu.memory_space<vmem>>
      %dma_wait3A_446 = arith.constant 0 : i32
      %dma_wait3A_447 = arith.constant 0 : i32
      %dma_wait3A_448 = tpu.memref_slice %arg2[%dma_wait3A_446, %dma_wait3A_447] : memref<10000x128xf32, #tpu.memory_space<hbm>> -> memref<10000x128xf32, #tpu.memory_space<hbm>>
      tpu.wait_indirect_dma semaphore(%arg13 : memref<!tpu.dma_semaphore, #tpu.memory_space<semaphore_mem>>) src(%dma_wait3A_448 : memref<10000x128xf32, #tpu.memory_space<hbm>>) dst(%arg10 : memref<100x128xf32, #tpu.memory_space<vmem>>)
      %dma_start3A_449 = arith.constant 15 : i32
      %dma_start3A_450 = arith.constant 0 : i32
      %dma_start3A_451 = tpu.memref_slice %arg8[%dma_start3A_449, %dma_start3A_450] : memref<20x100xi32, #tpu.memory_space<vmem>> -> memref<1x100xi32, #tpu.memory_space<vmem>>
      %dma_start3A_452 = tpu.memref_squeeze %dma_start3A_451 : memref<1x100xi32, #tpu.memory_space<vmem>> -> memref<100xi32, #tpu.memory_space<vmem>>
      %dma_start3A_453 = arith.constant 0 : i32
      %dma_start3A_454 = arith.constant 0 : i32
      %dma_start3A_455 = tpu.memref_slice %arg11[%dma_start3A_453, %dma_start3A_454] : memref<10000x128xf32, #tpu.memory_space<vmem_shared>> -> memref<10000x128xf32, #tpu.memory_space<vmem_shared>>
      tpu.enqueue_indirect_dma source(%arg10 : memref<100x128xf32, #tpu.memory_space<vmem>>) target(%dma_start3A_455 : memref<10000x128xf32, #tpu.memory_space<vmem_shared>>) offsets(%dma_start3A_452 : memref<100xi32, #tpu.memory_space<vmem>>) semaphore(%arg15 : memref<!tpu.dma_semaphore, #tpu.memory_space<semaphore_mem>>) {add = true}
      %dma_wait3A_456 = arith.constant 14 : i32
      %dma_wait3A_457 = arith.constant 0 : i32
      %dma_wait3A_458 = tpu.memref_slice %arg8[%dma_wait3A_456, %dma_wait3A_457] : memref<20x100xi32, #tpu.memory_space<vmem>> -> memref<1x100xi32, #tpu.memory_space<vmem>>
      %dma_wait3A_459 = tpu.memref_squeeze %dma_wait3A_458 : memref<1x100xi32, #tpu.memory_space<vmem>> -> memref<100xi32, #tpu.memory_space<vmem>>
      %dma_wait3A_460 = arith.constant 0 : i32
      %dma_wait3A_461 = arith.constant 0 : i32
      %dma_wait3A_462 = tpu.memref_slice %arg11[%dma_wait3A_460, %dma_wait3A_461] : memref<10000x128xf32, #tpu.memory_space<vmem_shared>> -> memref<10000x128xf32, #tpu.memory_space<vmem_shared>>
      tpu.wait_indirect_dma semaphore(%arg14 : memref<!tpu.dma_semaphore, #tpu.memory_space<semaphore_mem>>) src(%arg9 : memref<100x128xf32, #tpu.memory_space<vmem>>) dst(%dma_wait3A_462 : memref<10000x128xf32, #tpu.memory_space<vmem_shared>>)
      %dma_start3A_463 = arith.constant 16 : i32
      %dma_start3A_464 = arith.constant 0 : i32
      %dma_start3A_465 = tpu.memref_slice %arg7[%dma_start3A_463, %dma_start3A_464] : memref<20x100xi32, #tpu.memory_space<vmem>> -> memref<1x100xi32, #tpu.memory_space<vmem>>
      %dma_start3A_466 = tpu.memref_squeeze %dma_start3A_465 : memref<1x100xi32, #tpu.memory_space<vmem>> -> memref<100xi32, #tpu.memory_space<vmem>>
      %dma_start3A_467 = arith.constant 0 : i32
      %dma_start3A_468 = arith.constant 0 : i32
      %dma_start3A_469 = tpu.memref_slice %arg2[%dma_start3A_467, %dma_start3A_468] : memref<10000x128xf32, #tpu.memory_space<hbm>> -> memref<10000x128xf32, #tpu.memory_space<hbm>>
      tpu.enqueue_indirect_dma source(%dma_start3A_469 : memref<10000x128xf32, #tpu.memory_space<hbm>>) target(%arg9 : memref<100x128xf32, #tpu.memory_space<vmem>>) offsets(%dma_start3A_466 : memref<100xi32, #tpu.memory_space<vmem>>) semaphore(%arg12 : memref<!tpu.dma_semaphore, #tpu.memory_space<semaphore_mem>>)
      %dma_wait3A_470 = arith.constant 16 : i32
      %dma_wait3A_471 = arith.constant 0 : i32
      %dma_wait3A_472 = tpu.memref_slice %arg7[%dma_wait3A_470, %dma_wait3A_471] : memref<20x100xi32, #tpu.memory_space<vmem>> -> memref<1x100xi32, #tpu.memory_space<vmem>>
      %dma_wait3A_473 = tpu.memref_squeeze %dma_wait3A_472 : memref<1x100xi32, #tpu.memory_space<vmem>> -> memref<100xi32, #tpu.memory_space<vmem>>
      %dma_wait3A_474 = arith.constant 0 : i32
      %dma_wait3A_475 = arith.constant 0 : i32
      %dma_wait3A_476 = tpu.memref_slice %arg2[%dma_wait3A_474, %dma_wait3A_475] : memref<10000x128xf32, #tpu.memory_space<hbm>> -> memref<10000x128xf32, #tpu.memory_space<hbm>>
      tpu.wait_indirect_dma semaphore(%arg12 : memref<!tpu.dma_semaphore, #tpu.memory_space<semaphore_mem>>) src(%dma_wait3A_476 : memref<10000x128xf32, #tpu.memory_space<hbm>>) dst(%arg9 : memref<100x128xf32, #tpu.memory_space<vmem>>)
      %dma_start3A_477 = arith.constant 16 : i32
      %dma_start3A_478 = arith.constant 0 : i32
      %dma_start3A_479 = tpu.memref_slice %arg8[%dma_start3A_477, %dma_start3A_478] : memref<20x100xi32, #tpu.memory_space<vmem>> -> memref<1x100xi32, #tpu.memory_space<vmem>>
      %dma_start3A_480 = tpu.memref_squeeze %dma_start3A_479 : memref<1x100xi32, #tpu.memory_space<vmem>> -> memref<100xi32, #tpu.memory_space<vmem>>
      %dma_start3A_481 = arith.constant 0 : i32
      %dma_start3A_482 = arith.constant 0 : i32
      %dma_start3A_483 = tpu.memref_slice %arg11[%dma_start3A_481, %dma_start3A_482] : memref<10000x128xf32, #tpu.memory_space<vmem_shared>> -> memref<10000x128xf32, #tpu.memory_space<vmem_shared>>
      tpu.enqueue_indirect_dma source(%arg9 : memref<100x128xf32, #tpu.memory_space<vmem>>) target(%dma_start3A_483 : memref<10000x128xf32, #tpu.memory_space<vmem_shared>>) offsets(%dma_start3A_480 : memref<100xi32, #tpu.memory_space<vmem>>) semaphore(%arg14 : memref<!tpu.dma_semaphore, #tpu.memory_space<semaphore_mem>>) {add = true}
      %dma_wait3A_484 = arith.constant 15 : i32
      %dma_wait3A_485 = arith.constant 0 : i32
      %dma_wait3A_486 = tpu.memref_slice %arg8[%dma_wait3A_484, %dma_wait3A_485] : memref<20x100xi32, #tpu.memory_space<vmem>> -> memref<1x100xi32, #tpu.memory_space<vmem>>
      %dma_wait3A_487 = tpu.memref_squeeze %dma_wait3A_486 : memref<1x100xi32, #tpu.memory_space<vmem>> -> memref<100xi32, #tpu.memory_space<vmem>>
      %dma_wait3A_488 = arith.constant 0 : i32
      %dma_wait3A_489 = arith.constant 0 : i32
      %dma_wait3A_490 = tpu.memref_slice %arg11[%dma_wait3A_488, %dma_wait3A_489] : memref<10000x128xf32, #tpu.memory_space<vmem_shared>> -> memref<10000x128xf32, #tpu.memory_space<vmem_shared>>
      tpu.wait_indirect_dma semaphore(%arg15 : memref<!tpu.dma_semaphore, #tpu.memory_space<semaphore_mem>>) src(%arg10 : memref<100x128xf32, #tpu.memory_space<vmem>>) dst(%dma_wait3A_490 : memref<10000x128xf32, #tpu.memory_space<vmem_shared>>)
      %dma_start3A_491 = arith.constant 17 : i32
      %dma_start3A_492 = arith.constant 0 : i32
      %dma_start3A_493 = tpu.memref_slice %arg7[%dma_start3A_491, %dma_start3A_492] : memref<20x100xi32, #tpu.memory_space<vmem>> -> memref<1x100xi32, #tpu.memory_space<vmem>>
      %dma_start3A_494 = tpu.memref_squeeze %dma_start3A_493 : memref<1x100xi32, #tpu.memory_space<vmem>> -> memref<100xi32, #tpu.memory_space<vmem>>
      %dma_start3A_495 = arith.constant 0 : i32
      %dma_start3A_496 = arith.constant 0 : i32
      %dma_start3A_497 = tpu.memref_slice %arg2[%dma_start3A_495, %dma_start3A_496] : memref<10000x128xf32, #tpu.memory_space<hbm>> -> memref<10000x128xf32, #tpu.memory_space<hbm>>
      tpu.enqueue_indirect_dma source(%dma_start3A_497 : memref<10000x128xf32, #tpu.memory_space<hbm>>) target(%arg10 : memref<100x128xf32, #tpu.memory_space<vmem>>) offsets(%dma_start3A_494 : memref<100xi32, #tpu.memory_space<vmem>>) semaphore(%arg13 : memref<!tpu.dma_semaphore, #tpu.memory_space<semaphore_mem>>)
      %dma_wait3A_498 = arith.constant 17 : i32
      %dma_wait3A_499 = arith.constant 0 : i32
      %dma_wait3A_500 = tpu.memref_slice %arg7[%dma_wait3A_498, %dma_wait3A_499] : memref<20x100xi32, #tpu.memory_space<vmem>> -> memref<1x100xi32, #tpu.memory_space<vmem>>
      %dma_wait3A_501 = tpu.memref_squeeze %dma_wait3A_500 : memref<1x100xi32, #tpu.memory_space<vmem>> -> memref<100xi32, #tpu.memory_space<vmem>>
      %dma_wait3A_502 = arith.constant 0 : i32
      %dma_wait3A_503 = arith.constant 0 : i32
      %dma_wait3A_504 = tpu.memref_slice %arg2[%dma_wait3A_502, %dma_wait3A_503] : memref<10000x128xf32, #tpu.memory_space<hbm>> -> memref<10000x128xf32, #tpu.memory_space<hbm>>
      tpu.wait_indirect_dma semaphore(%arg13 : memref<!tpu.dma_semaphore, #tpu.memory_space<semaphore_mem>>) src(%dma_wait3A_504 : memref<10000x128xf32, #tpu.memory_space<hbm>>) dst(%arg10 : memref<100x128xf32, #tpu.memory_space<vmem>>)
      %dma_start3A_505 = arith.constant 17 : i32
      %dma_start3A_506 = arith.constant 0 : i32
      %dma_start3A_507 = tpu.memref_slice %arg8[%dma_start3A_505, %dma_start3A_506] : memref<20x100xi32, #tpu.memory_space<vmem>> -> memref<1x100xi32, #tpu.memory_space<vmem>>
      %dma_start3A_508 = tpu.memref_squeeze %dma_start3A_507 : memref<1x100xi32, #tpu.memory_space<vmem>> -> memref<100xi32, #tpu.memory_space<vmem>>
      %dma_start3A_509 = arith.constant 0 : i32
      %dma_start3A_510 = arith.constant 0 : i32
      %dma_start3A_511 = tpu.memref_slice %arg11[%dma_start3A_509, %dma_start3A_510] : memref<10000x128xf32, #tpu.memory_space<vmem_shared>> -> memref<10000x128xf32, #tpu.memory_space<vmem_shared>>
      tpu.enqueue_indirect_dma source(%arg10 : memref<100x128xf32, #tpu.memory_space<vmem>>) target(%dma_start3A_511 : memref<10000x128xf32, #tpu.memory_space<vmem_shared>>) offsets(%dma_start3A_508 : memref<100xi32, #tpu.memory_space<vmem>>) semaphore(%arg15 : memref<!tpu.dma_semaphore, #tpu.memory_space<semaphore_mem>>) {add = true}
      %dma_wait3A_512 = arith.constant 16 : i32
      %dma_wait3A_513 = arith.constant 0 : i32
      %dma_wait3A_514 = tpu.memref_slice %arg8[%dma_wait3A_512, %dma_wait3A_513] : memref<20x100xi32, #tpu.memory_space<vmem>> -> memref<1x100xi32, #tpu.memory_space<vmem>>
      %dma_wait3A_515 = tpu.memref_squeeze %dma_wait3A_514 : memref<1x100xi32, #tpu.memory_space<vmem>> -> memref<100xi32, #tpu.memory_space<vmem>>
      %dma_wait3A_516 = arith.constant 0 : i32
      %dma_wait3A_517 = arith.constant 0 : i32
      %dma_wait3A_518 = tpu.memref_slice %arg11[%dma_wait3A_516, %dma_wait3A_517] : memref<10000x128xf32, #tpu.memory_space<vmem_shared>> -> memref<10000x128xf32, #tpu.memory_space<vmem_shared>>
      tpu.wait_indirect_dma semaphore(%arg14 : memref<!tpu.dma_semaphore, #tpu.memory_space<semaphore_mem>>) src(%arg9 : memref<100x128xf32, #tpu.memory_space<vmem>>) dst(%dma_wait3A_518 : memref<10000x128xf32, #tpu.memory_space<vmem_shared>>)
      %dma_start3A_519 = arith.constant 18 : i32
      %dma_start3A_520 = arith.constant 0 : i32
      %dma_start3A_521 = tpu.memref_slice %arg7[%dma_start3A_519, %dma_start3A_520] : memref<20x100xi32, #tpu.memory_space<vmem>> -> memref<1x100xi32, #tpu.memory_space<vmem>>
      %dma_start3A_522 = tpu.memref_squeeze %dma_start3A_521 : memref<1x100xi32, #tpu.memory_space<vmem>> -> memref<100xi32, #tpu.memory_space<vmem>>
      %dma_start3A_523 = arith.constant 0 : i32
      %dma_start3A_524 = arith.constant 0 : i32
      %dma_start3A_525 = tpu.memref_slice %arg2[%dma_start3A_523, %dma_start3A_524] : memref<10000x128xf32, #tpu.memory_space<hbm>> -> memref<10000x128xf32, #tpu.memory_space<hbm>>
      tpu.enqueue_indirect_dma source(%dma_start3A_525 : memref<10000x128xf32, #tpu.memory_space<hbm>>) target(%arg9 : memref<100x128xf32, #tpu.memory_space<vmem>>) offsets(%dma_start3A_522 : memref<100xi32, #tpu.memory_space<vmem>>) semaphore(%arg12 : memref<!tpu.dma_semaphore, #tpu.memory_space<semaphore_mem>>)
      %dma_wait3A_526 = arith.constant 18 : i32
      %dma_wait3A_527 = arith.constant 0 : i32
      %dma_wait3A_528 = tpu.memref_slice %arg7[%dma_wait3A_526, %dma_wait3A_527] : memref<20x100xi32, #tpu.memory_space<vmem>> -> memref<1x100xi32, #tpu.memory_space<vmem>>
      %dma_wait3A_529 = tpu.memref_squeeze %dma_wait3A_528 : memref<1x100xi32, #tpu.memory_space<vmem>> -> memref<100xi32, #tpu.memory_space<vmem>>
      %dma_wait3A_530 = arith.constant 0 : i32
      %dma_wait3A_531 = arith.constant 0 : i32
      %dma_wait3A_532 = tpu.memref_slice %arg2[%dma_wait3A_530, %dma_wait3A_531] : memref<10000x128xf32, #tpu.memory_space<hbm>> -> memref<10000x128xf32, #tpu.memory_space<hbm>>
      tpu.wait_indirect_dma semaphore(%arg12 : memref<!tpu.dma_semaphore, #tpu.memory_space<semaphore_mem>>) src(%dma_wait3A_532 : memref<10000x128xf32, #tpu.memory_space<hbm>>) dst(%arg9 : memref<100x128xf32, #tpu.memory_space<vmem>>)
      %dma_start3A_533 = arith.constant 18 : i32
      %dma_start3A_534 = arith.constant 0 : i32
      %dma_start3A_535 = tpu.memref_slice %arg8[%dma_start3A_533, %dma_start3A_534] : memref<20x100xi32, #tpu.memory_space<vmem>> -> memref<1x100xi32, #tpu.memory_space<vmem>>
      %dma_start3A_536 = tpu.memref_squeeze %dma_start3A_535 : memref<1x100xi32, #tpu.memory_space<vmem>> -> memref<100xi32, #tpu.memory_space<vmem>>
      %dma_start3A_537 = arith.constant 0 : i32
      %dma_start3A_538 = arith.constant 0 : i32
      %dma_start3A_539 = tpu.memref_slice %arg11[%dma_start3A_537, %dma_start3A_538] : memref<10000x128xf32, #tpu.memory_space<vmem_shared>> -> memref<10000x128xf32, #tpu.memory_space<vmem_shared>>
      tpu.enqueue_indirect_dma source(%arg9 : memref<100x128xf32, #tpu.memory_space<vmem>>) target(%dma_start3A_539 : memref<10000x128xf32, #tpu.memory_space<vmem_shared>>) offsets(%dma_start3A_536 : memref<100xi32, #tpu.memory_space<vmem>>) semaphore(%arg14 : memref<!tpu.dma_semaphore, #tpu.memory_space<semaphore_mem>>) {add = true}
      %dma_wait3A_540 = arith.constant 17 : i32
      %dma_wait3A_541 = arith.constant 0 : i32
      %dma_wait3A_542 = tpu.memref_slice %arg8[%dma_wait3A_540, %dma_wait3A_541] : memref<20x100xi32, #tpu.memory_space<vmem>> -> memref<1x100xi32, #tpu.memory_space<vmem>>
      %dma_wait3A_543 = tpu.memref_squeeze %dma_wait3A_542 : memref<1x100xi32, #tpu.memory_space<vmem>> -> memref<100xi32, #tpu.memory_space<vmem>>
      %dma_wait3A_544 = arith.constant 0 : i32
      %dma_wait3A_545 = arith.constant 0 : i32
      %dma_wait3A_546 = tpu.memref_slice %arg11[%dma_wait3A_544, %dma_wait3A_545] : memref<10000x128xf32, #tpu.memory_space<vmem_shared>> -> memref<10000x128xf32, #tpu.memory_space<vmem_shared>>
      tpu.wait_indirect_dma semaphore(%arg15 : memref<!tpu.dma_semaphore, #tpu.memory_space<semaphore_mem>>) src(%arg10 : memref<100x128xf32, #tpu.memory_space<vmem>>) dst(%dma_wait3A_546 : memref<10000x128xf32, #tpu.memory_space<vmem_shared>>)
      %dma_start3A_547 = arith.constant 19 : i32
      %dma_start3A_548 = arith.constant 0 : i32
      %dma_start3A_549 = tpu.memref_slice %arg7[%dma_start3A_547, %dma_start3A_548] : memref<20x100xi32, #tpu.memory_space<vmem>> -> memref<1x100xi32, #tpu.memory_space<vmem>>
      %dma_start3A_550 = tpu.memref_squeeze %dma_start3A_549 : memref<1x100xi32, #tpu.memory_space<vmem>> -> memref<100xi32, #tpu.memory_space<vmem>>
      %dma_start3A_551 = arith.constant 0 : i32
      %dma_start3A_552 = arith.constant 0 : i32
      %dma_start3A_553 = tpu.memref_slice %arg2[%dma_start3A_551, %dma_start3A_552] : memref<10000x128xf32, #tpu.memory_space<hbm>> -> memref<10000x128xf32, #tpu.memory_space<hbm>>
      tpu.enqueue_indirect_dma source(%dma_start3A_553 : memref<10000x128xf32, #tpu.memory_space<hbm>>) target(%arg10 : memref<100x128xf32, #tpu.memory_space<vmem>>) offsets(%dma_start3A_550 : memref<100xi32, #tpu.memory_space<vmem>>) semaphore(%arg13 : memref<!tpu.dma_semaphore, #tpu.memory_space<semaphore_mem>>)
      %dma_wait3A_554 = arith.constant 19 : i32
      %dma_wait3A_555 = arith.constant 0 : i32
      %dma_wait3A_556 = tpu.memref_slice %arg7[%dma_wait3A_554, %dma_wait3A_555] : memref<20x100xi32, #tpu.memory_space<vmem>> -> memref<1x100xi32, #tpu.memory_space<vmem>>
      %dma_wait3A_557 = tpu.memref_squeeze %dma_wait3A_556 : memref<1x100xi32, #tpu.memory_space<vmem>> -> memref<100xi32, #tpu.memory_space<vmem>>
      %dma_wait3A_558 = arith.constant 0 : i32
      %dma_wait3A_559 = arith.constant 0 : i32
      %dma_wait3A_560 = tpu.memref_slice %arg2[%dma_wait3A_558, %dma_wait3A_559] : memref<10000x128xf32, #tpu.memory_space<hbm>> -> memref<10000x128xf32, #tpu.memory_space<hbm>>
      tpu.wait_indirect_dma semaphore(%arg13 : memref<!tpu.dma_semaphore, #tpu.memory_space<semaphore_mem>>) src(%dma_wait3A_560 : memref<10000x128xf32, #tpu.memory_space<hbm>>) dst(%arg10 : memref<100x128xf32, #tpu.memory_space<vmem>>)
      %dma_start3A_561 = arith.constant 19 : i32
      %dma_start3A_562 = arith.constant 0 : i32
      %dma_start3A_563 = tpu.memref_slice %arg8[%dma_start3A_561, %dma_start3A_562] : memref<20x100xi32, #tpu.memory_space<vmem>> -> memref<1x100xi32, #tpu.memory_space<vmem>>
      %dma_start3A_564 = tpu.memref_squeeze %dma_start3A_563 : memref<1x100xi32, #tpu.memory_space<vmem>> -> memref<100xi32, #tpu.memory_space<vmem>>
      %dma_start3A_565 = arith.constant 0 : i32
      %dma_start3A_566 = arith.constant 0 : i32
      %dma_start3A_567 = tpu.memref_slice %arg11[%dma_start3A_565, %dma_start3A_566] : memref<10000x128xf32, #tpu.memory_space<vmem_shared>> -> memref<10000x128xf32, #tpu.memory_space<vmem_shared>>
      tpu.enqueue_indirect_dma source(%arg10 : memref<100x128xf32, #tpu.memory_space<vmem>>) target(%dma_start3A_567 : memref<10000x128xf32, #tpu.memory_space<vmem_shared>>) offsets(%dma_start3A_564 : memref<100xi32, #tpu.memory_space<vmem>>) semaphore(%arg15 : memref<!tpu.dma_semaphore, #tpu.memory_space<semaphore_mem>>) {add = true}
      %dma_wait3A_568 = arith.constant 19 : i32
      %dma_wait3A_569 = arith.constant 0 : i32
      %dma_wait3A_570 = tpu.memref_slice %arg8[%dma_wait3A_568, %dma_wait3A_569] : memref<20x100xi32, #tpu.memory_space<vmem>> -> memref<1x100xi32, #tpu.memory_space<vmem>>
      %dma_wait3A_571 = tpu.memref_squeeze %dma_wait3A_570 : memref<1x100xi32, #tpu.memory_space<vmem>> -> memref<100xi32, #tpu.memory_space<vmem>>
      %dma_wait3A_572 = arith.constant 0 : i32
      %dma_wait3A_573 = arith.constant 0 : i32
      %dma_wait3A_574 = tpu.memref_slice %arg11[%dma_wait3A_572, %dma_wait3A_573] : memref<10000x128xf32, #tpu.memory_space<vmem_shared>> -> memref<10000x128xf32, #tpu.memory_space<vmem_shared>>
      tpu.wait_indirect_dma semaphore(%arg15 : memref<!tpu.dma_semaphore, #tpu.memory_space<semaphore_mem>>) src(%arg10 : memref<100x128xf32, #tpu.memory_space<vmem>>) dst(%dma_wait3A_574 : memref<10000x128xf32, #tpu.memory_space<vmem_shared>>)
      %dma_wait3A_575 = arith.constant 18 : i32
      %dma_wait3A_576 = arith.constant 0 : i32
      %dma_wait3A_577 = tpu.memref_slice %arg8[%dma_wait3A_575, %dma_wait3A_576] : memref<20x100xi32, #tpu.memory_space<vmem>> -> memref<1x100xi32, #tpu.memory_space<vmem>>
      %dma_wait3A_578 = tpu.memref_squeeze %dma_wait3A_577 : memref<1x100xi32, #tpu.memory_space<vmem>> -> memref<100xi32, #tpu.memory_space<vmem>>
      %dma_wait3A_579 = arith.constant 0 : i32
      %dma_wait3A_580 = arith.constant 0 : i32
      %dma_wait3A_581 = tpu.memref_slice %arg11[%dma_wait3A_579, %dma_wait3A_580] : memref<10000x128xf32, #tpu.memory_space<vmem_shared>> -> memref<10000x128xf32, #tpu.memory_space<vmem_shared>>
      tpu.wait_indirect_dma semaphore(%arg14 : memref<!tpu.dma_semaphore, #tpu.memory_space<semaphore_mem>>) src(%arg9 : memref<100x128xf32, #tpu.memory_space<vmem>>) dst(%dma_wait3A_581 : memref<10000x128xf32, #tpu.memory_space<vmem_shared>>)
    }
    %scan3A_11 = arith.constant 5 : i32
    %barrier3A_12 = arith.constant 0 : index
    tpu.barrier barrier_id(%barrier3A_12)
    %lt3A_13 = arith.constant 15 : i32
    %lt3A_14 = arith.cmpi slt, %arg1, %lt3A_13 : i32
    %convert_element_type3A_15 = arith.extui %lt3A_14 : i1 to i32
    %cond3A_16 = arith.constant 0 : i32
    %cond3A_17 = arith.cmpi ne, %convert_element_type3A_15, %cond3A_16 : i32
    scf.if %cond3A_17 {
      %mul3A_23 = arith.constant 640 : i32
      %mul3A_24 = arith.muli %arg1, %mul3A_23 : i32
      %mul3A_25 = arith.constant 640 : i32
      %mul3A_26 = arith.muli %arg1, %mul3A_25 : i32
      "tpu.region"() ({
        %run_scoped3A = tpu.sem_alloc : memref<!tpu.dma_semaphore, #tpu.memory_space<semaphore_mem>>
        %dma_start3A = arith.constant 0 : i32
        %dma_start3A_27 = tpu.memref_slice %arg6[%arg0, %mul3A_26, %dma_start3A] : memref<2x10000x128xf32, #tpu.memory_space<hbm>> -> memref<1x640x128xf32, #tpu.memory_space<hbm>>
        %dma_start3A_28 = tpu.memref_squeeze %dma_start3A_27 : memref<1x640x128xf32, #tpu.memory_space<hbm>> -> memref<640x128xf32, #tpu.memory_space<hbm>>
        %dma_start3A_29 = arith.constant 0 : i32
        %dma_start3A_30 = tpu.memref_slice %arg11[%mul3A_24, %dma_start3A_29] : memref<10000x128xf32, #tpu.memory_space<vmem_shared>> -> memref<640x128xf32, #tpu.memory_space<vmem_shared>>
        tpu.enqueue_dma source(%dma_start3A_30 : memref<640x128xf32, #tpu.memory_space<vmem_shared>>) target(%dma_start3A_28 : memref<640x128xf32, #tpu.memory_space<hbm>>) target_semaphore(%run_scoped3A : memref<!tpu.dma_semaphore, #tpu.memory_space<semaphore_mem>>)
        %dma_wait3A = arith.constant 0 : i32
        %dma_wait3A_31 = tpu.memref_slice %arg6[%arg0, %mul3A_26, %dma_wait3A] : memref<2x10000x128xf32, #tpu.memory_space<hbm>> -> memref<1x640x128xf32, #tpu.memory_space<hbm>>
        %dma_wait3A_32 = tpu.memref_squeeze %dma_wait3A_31 : memref<1x640x128xf32, #tpu.memory_space<hbm>> -> memref<640x128xf32, #tpu.memory_space<hbm>>
        %dma_wait3A_33 = arith.constant 0 : i32
        %dma_wait3A_34 = tpu.memref_slice %arg11[%mul3A_24, %dma_wait3A_33] : memref<10000x128xf32, #tpu.memory_space<vmem_shared>> -> memref<640x128xf32, #tpu.memory_space<vmem_shared>>
        tpu.wait_dma2 semaphore(%run_scoped3A : memref<!tpu.dma_semaphore, #tpu.memory_space<semaphore_mem>>) src(%dma_wait3A_34 : memref<640x128xf32, #tpu.memory_space<vmem_shared>>) dst(%dma_wait3A_32 : memref<640x128xf32, #tpu.memory_space<hbm>>)
        tpu.yield
      }) : () -> ()
    } else {
    }
    %eq3A_18 = arith.constant 15 : i32
    %eq3A_19 = arith.cmpi eq, %arg1, %eq3A_18 : i32
    %convert_element_type3A_20 = arith.extui %eq3A_19 : i1 to i32
    %cond3A_21 = arith.constant 0 : i32
    %cond3A_22 = arith.cmpi ne, %convert_element_type3A_20, %cond3A_21 : i32
    scf.if %cond3A_22 {
      "tpu.region"() ({
        %run_scoped3A = tpu.sem_alloc : memref<!tpu.dma_semaphore, #tpu.memory_space<semaphore_mem>>
        %dma_start3A = arith.constant 9600 : i32
        %dma_start3A_23 = arith.constant 0 : i32
        %dma_start3A_24 = tpu.memref_slice %arg6[%arg0, %dma_start3A, %dma_start3A_23] : memref<2x10000x128xf32, #tpu.memory_space<hbm>> -> memref<1x400x128xf32, #tpu.memory_space<hbm>>
        %dma_start3A_25 = tpu.memref_squeeze %dma_start3A_24 : memref<1x400x128xf32, #tpu.memory_space<hbm>> -> memref<400x128xf32, #tpu.memory_space<hbm>>
        %dma_start3A_26 = arith.constant 9600 : i32
        %dma_start3A_27 = arith.constant 0 : i32
        %dma_start3A_28 = tpu.memref_slice %arg11[%dma_start3A_26, %dma_start3A_27] : memref<10000x128xf32, #tpu.memory_space<vmem_shared>> -> memref<400x128xf32, #tpu.memory_space<vmem_shared>>
        tpu.enqueue_dma source(%dma_start3A_28 : memref<400x128xf32, #tpu.memory_space<vmem_shared>>) target(%dma_start3A_25 : memref<400x128xf32, #tpu.memory_space<hbm>>) target_semaphore(%run_scoped3A : memref<!tpu.dma_semaphore, #tpu.memory_space<semaphore_mem>>)
        %dma_wait3A = arith.constant 9600 : i32
        %dma_wait3A_29 = arith.constant 0 : i32
        %dma_wait3A_30 = tpu.memref_slice %arg6[%arg0, %dma_wait3A, %dma_wait3A_29] : memref<2x10000x128xf32, #tpu.memory_space<hbm>> -> memref<1x400x128xf32, #tpu.memory_space<hbm>>
        %dma_wait3A_31 = tpu.memref_squeeze %dma_wait3A_30 : memref<1x400x128xf32, #tpu.memory_space<hbm>> -> memref<400x128xf32, #tpu.memory_space<hbm>>
        %dma_wait3A_32 = arith.constant 9600 : i32
        %dma_wait3A_33 = arith.constant 0 : i32
        %dma_wait3A_34 = tpu.memref_slice %arg11[%dma_wait3A_32, %dma_wait3A_33] : memref<10000x128xf32, #tpu.memory_space<vmem_shared>> -> memref<400x128xf32, #tpu.memory_space<vmem_shared>>
        tpu.wait_dma2 semaphore(%run_scoped3A : memref<!tpu.dma_semaphore, #tpu.memory_space<semaphore_mem>>) src(%dma_wait3A_34 : memref<400x128xf32, #tpu.memory_space<vmem_shared>>) dst(%dma_wait3A_31 : memref<400x128xf32, #tpu.memory_space<hbm>>)
        tpu.yield
      }) : () -> ()
    } else {
    }
    return
  }
}

module attributes {stable_mosaic.version = 14 : i64} {
  func.func @_layer_body(%arg0: i32, %arg1: memref<2x2000x128xf32, #tpu.memory_space<vmem>>, %arg2: memref<2000x128xf32, #tpu.memory_space<vmem>>, %arg3: memref<128x128xf32, #tpu.memory_space<vmem>>, %arg4: memref<128x128xf32, #tpu.memory_space<vmem>>, %arg5: memref<1x128xf32, #tpu.memory_space<vmem>>, %arg6: memref<2000x128xf32, #tpu.memory_space<vmem>>) attributes {dimension_semantics = [#tpu.dimension_semantics<arbitrary>], iteration_bounds = array<i64: 5>, scalar_prefetch = 0 : i64, scratch_operands = 0 : i64, tpu.core_type = #tpu.core_type<tc>, window_params = [{transform_indices = @transform_0, window_bounds = array<i64: 2, 2000, 128>}, {transform_indices = @transform_1, window_bounds = array<i64: 2000, 128>}, {pipeline_mode = #tpu.pipeline_mode<synchronous>, transform_indices = @transform_2, window_bounds = array<i64: 128, 128>}, {pipeline_mode = #tpu.pipeline_mode<synchronous>, transform_indices = @transform_3, window_bounds = array<i64: 128, 128>}, {pipeline_mode = #tpu.pipeline_mode<synchronous>, transform_indices = @transform_4, window_bounds = array<i64: 1, 128>}, {transform_indices = @transform_5, window_bounds = array<i64: 2000, 128>}]} {
    %get3A = arith.constant 0 : index
    %get3A_0 = arith.constant 0 : index
    %get3A_1 = arith.constant 0 : index
    %get3A_2 = vector.load %arg1[%get3A, %get3A_0, %get3A_1] : memref<2x2000x128xf32, #tpu.memory_space<vmem>>, vector<1x2000x128xf32>
    %get3A_3 = vector.shape_cast %get3A_2 : vector<1x2000x128xf32> to vector<2000x128xf32>
    %get3A_4 = arith.constant 1 : index
    %get3A_5 = arith.constant 0 : index
    %get3A_6 = arith.constant 0 : index
    %get3A_7 = vector.load %arg1[%get3A_4, %get3A_5, %get3A_6] : memref<2x2000x128xf32, #tpu.memory_space<vmem>>, vector<1x2000x128xf32>
    %get3A_8 = vector.shape_cast %get3A_7 : vector<1x2000x128xf32> to vector<2000x128xf32>
    %add3A = arith.addf %get3A_3, %get3A_8 : vector<2000x128xf32>
    %get3A_9 = arith.constant 0 : index
    %get3A_10 = arith.constant 0 : index
    %get3A_11 = vector.load %arg3[%get3A_9, %get3A_10] : memref<128x128xf32, #tpu.memory_space<vmem>>, vector<128x128xf32>
    %convert_element_type3A = arith.truncf %add3A : vector<2000x128xf32> to vector<2000x128xbf16>
    %convert_element_type3A_12 = arith.truncf %get3A_11 : vector<128x128xf32> to vector<128x128xbf16>
    %dot_general3A = arith.constant dense<0.000000e+00> : vector<2000x128xf32>
    %dot_general3A_13 = tpu.matmul %convert_element_type3A, %convert_element_type3A_12, %dot_general3A {dimension_numbers = #tpu.dot_dimension_numbers<[1], [0], [0], [1], [0, 0, 1, 1], [], []>, transpose_lhs_hint = false} : vector<2000x128xbf16>, vector<128x128xbf16>, vector<2000x128xf32> -> vector<2000x128xf32>
    %get3A_14 = arith.constant 0 : index
    %get3A_15 = arith.constant 0 : index
    %get3A_16 = vector.load %arg2[%get3A_14, %get3A_15] : memref<2000x128xf32, #tpu.memory_space<vmem>>, vector<2000x128xf32>
    %get3A_17 = arith.constant 0 : index
    %get3A_18 = arith.constant 0 : index
    %get3A_19 = vector.load %arg4[%get3A_17, %get3A_18] : memref<128x128xf32, #tpu.memory_space<vmem>>, vector<128x128xf32>
    %convert_element_type3A_20 = arith.truncf %get3A_16 : vector<2000x128xf32> to vector<2000x128xbf16>
    %convert_element_type3A_21 = arith.truncf %get3A_19 : vector<128x128xf32> to vector<128x128xbf16>
    %dot_general3A_22 = arith.constant dense<0.000000e+00> : vector<2000x128xf32>
    %dot_general3A_23 = tpu.matmul %convert_element_type3A_20, %convert_element_type3A_21, %dot_general3A_22 {dimension_numbers = #tpu.dot_dimension_numbers<[1], [0], [0], [1], [0, 0, 1, 1], [], []>, transpose_lhs_hint = false} : vector<2000x128xbf16>, vector<128x128xbf16>, vector<2000x128xf32> -> vector<2000x128xf32>
    %add3A_24 = arith.addf %dot_general3A_13, %dot_general3A_23 : vector<2000x128xf32>
    %get3A_25 = arith.constant 0 : index
    %get3A_26 = arith.constant 0 : index
    %get3A_27 = vector.load %arg5[%get3A_25, %get3A_26] : memref<1x128xf32, #tpu.memory_space<vmem>>, vector<1x128xf32>
    %add3A_28 = vector.broadcast %get3A_27 : vector<1x128xf32> to vector<2000x128xf32>
    %add3A_29 = arith.addf %add3A_24, %add3A_28 : vector<2000x128xf32>
    %max3A = arith.constant 0.000000e+00 : f32
    %max3A_30 = vector.broadcast %max3A : f32 to vector<2000x128xf32>
    %max3A_31 = arith.maximumf %add3A_29, %max3A_30 : vector<2000x128xf32>
    %swap3A = arith.constant 0 : index
    %swap3A_32 = arith.constant 0 : index
    %swap3A_33 = vector.load %arg6[%swap3A, %swap3A_32] : memref<2000x128xf32, #tpu.memory_space<vmem>>, vector<2000x128xf32>
    tpu.vector_store %arg6[%swap3A, %swap3A_32], %max3A_31 {strides = array<i32>} : memref<2000x128xf32, #tpu.memory_space<vmem>>, vector<2000x128xf32>,
    return
  }
  func.func @transform_0(%arg0: i32) -> (i32, i32, i32) {
    %c0_i32 = arith.constant 0 : i32
    %c0_i32_0 = arith.constant 0 : i32
    %c0_i32_1 = arith.constant 0 : i32
    return %c0_i32, %arg0, %c0_i32_0 : i32, i32, i32
  }
  func.func @transform_1(%arg0: i32) -> (i32, i32) {
    %c0_i32 = arith.constant 0 : i32
    %c0_i32_0 = arith.constant 0 : i32
    return %arg0, %c0_i32 : i32, i32
  }
  func.func @transform_2(%arg0: i32) -> (i32, i32) {
    %c0_i32 = arith.constant 0 : i32
    %c0_i32_0 = arith.constant 0 : i32
    %c0_i32_1 = arith.constant 0 : i32
    return %c0_i32, %c0_i32_0 : i32, i32
  }
  func.func @transform_3(%arg0: i32) -> (i32, i32) {
    %c0_i32 = arith.constant 0 : i32
    %c0_i32_0 = arith.constant 0 : i32
    %c0_i32_1 = arith.constant 0 : i32
    return %c0_i32, %c0_i32_0 : i32, i32
  }
  func.func @transform_4(%arg0: i32) -> (i32, i32) {
    %c0_i32 = arith.constant 0 : i32
    %c0_i32_0 = arith.constant 0 : i32
    %c0_i32_1 = arith.constant 0 : i32
    return %c0_i32, %c0_i32_0 : i32, i32
  }
  func.func @transform_5(%arg0: i32) -> (i32, i32) {
    %c0_i32 = arith.constant 0 : i32
    %c0_i32_0 = arith.constant 0 : i32
    return %arg0, %c0_i32 : i32, i32
  }
}

module attributes {stable_mosaic.version = 14 : i64} {
  func.func @_final_body(%arg0: i32, %arg1: memref<2x2000x128xf32, #tpu.memory_space<vmem>>, %arg2: memref<2000x128xf32, #tpu.memory_space<vmem>>, %arg3: memref<2000x1xf32, #tpu.memory_space<vmem>>, %arg4: memref<128x128xf32, #tpu.memory_space<vmem>>, %arg5: memref<128x128xf32, #tpu.memory_space<vmem>>, %arg6: memref<1x128xf32, #tpu.memory_space<vmem>>, %arg7: memref<1x128xf32, #tpu.memory_space<vmem>>, %arg8: memref<1x128xf32, #tpu.memory_space<vmem>>, %arg9: memref<1x1xf32, #tpu.memory_space<vmem>>, %arg10: memref<1x1xf32, #tpu.memory_space<vmem>>, %arg11: memref<1x128xf32, #tpu.memory_space<vmem>>, %arg12: memref<1x128xf32, #tpu.memory_space<vmem>>) attributes {dimension_semantics = [#tpu.dimension_semantics<arbitrary>], iteration_bounds = array<i64: 5>, scalar_prefetch = 0 : i64, scratch_operands = 2 : i64, tpu.core_type = #tpu.core_type<tc>, window_params = [{transform_indices = @transform_0, window_bounds = array<i64: 2, 2000, 128>}, {transform_indices = @transform_1, window_bounds = array<i64: 2000, 128>}, {transform_indices = @transform_2, window_bounds = array<i64: 2000, 1>}, {pipeline_mode = #tpu.pipeline_mode<synchronous>, transform_indices = @transform_3, window_bounds = array<i64: 128, 128>}, {pipeline_mode = #tpu.pipeline_mode<synchronous>, transform_indices = @transform_4, window_bounds = array<i64: 128, 128>}, {pipeline_mode = #tpu.pipeline_mode<synchronous>, transform_indices = @transform_5, window_bounds = array<i64: 1, 128>}, {pipeline_mode = #tpu.pipeline_mode<synchronous>, transform_indices = @transform_6, window_bounds = array<i64: 1, 128>}, {pipeline_mode = #tpu.pipeline_mode<synchronous>, transform_indices = @transform_7, window_bounds = array<i64: 1, 128>}, {pipeline_mode = #tpu.pipeline_mode<synchronous>, transform_indices = @transform_8, window_bounds = array<i64: 1, 1>}, {pipeline_mode = #tpu.pipeline_mode<synchronous>, transform_indices = @transform_9, window_bounds = array<i64: 1, 1>}]} {
    %eq3A = arith.constant 0 : i32
    %eq3A_0 = arith.cmpi eq, %arg0, %eq3A : i32
    %convert_element_type3A = arith.extui %eq3A_0 : i1 to i32
    %cond3A = arith.constant 0 : i32
    %cond3A_1 = arith.cmpi ne, %convert_element_type3A, %cond3A : i32
    scf.if %cond3A_1 {
      %broadcast_in_dim3A_61 = arith.constant 0.000000e+00 : f32
      %broadcast_in_dim3A_62 = vector.broadcast %broadcast_in_dim3A_61 : f32 to vector<1x128xf32>
      %swap3A_63 = arith.constant 0 : index
      %swap3A_64 = arith.constant 0 : index
      %swap3A_65 = vector.load %arg11[%swap3A_63, %swap3A_64] : memref<1x128xf32, #tpu.memory_space<vmem>>, vector<1x128xf32>
      tpu.vector_store %arg11[%swap3A_63, %swap3A_64], %broadcast_in_dim3A_62 {strides = array<i32>} : memref<1x128xf32, #tpu.memory_space<vmem>>, vector<1x128xf32>,
      %broadcast_in_dim3A_66 = arith.constant 0.000000e+00 : f32
      %broadcast_in_dim3A_67 = vector.broadcast %broadcast_in_dim3A_66 : f32 to vector<1x128xf32>
      %swap3A_68 = arith.constant 0 : index
      %swap3A_69 = arith.constant 0 : index
      %swap3A_70 = vector.load %arg12[%swap3A_68, %swap3A_69] : memref<1x128xf32, #tpu.memory_space<vmem>>, vector<1x128xf32>
      tpu.vector_store %arg12[%swap3A_68, %swap3A_69], %broadcast_in_dim3A_67 {strides = array<i32>} : memref<1x128xf32, #tpu.memory_space<vmem>>, vector<1x128xf32>,
    } else {
    }
    %get3A = arith.constant 0 : index
    %get3A_2 = arith.constant 0 : index
    %get3A_3 = arith.constant 0 : index
    %get3A_4 = vector.load %arg1[%get3A, %get3A_2, %get3A_3] : memref<2x2000x128xf32, #tpu.memory_space<vmem>>, vector<1x2000x128xf32>
    %get3A_5 = vector.shape_cast %get3A_4 : vector<1x2000x128xf32> to vector<2000x128xf32>
    %get3A_6 = arith.constant 1 : index
    %get3A_7 = arith.constant 0 : index
    %get3A_8 = arith.constant 0 : index
    %get3A_9 = vector.load %arg1[%get3A_6, %get3A_7, %get3A_8] : memref<2x2000x128xf32, #tpu.memory_space<vmem>>, vector<1x2000x128xf32>
    %get3A_10 = vector.shape_cast %get3A_9 : vector<1x2000x128xf32> to vector<2000x128xf32>
    %add3A = arith.addf %get3A_5, %get3A_10 : vector<2000x128xf32>
    %get3A_11 = arith.constant 0 : index
    %get3A_12 = arith.constant 0 : index
    %get3A_13 = vector.load %arg4[%get3A_11, %get3A_12] : memref<128x128xf32, #tpu.memory_space<vmem>>, vector<128x128xf32>
    %convert_element_type3A_14 = arith.truncf %add3A : vector<2000x128xf32> to vector<2000x128xbf16>
    %convert_element_type3A_15 = arith.truncf %get3A_13 : vector<128x128xf32> to vector<128x128xbf16>
    %dot_general3A = arith.constant dense<0.000000e+00> : vector<2000x128xf32>
    %dot_general3A_16 = tpu.matmul %convert_element_type3A_14, %convert_element_type3A_15, %dot_general3A {dimension_numbers = #tpu.dot_dimension_numbers<[1], [0], [0], [1], [0, 0, 1, 1], [], []>, transpose_lhs_hint = false} : vector<2000x128xbf16>, vector<128x128xbf16>, vector<2000x128xf32> -> vector<2000x128xf32>
    %get3A_17 = arith.constant 0 : index
    %get3A_18 = arith.constant 0 : index
    %get3A_19 = vector.load %arg2[%get3A_17, %get3A_18] : memref<2000x128xf32, #tpu.memory_space<vmem>>, vector<2000x128xf32>
    %get3A_20 = arith.constant 0 : index
    %get3A_21 = arith.constant 0 : index
    %get3A_22 = vector.load %arg5[%get3A_20, %get3A_21] : memref<128x128xf32, #tpu.memory_space<vmem>>, vector<128x128xf32>
    %convert_element_type3A_23 = arith.truncf %get3A_19 : vector<2000x128xf32> to vector<2000x128xbf16>
    %convert_element_type3A_24 = arith.truncf %get3A_22 : vector<128x128xf32> to vector<128x128xbf16>
    %dot_general3A_25 = arith.constant dense<0.000000e+00> : vector<2000x128xf32>
    %dot_general3A_26 = tpu.matmul %convert_element_type3A_23, %convert_element_type3A_24, %dot_general3A_25 {dimension_numbers = #tpu.dot_dimension_numbers<[1], [0], [0], [1], [0, 0, 1, 1], [], []>, transpose_lhs_hint = false} : vector<2000x128xbf16>, vector<128x128xbf16>, vector<2000x128xf32> -> vector<2000x128xf32>
    %add3A_27 = arith.addf %dot_general3A_16, %dot_general3A_26 : vector<2000x128xf32>
    %get3A_28 = arith.constant 0 : index
    %get3A_29 = arith.constant 0 : index
    %get3A_30 = vector.load %arg6[%get3A_28, %get3A_29] : memref<1x128xf32, #tpu.memory_space<vmem>>, vector<1x128xf32>
    %add3A_31 = vector.broadcast %get3A_30 : vector<1x128xf32> to vector<2000x128xf32>
    %add3A_32 = arith.addf %add3A_27, %add3A_31 : vector<2000x128xf32>
    %max3A = arith.constant 0.000000e+00 : f32
    %max3A_33 = vector.broadcast %max3A : f32 to vector<2000x128xf32>
    %max3A_34 = arith.maximumf %add3A_32, %max3A_33 : vector<2000x128xf32>
    %get3A_35 = arith.constant 0 : index
    %get3A_36 = arith.constant 0 : index
    %get3A_37 = vector.load %arg11[%get3A_35, %get3A_36] : memref<1x128xf32, #tpu.memory_space<vmem>>, vector<1x128xf32>
    %reduce_sum3A = arith.constant dense<0.000000e+00> : vector<128xf32>
    %reduce_sum3A_38 = vector.multi_reduction <add>, %max3A_34, %reduce_sum3A [0] : vector<2000x128xf32> to vector<128xf32>
    %broadcast_in_dim3A = vector.shape_cast %reduce_sum3A_38 : vector<128xf32> to vector<1x128xf32>
    %add3A_39 = arith.addf %get3A_37, %broadcast_in_dim3A : vector<1x128xf32>
    %swap3A = arith.constant 0 : index
    %swap3A_40 = arith.constant 0 : index
    %swap3A_41 = vector.load %arg11[%swap3A, %swap3A_40] : memref<1x128xf32, #tpu.memory_space<vmem>>, vector<1x128xf32>
    tpu.vector_store %arg11[%swap3A, %swap3A_40], %add3A_39 {strides = array<i32>} : memref<1x128xf32, #tpu.memory_space<vmem>>, vector<1x128xf32>,
    %get3A_42 = arith.constant 0 : index
    %get3A_43 = arith.constant 0 : index
    %get3A_44 = vector.load %arg12[%get3A_42, %get3A_43] : memref<1x128xf32, #tpu.memory_space<vmem>>, vector<1x128xf32>
    %get3A_45 = arith.constant 0 : index
    %get3A_46 = arith.constant 0 : index
    %get3A_47 = vector.load %arg3[%get3A_45, %get3A_46] : memref<2000x1xf32, #tpu.memory_space<vmem>>, vector<2000x1xf32>
    %mul3A = vector.broadcast %get3A_47 : vector<2000x1xf32> to vector<2000x128xf32>
    %mul3A_48 = arith.mulf %mul3A, %max3A_34 : vector<2000x128xf32>
    %reduce_sum3A_49 = arith.constant dense<0.000000e+00> : vector<128xf32>
    %reduce_sum3A_50 = vector.multi_reduction <add>, %mul3A_48, %reduce_sum3A_49 [0] : vector<2000x128xf32> to vector<128xf32>
    %broadcast_in_dim3A_51 = vector.shape_cast %reduce_sum3A_50 : vector<128xf32> to vector<1x128xf32>
    %add3A_52 = arith.addf %get3A_44, %broadcast_in_dim3A_51 : vector<1x128xf32>
    %swap3A_53 = arith.constant 0 : index
    %swap3A_54 = arith.constant 0 : index
    %swap3A_55 = vector.load %arg12[%swap3A_53, %swap3A_54] : memref<1x128xf32, #tpu.memory_space<vmem>>, vector<1x128xf32>
    tpu.vector_store %arg12[%swap3A_53, %swap3A_54], %add3A_52 {strides = array<i32>} : memref<1x128xf32, #tpu.memory_space<vmem>>, vector<1x128xf32>,
    %eq3A_56 = arith.constant 4 : i32
    %eq3A_57 = arith.cmpi eq, %arg0, %eq3A_56 : i32
    %convert_element_type3A_58 = arith.extui %eq3A_57 : i1 to i32
    %cond3A_59 = arith.constant 0 : i32
    %cond3A_60 = arith.cmpi ne, %convert_element_type3A_58, %cond3A_59 : i32
    scf.if %cond3A_60 {
      %get3A_61 = arith.constant 0 : index
      %get3A_62 = arith.constant 0 : index
      %get3A_63 = vector.load %arg7[%get3A_61, %get3A_62] : memref<1x128xf32, #tpu.memory_space<vmem>>, vector<1x128xf32>
      %convert_element_type3A_64 = arith.truncf %get3A_63 : vector<1x128xf32> to vector<1x128xbf16>
      %convert_element_type3A_65 = arith.extf %convert_element_type3A_64 : vector<1x128xbf16> to vector<1x128xf32>
      %get3A_66 = arith.constant 0 : index
      %get3A_67 = arith.constant 0 : index
      %get3A_68 = vector.load %arg8[%get3A_66, %get3A_67] : memref<1x128xf32, #tpu.memory_space<vmem>>, vector<1x128xf32>
      %convert_element_type3A_69 = arith.truncf %get3A_68 : vector<1x128xf32> to vector<1x128xbf16>
      %convert_element_type3A_70 = arith.extf %convert_element_type3A_69 : vector<1x128xbf16> to vector<1x128xf32>
      %get3A_71 = arith.constant 0 : index
      %get3A_72 = arith.constant 0 : index
      %get3A_73 = vector.load %arg12[%get3A_71, %get3A_72] : memref<1x128xf32, #tpu.memory_space<vmem>>, vector<1x128xf32>
      %mul3A_74 = arith.mulf %get3A_73, %convert_element_type3A_65 : vector<1x128xf32>
      %reduce_sum3A_75 = arith.constant dense<0.000000e+00> : vector<1xf32>
      %reduce_sum3A_76 = vector.multi_reduction <add>, %mul3A_74, %reduce_sum3A_75 [1] : vector<1x128xf32> to vector<1xf32>
      %broadcast_in_dim3A_77 = vector.shape_cast %reduce_sum3A_76 : vector<1xf32> to vector<1x1xf32>
      %div3A = arith.constant 1.000000e+04 : f32
      %div3A_78 = vector.broadcast %div3A : f32 to vector<1x1xf32>
      %div3A_79 = arith.divf %broadcast_in_dim3A_77, %div3A_78 : vector<1x1xf32>
      %get3A_80 = arith.constant 0 : index
      %get3A_81 = arith.constant 0 : index
      %get3A_82 = vector.load %arg11[%get3A_80, %get3A_81] : memref<1x128xf32, #tpu.memory_space<vmem>>, vector<1x128xf32>
      %mul3A_83 = arith.mulf %get3A_82, %convert_element_type3A_70 : vector<1x128xf32>
      %reduce_sum3A_84 = arith.constant dense<0.000000e+00> : vector<1xf32>
      %reduce_sum3A_85 = vector.multi_reduction <add>, %mul3A_83, %reduce_sum3A_84 [1] : vector<1x128xf32> to vector<1xf32>
      %broadcast_in_dim3A_86 = vector.shape_cast %reduce_sum3A_85 : vector<1xf32> to vector<1x1xf32>
      %div3A_87 = arith.constant 1.000000e+04 : f32
      %div3A_88 = vector.broadcast %div3A_87 : f32 to vector<1x1xf32>
      %div3A_89 = arith.divf %broadcast_in_dim3A_86, %div3A_88 : vector<1x1xf32>
      %add3A_90 = arith.addf %div3A_79, %div3A_89 : vector<1x1xf32>
      %get3A_91 = arith.constant 0 : index
      %get3A_92 = arith.constant 0 : index
      %get3A_93 = vector.load %arg9[%get3A_91, %get3A_92] : memref<1x1xf32, #tpu.memory_space<vmem>>, vector<1x1xf32>
      %add3A_94 = arith.addf %add3A_90, %get3A_93 : vector<1x1xf32>
      %swap3A_95 = arith.constant 0 : index
      %swap3A_96 = arith.constant 0 : index
      %swap3A_97 = vector.load %arg10[%swap3A_95, %swap3A_96] : memref<1x1xf32, #tpu.memory_space<vmem>>, vector<1x1xf32>
      tpu.vector_store %arg10[%swap3A_95, %swap3A_96], %add3A_94 {strides = array<i32>} : memref<1x1xf32, #tpu.memory_space<vmem>>, vector<1x1xf32>,
    } else {
    }
    return
  }
  func.func @transform_0(%arg0: i32) -> (i32, i32, i32) {
    %c0_i32 = arith.constant 0 : i32
    %c0_i32_0 = arith.constant 0 : i32
    %c0_i32_1 = arith.constant 0 : i32
    return %c0_i32, %arg0, %c0_i32_0 : i32, i32, i32
  }
  func.func @transform_1(%arg0: i32) -> (i32, i32) {
    %c0_i32 = arith.constant 0 : i32
    %c0_i32_0 = arith.constant 0 : i32
    return %arg0, %c0_i32 : i32, i32
  }
  func.func @transform_2(%arg0: i32) -> (i32, i32) {
    %c0_i32 = arith.constant 0 : i32
    %c0_i32_0 = arith.constant 0 : i32
    return %arg0, %c0_i32 : i32, i32
  }
  func.func @transform_3(%arg0: i32) -> (i32, i32) {
    %c0_i32 = arith.constant 0 : i32
    %c0_i32_0 = arith.constant 0 : i32
    %c0_i32_1 = arith.constant 0 : i32
    return %c0_i32, %c0_i32_0 : i32, i32
  }
  func.func @transform_4(%arg0: i32) -> (i32, i32) {
    %c0_i32 = arith.constant 0 : i32
    %c0_i32_0 = arith.constant 0 : i32
    %c0_i32_1 = arith.constant 0 : i32
    return %c0_i32, %c0_i32_0 : i32, i32
  }
  func.func @transform_5(%arg0: i32) -> (i32, i32) {
    %c0_i32 = arith.constant 0 : i32
    %c0_i32_0 = arith.constant 0 : i32
    %c0_i32_1 = arith.constant 0 : i32
    return %c0_i32, %c0_i32_0 : i32, i32
  }
  func.func @transform_6(%arg0: i32) -> (i32, i32) {
    %c0_i32 = arith.constant 0 : i32
    %c0_i32_0 = arith.constant 0 : i32
    %c0_i32_1 = arith.constant 0 : i32
    return %c0_i32, %c0_i32_0 : i32, i32
  }
  func.func @transform_7(%arg0: i32) -> (i32, i32) {
    %c0_i32 = arith.constant 0 : i32
    %c0_i32_0 = arith.constant 0 : i32
    %c0_i32_1 = arith.constant 0 : i32
    return %c0_i32, %c0_i32_0 : i32, i32
  }
  func.func @transform_8(%arg0: i32) -> (i32, i32) {
    %c0_i32 = arith.constant 0 : i32
    %c0_i32_0 = arith.constant 0 : i32
    %c0_i32_1 = arith.constant 0 : i32
    return %c0_i32, %c0_i32_0 : i32, i32
  }
  func.func @transform_9(%arg0: i32) -> (i32, i32) {
    %c0_i32 = arith.constant 0 : i32
    %c0_i32_0 = arith.constant 0 : i32
    %c0_i32_1 = arith.constant 0 : i32
    return %c0_i32, %c0_i32_0 : i32, i32
  }
}

</mosaic_0001>

<sc_bundles>
// kernel: kernel.10.cloned.1.call-start
scs
__scs_entry_jumppad:
0x0: {  	(pc) =	sbr.rel $0x88, $3  }
0x1: {  	(tag) =	ssettag $0x0;
	lr =	simm.s32 $0x1  }
0x2: {  	[smem:$0x3F96] =	sst lr;
	_ =	strace $0xD0000000  }
0x3: {  	_ = 	snop  }
0x4: {  	_ = 	snop  }
0x5: {  	_ = 	snop  }
0x6: {  	_ = 	snop  }
0x7: {  	_ = 	snop  }
__scs_overlays_trampoline_lowered:
0x8: {  	[smem:$0x3FA5] =	sst s0  }
0x9: {  	[smem:$0x3FA6] =	sst s1  }
0xa: {  	[smem:$0x3FA7] =	sst s2  }
0xb: {  	[smem:$0x3FA8] =	sst s3  }
0xc: {  	[smem:$0x3FA9] =	sst s4  }
0xd: {  	[smem:$0x3FAA] =	sst s5  }
0xe: {  	[smem:$0x3FAB] =	sst s6  }
0xf: {  	[smem:$0x3FAC] =	sst s7  }
0x10: {  	[smem:$0x3FAD] =	sst s8  }
0x11: {  	[smem:$0x3FAE] =	sst s9;
	s0 =	simm.s32 @!p0 $0x0  }
0x12: {  	s1 =	sld [smem:$0x3F94];
	s0 =	simm.s32 @p0 $0x1  }
0x13: {  	[smem:$0x3FAF] =	sst s0;
	s0 =	simm.s32 @!p1 $0x0  }
0x14: {  	s2 =	sld [smem:$0x3F93];
	s0 =	simm.s32 @p1 $0x1  }
0x15: {  	[smem:$0x3FB0] =	sst s0;
	s0 =	simm.s32 @!p2 $0x0  }
0x16: {  	s3 =	sld [smem:$0x3FDB];
	s0 =	simm.s32 @p2 $0x1  }
0x17: {  	s4 =	simm.s32 $0x1BF5;
	[smem:$0x3FB2] =	sst s0  }
0x18: {  	s0 =	sld [smem:$0x3F95];
	_ =	swait.ge [sflag:s4], $0x0  }
0x19: {  	s7 =	sld [smem:$0x3F96]  }
0x1a: {  	s8 =	sadd.s32 $0xFFFFE003, lr  }
0x1b: {  	s9 =	sadd.s32 $0xFFFFFEF7, lr;
	s5 =	simm.s32 $0xFFFFFFFF;
	p2 =	slt.u32 s8, $0xFFFFF086  }
0x1c: {  	p1 =	slt.u32 s9, $0xF7A;
	s5 =	simm.s32 @!p2 $0x0  }
0x1d: {  	s5 =	simm.s32 @p1 $0x1;
	p0 =	seq.s32 s7, s2  }
0x1e: {  	s7 =	smul.u32 @!p0 $0xF7A, s2;
	p2 =	seq.s32 @!p0 s5, $0x0  }
0x1f: {  	s9 =	smul.u32 $0xF7A, s1;
	s8 =	simm.s32 @!p0 $0x1BF5;
	p2 =	por !p2, p0  }
0x20: {  	[sflag:s8] =	ssyncset.s32 @!p0 $0xFFFFF086;
	s6 =	sadd.s32 @!p0 s3, s7;
	s7 =	simm.s32 @!p0 $0x108  }
0x21: {  	s3 =	sadd.s32 s3, s9;
	s6 =	sadd.s32 @!p0 $0x88, s6;
	s7 =	simm.s32 @p2 $0x1082  }
0x22: {  	[simem:s7], [sflag:s8] =	dma.local @!p0 [hbm:s6], $0xF7A  }
0x23: {  	s9 =	sor.u32 $0xD0000000, s2;
	s6 =	simm.s32 $0x108;
	_ =	swait.ge @!p0 [sflag:s8], $0x0  }
0x24: {  	s3 =	sadd.s32 $0x88, s3;
	s6 =	simm.s32 @!p1 $0x1082;
	[sflag:s4] =	ssyncset.s32 $0xFFFFF086  }
0x25: {  	[simem:s6], [sflag:s4] =	dma.local [hbm:s3], $0xF7A  }
0x26: {  	[smem:$0x3F96] =	sst s1;
	(tag) =	ssettag s2;
	_ =	strace s9  }
0x27: {  	s1 =	sld [smem:$0x3FA6]  }
0x28: {  	s2 =	sld [smem:$0x3FA7]  }
0x29: {  	s4 =	sld [smem:$0x3FA9]  }
0x2a: {  	p0 =	seq.s32 s5, $0x0;
	s5 =	sld [smem:$0x3FAA]  }
0x2b: {  	s6 =	sld [smem:$0x3FAB]  }
0x2c: {  	s7 =	sld [smem:$0x3FAC]  }
0x2d: {  	s3 =	simm.s32 $0x108;
	s8 =	sld [smem:$0x3FAD]  }
0x2e: {  	s3 =	simm.s32 @!p0 $0x1082;
	s9 =	sld [smem:$0x3FAE]  }
0x2f: {  	lr =	sadd.s32 s0, s3;
	s0 =	sld [smem:$0x3FA5]  }
0x30: {  	s3 =	sld [smem:$0x3FA8]  }
0x31: {  	[smem:$0x3FB1] =	sst s10  }
0x32: {  	s10 =	sld [smem:$0x3FAF];
	_ =	sdelay $0x3  }
0x33: {  	p0 =	seq.s32 s10, $0x1;
	s10 =	sld [smem:$0x3FB1];
	_ =	sdelay $0x3  }
0x34: {  	[smem:$0x3FB1] =	sst s10  }
0x35: {  	s10 =	sld [smem:$0x3FB0];
	_ =	sdelay $0x3  }
0x36: {  	p1 =	seq.s32 s10, $0x1;
	s10 =	sld [smem:$0x3FB1];
	_ =	sdelay $0x3  }
0x37: {  	[smem:$0x3FB1] =	sst s10  }
0x38: {  	s10 =	sld [smem:$0x3FB2]  }
0x39: {  	_ = 	snop;
	(pc) =	sbr.ind lr, $3  }
0x3a: {  	_ = 	snop  }
0x3b: {  	_ = 	snop  }
0x3c: {  	p2 =	seq.s32 s10, $0x1;
	s10 =	sld [smem:$0x3FB1]  }
0x3d: {  	_ =	shalt  }
0x3e: {  	_ =	shalt  }
0x3f: {  	_ =	shalt  }
0x40: {  	_ =	shalt  }
0x41: {  	_ =	shalt  }
0x42: {  	_ =	shalt  }
0x43: {  	_ =	shalt  }
0x44: {  	_ =	shalt  }
0x45: {  	_ =	shalt  }
0x46: {  	_ =	shalt  }
0x47: {  	_ =	shalt  }
0x48: {  	_ =	shalt  }
0x49: {  	_ =	shalt  }
0x4a: {  	_ =	shalt  }
0x4b: {  	_ =	shalt  }
0x4c: {  	_ =	shalt  }
0x4d: {  	_ =	shalt  }
0x4e: {  	_ =	shalt  }
0x4f: {  	_ =	shalt  }
0x50: {  	_ =	shalt  }
0x51: {  	_ =	shalt  }
0x52: {  	_ =	shalt  }
0x53: {  	_ =	shalt  }
0x54: {  	_ =	shalt  }
0x55: {  	_ =	shalt  }
0x56: {  	_ =	shalt  }
0x57: {  	_ =	shalt  }
0x58: {  	_ =	shalt  }
0x59: {  	_ =	shalt  }
0x5a: {  	_ =	shalt  }
0x5b: {  	_ =	shalt  }
0x5c: {  	_ =	shalt  }
0x5d: {  	_ =	shalt  }
0x5e: {  	_ =	shalt  }
0x5f: {  	_ =	shalt  }
0x60: {  	_ =	shalt  }
0x61: {  	_ =	shalt  }
0x62: {  	_ =	shalt  }
0x63: {  	_ =	shalt  }
0x64: {  	_ =	shalt  }
0x65: {  	_ =	shalt  }
0x66: {  	_ =	shalt  }
0x67: {  	_ =	shalt  }
0x68: {  	_ =	shalt  }
0x69: {  	_ =	shalt  }
0x6a: {  	_ =	shalt  }
0x6b: {  	_ =	shalt  }
0x6c: {  	_ =	shalt  }
0x6d: {  	_ =	shalt  }
0x6e: {  	_ =	shalt  }
0x6f: {  	_ =	shalt  }
0x70: {  	_ =	shalt  }
0x71: {  	_ =	shalt  }
0x72: {  	_ =	shalt  }
0x73: {  	_ =	shalt  }
0x74: {  	_ =	shalt  }
0x75: {  	_ =	shalt  }
0x76: {  	_ =	shalt  }
0x77: {  	_ =	shalt  }
0x78: {  	_ =	shalt  }
0x79: {  	_ =	shalt  }
0x7a: {  	_ =	shalt  }
0x7b: {  	_ =	shalt  }
0x7c: {  	_ =	shalt  }
0x7d: {  	_ =	shalt  }
0x7e: {  	_ =	shalt  }
0x7f: {  	_ =	shalt  }
0x80: {  	_ =	shalt  }
0x81: {  	_ =	shalt  }
0x82: {  	_ =	shalt  }
0x83: {  	_ =	shalt  }
0x84: {  	_ =	shalt  }
0x85: {  	_ =	shalt  }
0x86: {  	_ =	shalt  }
0x87: {  	_ =	shalt  }
.Lfunc_end0:
.L_simem_size_0:
called_computation.1_lowered:
.L_overlay_start_0:
0x88: {  	s2 =	sld [smem:$0x3FD9]  }
0x89: {  	s3 =	sld [smem:$0x3FFE];
	_ =	sdelay $0x1  }
0x8a: {  	s1 =	srdreg.scid  }
0x8b: {  	s0 =	sand.u32 $0x1, s1  }
0x8c: {  	s17 =	sshll.u32 s0, $0xA;
	s2 =	sadd.s32 s3, s2  }
0x8d: {  	s2 =	sadd.s32 s2, s17  }
0x8e: {  	[smem:$0x3FBD] =	sst s2  }
0x8f: {  	_ = 	snop  }
0x90: {  	(tm) =	ssettm $0x1  }
0x91: {  	s18 =	sld [smem:$0x3FFB];
	_ =	sdelay $0x3  }
0x92: {  	_ =	strace s18  }
0x93: {  	s2 =	sld [smem:$0x3FFC];
	_ =	sdelay $0x3  }
0x94: {  	_ =	strace s2  }
0x95: {  	s2 =	sld [smem:$0x3FFD];
	_ =	sdelay $0x3  }
0x96: {  	_ =	strace s2  }
0x97: {  	_ =	strace $0x8FFFFFFF  }
0x98: {  	s19 =	sld [smem:$0x3FDB];
	_ =	sdelay $0x1  }
0x99: {  	s20 =	simm.s32 $_scs_section_size  }
0x9a: {  	s4 =	simm.s32 $_size__tile_overlayer_lowered;
	s5 =	simm.s32 $_tile_overlayer_lowered  }
0x9b: {  	s6 =	simm.s32 $0x1BFF;
	s21 =	sshll.u32 s5, $0x1;
	s3 =	sadd.s32 s20, s19  }
0x9c: {  	s22 =	simm.s32 $0x0;
	s4 =	sshll.u32 s4, $0x1;
	s5 =	sadd.s32 s21, s3  }
0x9d: {  	[timem:s22], [sflag:s6] =	dma.local [hbm:s5], s4  }
0x9e: {  	_ =	swait.ge [sflag:s6], s4  }
0x9f: {  	s4 =	ssub.s32 $0x0, s4;
	[sflag:s6] =	ssyncset.done $0x0  }
0xa0: {  	[sflag:s6] =	ssyncadd.s32 s4;
	_ =	sdelay $0x1  }
0xa1: {  	s23 =	simm.s32 $0x1B8B  }
0xa2: {  	_ =	swait.ge [sflag:s23], $0x1  }
0xa3: {  	[sflag:s23] =	ssyncset.done $0x0  }
0xa4: {  	[sflag:s23] =	ssyncadd.s32 $0xFFFFFFFF  }
0xa5: {  	s4 =	sld [smem:$0x0]  }
0xa6: {  	s5 =	sand.u32 $0xFFFFFFFE, s1  }
0xa7: {  	p0 =	sne.s32 s1, s5  }
0xa8: {  	s5 =	sshll.u32 @p0 s5, $0xE  }
0xa9: {  	s5 =	sadd.s32 @p0 $0x11B8D, s5;
	s6 =	sshll.u32 @p0 s4, $0x11  }
0xaa: {  	s5 =	sor.u32 @p0 s6, s5  }
0xab: {  	[sflag:s5] =	ssyncadd.remote.s32 @p0 $0x1;
	_ =	sdelay $0x1  }
0xac: {  	s5 =	simm.s32 @p0 $0x1B8D  }
0xad: {  	_ =	swait.eq @p0 [sflag:s5], $0x1  }
0xae: {  	[sflag:s5] =	ssyncadd.s32 @p0 $0xFFFFFFFF  }
0xaf: {  	s6 =	sshll.u32 @!p0 s1, $0xE  }
0xb0: {  	s6 =	sor.u32 @!p0 $0x4000, s6;
	s5 =	simm.s32 @!p0 $0x1B8D  }
0xb1: {  	s4 =	sshll.u32 @!p0 s4, $0x11;
	s6 =	sadd.s32 @!p0 $0x11B8D, s6;
	_ =	swait.eq @!p0 [sflag:s5], $0x1  }
0xb2: {  	s4 =	sor.u32 @!p0 s4, s6;
	[sflag:s5] =	ssyncadd.s32 @!p0 $0xFFFFFFFF  }
0xb3: {  	s25 =	simm.s32 $0x1B8E;
	s24 =	sld [smem:$0x3FFE];
	[sflag:s4] =	ssyncadd.remote.s32 @!p0 $0x1  }
0xb4: {  	s26 =	simm.s32 $execute0_lowered;
	[smem:$0x3FD2] =	sst s25  }
0xb5: {  	s5 =	sshll.u32 s26, $0x1;
	_ =	strace $0x80000049;
	[dreg:$0x1] =	wrdreg $0xFFFFFFFF  }
0xb6: {  	s28 =	simm.s32 $_size_execute0_lowered;
	s3 =	sadd.s32 s3, s5;
	[dreg:$0x0] =	wrdreg $0x0  }
0xb7: {  	s5 =	sshll.u32 s28, $0x1;
	[dreg:$0x2] =	wrdreg s3  }
0xb8: {  	[dreg:$0x3] =	wrdreg s5  }
0xb9: {  	[dreg:$0x4] =	wrdreg $0xC0  }
0xba: {  	_ =	task [dreg:s22], $0x5FFFF  }
0xbb: {  	[dreg:$0x1] =	wrdreg $0xFFFFFFFF  }
0xbc: {  	[dreg:$0x0] =	wrdreg $0x60  }
0xbd: {  	[dreg:$0x2] =	wrdreg s24  }
0xbe: {  	[dreg:$0x3] =	wrdreg $0x40000  }
0xbf: {  	[dreg:$0x4] =	wrdreg $0x9  }
0xc0: {  	_ =	task.clear_ibuf [dreg:s22], $0x5FFFF;
	_ =	strace $0x90000049  }
0xc1: {  	s29 =	simm.s32 $0x9;
	_ =	strace $0x8000004B  }
0xc2: {  	_ =	swait.ge [sflag:s29], $0x1  }
0xc3: {  	[sflag:s29] =	ssyncadd.s32 $0xFFFFFFFF  }
0xc4: {  	_ =	strace $0x9000004B  }
0xc5: {  	_ =	sfence  }
0xc6: {  	s30 =	sld [smem:$0x0];
	_ =	sdelay $0x2  }
0xc7: {  	s31 =	sshll.u32 s1, $0xD;
	s1 =	sshrl.u32 s1, $0x2  }
0xc8: {  	s4 =	sand.u32 $0x4000, s31;
	s1 =	sadd.s32 s1, s30  }
0xc9: {  	s0 =	sor.u32 s4, s0;
	s1 =	sshll.u32 s1, $0x11  }
0xca: {  	s0 =	sor.u32 s1, s0  }
0xcb: {  	s0 =	sadd.s32 $0x8F2B, s0  }
0xcc: {  	[sflag:s0] =	ssyncadd.remote.s32 $0x1  }
0xcd: {  	_ =	sfence.sel $0xFFFF  }
0xce: {  	[dreg:$0x0] =	wrdreg $0xFFFFFFFF;
	(pc) =	sbr.abs _section_cstart, $3  }
0xcf: {  	[dreg:$0x1] =	wrdreg $0xFFFFFFFF  }
0xd0: {  	_ =	task.clear_ibuf [dreg:s22], $0x2FFFF;
	_ =	strace $0x9FFFFFFF  }
0xd1: {  	(tm) =	ssettm $0x7FFFFFFF  }
tec
execute0_lowered:
.L_overlay_start_1:
0x0: {  	(tag) =	ssettag $0x1  }
0x1: {  	s0 =	rddreg [dreg:$0x0]  }
0x2: {  	s2 =	rddreg [dreg:$0x1]  }
0x3: {  	s9 =	stileid.u32;
	s4 =	srdreg.scid  }
0x4: {  	s3 =	simm.s32 $0x0;
	s11 =	simm.s32 $0x2;
	s12 =	simm.s32 $0xC00  }
0x5: {  	s13 =	simm.s32 $0x64;
	s14 =	simm.s32 $0x80;
	s15 =	simm.s32 $0x100  }
0x6: {  	s16 =	simm.s32 $0x180;
	s17 =	simm.s32 $0x200;
	s18 =	simm.s32 $0x280  }
0x7: {  	s19 =	simm.s32 $0x300;
	s20 =	simm.s32 $0x380;
	s21 =	simm.s32 $0x400  }
0x8: {  	s28 =	simm.s32 $0x700;
	s29 =	simm.s32 $0x780;
	s1 =	smul.u32 $0x14000, s9  }
0x9: {  	s30 =	simm.s32 $0x800;
	s31 =	simm.s32 $0x880;
	s5 =	smul.u32 $0x7800, s9  }
0xa: {  	s4 =	sand.u32 $0x1, s4;
	[smem:$0x7FF] =	sst s3;
	s22 =	smul.u32 $0x50000, s9  }
0xb: {  	s10 =	sadd.s32 $0xBDE00, s0;
	s25 =	sshll.u32 s9, $0x6;
	s6 =	smul.u32 $0x3C00, s4  }
0xc: {  	_ =	strace $0x8000004A;
	s8 =	smul.u32 $0x140000, s4;
	s4 =	ssub.s32 $0x2, s4  }
0xd: {  	[dreg:$0x3] =	wrdreg s10;
	s7 =	sshrl.u32 s1, $0x3;
	s23 =	sshrl.u32 s4, $0x1  }
0xe: {  	s7 =	sadd.s32 s7, s0;
	s5 =	sadd.s32 s6, s5;
	s1 =	sadd.s32 s1, s8  }
0xf: {  	s6 =	sshrl.u32 s22, $0x2;
	s22 =	simm.s32 $0x480;
	s5 =	sshrl.u32 s5, $0x3  }
0x10: {  	s1 =	sshrl.u32 s1, $0x3;
	s24 =	sadd.s32 s6, s2;
	s7 =	sadd.s32 $0x95E00, s7  }
0x11: {  	s5 =	sadd.s32 s5, s0;
	s0 =	sadd.s32 s1, s0;
	s1 =	ssub.s32 s4, s23  }
0x12: {  	[dreg:$0x4] =	wrdreg s7;
	s7 =	sor.u32 $0x1C02, s25;
	s8 =	sshrl.u32 s24, $0x3  }
0x13: {  	s23 =	simm.s32 $0x500;
	s24 =	simm.s32 $0x580;
	s25 =	simm.s32 $0x600  }
0x14: {  	s4 =	simm.s32 $0x1;
	s0 =	sadd.s32 $0xBE600, s0;
	[dreg:$0x5] =	wrdreg s7  }
0x15: {  	s26 =	smax.u32 s1, $0x1;
	s9 =	sadd.s32 $0x2A00, s5;
	[dreg:$0x8] =	wrdreg s8  }
0x16: {  	s1 =	simm.s32 $0x980;
	s5 =	simm.s32 $0x0;
	[dreg:$0x6] =	wrdreg s0  }
0x17: {  	[dreg:$0x7] =	wrdreg s26;
	s26 =	simm.s32 $0x680;
	s0 =	simm.s32 $0x900  }
.LBB2_1:
0x18: {  	s6 =	rddreg [dreg:$0x4]  }
0x19: {  	[spmem:s8], [sflag:s7] =	dma.local [hbm:s6], $0x2800  }
0x1a: {  	_ =	swait.ge [sflag:s11], $0x2800  }
0x1b: {  	[sflag:s11] =	ssyncset.done $0x0  }
0x1c: {  	s8 =	rddreg [dreg:$0x3];
	[sflag:s11] =	ssyncadd.s32 $0xFFFFD800  }
0x1d: {  	[tilespmem:s12], [sflag:$0x2] =	stream.linear.gather [hbm4b:s8+s3], $0x3200, $0x38;
	[tilespmem:$0x18000] =	vst v63  }
0x1e: {  	_ =	swait.ge [sflag:s11], $0x3200  }
0x1f: {  	[sflag:s11] =	ssyncset.done $0x0  }
0x20: {  	[sflag:s11] =	ssyncadd.s32 $0xFFFFCE00  }
0x21: {  	s10 =	sadd.s32 $0x0, s9;
	[bflag:$0x0] =	sbarrier.arrive $0xFFFF  }
0x22: {  	[tilespmem:s3], [sflag:$0x2] =	stream.linear.gather [hbm4b:s10+s3], $0xA00, $0x38;
	[tilespmem:$0x18000] =	vst v63  }
0x23: {  	_ =	swait.ge [sflag:s11], $0xA00  }
0x24: {  	[sflag:s11] =	ssyncset.done $0x0  }
0x25: {  	[sflag:s11] =	ssyncadd.s32 $0xFFFFF600  }
0x26: {  	[spmem:s2] =	stream.indirect.scatter.add.f32 [tilespmem:s12], [sflag:$0x1], $0x80, s3, s13, $0xb8;
	[tilespmem:$0x18000] =	vst v63  }
0x27: {  	_ = 	snop  }
0x28: {  	[spmem:s2] =	stream.indirect.scatter.add.f32 [tilespmem:s12], [sflag:$0x1], $0x80, s14, s13, $0xb8;
	[tilespmem:$0x18000] =	vst v63  }
0x29: {  	_ = 	snop  }
0x2a: {  	[spmem:s2] =	stream.indirect.scatter.add.f32 [tilespmem:s12], [sflag:$0x1], $0x80, s15, s13, $0xb8;
	[tilespmem:$0x18000] =	vst v63  }
0x2b: {  	_ = 	snop  }
0x2c: {  	[spmem:s2] =	stream.indirect.scatter.add.f32 [tilespmem:s12], [sflag:$0x1], $0x80, s16, s13, $0xb8;
	[tilespmem:$0x18000] =	vst v63  }
0x2d: {  	_ = 	snop  }
0x2e: {  	[spmem:s2] =	stream.indirect.scatter.add.f32 [tilespmem:s12], [sflag:$0x1], $0x80, s17, s13, $0xb8;
	[tilespmem:$0x18000] =	vst v63  }
0x2f: {  	_ = 	snop  }
0x30: {  	[spmem:s2] =	stream.indirect.scatter.add.f32 [tilespmem:s12], [sflag:$0x1], $0x80, s18, s13, $0xb8;
	[tilespmem:$0x18000] =	vst v63  }
0x31: {  	_ = 	snop  }
0x32: {  	[spmem:s2] =	stream.indirect.scatter.add.f32 [tilespmem:s12], [sflag:$0x1], $0x80, s19, s13, $0xb8;
	[tilespmem:$0x18000] =	vst v63  }
0x33: {  	_ = 	snop  }
0x34: {  	[spmem:s2] =	stream.indirect.scatter.add.f32 [tilespmem:s12], [sflag:$0x1], $0x80, s20, s13, $0xb8;
	[tilespmem:$0x18000] =	vst v63  }
0x35: {  	_ = 	snop  }
0x36: {  	[spmem:s2] =	stream.indirect.scatter.add.f32 [tilespmem:s12], [sflag:$0x1], $0x80, s21, s13, $0xb8;
	[tilespmem:$0x18000] =	vst v63  }
0x37: {  	_ = 	snop  }
0x38: {  	[spmem:s2] =	stream.indirect.scatter.add.f32 [tilespmem:s12], [sflag:$0x1], $0x80, s22, s13, $0xb8;
	[tilespmem:$0x18000] =	vst v63  }
0x39: {  	_ = 	snop  }
0x3a: {  	[spmem:s2] =	stream.indirect.scatter.add.f32 [tilespmem:s12], [sflag:$0x1], $0x80, s23, s13, $0xb8;
	[tilespmem:$0x18000] =	vst v63  }
0x3b: {  	_ = 	snop  }
0x3c: {  	[spmem:s2] =	stream.indirect.scatter.add.f32 [tilespmem:s12], [sflag:$0x1], $0x80, s24, s13, $0xb8;
	[tilespmem:$0x18000] =	vst v63  }
0x3d: {  	_ = 	snop  }
0x3e: {  	[spmem:s2] =	stream.indirect.scatter.add.f32 [tilespmem:s12], [sflag:$0x1], $0x80, s25, s13, $0xb8;
	[tilespmem:$0x18000] =	vst v63  }
0x3f: {  	_ = 	snop  }
0x40: {  	[spmem:s2] =	stream.indirect.scatter.add.f32 [tilespmem:s12], [sflag:$0x1], $0x80, s26, s13, $0xb8;
	[tilespmem:$0x18000] =	vst v63  }
0x41: {  	_ = 	snop  }
0x42: {  	[spmem:s2] =	stream.indirect.scatter.add.f32 [tilespmem:s12], [sflag:$0x1], $0x80, s28, s13, $0xb8;
	[tilespmem:$0x18000] =	vst v63  }
0x43: {  	_ = 	snop  }
0x44: {  	[spmem:s2] =	stream.indirect.scatter.add.f32 [tilespmem:s12], [sflag:$0x1], $0x80, s29, s13, $0xb8;
	[tilespmem:$0x18000] =	vst v63  }
0x45: {  	_ = 	snop  }
0x46: {  	[spmem:s2] =	stream.indirect.scatter.add.f32 [tilespmem:s12], [sflag:$0x1], $0x80, s30, s13, $0xb8;
	[tilespmem:$0x18000] =	vst v63  }
0x47: {  	_ = 	snop  }
0x48: {  	[spmem:s2] =	stream.indirect.scatter.add.f32 [tilespmem:s12], [sflag:$0x1], $0x80, s31, s13, $0xb8;
	[tilespmem:$0x18000] =	vst v63  }
0x49: {  	_ = 	snop  }
0x4a: {  	[spmem:s2] =	stream.indirect.scatter.add.f32 [tilespmem:s12], [sflag:$0x1], $0x80, s0, s13, $0xb8;
	[tilespmem:$0x18000] =	vst v63  }
0x4b: {  	_ = 	snop  }
0x4c: {  	[spmem:s2] =	stream.indirect.scatter.add.f32 [tilespmem:s12], [sflag:$0x1], $0x80, s1, s13, $0xb8;
	[tilespmem:$0x18000] =	vst v63  }
0x4d: {  	_ =	swait.ge [sflag:s4], $0x3200  }
0x4e: {  	[sflag:s4] =	ssyncset.done $0x0  }
0x4f: {  	[sflag:s4] =	ssyncadd.s32 $0xFFFFCE00  }
0x50: {  	_ =	swait.ge [sflag:s4], $0x3200  }
0x51: {  	[sflag:s4] =	ssyncset.done $0x0  }
0x52: {  	[sflag:s4] =	ssyncadd.s32 $0xFFFFCE00  }
0x53: {  	_ =	swait.ge [sflag:s4], $0x3200  }
0x54: {  	[sflag:s4] =	ssyncset.done $0x0  }
0x55: {  	[sflag:s4] =	ssyncadd.s32 $0xFFFFCE00  }
0x56: {  	_ =	swait.ge [sflag:s4], $0x3200  }
0x57: {  	[sflag:s4] =	ssyncset.done $0x0  }
0x58: {  	[sflag:s4] =	ssyncadd.s32 $0xFFFFCE00  }
0x59: {  	_ =	swait.ge [sflag:s4], $0x3200  }
0x5a: {  	[sflag:s4] =	ssyncset.done $0x0  }
0x5b: {  	[sflag:s4] =	ssyncadd.s32 $0xFFFFCE00  }
0x5c: {  	_ =	swait.ge [sflag:s4], $0x3200  }
0x5d: {  	[sflag:s4] =	ssyncset.done $0x0  }
0x5e: {  	[sflag:s4] =	ssyncadd.s32 $0xFFFFCE00  }
0x5f: {  	_ =	swait.ge [sflag:s4], $0x3200  }
0x60: {  	[sflag:s4] =	ssyncset.done $0x0  }
0x61: {  	[sflag:s4] =	ssyncadd.s32 $0xFFFFCE00  }
0x62: {  	_ =	swait.ge [sflag:s4], $0x3200  }
0x63: {  	[sflag:s4] =	ssyncset.done $0x0  }
0x64: {  	[sflag:s4] =	ssyncadd.s32 $0xFFFFCE00  }
0x65: {  	_ =	swait.ge [sflag:s4], $0x3200  }
0x66: {  	[sflag:s4] =	ssyncset.done $0x0  }
0x67: {  	[sflag:s4] =	ssyncadd.s32 $0xFFFFCE00  }
0x68: {  	_ =	swait.ge [sflag:s4], $0x3200  }
0x69: {  	[sflag:s4] =	ssyncset.done $0x0  }
0x6a: {  	[sflag:s4] =	ssyncadd.s32 $0xFFFFCE00  }
0x6b: {  	_ =	swait.ge [sflag:s4], $0x3200  }
0x6c: {  	[sflag:s4] =	ssyncset.done $0x0  }
0x6d: {  	[sflag:s4] =	ssyncadd.s32 $0xFFFFCE00  }
0x6e: {  	_ =	swait.ge [sflag:s4], $0x3200  }
0x6f: {  	[sflag:s4] =	ssyncset.done $0x0  }
0x70: {  	[sflag:s4] =	ssyncadd.s32 $0xFFFFCE00  }
0x71: {  	_ =	swait.ge [sflag:s4], $0x3200  }
0x72: {  	[sflag:s4] =	ssyncset.done $0x0  }
0x73: {  	[sflag:s4] =	ssyncadd.s32 $0xFFFFCE00  }
0x74: {  	_ =	swait.ge [sflag:s4], $0x3200  }
0x75: {  	[sflag:s4] =	ssyncset.done $0x0  }
0x76: {  	[sflag:s4] =	ssyncadd.s32 $0xFFFFCE00  }
0x77: {  	_ =	swait.ge [sflag:s4], $0x3200  }
0x78: {  	[sflag:s4] =	ssyncset.done $0x0  }
0x79: {  	[sflag:s4] =	ssyncadd.s32 $0xFFFFCE00  }
0x7a: {  	_ =	swait.ge [sflag:s4], $0x3200  }
0x7b: {  	[sflag:s4] =	ssyncset.done $0x0  }
0x7c: {  	[sflag:s4] =	ssyncadd.s32 $0xFFFFCE00  }
0x7d: {  	_ =	swait.ge [sflag:s4], $0x3200  }
0x7e: {  	[sflag:s4] =	ssyncset.done $0x0  }
0x7f: {  	[sflag:s4] =	ssyncadd.s32 $0xFFFFCE00  }
0x80: {  	_ =	swait.ge [sflag:s4], $0x3200  }
0x81: {  	[sflag:s4] =	ssyncset.done $0x0  }
0x82: {  	[sflag:s4] =	ssyncadd.s32 $0xFFFFCE00  }
0x83: {  	_ =	swait.ge [sflag:s4], $0x3200  }
0x84: {  	[sflag:s4] =	ssyncset.done $0x0  }
0x85: {  	[sflag:s4] =	ssyncadd.s32 $0xFFFFCE00  }
0x86: {  	_ =	swait.ge [sflag:s4], $0x3200  }
0x87: {  	s7 =	simm.s32 $0x180;
	s8 =	simm.s32 $0x300;
	[sflag:s4] =	ssyncset.done $0x0  }
.LBB2_2:
0x88: {  	s10 =	sadd.s32 s7, s9  }
0x89: {  	[sflag:s4] =	ssyncadd.s32 $0xFFFFCE00;
	s7 =	smov.u32 s8;
	s6 =	sadd.s32 $0x180, s8  }
0x8a: {  	[tilespmem:s3], [sflag:$0x2] =	stream.linear.gather [hbm4b:s10+s3], $0xA00, $0x38;
	[tilespmem:$0x18000] =	vst v63  }
0x8b: {  	p0 =	sne.s32 s8, $0x600;
	_ =	swait.ge [sflag:s11], $0xA00  }
0x8c: {  	[sflag:s11] =	ssyncset.done $0x0  }
0x8d: {  	[sflag:s11] =	ssyncadd.s32 $0xFFFFF600  }
0x8e: {  	[spmem:s2] =	stream.indirect.scatter.add.f32 [tilespmem:s12], [sflag:$0x1], $0x80, s3, s13, $0xb8;
	[tilespmem:$0x18000] =	vst v63  }
0x8f: {  	_ = 	snop  }
0x90: {  	[spmem:s2] =	stream.indirect.scatter.add.f32 [tilespmem:s12], [sflag:$0x1], $0x80, s14, s13, $0xb8;
	[tilespmem:$0x18000] =	vst v63  }
0x91: {  	_ = 	snop  }
0x92: {  	[spmem:s2] =	stream.indirect.scatter.add.f32 [tilespmem:s12], [sflag:$0x1], $0x80, s15, s13, $0xb8;
	[tilespmem:$0x18000] =	vst v63  }
0x93: {  	_ = 	snop  }
0x94: {  	[spmem:s2] =	stream.indirect.scatter.add.f32 [tilespmem:s12], [sflag:$0x1], $0x80, s16, s13, $0xb8;
	[tilespmem:$0x18000] =	vst v63  }
0x95: {  	_ = 	snop  }
0x96: {  	[spmem:s2] =	stream.indirect.scatter.add.f32 [tilespmem:s12], [sflag:$0x1], $0x80, s17, s13, $0xb8;
	[tilespmem:$0x18000] =	vst v63  }
0x97: {  	_ = 	snop  }
0x98: {  	[spmem:s2] =	stream.indirect.scatter.add.f32 [tilespmem:s12], [sflag:$0x1], $0x80, s18, s13, $0xb8;
	[tilespmem:$0x18000] =	vst v63  }
0x99: {  	_ = 	snop  }
0x9a: {  	[spmem:s2] =	stream.indirect.scatter.add.f32 [tilespmem:s12], [sflag:$0x1], $0x80, s19, s13, $0xb8;
	[tilespmem:$0x18000] =	vst v63  }
0x9b: {  	_ = 	snop  }
0x9c: {  	[spmem:s2] =	stream.indirect.scatter.add.f32 [tilespmem:s12], [sflag:$0x1], $0x80, s20, s13, $0xb8;
	[tilespmem:$0x18000] =	vst v63  }
0x9d: {  	_ = 	snop  }
0x9e: {  	[spmem:s2] =	stream.indirect.scatter.add.f32 [tilespmem:s12], [sflag:$0x1], $0x80, s21, s13, $0xb8;
	[tilespmem:$0x18000] =	vst v63  }
0x9f: {  	_ = 	snop  }
0xa0: {  	[spmem:s2] =	stream.indirect.scatter.add.f32 [tilespmem:s12], [sflag:$0x1], $0x80, s22, s13, $0xb8;
	[tilespmem:$0x18000] =	vst v63  }
0xa1: {  	_ = 	snop  }
0xa2: {  	[spmem:s2] =	stream.indirect.scatter.add.f32 [tilespmem:s12], [sflag:$0x1], $0x80, s23, s13, $0xb8;
	[tilespmem:$0x18000] =	vst v63  }
0xa3: {  	_ = 	snop  }
0xa4: {  	[spmem:s2] =	stream.indirect.scatter.add.f32 [tilespmem:s12], [sflag:$0x1], $0x80, s24, s13, $0xb8;
	[tilespmem:$0x18000] =	vst v63  }
0xa5: {  	_ = 	snop  }
0xa6: {  	[spmem:s2] =	stream.indirect.scatter.add.f32 [tilespmem:s12], [sflag:$0x1], $0x80, s25, s13, $0xb8;
	[tilespmem:$0x18000] =	vst v63  }
0xa7: {  	_ = 	snop  }
0xa8: {  	[spmem:s2] =	stream.indirect.scatter.add.f32 [tilespmem:s12], [sflag:$0x1], $0x80, s26, s13, $0xb8;
	[tilespmem:$0x18000] =	vst v63  }
0xa9: {  	_ = 	snop  }
0xaa: {  	[spmem:s2] =	stream.indirect.scatter.add.f32 [tilespmem:s12], [sflag:$0x1], $0x80, s28, s13, $0xb8;
	[tilespmem:$0x18000] =	vst v63  }
0xab: {  	_ = 	snop  }
0xac: {  	[spmem:s2] =	stream.indirect.scatter.add.f32 [tilespmem:s12], [sflag:$0x1], $0x80, s29, s13, $0xb8;
	[tilespmem:$0x18000] =	vst v63  }
0xad: {  	_ = 	snop  }
0xae: {  	[spmem:s2] =	stream.indirect.scatter.add.f32 [tilespmem:s12], [sflag:$0x1], $0x80, s30, s13, $0xb8;
	[tilespmem:$0x18000] =	vst v63  }
0xaf: {  	_ = 	snop  }
0xb0: {  	[spmem:s2] =	stream.indirect.scatter.add.f32 [tilespmem:s12], [sflag:$0x1], $0x80, s31, s13, $0xb8;
	[tilespmem:$0x18000] =	vst v63  }
0xb1: {  	_ = 	snop  }
0xb2: {  	[spmem:s2] =	stream.indirect.scatter.add.f32 [tilespmem:s12], [sflag:$0x1], $0x80, s0, s13, $0xb8;
	[tilespmem:$0x18000] =	vst v63  }
0xb3: {  	_ = 	snop  }
0xb4: {  	[spmem:s2] =	stream.indirect.scatter.add.f32 [tilespmem:s12], [sflag:$0x1], $0x80, s1, s13, $0xb8;
	[tilespmem:$0x18000] =	vst v63  }
0xb5: {  	_ =	swait.ge [sflag:s4], $0x3200  }
0xb6: {  	[sflag:s4] =	ssyncset.done $0x0  }
0xb7: {  	[sflag:s4] =	ssyncadd.s32 $0xFFFFCE00  }
0xb8: {  	_ =	swait.ge [sflag:s4], $0x3200  }
0xb9: {  	[sflag:s4] =	ssyncset.done $0x0  }
0xba: {  	[sflag:s4] =	ssyncadd.s32 $0xFFFFCE00  }
0xbb: {  	_ =	swait.ge [sflag:s4], $0x3200  }
0xbc: {  	[sflag:s4] =	ssyncset.done $0x0  }
0xbd: {  	[sflag:s4] =	ssyncadd.s32 $0xFFFFCE00  }
0xbe: {  	_ =	swait.ge [sflag:s4], $0x3200  }
0xbf: {  	[sflag:s4] =	ssyncset.done $0x0  }
0xc0: {  	[sflag:s4] =	ssyncadd.s32 $0xFFFFCE00  }
0xc1: {  	_ =	swait.ge [sflag:s4], $0x3200  }
0xc2: {  	[sflag:s4] =	ssyncset.done $0x0  }
0xc3: {  	[sflag:s4] =	ssyncadd.s32 $0xFFFFCE00  }
0xc4: {  	_ =	swait.ge [sflag:s4], $0x3200  }
0xc5: {  	[sflag:s4] =	ssyncset.done $0x0  }
0xc6: {  	[sflag:s4] =	ssyncadd.s32 $0xFFFFCE00  }
0xc7: {  	_ =	swait.ge [sflag:s4], $0x3200  }
0xc8: {  	[sflag:s4] =	ssyncset.done $0x0  }
0xc9: {  	[sflag:s4] =	ssyncadd.s32 $0xFFFFCE00  }
0xca: {  	_ =	swait.ge [sflag:s4], $0x3200  }
0xcb: {  	[sflag:s4] =	ssyncset.done $0x0  }
0xcc: {  	[sflag:s4] =	ssyncadd.s32 $0xFFFFCE00  }
0xcd: {  	_ =	swait.ge [sflag:s4], $0x3200  }
0xce: {  	[sflag:s4] =	ssyncset.done $0x0  }
0xcf: {  	[sflag:s4] =	ssyncadd.s32 $0xFFFFCE00  }
0xd0: {  	_ =	swait.ge [sflag:s4], $0x3200  }
0xd1: {  	[sflag:s4] =	ssyncset.done $0x0  }
0xd2: {  	[sflag:s4] =	ssyncadd.s32 $0xFFFFCE00  }
0xd3: {  	_ =	swait.ge [sflag:s4], $0x3200  }
0xd4: {  	[sflag:s4] =	ssyncset.done $0x0  }
0xd5: {  	[sflag:s4] =	ssyncadd.s32 $0xFFFFCE00  }
0xd6: {  	_ =	swait.ge [sflag:s4], $0x3200  }
0xd7: {  	[sflag:s4] =	ssyncset.done $0x0  }
0xd8: {  	[sflag:s4] =	ssyncadd.s32 $0xFFFFCE00  }
0xd9: {  	_ =	swait.ge [sflag:s4], $0x3200  }
0xda: {  	[sflag:s4] =	ssyncset.done $0x0  }
0xdb: {  	[sflag:s4] =	ssyncadd.s32 $0xFFFFCE00  }
0xdc: {  	_ =	swait.ge [sflag:s4], $0x3200  }
0xdd: {  	[sflag:s4] =	ssyncset.done $0x0  }
0xde: {  	[sflag:s4] =	ssyncadd.s32 $0xFFFFCE00  }
0xdf: {  	_ =	swait.ge [sflag:s4], $0x3200  }
0xe0: {  	[sflag:s4] =	ssyncset.done $0x0  }
0xe1: {  	[sflag:s4] =	ssyncadd.s32 $0xFFFFCE00  }
0xe2: {  	_ =	swait.ge [sflag:s4], $0x3200  }
0xe3: {  	[sflag:s4] =	ssyncset.done $0x0  }
0xe4: {  	[sflag:s4] =	ssyncadd.s32 $0xFFFFCE00  }
0xe5: {  	_ =	swait.ge [sflag:s4], $0x3200  }
0xe6: {  	[sflag:s4] =	ssyncset.done $0x0  }
0xe7: {  	[sflag:s4] =	ssyncadd.s32 $0xFFFFCE00  }
0xe8: {  	_ =	swait.ge [sflag:s4], $0x3200  }
0xe9: {  	[sflag:s4] =	ssyncset.done $0x0  }
0xea: {  	[sflag:s4] =	ssyncadd.s32 $0xFFFFCE00  }
.Ltmp0:
0xeb: {  	_ =	swait.ge [sflag:s4], $0x3200;
	(pc) =	sbr.rel @p0 .LBB2_2-.Ltmp0, $4  }
0xec: {  	[sflag:s4] =	ssyncset.done $0x0  }
0xed: {  	[sflag:s4] =	ssyncadd.s32 $0xFFFFCE00  }
0xee: {  	_ =	swait.ge [sflag:s4], $0x3200  }
0xef: {  	s8 =	smov.u32 s6;
	[sflag:s4] =	ssyncset.done $0x0  }
0xf0: {  	s6 =	sadd.s32 s7, s9;
	[sflag:s4] =	ssyncadd.s32 $0xFFFFCE00  }
0xf1: {  	[tilespmem:s3], [sflag:$0x2] =	stream.linear.gather [hbm4b:s6+s3], $0xA00, $0x38;
	[tilespmem:$0x18000] =	vst v63  }
0xf2: {  	_ =	swait.ge [sflag:s11], $0xA00  }
0xf3: {  	[sflag:s11] =	ssyncset.done $0x0  }
0xf4: {  	[sflag:s11] =	ssyncadd.s32 $0xFFFFF600  }
0xf5: {  	[spmem:s2] =	stream.indirect.scatter.add.f32 [tilespmem:s12], [sflag:$0x1], $0x80, s3, s13, $0xb8;
	[tilespmem:$0x18000] =	vst v63  }
0xf6: {  	_ = 	snop  }
0xf7: {  	[spmem:s2] =	stream.indirect.scatter.add.f32 [tilespmem:s12], [sflag:$0x1], $0x80, s14, s13, $0xb8;
	[tilespmem:$0x18000] =	vst v63  }
0xf8: {  	_ = 	snop  }
0xf9: {  	[spmem:s2] =	stream.indirect.scatter.add.f32 [tilespmem:s12], [sflag:$0x1], $0x80, s15, s13, $0xb8;
	[tilespmem:$0x18000] =	vst v63  }
0xfa: {  	_ = 	snop  }
0xfb: {  	[spmem:s2] =	stream.indirect.scatter.add.f32 [tilespmem:s12], [sflag:$0x1], $0x80, s16, s13, $0xb8;
	[tilespmem:$0x18000] =	vst v63  }
0xfc: {  	_ = 	snop  }
0xfd: {  	[spmem:s2] =	stream.indirect.scatter.add.f32 [tilespmem:s12], [sflag:$0x1], $0x80, s17, s13, $0xb8;
	[tilespmem:$0x18000] =	vst v63  }
0xfe: {  	_ = 	snop  }
0xff: {  	[spmem:s2] =	stream.indirect.scatter.add.f32 [tilespmem:s12], [sflag:$0x1], $0x80, s18, s13, $0xb8;
	[tilespmem:$0x18000] =	vst v63  }
0x100: {  	_ = 	snop  }
0x101: {  	[spmem:s2] =	stream.indirect.scatter.add.f32 [tilespmem:s12], [sflag:$0x1], $0x80, s19, s13, $0xb8;
	[tilespmem:$0x18000] =	vst v63  }
0x102: {  	_ = 	snop  }
0x103: {  	[spmem:s2] =	stream.indirect.scatter.add.f32 [tilespmem:s12], [sflag:$0x1], $0x80, s20, s13, $0xb8;
	[tilespmem:$0x18000] =	vst v63  }
0x104: {  	_ = 	snop  }
0x105: {  	[spmem:s2] =	stream.indirect.scatter.add.f32 [tilespmem:s12], [sflag:$0x1], $0x80, s21, s13, $0xb8;
	[tilespmem:$0x18000] =	vst v63  }
0x106: {  	_ = 	snop  }
0x107: {  	[spmem:s2] =	stream.indirect.scatter.add.f32 [tilespmem:s12], [sflag:$0x1], $0x80, s22, s13, $0xb8;
	[tilespmem:$0x18000] =	vst v63  }
0x108: {  	_ = 	snop  }
0x109: {  	[spmem:s2] =	stream.indirect.scatter.add.f32 [tilespmem:s12], [sflag:$0x1], $0x80, s23, s13, $0xb8;
	[tilespmem:$0x18000] =	vst v63  }
0x10a: {  	_ = 	snop  }
0x10b: {  	[spmem:s2] =	stream.indirect.scatter.add.f32 [tilespmem:s12], [sflag:$0x1], $0x80, s24, s13, $0xb8;
	[tilespmem:$0x18000] =	vst v63  }
0x10c: {  	_ = 	snop  }
0x10d: {  	[spmem:s2] =	stream.indirect.scatter.add.f32 [tilespmem:s12], [sflag:$0x1], $0x80, s25, s13, $0xb8;
	[tilespmem:$0x18000] =	vst v63  }
0x10e: {  	_ = 	snop  }
0x10f: {  	[spmem:s2] =	stream.indirect.scatter.add.f32 [tilespmem:s12], [sflag:$0x1], $0x80, s26, s13, $0xb8;
	[tilespmem:$0x18000] =	vst v63  }
0x110: {  	_ = 	snop  }
0x111: {  	[spmem:s2] =	stream.indirect.scatter.add.f32 [tilespmem:s12], [sflag:$0x1], $0x80, s28, s13, $0xb8;
	[tilespmem:$0x18000] =	vst v63  }
0x112: {  	_ = 	snop  }
0x113: {  	[spmem:s2] =	stream.indirect.scatter.add.f32 [tilespmem:s12], [sflag:$0x1], $0x80, s29, s13, $0xb8;
	[tilespmem:$0x18000] =	vst v63  }
0x114: {  	_ = 	snop  }
0x115: {  	[spmem:s2] =	stream.indirect.scatter.add.f32 [tilespmem:s12], [sflag:$0x1], $0x80, s30, s13, $0xb8;
	[tilespmem:$0x18000] =	vst v63  }
0x116: {  	_ = 	snop  }
0x117: {  	[spmem:s2] =	stream.indirect.scatter.add.f32 [tilespmem:s12], [sflag:$0x1], $0x80, s31, s13, $0xb8;
	[tilespmem:$0x18000] =	vst v63  }
0x118: {  	_ = 	snop  }
0x119: {  	[spmem:s2] =	stream.indirect.scatter.add.f32 [tilespmem:s12], [sflag:$0x1], $0x80, s0, s13, $0xb8;
	[tilespmem:$0x18000] =	vst v63  }
0x11a: {  	_ = 	snop  }
0x11b: {  	[spmem:s2] =	stream.indirect.scatter.add.f32 [tilespmem:s12], [sflag:$0x1], $0x80, s1, s13, $0xb8;
	[tilespmem:$0x18000] =	vst v63  }
0x11c: {  	_ =	swait.ge [sflag:s4], $0x3200  }
0x11d: {  	[sflag:s4] =	ssyncset.done $0x0  }
0x11e: {  	[sflag:s4] =	ssyncadd.s32 $0xFFFFCE00  }
0x11f: {  	_ =	swait.ge [sflag:s4], $0x3200  }
0x120: {  	[sflag:s4] =	ssyncset.done $0x0  }
0x121: {  	[sflag:s4] =	ssyncadd.s32 $0xFFFFCE00  }
0x122: {  	_ =	swait.ge [sflag:s4], $0x3200  }
0x123: {  	[sflag:s4] =	ssyncset.done $0x0  }
0x124: {  	[sflag:s4] =	ssyncadd.s32 $0xFFFFCE00  }
0x125: {  	_ =	swait.ge [sflag:s4], $0x3200  }
0x126: {  	[sflag:s4] =	ssyncset.done $0x0  }
0x127: {  	[sflag:s4] =	ssyncadd.s32 $0xFFFFCE00  }
0x128: {  	_ =	swait.ge [sflag:s4], $0x3200  }
0x129: {  	[sflag:s4] =	ssyncset.done $0x0  }
0x12a: {  	[sflag:s4] =	ssyncadd.s32 $0xFFFFCE00  }
0x12b: {  	_ =	swait.ge [sflag:s4], $0x3200  }
0x12c: {  	[sflag:s4] =	ssyncset.done $0x0  }
0x12d: {  	[sflag:s4] =	ssyncadd.s32 $0xFFFFCE00  }
0x12e: {  	_ =	swait.ge [sflag:s4], $0x3200  }
0x12f: {  	[sflag:s4] =	ssyncset.done $0x0  }
0x130: {  	[sflag:s4] =	ssyncadd.s32 $0xFFFFCE00  }
0x131: {  	_ =	swait.ge [sflag:s4], $0x3200  }
0x132: {  	[sflag:s4] =	ssyncset.done $0x0  }
0x133: {  	[sflag:s4] =	ssyncadd.s32 $0xFFFFCE00  }
0x134: {  	_ =	swait.ge [sflag:s4], $0x3200  }
0x135: {  	[sflag:s4] =	ssyncset.done $0x0  }
0x136: {  	[sflag:s4] =	ssyncadd.s32 $0xFFFFCE00  }
0x137: {  	_ =	swait.ge [sflag:s4], $0x3200  }
0x138: {  	[sflag:s4] =	ssyncset.done $0x0  }
0x139: {  	[sflag:s4] =	ssyncadd.s32 $0xFFFFCE00  }
0x13a: {  	_ =	swait.ge [sflag:s4], $0x3200  }
0x13b: {  	[sflag:s4] =	ssyncset.done $0x0  }
0x13c: {  	[sflag:s4] =	ssyncadd.s32 $0xFFFFCE00  }
0x13d: {  	_ =	swait.ge [sflag:s4], $0x3200  }
0x13e: {  	[sflag:s4] =	ssyncset.done $0x0  }
0x13f: {  	[sflag:s4] =	ssyncadd.s32 $0xFFFFCE00  }
0x140: {  	_ =	swait.ge [sflag:s4], $0x3200  }
0x141: {  	[sflag:s4] =	ssyncset.done $0x0  }
0x142: {  	[sflag:s4] =	ssyncadd.s32 $0xFFFFCE00  }
0x143: {  	_ =	swait.ge [sflag:s4], $0x3200  }
0x144: {  	[sflag:s4] =	ssyncset.done $0x0  }
0x145: {  	[sflag:s4] =	ssyncadd.s32 $0xFFFFCE00  }
0x146: {  	_ =	swait.ge [sflag:s4], $0x3200  }
0x147: {  	[sflag:s4] =	ssyncset.done $0x0  }
0x148: {  	[sflag:s4] =	ssyncadd.s32 $0xFFFFCE00  }
0x149: {  	_ =	swait.ge [sflag:s4], $0x3200  }
0x14a: {  	[sflag:s4] =	ssyncset.done $0x0  }
0x14b: {  	[sflag:s4] =	ssyncadd.s32 $0xFFFFCE00  }
0x14c: {  	_ =	swait.ge [sflag:s4], $0x3200  }
0x14d: {  	[sflag:s4] =	ssyncset.done $0x0  }
0x14e: {  	[sflag:s4] =	ssyncadd.s32 $0xFFFFCE00  }
0x14f: {  	_ =	swait.ge [sflag:s4], $0x3200  }
0x150: {  	[sflag:s4] =	ssyncset.done $0x0  }
0x151: {  	[sflag:s4] =	ssyncadd.s32 $0xFFFFCE00  }
0x152: {  	_ =	swait.ge [sflag:s4], $0x3200  }
0x153: {  	[sflag:s4] =	ssyncset.done $0x0  }
0x154: {  	[sflag:s4] =	ssyncadd.s32 $0xFFFFCE00  }
0x155: {  	_ =	swait.ge [sflag:s4], $0x3200  }
0x156: {  	[sflag:s4] =	ssyncset.done $0x0  }
0x157: {  	[sflag:s4] =	ssyncadd.s32 $0xFFFFCE00  }
0x158: {  	[bflag:$0x0] =	sbarrier.arrive $0xFFFF  }
0x159: {  	s7 =	rddreg [dreg:$0x5]  }
0x15a: {  	s10 =	rddreg [dreg:$0x6]  }
0x15b: {  	s8 =	rddreg [dreg:$0x8]  }
0x15c: {  	[hbm:s10], [sflag:s7] =	dma.local [spmem:s8], $0x2800  }
0x15d: {  	_ =	swait.ge [sflag:s11], $0x2800  }
0x15e: {  	s5 =	sadd.s32 $0x1, s5;
	s10 =	rddreg [dreg:$0x7]  }
0x15f: {  	p0 =	sne.s32 s5, s10  }
.Ltmp1:
0x160: {  	_ = 	snop;
	(pc) =	sbr.rel @p0 .LBB2_1-.Ltmp1, $3  }
0x161: {  	_ =	sdelay $0x1  }
0x162: {  	[sflag:s11] =	ssyncset.done $0x0  }
0x163: {  	[sflag:s11] =	ssyncadd.s32 $0xFFFFD800  }
0x164: {  	_ =	sfence.sel $0x180000  }
0x165: {  	[bflag:$0x0] =	sbarrier.arrive $0xFFFF  }
0x166: {  	_ =	strace $0x9000004A  }
0x167: {  	s0 =	stileid.u32;
	[bflag:$0x2] =	sbarrier.arrive $0xFFFF  }
0x168: {  	p0 =	sne.s32 s0, $0x0;
	s0 =	rddreg [dreg:$0x2]  }
0x169: {  	s0 =	sadd.s32 @!p0 $0x100000, s0  }
0x16a: {  	[sflag:s0] =	ssyncadd.tile.s32 @!p0 $0x1;
	_ =	shalt  }
.Lfunc_end2:
_tile_overlayer_lowered:
.L_overlay_start_2:
0x16b: {  	(tag) =	ssettag $0x2  }
0x16c: {  	s0 =	rddreg [dreg:$0x0];
	s2 =	stileid.u32  }
0x16d: {  	s1 =	rddreg [dreg:$0x1];
	p0 =	sne.s32 s2, $0x0  }
0x16e: {  	s3 =	rddreg [dreg:$0x2];
	[bflag:$0x3] =	sbarrier.arrive $0xFFFF;
	s2 =	simm.s32 @!p0 $0x1C02  }
0x16f: {  	[timem:s3], [sflag:s2] =	dma.local @!p0 [hbm:s0], s1  }
0x170: {  	s0 =	simm.s32 @!p0 $0x2  }
0x171: {  	_ =	swait.ge @!p0 [sflag:s0], s1  }
0x172: {  	s1 =	ssub.s32 @!p0 $0x0, s1;
	[sflag:s0] =	ssyncset.done @!p0 $0x0  }
0x173: {  	[sflag:s0] =	ssyncadd.s32 @!p0 s1  }
0x174: {  	[bflag:$0x3] =	sbarrier.arrive $0xFFFF  }
0x175: {  	_ =	shalt  }

// kernel: kernel.13.cloned.1.call-start
scs
__scs_entry_jumppad:
0x0: {  	(pc) =	sbr.rel $0x88, $3  }
0x1: {  	(tag) =	ssettag $0x0;
	lr =	simm.s32 $0x1  }
0x2: {  	[smem:$0x3F96] =	sst lr;
	_ =	strace $0xD0000000  }
0x3: {  	_ = 	snop  }
0x4: {  	_ = 	snop  }
0x5: {  	_ = 	snop  }
0x6: {  	_ = 	snop  }
0x7: {  	_ = 	snop  }
__scs_overlays_trampoline_lowered:
0x8: {  	[smem:$0x3FA5] =	sst s0  }
0x9: {  	[smem:$0x3FA6] =	sst s1  }
0xa: {  	[smem:$0x3FA7] =	sst s2  }
0xb: {  	[smem:$0x3FA8] =	sst s3  }
0xc: {  	[smem:$0x3FA9] =	sst s4  }
0xd: {  	[smem:$0x3FAA] =	sst s5  }
0xe: {  	[smem:$0x3FAB] =	sst s6  }
0xf: {  	[smem:$0x3FAC] =	sst s7  }
0x10: {  	[smem:$0x3FAD] =	sst s8  }
0x11: {  	[smem:$0x3FAE] =	sst s9;
	s0 =	simm.s32 @!p0 $0x0  }
0x12: {  	s1 =	sld [smem:$0x3F94];
	s0 =	simm.s32 @p0 $0x1  }
0x13: {  	[smem:$0x3FAF] =	sst s0;
	s0 =	simm.s32 @!p1 $0x0  }
0x14: {  	s2 =	sld [smem:$0x3F93];
	s0 =	simm.s32 @p1 $0x1  }
0x15: {  	[smem:$0x3FB0] =	sst s0;
	s0 =	simm.s32 @!p2 $0x0  }
0x16: {  	s3 =	sld [smem:$0x3FDB];
	s0 =	simm.s32 @p2 $0x1  }
0x17: {  	s4 =	simm.s32 $0x1BF5;
	[smem:$0x3FB2] =	sst s0  }
0x18: {  	s0 =	sld [smem:$0x3F95];
	_ =	swait.ge [sflag:s4], $0x0  }
0x19: {  	s7 =	sld [smem:$0x3F96]  }
0x1a: {  	s8 =	sadd.s32 $0xFFFFE003, lr  }
0x1b: {  	s9 =	sadd.s32 $0xFFFFFEF7, lr;
	s5 =	simm.s32 $0xFFFFFFFF;
	p2 =	slt.u32 s8, $0xFFFFF086  }
0x1c: {  	p1 =	slt.u32 s9, $0xF7A;
	s5 =	simm.s32 @!p2 $0x0  }
0x1d: {  	s5 =	simm.s32 @p1 $0x1;
	p0 =	seq.s32 s7, s2  }
0x1e: {  	s7 =	smul.u32 @!p0 $0xF7A, s2;
	p2 =	seq.s32 @!p0 s5, $0x0  }
0x1f: {  	s9 =	smul.u32 $0xF7A, s1;
	s8 =	simm.s32 @!p0 $0x1BF5;
	p2 =	por !p2, p0  }
0x20: {  	[sflag:s8] =	ssyncset.s32 @!p0 $0xFFFFF086;
	s6 =	sadd.s32 @!p0 s3, s7;
	s7 =	simm.s32 @!p0 $0x108  }
0x21: {  	s3 =	sadd.s32 s3, s9;
	s6 =	sadd.s32 @!p0 $0x88, s6;
	s7 =	simm.s32 @p2 $0x1082  }
0x22: {  	[simem:s7], [sflag:s8] =	dma.local @!p0 [hbm:s6], $0xF7A  }
0x23: {  	s9 =	sor.u32 $0xD0000000, s2;
	s6 =	simm.s32 $0x108;
	_ =	swait.ge @!p0 [sflag:s8], $0x0  }
0x24: {  	s3 =	sadd.s32 $0x88, s3;
	s6 =	simm.s32 @!p1 $0x1082;
	[sflag:s4] =	ssyncset.s32 $0xFFFFF086  }
0x25: {  	[simem:s6], [sflag:s4] =	dma.local [hbm:s3], $0xF7A  }
0x26: {  	[smem:$0x3F96] =	sst s1;
	(tag) =	ssettag s2;
	_ =	strace s9  }
0x27: {  	s1 =	sld [smem:$0x3FA6]  }
0x28: {  	s2 =	sld [smem:$0x3FA7]  }
0x29: {  	s4 =	sld [smem:$0x3FA9]  }
0x2a: {  	p0 =	seq.s32 s5, $0x0;
	s5 =	sld [smem:$0x3FAA]  }
0x2b: {  	s6 =	sld [smem:$0x3FAB]  }
0x2c: {  	s7 =	sld [smem:$0x3FAC]  }
0x2d: {  	s3 =	simm.s32 $0x108;
	s8 =	sld [smem:$0x3FAD]  }
0x2e: {  	s3 =	simm.s32 @!p0 $0x1082;
	s9 =	sld [smem:$0x3FAE]  }
0x2f: {  	lr =	sadd.s32 s0, s3;
	s0 =	sld [smem:$0x3FA5]  }
0x30: {  	s3 =	sld [smem:$0x3FA8]  }
0x31: {  	[smem:$0x3FB1] =	sst s10  }
0x32: {  	s10 =	sld [smem:$0x3FAF];
	_ =	sdelay $0x3  }
0x33: {  	p0 =	seq.s32 s10, $0x1;
	s10 =	sld [smem:$0x3FB1];
	_ =	sdelay $0x3  }
0x34: {  	[smem:$0x3FB1] =	sst s10  }
0x35: {  	s10 =	sld [smem:$0x3FB0];
	_ =	sdelay $0x3  }
0x36: {  	p1 =	seq.s32 s10, $0x1;
	s10 =	sld [smem:$0x3FB1];
	_ =	sdelay $0x3  }
0x37: {  	[smem:$0x3FB1] =	sst s10  }
0x38: {  	s10 =	sld [smem:$0x3FB2]  }
0x39: {  	_ = 	snop;
	(pc) =	sbr.ind lr, $3  }
0x3a: {  	_ = 	snop  }
0x3b: {  	_ = 	snop  }
0x3c: {  	p2 =	seq.s32 s10, $0x1;
	s10 =	sld [smem:$0x3FB1]  }
0x3d: {  	_ =	shalt  }
0x3e: {  	_ =	shalt  }
0x3f: {  	_ =	shalt  }
0x40: {  	_ =	shalt  }
0x41: {  	_ =	shalt  }
0x42: {  	_ =	shalt  }
0x43: {  	_ =	shalt  }
0x44: {  	_ =	shalt  }
0x45: {  	_ =	shalt  }
0x46: {  	_ =	shalt  }
0x47: {  	_ =	shalt  }
0x48: {  	_ =	shalt  }
0x49: {  	_ =	shalt  }
0x4a: {  	_ =	shalt  }
0x4b: {  	_ =	shalt  }
0x4c: {  	_ =	shalt  }
0x4d: {  	_ =	shalt  }
0x4e: {  	_ =	shalt  }
0x4f: {  	_ =	shalt  }
0x50: {  	_ =	shalt  }
0x51: {  	_ =	shalt  }
0x52: {  	_ =	shalt  }
0x53: {  	_ =	shalt  }
0x54: {  	_ =	shalt  }
0x55: {  	_ =	shalt  }
0x56: {  	_ =	shalt  }
0x57: {  	_ =	shalt  }
0x58: {  	_ =	shalt  }
0x59: {  	_ =	shalt  }
0x5a: {  	_ =	shalt  }
0x5b: {  	_ =	shalt  }
0x5c: {  	_ =	shalt  }
0x5d: {  	_ =	shalt  }
0x5e: {  	_ =	shalt  }
0x5f: {  	_ =	shalt  }
0x60: {  	_ =	shalt  }
0x61: {  	_ =	shalt  }
0x62: {  	_ =	shalt  }
0x63: {  	_ =	shalt  }
0x64: {  	_ =	shalt  }
0x65: {  	_ =	shalt  }
0x66: {  	_ =	shalt  }
0x67: {  	_ =	shalt  }
0x68: {  	_ =	shalt  }
0x69: {  	_ =	shalt  }
0x6a: {  	_ =	shalt  }
0x6b: {  	_ =	shalt  }
0x6c: {  	_ =	shalt  }
0x6d: {  	_ =	shalt  }
0x6e: {  	_ =	shalt  }
0x6f: {  	_ =	shalt  }
0x70: {  	_ =	shalt  }
0x71: {  	_ =	shalt  }
0x72: {  	_ =	shalt  }
0x73: {  	_ =	shalt  }
0x74: {  	_ =	shalt  }
0x75: {  	_ =	shalt  }
0x76: {  	_ =	shalt  }
0x77: {  	_ =	shalt  }
0x78: {  	_ =	shalt  }
0x79: {  	_ =	shalt  }
0x7a: {  	_ =	shalt  }
0x7b: {  	_ =	shalt  }
0x7c: {  	_ =	shalt  }
0x7d: {  	_ =	shalt  }
0x7e: {  	_ =	shalt  }
0x7f: {  	_ =	shalt  }
0x80: {  	_ =	shalt  }
0x81: {  	_ =	shalt  }
0x82: {  	_ =	shalt  }
0x83: {  	_ =	shalt  }
0x84: {  	_ =	shalt  }
0x85: {  	_ =	shalt  }
0x86: {  	_ =	shalt  }
0x87: {  	_ =	shalt  }
.Lfunc_end0:
.L_simem_size_0:
called_computation.2_lowered:
.L_overlay_start_0:
0x88: {  	s2 =	sld [smem:$0x3FD9]  }
0x89: {  	s3 =	sld [smem:$0x3FFE];
	_ =	sdelay $0x1  }
0x8a: {  	s1 =	srdreg.scid  }
0x8b: {  	s0 =	sand.u32 $0x1, s1  }
0x8c: {  	s17 =	sshll.u32 s0, $0xA;
	s2 =	sadd.s32 s3, s2  }
0x8d: {  	s2 =	sadd.s32 s2, s17  }
0x8e: {  	[smem:$0x3FBD] =	sst s2  }
0x8f: {  	_ = 	snop  }
0x90: {  	(tm) =	ssettm $0x1  }
0x91: {  	s18 =	sld [smem:$0x3FFB];
	_ =	sdelay $0x3  }
0x92: {  	_ =	strace s18  }
0x93: {  	s2 =	sld [smem:$0x3FFC];
	_ =	sdelay $0x3  }
0x94: {  	_ =	strace s2  }
0x95: {  	s2 =	sld [smem:$0x3FFD];
	_ =	sdelay $0x3  }
0x96: {  	_ =	strace s2  }
0x97: {  	_ =	strace $0x8FFFFFFF  }
0x98: {  	s19 =	sld [smem:$0x3FDB];
	_ =	sdelay $0x1  }
0x99: {  	s20 =	simm.s32 $_scs_section_size  }
0x9a: {  	s4 =	simm.s32 $_size__tile_overlayer_lowered;
	s5 =	simm.s32 $_tile_overlayer_lowered  }
0x9b: {  	s6 =	simm.s32 $0x1BFF;
	s21 =	sshll.u32 s5, $0x1;
	s3 =	sadd.s32 s20, s19  }
0x9c: {  	s22 =	simm.s32 $0x0;
	s4 =	sshll.u32 s4, $0x1;
	s5 =	sadd.s32 s21, s3  }
0x9d: {  	[timem:s22], [sflag:s6] =	dma.local [hbm:s5], s4  }
0x9e: {  	_ =	swait.ge [sflag:s6], s4  }
0x9f: {  	s4 =	ssub.s32 $0x0, s4;
	[sflag:s6] =	ssyncset.done $0x0  }
0xa0: {  	[sflag:s6] =	ssyncadd.s32 s4;
	_ =	sdelay $0x1  }
0xa1: {  	s23 =	simm.s32 $0x1B8B  }
0xa2: {  	_ =	swait.ge [sflag:s23], $0x1  }
0xa3: {  	[sflag:s23] =	ssyncset.done $0x0  }
0xa4: {  	[sflag:s23] =	ssyncadd.s32 $0xFFFFFFFF  }
0xa5: {  	s4 =	sld [smem:$0x0]  }
0xa6: {  	s5 =	sand.u32 $0xFFFFFFFE, s1  }
0xa7: {  	p0 =	sne.s32 s1, s5  }
0xa8: {  	s5 =	sshll.u32 @p0 s5, $0xE  }
0xa9: {  	s5 =	sadd.s32 @p0 $0x11B8D, s5;
	s6 =	sshll.u32 @p0 s4, $0x11  }
0xaa: {  	s5 =	sor.u32 @p0 s6, s5  }
0xab: {  	[sflag:s5] =	ssyncadd.remote.s32 @p0 $0x1;
	_ =	sdelay $0x1  }
0xac: {  	s5 =	simm.s32 @p0 $0x1B8D  }
0xad: {  	_ =	swait.eq @p0 [sflag:s5], $0x1  }
0xae: {  	[sflag:s5] =	ssyncadd.s32 @p0 $0xFFFFFFFF  }
0xaf: {  	s6 =	sshll.u32 @!p0 s1, $0xE  }
0xb0: {  	s6 =	sor.u32 @!p0 $0x4000, s6;
	s5 =	simm.s32 @!p0 $0x1B8D  }
0xb1: {  	s4 =	sshll.u32 @!p0 s4, $0x11;
	s6 =	sadd.s32 @!p0 $0x11B8D, s6;
	_ =	swait.eq @!p0 [sflag:s5], $0x1  }
0xb2: {  	s4 =	sor.u32 @!p0 s4, s6;
	[sflag:s5] =	ssyncadd.s32 @!p0 $0xFFFFFFFF  }
0xb3: {  	s25 =	simm.s32 $0x1B8E;
	s24 =	sld [smem:$0x3FFE];
	[sflag:s4] =	ssyncadd.remote.s32 @!p0 $0x1  }
0xb4: {  	s26 =	simm.s32 $execute0_lowered;
	[smem:$0x3FD2] =	sst s25  }
0xb5: {  	s5 =	sshll.u32 s26, $0x1;
	_ =	strace $0x8000004C;
	[dreg:$0x1] =	wrdreg $0xFFFFFFFF  }
0xb6: {  	s28 =	simm.s32 $_size_execute0_lowered;
	s3 =	sadd.s32 s3, s5;
	[dreg:$0x0] =	wrdreg $0x0  }
0xb7: {  	s5 =	sshll.u32 s28, $0x1;
	[dreg:$0x2] =	wrdreg s3  }
0xb8: {  	[dreg:$0x3] =	wrdreg s5  }
0xb9: {  	[dreg:$0x4] =	wrdreg $0xC0  }
0xba: {  	_ =	task [dreg:s22], $0x5FFFF  }
0xbb: {  	[dreg:$0x1] =	wrdreg $0xFFFFFFFF  }
0xbc: {  	[dreg:$0x0] =	wrdreg $0x60  }
0xbd: {  	[dreg:$0x2] =	wrdreg s24  }
0xbe: {  	[dreg:$0x3] =	wrdreg $0x80000  }
0xbf: {  	[dreg:$0x4] =	wrdreg $0xA  }
0xc0: {  	_ =	task.clear_ibuf [dreg:s22], $0x5FFFF;
	_ =	strace $0x9000004C  }
0xc1: {  	s29 =	simm.s32 $0xA;
	_ =	strace $0x8000004E  }
0xc2: {  	_ =	swait.ge [sflag:s29], $0x1  }
0xc3: {  	[sflag:s29] =	ssyncadd.s32 $0xFFFFFFFF  }
0xc4: {  	_ =	strace $0x9000004E  }
0xc5: {  	_ =	sfence  }
0xc6: {  	s30 =	sld [smem:$0x0];
	_ =	sdelay $0x2  }
0xc7: {  	s31 =	sshll.u32 s1, $0xD;
	s1 =	sshrl.u32 s1, $0x2  }
0xc8: {  	s4 =	sand.u32 $0x4000, s31;
	s1 =	sadd.s32 s1, s30  }
0xc9: {  	s0 =	sor.u32 s4, s0;
	s1 =	sshll.u32 s1, $0x11  }
0xca: {  	s0 =	sor.u32 s1, s0  }
0xcb: {  	s0 =	sadd.s32 $0x8F2B, s0  }
0xcc: {  	[sflag:s0] =	ssyncadd.remote.s32 $0x1  }
0xcd: {  	_ =	sfence.sel $0xFFFF  }
0xce: {  	[dreg:$0x0] =	wrdreg $0xFFFFFFFF;
	(pc) =	sbr.abs _section_cstart, $3  }
0xcf: {  	[dreg:$0x1] =	wrdreg $0xFFFFFFFF  }
0xd0: {  	_ =	task.clear_ibuf [dreg:s22], $0x2FFFF;
	_ =	strace $0x9FFFFFFF  }
0xd1: {  	(tm) =	ssettm $0x7FFFFFFF  }
tec
execute0_lowered:
.L_overlay_start_1:
0x0: {  	(tag) =	ssettag $0x1  }
0x1: {  	s0 =	rddreg [dreg:$0x0]  }
0x2: {  	s2 =	rddreg [dreg:$0x1]  }
0x3: {  	s11 =	stileid.u32;
	s1 =	srdreg.scid  }
0x4: {  	s3 =	simm.s32 $0x0;
	s24 =	simm.s32 $0x80;
	s26 =	simm.s32 $0xC80  }
0x5: {  	s12 =	simm.s32 $0xD00;
	s13 =	simm.s32 $0x180;
	s14 =	simm.s32 $0xD80  }
0x6: {  	s15 =	simm.s32 $0x200;
	s16 =	simm.s32 $0xE00;
	[smem:$0x7FF] =	sst s3  }
0x7: {  	s17 =	simm.s32 $0x280;
	_ =	strace $0x8000004D;
	[dreg:$0x5] =	wrdreg s24  }
0x8: {  	s19 =	simm.s32 $0xE80;
	s20 =	simm.s32 $0x300;
	[dreg:$0x6] =	wrdreg s26  }
0x9: {  	s21 =	simm.s32 $0xF00;
	s28 =	simm.s32 $0x780;
	[dreg:$0x8] =	wrdreg s12  }
0xa: {  	s29 =	simm.s32 $0x1380;
	s30 =	simm.s32 $0x800;
	[dreg:$0x9] =	wrdreg s13  }
0xb: {  	s31 =	simm.s32 $0x1400;
	s5 =	smul.u32 $0x7800, s11;
	[dreg:$0xa] =	wrdreg s14  }
0xc: {  	s1 =	sand.u32 $0x1, s1;
	s7 =	smul.u32 $0x2800, s11;
	[dreg:$0xb] =	wrdreg s15  }
0xd: {  	s4 =	sadd.s32 $0x47C00, s0;
	s8 =	smul.u32 $0x50000, s11;
	[dreg:$0xc] =	wrdreg s16  }
0xe: {  	s10 =	sadd.s32 $0x10E600, s0;
	s25 =	smul.u32 $0x14000, s11;
	[dreg:$0xd] =	wrdreg s17  }
0xf: {  	p0 =	seq.s32 s11, $0xF;
	s6 =	smul.u32 $0x3C00, s1;
	[dreg:$0xe] =	wrdreg s19  }
0x10: {  	s22 =	ssub.s32 $0x2, s1;
	s1 =	smul.u32 $0x138800, s1;
	[dreg:$0xf] =	wrdreg s20  }
0x11: {  	[dreg:$0x10] =	wrdreg s21;
	s24 =	simm.s32 $0x400;
	s13 =	simm.s32 $0x5  }
0x12: {  	s14 =	simm.s32 $0xC00;
	s26 =	simm.s32 $0x480;
	s15 =	simm.s32 $0x64  }
0x13: {  	s16 =	simm.s32 $0x1800;
	s17 =	simm.s32 $0x1;
	s19 =	simm.s32 $0x2  }
0x14: {  	s20 =	simm.s32 $0x3;
	s21 =	simm.s32 $0x4;
	s7 =	sadd.s32 s7, s0  }
0x15: {  	s9 =	sshrl.u32 s22, $0x1;
	s8 =	sshrl.u32 s8, $0x2;
	[dreg:$0x13] =	wrdreg s24  }
0x16: {  	[dreg:$0x15] =	wrdreg s26;
	s5 =	sadd.s32 s6, s5;
	s7 =	sadd.s32 $0x20A00, s7  }
0x17: {  	s6 =	ssub.s32 s22, s9;
	s22 =	simm.s32 $0x380;
	[dreg:$0x1c] =	wrdreg s7  }
0x18: {  	s24 =	simm.s32 $0x1280;
	s18 =	smax.u32 s6, $0x1;
	[dreg:$0x11] =	wrdreg s22  }
0x19: {  	s7 =	sadd.s32 s25, s1;
	s25 =	simm.s32 $0x1000;
	[smem:$0x7F9] =	sst s18  }
0x1a: {  	s8 =	sadd.s32 s8, s2;
	s6 =	simm.s32 $0x1100;
	[dreg:$0x14] =	wrdreg s25  }
0x1b: {  	s12 =	sshrl.u32 @!p0 s8, $0x3;
	s8 =	simm.s32 $0x1180;
	[dreg:$0x18] =	wrdreg s6  }
0x1c: {  	s26 =	simm.s32 $0x1300;
	s5 =	sshrl.u32 s5, $0x3;
	[dreg:$0x1a] =	wrdreg s8  }
0x1d: {  	s5 =	sadd.s32 s5, s0;
	s0 =	sadd.s32 $0x46200, s0;
	[smem:$0x7FD] =	sst s12  }
0x1e: {  	s1 =	sshrl.u32 s1, $0x3;
	s23 =	sadd.s32 $0x11A00, s5;
	[dreg:$0x1d] =	wrdreg s0  }
0x1f: {  	s1 =	sadd.s32 s10, s1;
	s5 =	sadd.s32 $0x2A00, s5;
	[dreg:$0x3] =	wrdreg s23  }
0x20: {  	s9 =	sadd.s32 $0x12C000, s2;
	s1 =	sadd.s32 $0x25800, s1;
	[dreg:$0x4] =	wrdreg s5  }
0x21: {  	s22 =	simm.s32 $0x1200;
	s5 =	simm.s32 $0x100;
	[dreg:$0x1f] =	wrdreg s1  }
0x22: {  	s18 =	simm.s32 $0x4C00;
	s1 =	sshrl.u32 @p0 s9, $0x3;
	[dreg:$0x7] =	wrdreg s5  }
0x23: {  	s25 =	simm.s32 $0x700;
	s23 =	simm.s32 $0xF80;
	[smem:$0x7FA] =	sst s1  }
0x24: {  	s6 =	simm.s32 $0x1500;
	s9 =	simm.s32 $0x600;
	[dreg:$0x12] =	wrdreg s23  }
0x25: {  	s5 =	sshrl.u32 s7, $0x3;
	s7 =	simm.s32 $0x580;
	[dreg:$0x1b] =	wrdreg s9  }
0x26: {  	s1 =	sshll.u32 @!p0 s11, $0x6;
	s5 =	sadd.s32 s10, s5;
	[dreg:$0x19] =	wrdreg s7  }
0x27: {  	s11 =	sor.u32 @!p0 $0x1C05, s1;
	s1 =	simm.s32 $0x1080;
	[dreg:$0x1e] =	wrdreg s5  }
0x28: {  	s8 =	simm.s32 $0x1580;
	s10 =	simm.s32 $0x0;
	[dreg:$0x16] =	wrdreg s1  }
0x29: {  	s0 =	simm.s32 $0x880;
	s23 =	simm.s32 $0x680;
	[smem:$0x7FB] =	sst s10  }
0x2a: {  	s7 =	simm.s32 $0x980;
	s5 =	simm.s32 $0x500;
	[smem:$0x7FC] =	sst s11  }
0x2b: {  	s1 =	simm.s32 $0x1480;
	[dreg:$0x17] =	wrdreg s5;
	s5 =	simm.s32 $0x900  }
.LBB2_1:
0x2c: {  	s11 =	sld [smem:$0x7FA];
	_ =	sdelay $0x1  }
0x2d: {  	s10 =	simm.s32 @p0 $0x1FC5;
	s9 =	rddreg [dreg:$0x1d]  }
0x2e: {  	[spmem:s11], [sflag:s10] =	dma.local @p0 [hbm:s9], $0x1900  }
0x2f: {  	s10 =	simm.s32 @p0 $0x5  }
0x30: {  	_ =	swait.ge @p0 [sflag:s10], $0x1900  }
0x31: {  	[sflag:s10] =	ssyncset.done @p0 $0x0  }
0x32: {  	[sflag:s10] =	ssyncadd.s32 @p0 $0xFFFFE700;
	s10 =	sld [smem:$0x7FC];
	_ =	sdelay $0x1  }
0x33: {  	s9 =	rddreg [dreg:$0x1c]  }
0x34: {  	[spmem:s12], [sflag:s10] =	dma.local @!p0 [hbm:s9], $0x2800  }
0x35: {  	s10 =	simm.s32 @!p0 $0x5  }
0x36: {  	_ =	swait.ge @!p0 [sflag:s10], $0x2800  }
0x37: {  	[sflag:s10] =	ssyncset.done @!p0 $0x0  }
0x38: {  	[sflag:s10] =	ssyncadd.s32 @!p0 $0xFFFFD800  }
0x39: {  	[bflag:$0x0] =	sbarrier.arrive $0xFFFF  }
0x3a: {  	s12 =	rddreg [dreg:$0x4]  }
0x3b: {  	s10 =	sadd.s32 $0x0, s12  }
0x3c: {  	[tilespmem:s3], [sflag:$0x5] =	stream.linear.gather [hbm4b:s10+s3], $0xA00, $0x38;
	[tilespmem:$0x1B880] =	vst v63  }
0x3d: {  	_ =	swait.ge [sflag:s13], $0xA00  }
0x3e: {  	s9 =	rddreg [dreg:$0x3];
	[sflag:s13] =	ssyncset.done $0x0  }
0x3f: {  	[sflag:s13] =	ssyncadd.s32 $0xFFFFF600;
	s10 =	sadd.s32 $0x0, s9  }
0x40: {  	[tilespmem:s14], [sflag:$0x5] =	stream.linear.gather [hbm4b:s10+s3], $0xA00, $0x38;
	[tilespmem:$0x1B880] =	vst v63  }
0x41: {  	_ =	swait.ge [sflag:s13], $0xA00  }
0x42: {  	[sflag:s13] =	ssyncset.done $0x0  }
0x43: {  	[sflag:s13] =	ssyncadd.s32 $0xFFFFF600  }
0x44: {  	[tilespmem:s16], [sflag:$0x1] =	stream.indirect.gather [hbm4b:s4+s15], $0x80, s3, s15, $0xb8;
	[tilespmem:$0x1B880] =	vst v63  }
0x45: {  	_ =	swait.ge [sflag:s17], $0x3200  }
0x46: {  	[sflag:s17] =	ssyncset.done $0x0  }
0x47: {  	[sflag:s17] =	ssyncadd.s32 $0xFFFFCE00  }
0x48: {  	[spmem:s2] =	stream.indirect.scatter.add.f32 [tilespmem:s16], [sflag:$0x3], $0x80, s14, s15, $0xb8;
	[tilespmem:$0x1B880] =	vst v63  }
0x49: {  	s11 =	rddreg [dreg:$0x5]  }
0x4a: {  	[tilespmem:s18], [sflag:$0x2] =	stream.indirect.gather [hbm4b:s4+s15], $0x80, s11, s15, $0xb8;
	[tilespmem:$0x1B880] =	vst v63  }
0x4b: {  	_ =	swait.ge [sflag:s19], $0x3200  }
0x4c: {  	[sflag:s19] =	ssyncset.done $0x0  }
0x4d: {  	s12 =	rddreg [dreg:$0x6];
	[sflag:s19] =	ssyncadd.s32 $0xFFFFCE00  }
0x4e: {  	[spmem:s2] =	stream.indirect.scatter.add.f32 [tilespmem:s18], [sflag:$0x4], $0x80, s12, s15, $0xb8;
	[tilespmem:$0x1B880] =	vst v63  }
0x4f: {  	_ =	swait.ge [sflag:s20], $0x3200  }
0x50: {  	[sflag:s20] =	ssyncset.done $0x0  }
0x51: {  	s9 =	rddreg [dreg:$0x7];
	[sflag:s20] =	ssyncadd.s32 $0xFFFFCE00  }
0x52: {  	[tilespmem:s16], [sflag:$0x1] =	stream.indirect.gather [hbm4b:s4+s15], $0x80, s9, s15, $0xb8;
	[tilespmem:$0x1B880] =	vst v63  }
0x53: {  	_ =	swait.ge [sflag:s17], $0x3200  }
0x54: {  	[sflag:s17] =	ssyncset.done $0x0  }
0x55: {  	s11 =	rddreg [dreg:$0x8];
	[sflag:s17] =	ssyncadd.s32 $0xFFFFCE00  }
0x56: {  	[spmem:s2] =	stream.indirect.scatter.add.f32 [tilespmem:s16], [sflag:$0x3], $0x80, s11, s15, $0xb8;
	[tilespmem:$0x1B880] =	vst v63  }
0x57: {  	_ =	swait.ge [sflag:s21], $0x3200  }
0x58: {  	[sflag:s21] =	ssyncset.done $0x0  }
0x59: {  	s12 =	rddreg [dreg:$0x9];
	[sflag:s21] =	ssyncadd.s32 $0xFFFFCE00  }
0x5a: {  	[tilespmem:s18], [sflag:$0x2] =	stream.indirect.gather [hbm4b:s4+s15], $0x80, s12, s15, $0xb8;
	[tilespmem:$0x1B880] =	vst v63  }
0x5b: {  	_ =	swait.ge [sflag:s19], $0x3200  }
0x5c: {  	[sflag:s19] =	ssyncset.done $0x0  }
0x5d: {  	s9 =	rddreg [dreg:$0xa];
	[sflag:s19] =	ssyncadd.s32 $0xFFFFCE00  }
0x5e: {  	[spmem:s2] =	stream.indirect.scatter.add.f32 [tilespmem:s18], [sflag:$0x4], $0x80, s9, s15, $0xb8;
	[tilespmem:$0x1B880] =	vst v63  }
0x5f: {  	_ =	swait.ge [sflag:s20], $0x3200  }
0x60: {  	[sflag:s20] =	ssyncset.done $0x0  }
0x61: {  	s11 =	rddreg [dreg:$0xb];
	[sflag:s20] =	ssyncadd.s32 $0xFFFFCE00  }
0x62: {  	[tilespmem:s16], [sflag:$0x1] =	stream.indirect.gather [hbm4b:s4+s15], $0x80, s11, s15, $0xb8;
	[tilespmem:$0x1B880] =	vst v63  }
0x63: {  	_ =	swait.ge [sflag:s17], $0x3200  }
0x64: {  	[sflag:s17] =	ssyncset.done $0x0  }
0x65: {  	s12 =	rddreg [dreg:$0xc];
	[sflag:s17] =	ssyncadd.s32 $0xFFFFCE00  }
0x66: {  	[spmem:s2] =	stream.indirect.scatter.add.f32 [tilespmem:s16], [sflag:$0x3], $0x80, s12, s15, $0xb8;
	[tilespmem:$0x1B880] =	vst v63  }
0x67: {  	_ =	swait.ge [sflag:s21], $0x3200  }
0x68: {  	[sflag:s21] =	ssyncset.done $0x0  }
0x69: {  	s9 =	rddreg [dreg:$0xd];
	[sflag:s21] =	ssyncadd.s32 $0xFFFFCE00  }
0x6a: {  	[tilespmem:s18], [sflag:$0x2] =	stream.indirect.gather [hbm4b:s4+s15], $0x80, s9, s15, $0xb8;
	[tilespmem:$0x1B880] =	vst v63  }
0x6b: {  	_ =	swait.ge [sflag:s19], $0x3200  }
0x6c: {  	[sflag:s19] =	ssyncset.done $0x0  }
0x6d: {  	s11 =	rddreg [dreg:$0xe];
	[sflag:s19] =	ssyncadd.s32 $0xFFFFCE00  }
0x6e: {  	[spmem:s2] =	stream.indirect.scatter.add.f32 [tilespmem:s18], [sflag:$0x4], $0x80, s11, s15, $0xb8;
	[tilespmem:$0x1B880] =	vst v63  }
0x6f: {  	_ =	swait.ge [sflag:s20], $0x3200  }
0x70: {  	[sflag:s20] =	ssyncset.done $0x0  }
0x71: {  	s12 =	rddreg [dreg:$0xf];
	[sflag:s20] =	ssyncadd.s32 $0xFFFFCE00  }
0x72: {  	[tilespmem:s16], [sflag:$0x1] =	stream.indirect.gather [hbm4b:s4+s15], $0x80, s12, s15, $0xb8;
	[tilespmem:$0x1B880] =	vst v63  }
0x73: {  	_ =	swait.ge [sflag:s17], $0x3200  }
0x74: {  	[sflag:s17] =	ssyncset.done $0x0  }
0x75: {  	s9 =	rddreg [dreg:$0x10];
	[sflag:s17] =	ssyncadd.s32 $0xFFFFCE00  }
0x76: {  	[spmem:s2] =	stream.indirect.scatter.add.f32 [tilespmem:s16], [sflag:$0x3], $0x80, s9, s15, $0xb8;
	[tilespmem:$0x1B880] =	vst v63  }
0x77: {  	_ =	swait.ge [sflag:s21], $0x3200  }
0x78: {  	[sflag:s21] =	ssyncset.done $0x0  }
0x79: {  	s11 =	rddreg [dreg:$0x11];
	[sflag:s21] =	ssyncadd.s32 $0xFFFFCE00  }
0x7a: {  	[tilespmem:s18], [sflag:$0x2] =	stream.indirect.gather [hbm4b:s4+s15], $0x80, s11, s15, $0xb8;
	[tilespmem:$0x1B880] =	vst v63  }
0x7b: {  	_ =	swait.ge [sflag:s19], $0x3200  }
0x7c: {  	[sflag:s19] =	ssyncset.done $0x0  }
0x7d: {  	s12 =	rddreg [dreg:$0x12];
	[sflag:s19] =	ssyncadd.s32 $0xFFFFCE00  }
0x7e: {  	[spmem:s2] =	stream.indirect.scatter.add.f32 [tilespmem:s18], [sflag:$0x4], $0x80, s12, s15, $0xb8;
	[tilespmem:$0x1B880] =	vst v63  }
0x7f: {  	_ =	swait.ge [sflag:s20], $0x3200  }
0x80: {  	[sflag:s20] =	ssyncset.done $0x0  }
0x81: {  	s9 =	rddreg [dreg:$0x13];
	[sflag:s20] =	ssyncadd.s32 $0xFFFFCE00  }
0x82: {  	[tilespmem:s16], [sflag:$0x1] =	stream.indirect.gather [hbm4b:s4+s15], $0x80, s9, s15, $0xb8;
	[tilespmem:$0x1B880] =	vst v63  }
0x83: {  	_ =	swait.ge [sflag:s17], $0x3200  }
0x84: {  	[sflag:s17] =	ssyncset.done $0x0  }
0x85: {  	s11 =	rddreg [dreg:$0x14];
	[sflag:s17] =	ssyncadd.s32 $0xFFFFCE00  }
0x86: {  	[spmem:s2] =	stream.indirect.scatter.add.f32 [tilespmem:s16], [sflag:$0x3], $0x80, s11, s15, $0xb8;
	[tilespmem:$0x1B880] =	vst v63  }
0x87: {  	_ =	swait.ge [sflag:s21], $0x3200  }
0x88: {  	[sflag:s21] =	ssyncset.done $0x0  }
0x89: {  	s12 =	rddreg [dreg:$0x15];
	[sflag:s21] =	ssyncadd.s32 $0xFFFFCE00  }
0x8a: {  	[tilespmem:s18], [sflag:$0x2] =	stream.indirect.gather [hbm4b:s4+s15], $0x80, s12, s15, $0xb8;
	[tilespmem:$0x1B880] =	vst v63  }
0x8b: {  	_ =	swait.ge [sflag:s19], $0x3200  }
0x8c: {  	[sflag:s19] =	ssyncset.done $0x0  }
0x8d: {  	s9 =	rddreg [dreg:$0x16];
	[sflag:s19] =	ssyncadd.s32 $0xFFFFCE00  }
0x8e: {  	[spmem:s2] =	stream.indirect.scatter.add.f32 [tilespmem:s18], [sflag:$0x4], $0x80, s9, s15, $0xb8;
	[tilespmem:$0x1B880] =	vst v63  }
0x8f: {  	_ =	swait.ge [sflag:s20], $0x3200  }
0x90: {  	[sflag:s20] =	ssyncset.done $0x0  }
0x91: {  	s11 =	rddreg [dreg:$0x17];
	[sflag:s20] =	ssyncadd.s32 $0xFFFFCE00  }
0x92: {  	[tilespmem:s16], [sflag:$0x1] =	stream.indirect.gather [hbm4b:s4+s15], $0x80, s11, s15, $0xb8;
	[tilespmem:$0x1B880] =	vst v63  }
0x93: {  	_ =	swait.ge [sflag:s17], $0x3200  }
0x94: {  	[sflag:s17] =	ssyncset.done $0x0  }
0x95: {  	s12 =	rddreg [dreg:$0x18];
	[sflag:s17] =	ssyncadd.s32 $0xFFFFCE00  }
0x96: {  	[spmem:s2] =	stream.indirect.scatter.add.f32 [tilespmem:s16], [sflag:$0x3], $0x80, s12, s15, $0xb8;
	[tilespmem:$0x1B880] =	vst v63  }
0x97: {  	_ =	swait.ge [sflag:s21], $0x3200  }
0x98: {  	[sflag:s21] =	ssyncset.done $0x0  }
0x99: {  	s9 =	rddreg [dreg:$0x19];
	[sflag:s21] =	ssyncadd.s32 $0xFFFFCE00  }
0x9a: {  	[tilespmem:s18], [sflag:$0x2] =	stream.indirect.gather [hbm4b:s4+s15], $0x80, s9, s15, $0xb8;
	[tilespmem:$0x1B880] =	vst v63  }
0x9b: {  	_ =	swait.ge [sflag:s19], $0x3200  }
0x9c: {  	[sflag:s19] =	ssyncset.done $0x0  }
0x9d: {  	s11 =	rddreg [dreg:$0x1a];
	[sflag:s19] =	ssyncadd.s32 $0xFFFFCE00  }
0x9e: {  	[spmem:s2] =	stream.indirect.scatter.add.f32 [tilespmem:s18], [sflag:$0x4], $0x80, s11, s15, $0xb8;
	[tilespmem:$0x1B880] =	vst v63  }
0x9f: {  	_ =	swait.ge [sflag:s20], $0x3200  }
0xa0: {  	[sflag:s20] =	ssyncset.done $0x0  }
0xa1: {  	s12 =	rddreg [dreg:$0x1b];
	[sflag:s20] =	ssyncadd.s32 $0xFFFFCE00  }
0xa2: {  	[tilespmem:s16], [sflag:$0x1] =	stream.indirect.gather [hbm4b:s4+s15], $0x80, s12, s15, $0xb8;
	[tilespmem:$0x1B880] =	vst v63  }
0xa3: {  	_ =	swait.ge [sflag:s17], $0x3200  }
0xa4: {  	[sflag:s17] =	ssyncset.done $0x0  }
0xa5: {  	[sflag:s17] =	ssyncadd.s32 $0xFFFFCE00  }
0xa6: {  	[spmem:s2] =	stream.indirect.scatter.add.f32 [tilespmem:s16], [sflag:$0x3], $0x80, s22, s15, $0xb8;
	[tilespmem:$0x1B880] =	vst v63  }
0xa7: {  	_ =	swait.ge [sflag:s21], $0x3200  }
0xa8: {  	[sflag:s21] =	ssyncset.done $0x0  }
0xa9: {  	[sflag:s21] =	ssyncadd.s32 $0xFFFFCE00  }
0xaa: {  	[tilespmem:s18], [sflag:$0x2] =	stream.indirect.gather [hbm4b:s4+s15], $0x80, s23, s15, $0xb8;
	[tilespmem:$0x1B880] =	vst v63  }
0xab: {  	_ =	swait.ge [sflag:s19], $0x3200  }
0xac: {  	[sflag:s19] =	ssyncset.done $0x0  }
0xad: {  	[sflag:s19] =	ssyncadd.s32 $0xFFFFCE00  }
0xae: {  	[spmem:s2] =	stream.indirect.scatter.add.f32 [tilespmem:s18], [sflag:$0x4], $0x80, s24, s15, $0xb8;
	[tilespmem:$0x1B880] =	vst v63  }
0xaf: {  	_ =	swait.ge [sflag:s20], $0x3200  }
0xb0: {  	[sflag:s20] =	ssyncset.done $0x0  }
0xb1: {  	[sflag:s20] =	ssyncadd.s32 $0xFFFFCE00  }
0xb2: {  	[tilespmem:s16], [sflag:$0x1] =	stream.indirect.gather [hbm4b:s4+s15], $0x80, s25, s15, $0xb8;
	[tilespmem:$0x1B880] =	vst v63  }
0xb3: {  	_ =	swait.ge [sflag:s17], $0x3200  }
0xb4: {  	[sflag:s17] =	ssyncset.done $0x0  }
0xb5: {  	[sflag:s17] =	ssyncadd.s32 $0xFFFFCE00  }
0xb6: {  	[spmem:s2] =	stream.indirect.scatter.add.f32 [tilespmem:s16], [sflag:$0x3], $0x80, s26, s15, $0xb8;
	[tilespmem:$0x1B880] =	vst v63  }
0xb7: {  	_ =	swait.ge [sflag:s21], $0x3200  }
0xb8: {  	[sflag:s21] =	ssyncset.done $0x0  }
0xb9: {  	[sflag:s21] =	ssyncadd.s32 $0xFFFFCE00  }
0xba: {  	[tilespmem:s18], [sflag:$0x2] =	stream.indirect.gather [hbm4b:s4+s15], $0x80, s28, s15, $0xb8;
	[tilespmem:$0x1B880] =	vst v63  }
0xbb: {  	_ =	swait.ge [sflag:s19], $0x3200  }
0xbc: {  	[sflag:s19] =	ssyncset.done $0x0  }
0xbd: {  	[sflag:s19] =	ssyncadd.s32 $0xFFFFCE00  }
0xbe: {  	[spmem:s2] =	stream.indirect.scatter.add.f32 [tilespmem:s18], [sflag:$0x4], $0x80, s29, s15, $0xb8;
	[tilespmem:$0x1B880] =	vst v63  }
0xbf: {  	_ =	swait.ge [sflag:s20], $0x3200  }
0xc0: {  	[sflag:s20] =	ssyncset.done $0x0  }
0xc1: {  	[sflag:s20] =	ssyncadd.s32 $0xFFFFCE00  }
0xc2: {  	[tilespmem:s16], [sflag:$0x1] =	stream.indirect.gather [hbm4b:s4+s15], $0x80, s30, s15, $0xb8;
	[tilespmem:$0x1B880] =	vst v63  }
0xc3: {  	_ =	swait.ge [sflag:s17], $0x3200  }
0xc4: {  	[sflag:s17] =	ssyncset.done $0x0  }
0xc5: {  	[sflag:s17] =	ssyncadd.s32 $0xFFFFCE00  }
0xc6: {  	[spmem:s2] =	stream.indirect.scatter.add.f32 [tilespmem:s16], [sflag:$0x3], $0x80, s31, s15, $0xb8;
	[tilespmem:$0x1B880] =	vst v63  }
0xc7: {  	_ =	swait.ge [sflag:s21], $0x3200  }
0xc8: {  	[sflag:s21] =	ssyncset.done $0x0  }
0xc9: {  	[sflag:s21] =	ssyncadd.s32 $0xFFFFCE00  }
0xca: {  	[tilespmem:s18], [sflag:$0x2] =	stream.indirect.gather [hbm4b:s4+s15], $0x80, s0, s15, $0xb8;
	[tilespmem:$0x1B880] =	vst v63  }
0xcb: {  	_ =	swait.ge [sflag:s19], $0x3200  }
0xcc: {  	[sflag:s19] =	ssyncset.done $0x0  }
0xcd: {  	[sflag:s19] =	ssyncadd.s32 $0xFFFFCE00  }
0xce: {  	[spmem:s2] =	stream.indirect.scatter.add.f32 [tilespmem:s18], [sflag:$0x4], $0x80, s1, s15, $0xb8;
	[tilespmem:$0x1B880] =	vst v63  }
0xcf: {  	_ =	swait.ge [sflag:s20], $0x3200  }
0xd0: {  	[sflag:s20] =	ssyncset.done $0x0  }
0xd1: {  	[sflag:s20] =	ssyncadd.s32 $0xFFFFCE00  }
0xd2: {  	[tilespmem:s16], [sflag:$0x1] =	stream.indirect.gather [hbm4b:s4+s15], $0x80, s5, s15, $0xb8;
	[tilespmem:$0x1B880] =	vst v63  }
0xd3: {  	_ =	swait.ge [sflag:s17], $0x3200  }
0xd4: {  	[sflag:s17] =	ssyncset.done $0x0  }
0xd5: {  	[sflag:s17] =	ssyncadd.s32 $0xFFFFCE00  }
0xd6: {  	[spmem:s2] =	stream.indirect.scatter.add.f32 [tilespmem:s16], [sflag:$0x3], $0x80, s6, s15, $0xb8;
	[tilespmem:$0x1B880] =	vst v63  }
0xd7: {  	_ =	swait.ge [sflag:s21], $0x3200  }
0xd8: {  	[sflag:s21] =	ssyncset.done $0x0  }
0xd9: {  	[sflag:s21] =	ssyncadd.s32 $0xFFFFCE00  }
0xda: {  	[tilespmem:s18], [sflag:$0x2] =	stream.indirect.gather [hbm4b:s4+s15], $0x80, s7, s15, $0xb8;
	[tilespmem:$0x1B880] =	vst v63  }
0xdb: {  	_ =	swait.ge [sflag:s19], $0x3200  }
0xdc: {  	[sflag:s19] =	ssyncset.done $0x0  }
0xdd: {  	[sflag:s19] =	ssyncadd.s32 $0xFFFFCE00  }
0xde: {  	[spmem:s2] =	stream.indirect.scatter.add.f32 [tilespmem:s18], [sflag:$0x4], $0x80, s8, s15, $0xb8;
	[tilespmem:$0x1B880] =	vst v63  }
0xdf: {  	_ =	swait.ge [sflag:s21], $0x3200  }
0xe0: {  	[sflag:s21] =	ssyncset.done $0x0  }
0xe1: {  	[sflag:s21] =	ssyncadd.s32 $0xFFFFCE00  }
0xe2: {  	s10 =	simm.s32 $0x180;
	_ =	swait.ge [sflag:s20], $0x3200  }
0xe3: {  	s11 =	simm.s32 $0x300;
	s12 =	rddreg [dreg:$0x4];
	[sflag:s20] =	ssyncset.done $0x0  }
.LBB2_2:
0xe4: {  	[sflag:s20] =	ssyncadd.s32 $0xFFFFCE00;
	s12 =	sadd.s32 s10, s12  }
0xe5: {  	[tilespmem:s3], [sflag:$0x5] =	stream.linear.gather [hbm4b:s12+s3], $0xA00, $0x38;
	[tilespmem:$0x1B880] =	vst v63  }
0xe6: {  	_ =	swait.ge [sflag:s13], $0xA00  }
0xe7: {  	s12 =	rddreg [dreg:$0x3];
	[sflag:s13] =	ssyncset.done $0x0  }
0xe8: {  	[sflag:s13] =	ssyncadd.s32 $0xFFFFF600;
	s12 =	sadd.s32 s10, s12  }
0xe9: {  	[tilespmem:s14], [sflag:$0x5] =	stream.linear.gather [hbm4b:s12+s3], $0xA00, $0x38;
	[tilespmem:$0x1B880] =	vst v63  }
0xea: {  	_ =	swait.ge [sflag:s13], $0xA00  }
0xeb: {  	[sflag:s13] =	ssyncset.done $0x0  }
0xec: {  	[sflag:s13] =	ssyncadd.s32 $0xFFFFF600  }
0xed: {  	[tilespmem:s16], [sflag:$0x1] =	stream.indirect.gather [hbm4b:s4+s15], $0x80, s3, s15, $0xb8;
	[tilespmem:$0x1B880] =	vst v63  }
0xee: {  	_ =	swait.ge [sflag:s17], $0x3200  }
0xef: {  	[sflag:s17] =	ssyncset.done $0x0  }
0xf0: {  	[sflag:s17] =	ssyncadd.s32 $0xFFFFCE00  }
0xf1: {  	[spmem:s2] =	stream.indirect.scatter.add.f32 [tilespmem:s16], [sflag:$0x3], $0x80, s14, s15, $0xb8;
	[tilespmem:$0x1B880] =	vst v63  }
0xf2: {  	s12 =	rddreg [dreg:$0x5]  }
0xf3: {  	[tilespmem:s18], [sflag:$0x2] =	stream.indirect.gather [hbm4b:s4+s15], $0x80, s12, s15, $0xb8;
	[tilespmem:$0x1B880] =	vst v63  }
0xf4: {  	_ =	swait.ge [sflag:s19], $0x3200  }
0xf5: {  	[sflag:s19] =	ssyncset.done $0x0  }
0xf6: {  	s12 =	rddreg [dreg:$0x6];
	[sflag:s19] =	ssyncadd.s32 $0xFFFFCE00  }
0xf7: {  	[spmem:s2] =	stream.indirect.scatter.add.f32 [tilespmem:s18], [sflag:$0x4], $0x80, s12, s15, $0xb8;
	[tilespmem:$0x1B880] =	vst v63  }
0xf8: {  	_ =	swait.ge [sflag:s20], $0x3200  }
0xf9: {  	[sflag:s20] =	ssyncset.done $0x0  }
0xfa: {  	s12 =	rddreg [dreg:$0x7];
	[sflag:s20] =	ssyncadd.s32 $0xFFFFCE00  }
0xfb: {  	[tilespmem:s16], [sflag:$0x1] =	stream.indirect.gather [hbm4b:s4+s15], $0x80, s12, s15, $0xb8;
	[tilespmem:$0x1B880] =	vst v63  }
0xfc: {  	_ =	swait.ge [sflag:s17], $0x3200  }
0xfd: {  	[sflag:s17] =	ssyncset.done $0x0  }
0xfe: {  	s12 =	rddreg [dreg:$0x8];
	[sflag:s17] =	ssyncadd.s32 $0xFFFFCE00  }
0xff: {  	[spmem:s2] =	stream.indirect.scatter.add.f32 [tilespmem:s16], [sflag:$0x3], $0x80, s12, s15, $0xb8;
	[tilespmem:$0x1B880] =	vst v63  }
0x100: {  	_ =	swait.ge [sflag:s21], $0x3200  }
0x101: {  	[sflag:s21] =	ssyncset.done $0x0  }
0x102: {  	s12 =	rddreg [dreg:$0x9];
	[sflag:s21] =	ssyncadd.s32 $0xFFFFCE00  }
0x103: {  	[tilespmem:s18], [sflag:$0x2] =	stream.indirect.gather [hbm4b:s4+s15], $0x80, s12, s15, $0xb8;
	[tilespmem:$0x1B880] =	vst v63  }
0x104: {  	_ =	swait.ge [sflag:s19], $0x3200  }
0x105: {  	[sflag:s19] =	ssyncset.done $0x0  }
0x106: {  	s12 =	rddreg [dreg:$0xa];
	[sflag:s19] =	ssyncadd.s32 $0xFFFFCE00  }
0x107: {  	[spmem:s2] =	stream.indirect.scatter.add.f32 [tilespmem:s18], [sflag:$0x4], $0x80, s12, s15, $0xb8;
	[tilespmem:$0x1B880] =	vst v63  }
0x108: {  	_ =	swait.ge [sflag:s20], $0x3200  }
0x109: {  	[sflag:s20] =	ssyncset.done $0x0  }
0x10a: {  	s12 =	rddreg [dreg:$0xb];
	[sflag:s20] =	ssyncadd.s32 $0xFFFFCE00  }
0x10b: {  	[tilespmem:s16], [sflag:$0x1] =	stream.indirect.gather [hbm4b:s4+s15], $0x80, s12, s15, $0xb8;
	[tilespmem:$0x1B880] =	vst v63  }
0x10c: {  	_ =	swait.ge [sflag:s17], $0x3200  }
0x10d: {  	[sflag:s17] =	ssyncset.done $0x0  }
0x10e: {  	s12 =	rddreg [dreg:$0xc];
	[sflag:s17] =	ssyncadd.s32 $0xFFFFCE00  }
0x10f: {  	[spmem:s2] =	stream.indirect.scatter.add.f32 [tilespmem:s16], [sflag:$0x3], $0x80, s12, s15, $0xb8;
	[tilespmem:$0x1B880] =	vst v63  }
0x110: {  	_ =	swait.ge [sflag:s21], $0x3200  }
0x111: {  	[sflag:s21] =	ssyncset.done $0x0  }
0x112: {  	s12 =	rddreg [dreg:$0xd];
	[sflag:s21] =	ssyncadd.s32 $0xFFFFCE00  }
0x113: {  	[tilespmem:s18], [sflag:$0x2] =	stream.indirect.gather [hbm4b:s4+s15], $0x80, s12, s15, $0xb8;
	[tilespmem:$0x1B880] =	vst v63  }
0x114: {  	_ =	swait.ge [sflag:s19], $0x3200  }
0x115: {  	[sflag:s19] =	ssyncset.done $0x0  }
0x116: {  	s12 =	rddreg [dreg:$0xe];
	[sflag:s19] =	ssyncadd.s32 $0xFFFFCE00  }
0x117: {  	[spmem:s2] =	stream.indirect.scatter.add.f32 [tilespmem:s18], [sflag:$0x4], $0x80, s12, s15, $0xb8;
	[tilespmem:$0x1B880] =	vst v63  }
0x118: {  	_ =	swait.ge [sflag:s20], $0x3200  }
0x119: {  	[sflag:s20] =	ssyncset.done $0x0  }
0x11a: {  	s12 =	rddreg [dreg:$0xf];
	[sflag:s20] =	ssyncadd.s32 $0xFFFFCE00  }
0x11b: {  	[tilespmem:s16], [sflag:$0x1] =	stream.indirect.gather [hbm4b:s4+s15], $0x80, s12, s15, $0xb8;
	[tilespmem:$0x1B880] =	vst v63  }
0x11c: {  	_ =	swait.ge [sflag:s17], $0x3200  }
0x11d: {  	[sflag:s17] =	ssyncset.done $0x0  }
0x11e: {  	s12 =	rddreg [dreg:$0x10];
	[sflag:s17] =	ssyncadd.s32 $0xFFFFCE00  }
0x11f: {  	[spmem:s2] =	stream.indirect.scatter.add.f32 [tilespmem:s16], [sflag:$0x3], $0x80, s12, s15, $0xb8;
	[tilespmem:$0x1B880] =	vst v63  }
0x120: {  	_ =	swait.ge [sflag:s21], $0x3200  }
0x121: {  	[sflag:s21] =	ssyncset.done $0x0  }
0x122: {  	s12 =	rddreg [dreg:$0x11];
	[sflag:s21] =	ssyncadd.s32 $0xFFFFCE00  }
0x123: {  	[tilespmem:s18], [sflag:$0x2] =	stream.indirect.gather [hbm4b:s4+s15], $0x80, s12, s15, $0xb8;
	[tilespmem:$0x1B880] =	vst v63  }
0x124: {  	_ =	swait.ge [sflag:s19], $0x3200  }
0x125: {  	[sflag:s19] =	ssyncset.done $0x0  }
0x126: {  	s12 =	rddreg [dreg:$0x12];
	[sflag:s19] =	ssyncadd.s32 $0xFFFFCE00  }
0x127: {  	[spmem:s2] =	stream.indirect.scatter.add.f32 [tilespmem:s18], [sflag:$0x4], $0x80, s12, s15, $0xb8;
	[tilespmem:$0x1B880] =	vst v63  }
0x128: {  	_ =	swait.ge [sflag:s20], $0x3200  }
0x129: {  	[sflag:s20] =	ssyncset.done $0x0  }
0x12a: {  	s12 =	rddreg [dreg:$0x13];
	[sflag:s20] =	ssyncadd.s32 $0xFFFFCE00  }
0x12b: {  	[tilespmem:s16], [sflag:$0x1] =	stream.indirect.gather [hbm4b:s4+s15], $0x80, s12, s15, $0xb8;
	[tilespmem:$0x1B880] =	vst v63  }
0x12c: {  	_ =	swait.ge [sflag:s17], $0x3200  }
0x12d: {  	[sflag:s17] =	ssyncset.done $0x0  }
0x12e: {  	s12 =	rddreg [dreg:$0x14];
	[sflag:s17] =	ssyncadd.s32 $0xFFFFCE00  }
0x12f: {  	[spmem:s2] =	stream.indirect.scatter.add.f32 [tilespmem:s16], [sflag:$0x3], $0x80, s12, s15, $0xb8;
	[tilespmem:$0x1B880] =	vst v63  }
0x130: {  	_ =	swait.ge [sflag:s21], $0x3200  }
0x131: {  	[sflag:s21] =	ssyncset.done $0x0  }
0x132: {  	s12 =	rddreg [dreg:$0x15];
	[sflag:s21] =	ssyncadd.s32 $0xFFFFCE00  }
0x133: {  	[tilespmem:s18], [sflag:$0x2] =	stream.indirect.gather [hbm4b:s4+s15], $0x80, s12, s15, $0xb8;
	[tilespmem:$0x1B880] =	vst v63  }
0x134: {  	_ =	swait.ge [sflag:s19], $0x3200  }
0x135: {  	[sflag:s19] =	ssyncset.done $0x0  }
0x136: {  	s12 =	rddreg [dreg:$0x16];
	[sflag:s19] =	ssyncadd.s32 $0xFFFFCE00  }
0x137: {  	[spmem:s2] =	stream.indirect.scatter.add.f32 [tilespmem:s18], [sflag:$0x4], $0x80, s12, s15, $0xb8;
	[tilespmem:$0x1B880] =	vst v63  }
0x138: {  	_ =	swait.ge [sflag:s20], $0x3200  }
0x139: {  	[sflag:s20] =	ssyncset.done $0x0  }
0x13a: {  	s12 =	rddreg [dreg:$0x17];
	[sflag:s20] =	ssyncadd.s32 $0xFFFFCE00  }
0x13b: {  	[tilespmem:s16], [sflag:$0x1] =	stream.indirect.gather [hbm4b:s4+s15], $0x80, s12, s15, $0xb8;
	[tilespmem:$0x1B880] =	vst v63  }
0x13c: {  	_ =	swait.ge [sflag:s17], $0x3200  }
0x13d: {  	[sflag:s17] =	ssyncset.done $0x0  }
0x13e: {  	s12 =	rddreg [dreg:$0x18];
	[sflag:s17] =	ssyncadd.s32 $0xFFFFCE00  }
0x13f: {  	[spmem:s2] =	stream.indirect.scatter.add.f32 [tilespmem:s16], [sflag:$0x3], $0x80, s12, s15, $0xb8;
	[tilespmem:$0x1B880] =	vst v63  }
0x140: {  	_ =	swait.ge [sflag:s21], $0x3200  }
0x141: {  	[sflag:s21] =	ssyncset.done $0x0  }
0x142: {  	s12 =	rddreg [dreg:$0x19];
	[sflag:s21] =	ssyncadd.s32 $0xFFFFCE00  }
0x143: {  	[tilespmem:s18], [sflag:$0x2] =	stream.indirect.gather [hbm4b:s4+s15], $0x80, s12, s15, $0xb8;
	[tilespmem:$0x1B880] =	vst v63  }
0x144: {  	_ =	swait.ge [sflag:s19], $0x3200  }
0x145: {  	[sflag:s19] =	ssyncset.done $0x0  }
0x146: {  	s12 =	rddreg [dreg:$0x1a];
	[sflag:s19] =	ssyncadd.s32 $0xFFFFCE00  }
0x147: {  	[spmem:s2] =	stream.indirect.scatter.add.f32 [tilespmem:s18], [sflag:$0x4], $0x80, s12, s15, $0xb8;
	[tilespmem:$0x1B880] =	vst v63  }
0x148: {  	_ =	swait.ge [sflag:s20], $0x3200  }
0x149: {  	[sflag:s20] =	ssyncset.done $0x0  }
0x14a: {  	s12 =	rddreg [dreg:$0x1b];
	[sflag:s20] =	ssyncadd.s32 $0xFFFFCE00  }
0x14b: {  	[tilespmem:s16], [sflag:$0x1] =	stream.indirect.gather [hbm4b:s4+s15], $0x80, s12, s15, $0xb8;
	[tilespmem:$0x1B880] =	vst v63  }
0x14c: {  	_ =	swait.ge [sflag:s17], $0x3200  }
0x14d: {  	[sflag:s17] =	ssyncset.done $0x0  }
0x14e: {  	[sflag:s17] =	ssyncadd.s32 $0xFFFFCE00  }
0x14f: {  	[spmem:s2] =	stream.indirect.scatter.add.f32 [tilespmem:s16], [sflag:$0x3], $0x80, s22, s15, $0xb8;
	[tilespmem:$0x1B880] =	vst v63  }
0x150: {  	_ =	swait.ge [sflag:s21], $0x3200  }
0x151: {  	[sflag:s21] =	ssyncset.done $0x0  }
0x152: {  	[sflag:s21] =	ssyncadd.s32 $0xFFFFCE00  }
0x153: {  	[tilespmem:s18], [sflag:$0x2] =	stream.indirect.gather [hbm4b:s4+s15], $0x80, s23, s15, $0xb8;
	[tilespmem:$0x1B880] =	vst v63  }
0x154: {  	_ =	swait.ge [sflag:s19], $0x3200  }
0x155: {  	[sflag:s19] =	ssyncset.done $0x0  }
0x156: {  	[sflag:s19] =	ssyncadd.s32 $0xFFFFCE00  }
0x157: {  	[spmem:s2] =	stream.indirect.scatter.add.f32 [tilespmem:s18], [sflag:$0x4], $0x80, s24, s15, $0xb8;
	[tilespmem:$0x1B880] =	vst v63  }
0x158: {  	_ =	swait.ge [sflag:s20], $0x3200  }
0x159: {  	[sflag:s20] =	ssyncset.done $0x0  }
0x15a: {  	[sflag:s20] =	ssyncadd.s32 $0xFFFFCE00  }
0x15b: {  	[tilespmem:s16], [sflag:$0x1] =	stream.indirect.gather [hbm4b:s4+s15], $0x80, s25, s15, $0xb8;
	[tilespmem:$0x1B880] =	vst v63  }
0x15c: {  	_ =	swait.ge [sflag:s17], $0x3200  }
0x15d: {  	[sflag:s17] =	ssyncset.done $0x0  }
0x15e: {  	[sflag:s17] =	ssyncadd.s32 $0xFFFFCE00  }
0x15f: {  	[spmem:s2] =	stream.indirect.scatter.add.f32 [tilespmem:s16], [sflag:$0x3], $0x80, s26, s15, $0xb8;
	[tilespmem:$0x1B880] =	vst v63  }
0x160: {  	_ =	swait.ge [sflag:s21], $0x3200  }
0x161: {  	[sflag:s21] =	ssyncset.done $0x0  }
0x162: {  	[sflag:s21] =	ssyncadd.s32 $0xFFFFCE00  }
0x163: {  	[tilespmem:s18], [sflag:$0x2] =	stream.indirect.gather [hbm4b:s4+s15], $0x80, s28, s15, $0xb8;
	[tilespmem:$0x1B880] =	vst v63  }
0x164: {  	_ =	swait.ge [sflag:s19], $0x3200  }
0x165: {  	[sflag:s19] =	ssyncset.done $0x0  }
0x166: {  	[sflag:s19] =	ssyncadd.s32 $0xFFFFCE00  }
0x167: {  	[spmem:s2] =	stream.indirect.scatter.add.f32 [tilespmem:s18], [sflag:$0x4], $0x80, s29, s15, $0xb8;
	[tilespmem:$0x1B880] =	vst v63  }
0x168: {  	_ =	swait.ge [sflag:s20], $0x3200  }
0x169: {  	[sflag:s20] =	ssyncset.done $0x0  }
0x16a: {  	[sflag:s20] =	ssyncadd.s32 $0xFFFFCE00  }
0x16b: {  	[tilespmem:s16], [sflag:$0x1] =	stream.indirect.gather [hbm4b:s4+s15], $0x80, s30, s15, $0xb8;
	[tilespmem:$0x1B880] =	vst v63  }
0x16c: {  	_ =	swait.ge [sflag:s17], $0x3200  }
0x16d: {  	[sflag:s17] =	ssyncset.done $0x0  }
0x16e: {  	[sflag:s17] =	ssyncadd.s32 $0xFFFFCE00  }
0x16f: {  	[spmem:s2] =	stream.indirect.scatter.add.f32 [tilespmem:s16], [sflag:$0x3], $0x80, s31, s15, $0xb8;
	[tilespmem:$0x1B880] =	vst v63  }
0x170: {  	_ =	swait.ge [sflag:s21], $0x3200  }
0x171: {  	[sflag:s21] =	ssyncset.done $0x0  }
0x172: {  	[sflag:s21] =	ssyncadd.s32 $0xFFFFCE00  }
0x173: {  	[tilespmem:s18], [sflag:$0x2] =	stream.indirect.gather [hbm4b:s4+s15], $0x80, s0, s15, $0xb8;
	[tilespmem:$0x1B880] =	vst v63  }
0x174: {  	_ =	swait.ge [sflag:s19], $0x3200  }
0x175: {  	[sflag:s19] =	ssyncset.done $0x0  }
0x176: {  	[sflag:s19] =	ssyncadd.s32 $0xFFFFCE00  }
0x177: {  	[spmem:s2] =	stream.indirect.scatter.add.f32 [tilespmem:s18], [sflag:$0x4], $0x80, s1, s15, $0xb8;
	[tilespmem:$0x1B880] =	vst v63  }
0x178: {  	_ =	swait.ge [sflag:s20], $0x3200  }
0x179: {  	[sflag:s20] =	ssyncset.done $0x0  }
0x17a: {  	[sflag:s20] =	ssyncadd.s32 $0xFFFFCE00  }
0x17b: {  	[tilespmem:s16], [sflag:$0x1] =	stream.indirect.gather [hbm4b:s4+s15], $0x80, s5, s15, $0xb8;
	[tilespmem:$0x1B880] =	vst v63  }
0x17c: {  	_ =	swait.ge [sflag:s17], $0x3200  }
0x17d: {  	[sflag:s17] =	ssyncset.done $0x0  }
0x17e: {  	[sflag:s17] =	ssyncadd.s32 $0xFFFFCE00  }
0x17f: {  	[spmem:s2] =	stream.indirect.scatter.add.f32 [tilespmem:s16], [sflag:$0x3], $0x80, s6, s15, $0xb8;
	[tilespmem:$0x1B880] =	vst v63  }
0x180: {  	_ =	swait.ge [sflag:s21], $0x3200  }
0x181: {  	[sflag:s21] =	ssyncset.done $0x0  }
0x182: {  	[sflag:s21] =	ssyncadd.s32 $0xFFFFCE00  }
0x183: {  	[tilespmem:s18], [sflag:$0x2] =	stream.indirect.gather [hbm4b:s4+s15], $0x80, s7, s15, $0xb8;
	[tilespmem:$0x1B880] =	vst v63  }
0x184: {  	_ =	swait.ge [sflag:s19], $0x3200  }
0x185: {  	[sflag:s19] =	ssyncset.done $0x0  }
0x186: {  	p1 =	sne.s32 s11, $0x600;
	[sflag:s19] =	ssyncadd.s32 $0xFFFFCE00  }
0x187: {  	[spmem:s2] =	stream.indirect.scatter.add.f32 [tilespmem:s18], [sflag:$0x4], $0x80, s8, s15, $0xb8;
	[tilespmem:$0x1B880] =	vst v63  }
.Ltmp0:
0x188: {  	_ =	swait.ge [sflag:s21], $0x3200;
	(pc) =	sbr.rel @p1 .LBB2_2-.Ltmp0, $4  }
0x189: {  	[sflag:s21] =	ssyncset.done $0x0  }
0x18a: {  	[sflag:s21] =	ssyncadd.s32 $0xFFFFCE00  }
0x18b: {  	s9 =	smov.u32 s11;
	s11 =	sadd.s32 $0x180, s11;
	_ =	swait.ge [sflag:s20], $0x3200  }
0x18c: {  	s10 =	smov.u32 s9;
	s12 =	rddreg [dreg:$0x4];
	[sflag:s20] =	ssyncset.done $0x0  }
0x18d: {  	[sflag:s20] =	ssyncadd.s32 $0xFFFFCE00;
	s9 =	sadd.s32 s10, s12  }
0x18e: {  	[tilespmem:s3], [sflag:$0x5] =	stream.linear.gather [hbm4b:s9+s3], $0xA00, $0x38;
	[tilespmem:$0x1B880] =	vst v63  }
0x18f: {  	_ =	swait.ge [sflag:s13], $0xA00  }
0x190: {  	s11 =	rddreg [dreg:$0x3];
	[sflag:s13] =	ssyncset.done $0x0  }
0x191: {  	s9 =	sadd.s32 s10, s11;
	[sflag:s13] =	ssyncadd.s32 $0xFFFFF600  }
0x192: {  	[tilespmem:s14], [sflag:$0x5] =	stream.linear.gather [hbm4b:s9+s3], $0xA00, $0x38;
	[tilespmem:$0x1B880] =	vst v63  }
0x193: {  	_ =	swait.ge [sflag:s13], $0xA00  }
0x194: {  	[sflag:s13] =	ssyncset.done $0x0  }
0x195: {  	[sflag:s13] =	ssyncadd.s32 $0xFFFFF600  }
0x196: {  	[tilespmem:s16], [sflag:$0x1] =	stream.indirect.gather [hbm4b:s4+s15], $0x80, s3, s15, $0xb8;
	[tilespmem:$0x1B880] =	vst v63  }
0x197: {  	_ =	swait.ge [sflag:s17], $0x3200  }
0x198: {  	[sflag:s17] =	ssyncset.done $0x0  }
0x199: {  	[sflag:s17] =	ssyncadd.s32 $0xFFFFCE00  }
0x19a: {  	[spmem:s2] =	stream.indirect.scatter.add.f32 [tilespmem:s16], [sflag:$0x3], $0x80, s14, s15, $0xb8;
	[tilespmem:$0x1B880] =	vst v63  }
0x19b: {  	s12 =	rddreg [dreg:$0x5]  }
0x19c: {  	[tilespmem:s18], [sflag:$0x2] =	stream.indirect.gather [hbm4b:s4+s15], $0x80, s12, s15, $0xb8;
	[tilespmem:$0x1B880] =	vst v63  }
0x19d: {  	_ =	swait.ge [sflag:s19], $0x3200  }
0x19e: {  	[sflag:s19] =	ssyncset.done $0x0  }
0x19f: {  	s10 =	rddreg [dreg:$0x6];
	[sflag:s19] =	ssyncadd.s32 $0xFFFFCE00  }
0x1a0: {  	[spmem:s2] =	stream.indirect.scatter.add.f32 [tilespmem:s18], [sflag:$0x4], $0x80, s10, s15, $0xb8;
	[tilespmem:$0x1B880] =	vst v63  }
0x1a1: {  	_ =	swait.ge [sflag:s20], $0x3200  }
0x1a2: {  	[sflag:s20] =	ssyncset.done $0x0  }
0x1a3: {  	s11 =	rddreg [dreg:$0x7];
	[sflag:s20] =	ssyncadd.s32 $0xFFFFCE00  }
0x1a4: {  	[tilespmem:s16], [sflag:$0x1] =	stream.indirect.gather [hbm4b:s4+s15], $0x80, s11, s15, $0xb8;
	[tilespmem:$0x1B880] =	vst v63  }
0x1a5: {  	_ =	swait.ge [sflag:s17], $0x3200  }
0x1a6: {  	[sflag:s17] =	ssyncset.done $0x0  }
0x1a7: {  	s12 =	rddreg [dreg:$0x8];
	[sflag:s17] =	ssyncadd.s32 $0xFFFFCE00  }
0x1a8: {  	[spmem:s2] =	stream.indirect.scatter.add.f32 [tilespmem:s16], [sflag:$0x3], $0x80, s12, s15, $0xb8;
	[tilespmem:$0x1B880] =	vst v63  }
0x1a9: {  	_ =	swait.ge [sflag:s21], $0x3200  }
0x1aa: {  	[sflag:s21] =	ssyncset.done $0x0  }
0x1ab: {  	s10 =	rddreg [dreg:$0x9];
	[sflag:s21] =	ssyncadd.s32 $0xFFFFCE00  }
0x1ac: {  	[tilespmem:s18], [sflag:$0x2] =	stream.indirect.gather [hbm4b:s4+s15], $0x80, s10, s15, $0xb8;
	[tilespmem:$0x1B880] =	vst v63  }
0x1ad: {  	_ =	swait.ge [sflag:s19], $0x3200  }
0x1ae: {  	[sflag:s19] =	ssyncset.done $0x0  }
0x1af: {  	s11 =	rddreg [dreg:$0xa];
	[sflag:s19] =	ssyncadd.s32 $0xFFFFCE00  }
0x1b0: {  	[spmem:s2] =	stream.indirect.scatter.add.f32 [tilespmem:s18], [sflag:$0x4], $0x80, s11, s15, $0xb8;
	[tilespmem:$0x1B880] =	vst v63  }
0x1b1: {  	_ =	swait.ge [sflag:s20], $0x3200  }
0x1b2: {  	[sflag:s20] =	ssyncset.done $0x0  }
0x1b3: {  	s12 =	rddreg [dreg:$0xb];
	[sflag:s20] =	ssyncadd.s32 $0xFFFFCE00  }
0x1b4: {  	[tilespmem:s16], [sflag:$0x1] =	stream.indirect.gather [hbm4b:s4+s15], $0x80, s12, s15, $0xb8;
	[tilespmem:$0x1B880] =	vst v63  }
0x1b5: {  	_ =	swait.ge [sflag:s17], $0x3200  }
0x1b6: {  	[sflag:s17] =	ssyncset.done $0x0  }
0x1b7: {  	s10 =	rddreg [dreg:$0xc];
	[sflag:s17] =	ssyncadd.s32 $0xFFFFCE00  }
0x1b8: {  	[spmem:s2] =	stream.indirect.scatter.add.f32 [tilespmem:s16], [sflag:$0x3], $0x80, s10, s15, $0xb8;
	[tilespmem:$0x1B880] =	vst v63  }
0x1b9: {  	_ =	swait.ge [sflag:s21], $0x3200  }
0x1ba: {  	[sflag:s21] =	ssyncset.done $0x0  }
0x1bb: {  	s11 =	rddreg [dreg:$0xd];
	[sflag:s21] =	ssyncadd.s32 $0xFFFFCE00  }
0x1bc: {  	[tilespmem:s18], [sflag:$0x2] =	stream.indirect.gather [hbm4b:s4+s15], $0x80, s11, s15, $0xb8;
	[tilespmem:$0x1B880] =	vst v63  }
0x1bd: {  	_ =	swait.ge [sflag:s19], $0x3200  }
0x1be: {  	[sflag:s19] =	ssyncset.done $0x0  }
0x1bf: {  	s12 =	rddreg [dreg:$0xe];
	[sflag:s19] =	ssyncadd.s32 $0xFFFFCE00  }
0x1c0: {  	[spmem:s2] =	stream.indirect.scatter.add.f32 [tilespmem:s18], [sflag:$0x4], $0x80, s12, s15, $0xb8;
	[tilespmem:$0x1B880] =	vst v63  }
0x1c1: {  	_ =	swait.ge [sflag:s20], $0x3200  }
0x1c2: {  	[sflag:s20] =	ssyncset.done $0x0  }
0x1c3: {  	s10 =	rddreg [dreg:$0xf];
	[sflag:s20] =	ssyncadd.s32 $0xFFFFCE00  }
0x1c4: {  	[tilespmem:s16], [sflag:$0x1] =	stream.indirect.gather [hbm4b:s4+s15], $0x80, s10, s15, $0xb8;
	[tilespmem:$0x1B880] =	vst v63  }
0x1c5: {  	_ =	swait.ge [sflag:s17], $0x3200  }
0x1c6: {  	[sflag:s17] =	ssyncset.done $0x0  }
0x1c7: {  	s11 =	rddreg [dreg:$0x10];
	[sflag:s17] =	ssyncadd.s32 $0xFFFFCE00  }
0x1c8: {  	[spmem:s2] =	stream.indirect.scatter.add.f32 [tilespmem:s16], [sflag:$0x3], $0x80, s11, s15, $0xb8;
	[tilespmem:$0x1B880] =	vst v63  }
0x1c9: {  	_ =	swait.ge [sflag:s21], $0x3200  }
0x1ca: {  	[sflag:s21] =	ssyncset.done $0x0  }
0x1cb: {  	s12 =	rddreg [dreg:$0x11];
	[sflag:s21] =	ssyncadd.s32 $0xFFFFCE00  }
0x1cc: {  	[tilespmem:s18], [sflag:$0x2] =	stream.indirect.gather [hbm4b:s4+s15], $0x80, s12, s15, $0xb8;
	[tilespmem:$0x1B880] =	vst v63  }
0x1cd: {  	_ =	swait.ge [sflag:s19], $0x3200  }
0x1ce: {  	[sflag:s19] =	ssyncset.done $0x0  }
0x1cf: {  	s10 =	rddreg [dreg:$0x12];
	[sflag:s19] =	ssyncadd.s32 $0xFFFFCE00  }
0x1d0: {  	[spmem:s2] =	stream.indirect.scatter.add.f32 [tilespmem:s18], [sflag:$0x4], $0x80, s10, s15, $0xb8;
	[tilespmem:$0x1B880] =	vst v63  }
0x1d1: {  	_ =	swait.ge [sflag:s20], $0x3200  }
0x1d2: {  	[sflag:s20] =	ssyncset.done $0x0  }
0x1d3: {  	s11 =	rddreg [dreg:$0x13];
	[sflag:s20] =	ssyncadd.s32 $0xFFFFCE00  }
0x1d4: {  	[tilespmem:s16], [sflag:$0x1] =	stream.indirect.gather [hbm4b:s4+s15], $0x80, s11, s15, $0xb8;
	[tilespmem:$0x1B880] =	vst v63  }
0x1d5: {  	_ =	swait.ge [sflag:s17], $0x3200  }
0x1d6: {  	[sflag:s17] =	ssyncset.done $0x0  }
0x1d7: {  	s12 =	rddreg [dreg:$0x14];
	[sflag:s17] =	ssyncadd.s32 $0xFFFFCE00  }
0x1d8: {  	[spmem:s2] =	stream.indirect.scatter.add.f32 [tilespmem:s16], [sflag:$0x3], $0x80, s12, s15, $0xb8;
	[tilespmem:$0x1B880] =	vst v63  }
0x1d9: {  	_ =	swait.ge [sflag:s21], $0x3200  }
0x1da: {  	[sflag:s21] =	ssyncset.done $0x0  }
0x1db: {  	s10 =	rddreg [dreg:$0x15];
	[sflag:s21] =	ssyncadd.s32 $0xFFFFCE00  }
0x1dc: {  	[tilespmem:s18], [sflag:$0x2] =	stream.indirect.gather [hbm4b:s4+s15], $0x80, s10, s15, $0xb8;
	[tilespmem:$0x1B880] =	vst v63  }
0x1dd: {  	_ =	swait.ge [sflag:s19], $0x3200  }
0x1de: {  	[sflag:s19] =	ssyncset.done $0x0  }
0x1df: {  	s11 =	rddreg [dreg:$0x16];
	[sflag:s19] =	ssyncadd.s32 $0xFFFFCE00  }
0x1e0: {  	[spmem:s2] =	stream.indirect.scatter.add.f32 [tilespmem:s18], [sflag:$0x4], $0x80, s11, s15, $0xb8;
	[tilespmem:$0x1B880] =	vst v63  }
0x1e1: {  	_ =	swait.ge [sflag:s20], $0x3200  }
0x1e2: {  	[sflag:s20] =	ssyncset.done $0x0  }
0x1e3: {  	s12 =	rddreg [dreg:$0x17];
	[sflag:s20] =	ssyncadd.s32 $0xFFFFCE00  }
0x1e4: {  	[tilespmem:s16], [sflag:$0x1] =	stream.indirect.gather [hbm4b:s4+s15], $0x80, s12, s15, $0xb8;
	[tilespmem:$0x1B880] =	vst v63  }
0x1e5: {  	_ =	swait.ge [sflag:s17], $0x3200  }
0x1e6: {  	[sflag:s17] =	ssyncset.done $0x0  }
0x1e7: {  	s10 =	rddreg [dreg:$0x18];
	[sflag:s17] =	ssyncadd.s32 $0xFFFFCE00  }
0x1e8: {  	[spmem:s2] =	stream.indirect.scatter.add.f32 [tilespmem:s16], [sflag:$0x3], $0x80, s10, s15, $0xb8;
	[tilespmem:$0x1B880] =	vst v63  }
0x1e9: {  	_ =	swait.ge [sflag:s21], $0x3200  }
0x1ea: {  	[sflag:s21] =	ssyncset.done $0x0  }
0x1eb: {  	s11 =	rddreg [dreg:$0x19];
	[sflag:s21] =	ssyncadd.s32 $0xFFFFCE00  }
0x1ec: {  	[tilespmem:s18], [sflag:$0x2] =	stream.indirect.gather [hbm4b:s4+s15], $0x80, s11, s15, $0xb8;
	[tilespmem:$0x1B880] =	vst v63  }
0x1ed: {  	_ =	swait.ge [sflag:s19], $0x3200  }
0x1ee: {  	[sflag:s19] =	ssyncset.done $0x0  }
0x1ef: {  	s12 =	rddreg [dreg:$0x1a];
	[sflag:s19] =	ssyncadd.s32 $0xFFFFCE00  }
0x1f0: {  	[spmem:s2] =	stream.indirect.scatter.add.f32 [tilespmem:s18], [sflag:$0x4], $0x80, s12, s15, $0xb8;
	[tilespmem:$0x1B880] =	vst v63  }
0x1f1: {  	_ =	swait.ge [sflag:s20], $0x3200  }
0x1f2: {  	[sflag:s20] =	ssyncset.done $0x0  }
0x1f3: {  	s10 =	rddreg [dreg:$0x1b];
	[sflag:s20] =	ssyncadd.s32 $0xFFFFCE00  }
0x1f4: {  	[tilespmem:s16], [sflag:$0x1] =	stream.indirect.gather [hbm4b:s4+s15], $0x80, s10, s15, $0xb8;
	[tilespmem:$0x1B880] =	vst v63  }
0x1f5: {  	_ =	swait.ge [sflag:s17], $0x3200  }
0x1f6: {  	[sflag:s17] =	ssyncset.done $0x0  }
0x1f7: {  	[sflag:s17] =	ssyncadd.s32 $0xFFFFCE00  }
0x1f8: {  	[spmem:s2] =	stream.indirect.scatter.add.f32 [tilespmem:s16], [sflag:$0x3], $0x80, s22, s15, $0xb8;
	[tilespmem:$0x1B880] =	vst v63  }
0x1f9: {  	_ =	swait.ge [sflag:s21], $0x3200  }
0x1fa: {  	[sflag:s21] =	ssyncset.done $0x0  }
0x1fb: {  	[sflag:s21] =	ssyncadd.s32 $0xFFFFCE00  }
0x1fc: {  	[tilespmem:s18], [sflag:$0x2] =	stream.indirect.gather [hbm4b:s4+s15], $0x80, s23, s15, $0xb8;
	[tilespmem:$0x1B880] =	vst v63  }
0x1fd: {  	_ =	swait.ge [sflag:s19], $0x3200  }
0x1fe: {  	[sflag:s19] =	ssyncset.done $0x0  }
0x1ff: {  	[sflag:s19] =	ssyncadd.s32 $0xFFFFCE00  }
0x200: {  	[spmem:s2] =	stream.indirect.scatter.add.f32 [tilespmem:s18], [sflag:$0x4], $0x80, s24, s15, $0xb8;
	[tilespmem:$0x1B880] =	vst v63  }
0x201: {  	_ =	swait.ge [sflag:s20], $0x3200  }
0x202: {  	[sflag:s20] =	ssyncset.done $0x0  }
0x203: {  	[sflag:s20] =	ssyncadd.s32 $0xFFFFCE00  }
0x204: {  	[tilespmem:s16], [sflag:$0x1] =	stream.indirect.gather [hbm4b:s4+s15], $0x80, s25, s15, $0xb8;
	[tilespmem:$0x1B880] =	vst v63  }
0x205: {  	_ =	swait.ge [sflag:s17], $0x3200  }
0x206: {  	[sflag:s17] =	ssyncset.done $0x0  }
0x207: {  	[sflag:s17] =	ssyncadd.s32 $0xFFFFCE00  }
0x208: {  	[spmem:s2] =	stream.indirect.scatter.add.f32 [tilespmem:s16], [sflag:$0x3], $0x80, s26, s15, $0xb8;
	[tilespmem:$0x1B880] =	vst v63  }
0x209: {  	_ =	swait.ge [sflag:s21], $0x3200  }
0x20a: {  	[sflag:s21] =	ssyncset.done $0x0  }
0x20b: {  	[sflag:s21] =	ssyncadd.s32 $0xFFFFCE00  }
0x20c: {  	[tilespmem:s18], [sflag:$0x2] =	stream.indirect.gather [hbm4b:s4+s15], $0x80, s28, s15, $0xb8;
	[tilespmem:$0x1B880] =	vst v63  }
0x20d: {  	_ =	swait.ge [sflag:s19], $0x3200  }
0x20e: {  	[sflag:s19] =	ssyncset.done $0x0  }
0x20f: {  	[sflag:s19] =	ssyncadd.s32 $0xFFFFCE00  }
0x210: {  	[spmem:s2] =	stream.indirect.scatter.add.f32 [tilespmem:s18], [sflag:$0x4], $0x80, s29, s15, $0xb8;
	[tilespmem:$0x1B880] =	vst v63  }
0x211: {  	_ =	swait.ge [sflag:s20], $0x3200  }
0x212: {  	[sflag:s20] =	ssyncset.done $0x0  }
0x213: {  	[sflag:s20] =	ssyncadd.s32 $0xFFFFCE00  }
0x214: {  	[tilespmem:s16], [sflag:$0x1] =	stream.indirect.gather [hbm4b:s4+s15], $0x80, s30, s15, $0xb8;
	[tilespmem:$0x1B880] =	vst v63  }
0x215: {  	_ =	swait.ge [sflag:s17], $0x3200  }
0x216: {  	[sflag:s17] =	ssyncset.done $0x0  }
0x217: {  	[sflag:s17] =	ssyncadd.s32 $0xFFFFCE00  }
0x218: {  	[spmem:s2] =	stream.indirect.scatter.add.f32 [tilespmem:s16], [sflag:$0x3], $0x80, s31, s15, $0xb8;
	[tilespmem:$0x1B880] =	vst v63  }
0x219: {  	_ =	swait.ge [sflag:s21], $0x3200  }
0x21a: {  	[sflag:s21] =	ssyncset.done $0x0  }
0x21b: {  	[sflag:s21] =	ssyncadd.s32 $0xFFFFCE00  }
0x21c: {  	[tilespmem:s18], [sflag:$0x2] =	stream.indirect.gather [hbm4b:s4+s15], $0x80, s0, s15, $0xb8;
	[tilespmem:$0x1B880] =	vst v63  }
0x21d: {  	_ =	swait.ge [sflag:s19], $0x3200  }
0x21e: {  	[sflag:s19] =	ssyncset.done $0x0  }
0x21f: {  	[sflag:s19] =	ssyncadd.s32 $0xFFFFCE00  }
0x220: {  	[spmem:s2] =	stream.indirect.scatter.add.f32 [tilespmem:s18], [sflag:$0x4], $0x80, s1, s15, $0xb8;
	[tilespmem:$0x1B880] =	vst v63  }
0x221: {  	_ =	swait.ge [sflag:s20], $0x3200  }
0x222: {  	[sflag:s20] =	ssyncset.done $0x0  }
0x223: {  	[sflag:s20] =	ssyncadd.s32 $0xFFFFCE00  }
0x224: {  	[tilespmem:s16], [sflag:$0x1] =	stream.indirect.gather [hbm4b:s4+s15], $0x80, s5, s15, $0xb8;
	[tilespmem:$0x1B880] =	vst v63  }
0x225: {  	_ =	swait.ge [sflag:s17], $0x3200  }
0x226: {  	[sflag:s17] =	ssyncset.done $0x0  }
0x227: {  	[sflag:s17] =	ssyncadd.s32 $0xFFFFCE00  }
0x228: {  	[spmem:s2] =	stream.indirect.scatter.add.f32 [tilespmem:s16], [sflag:$0x3], $0x80, s6, s15, $0xb8;
	[tilespmem:$0x1B880] =	vst v63  }
0x229: {  	_ =	swait.ge [sflag:s21], $0x3200  }
0x22a: {  	[sflag:s21] =	ssyncset.done $0x0  }
0x22b: {  	[sflag:s21] =	ssyncadd.s32 $0xFFFFCE00  }
0x22c: {  	[tilespmem:s18], [sflag:$0x2] =	stream.indirect.gather [hbm4b:s4+s15], $0x80, s7, s15, $0xb8;
	[tilespmem:$0x1B880] =	vst v63  }
0x22d: {  	_ =	swait.ge [sflag:s19], $0x3200  }
0x22e: {  	[sflag:s19] =	ssyncset.done $0x0  }
0x22f: {  	[sflag:s19] =	ssyncadd.s32 $0xFFFFCE00  }
0x230: {  	[spmem:s2] =	stream.indirect.scatter.add.f32 [tilespmem:s18], [sflag:$0x4], $0x80, s8, s15, $0xb8;
	[tilespmem:$0x1B880] =	vst v63  }
0x231: {  	_ =	swait.ge [sflag:s21], $0x3200  }
0x232: {  	[sflag:s21] =	ssyncset.done $0x0  }
0x233: {  	[sflag:s21] =	ssyncadd.s32 $0xFFFFCE00  }
0x234: {  	_ =	swait.ge [sflag:s20], $0x3200  }
0x235: {  	[sflag:s20] =	ssyncset.done $0x0  }
0x236: {  	[sflag:s20] =	ssyncadd.s32 $0xFFFFCE00  }
0x237: {  	[bflag:$0x0] =	sbarrier.arrive $0xFFFF  }
0x238: {  	s11 =	sld [smem:$0x7FA];
	_ =	sdelay $0x1  }
0x239: {  	s9 =	simm.s32 @p0 $0x1FC5;
	s10 =	rddreg [dreg:$0x1f]  }
0x23a: {  	[hbm:s10], [sflag:s9] =	dma.local @p0 [spmem:s11], $0x1900  }
0x23b: {  	s9 =	simm.s32 @p0 $0x5  }
0x23c: {  	_ =	swait.ge @p0 [sflag:s9], $0x1900  }
0x23d: {  	s11 =	sld [smem:$0x7FC]  }
0x23e: {  	s12 =	sld [smem:$0x7FD]  }
0x23f: {  	[sflag:s9] =	ssyncset.done @p0 $0x0  }
0x240: {  	s10 =	simm.s32 @!p0 $0x5;
	[sflag:s9] =	ssyncadd.s32 @p0 $0xFFFFE700;
	s9 =	rddreg [dreg:$0x1e]  }
0x241: {  	[hbm:s9], [sflag:s11] =	dma.local @!p0 [spmem:s12], $0x2800  }
0x242: {  	_ =	swait.ge @!p0 [sflag:s10], $0x2800  }
0x243: {  	s11 =	sld [smem:$0x7FB];
	_ =	sdelay $0x2  }
0x244: {  	s9 =	sadd.s32 $0x1, s11;
	s11 =	sld [smem:$0x7F9];
	_ =	sdelay $0x2  }
0x245: {  	p1 =	sne.s32 s9, s11  }
.Ltmp1:
0x246: {  	_ = 	snop;
	(pc) =	sbr.rel @p1 .LBB2_1-.Ltmp1, $3  }
0x247: {  	_ =	sdelay $0x1  }
0x248: {  	[sflag:s10] =	ssyncset.done @!p0 $0x0;
	[smem:$0x7FB] =	sst s9;
	s9 =	simm.s32 @!p0 $0x5  }
0x249: {  	[sflag:s9] =	ssyncadd.s32 @!p0 $0xFFFFD800  }
0x24a: {  	_ =	sfence.sel $0x180000  }
0x24b: {  	[bflag:$0x0] =	sbarrier.arrive $0xFFFF  }
0x24c: {  	_ =	strace $0x9000004D  }
0x24d: {  	s0 =	stileid.u32;
	[bflag:$0x2] =	sbarrier.arrive $0xFFFF  }
0x24e: {  	p0 =	sne.s32 s0, $0x0;
	s0 =	rddreg [dreg:$0x2]  }
0x24f: {  	s0 =	sadd.s32 @!p0 $0x100000, s0  }
0x250: {  	[sflag:s0] =	ssyncadd.tile.s32 @!p0 $0x1;
	_ =	shalt  }
.Lfunc_end2:
_tile_overlayer_lowered:
.L_overlay_start_2:
0x251: {  	(tag) =	ssettag $0x2  }
0x252: {  	s0 =	rddreg [dreg:$0x0];
	s2 =	stileid.u32  }
0x253: {  	s1 =	rddreg [dreg:$0x1];
	p0 =	sne.s32 s2, $0x0  }
0x254: {  	s3 =	rddreg [dreg:$0x2];
	[bflag:$0x3] =	sbarrier.arrive $0xFFFF;
	s2 =	simm.s32 @!p0 $0x1C05  }
0x255: {  	[timem:s3], [sflag:s2] =	dma.local @!p0 [hbm:s0], s1  }
0x256: {  	s0 =	simm.s32 @!p0 $0x5  }
0x257: {  	_ =	swait.ge @!p0 [sflag:s0], s1  }
0x258: {  	s1 =	ssub.s32 @!p0 $0x0, s1;
	[sflag:s0] =	ssyncset.done @!p0 $0x0  }
0x259: {  	[sflag:s0] =	ssyncadd.s32 @!p0 s1  }
0x25a: {  	[bflag:$0x3] =	sbarrier.arrive $0xFFFF  }
0x25b: {  	_ =	shalt  }

// kernel: kernel.7.cloned.1.call-start
scs
__scs_entry_jumppad:
0x0: {  	(pc) =	sbr.rel $0x88, $3  }
0x1: {  	(tag) =	ssettag $0x0;
	lr =	simm.s32 $0x1  }
0x2: {  	[smem:$0x3F96] =	sst lr;
	_ =	strace $0xD0000000  }
0x3: {  	_ = 	snop  }
0x4: {  	_ = 	snop  }
0x5: {  	_ = 	snop  }
0x6: {  	_ = 	snop  }
0x7: {  	_ = 	snop  }
__scs_overlays_trampoline_lowered:
0x8: {  	[smem:$0x3FA5] =	sst s0  }
0x9: {  	[smem:$0x3FA6] =	sst s1  }
0xa: {  	[smem:$0x3FA7] =	sst s2  }
0xb: {  	[smem:$0x3FA8] =	sst s3  }
0xc: {  	[smem:$0x3FA9] =	sst s4  }
0xd: {  	[smem:$0x3FAA] =	sst s5  }
0xe: {  	[smem:$0x3FAB] =	sst s6  }
0xf: {  	[smem:$0x3FAC] =	sst s7  }
0x10: {  	[smem:$0x3FAD] =	sst s8  }
0x11: {  	[smem:$0x3FAE] =	sst s9;
	s0 =	simm.s32 @!p0 $0x0  }
0x12: {  	s1 =	sld [smem:$0x3F94];
	s0 =	simm.s32 @p0 $0x1  }
0x13: {  	[smem:$0x3FAF] =	sst s0;
	s0 =	simm.s32 @!p1 $0x0  }
0x14: {  	s2 =	sld [smem:$0x3F93];
	s0 =	simm.s32 @p1 $0x1  }
0x15: {  	[smem:$0x3FB0] =	sst s0;
	s0 =	simm.s32 @!p2 $0x0  }
0x16: {  	s3 =	sld [smem:$0x3FDB];
	s0 =	simm.s32 @p2 $0x1  }
0x17: {  	s4 =	simm.s32 $0x1BF5;
	[smem:$0x3FB2] =	sst s0  }
0x18: {  	s0 =	sld [smem:$0x3F95];
	_ =	swait.ge [sflag:s4], $0x0  }
0x19: {  	s7 =	sld [smem:$0x3F96]  }
0x1a: {  	s8 =	sadd.s32 $0xFFFFE003, lr  }
0x1b: {  	s9 =	sadd.s32 $0xFFFFFEF7, lr;
	s5 =	simm.s32 $0xFFFFFFFF;
	p2 =	slt.u32 s8, $0xFFFFF086  }
0x1c: {  	p1 =	slt.u32 s9, $0xF7A;
	s5 =	simm.s32 @!p2 $0x0  }
0x1d: {  	s5 =	simm.s32 @p1 $0x1;
	p0 =	seq.s32 s7, s2  }
0x1e: {  	s7 =	smul.u32 @!p0 $0xF7A, s2;
	p2 =	seq.s32 @!p0 s5, $0x0  }
0x1f: {  	s9 =	smul.u32 $0xF7A, s1;
	s8 =	simm.s32 @!p0 $0x1BF5;
	p2 =	por !p2, p0  }
0x20: {  	[sflag:s8] =	ssyncset.s32 @!p0 $0xFFFFF086;
	s6 =	sadd.s32 @!p0 s3, s7;
	s7 =	simm.s32 @!p0 $0x108  }
0x21: {  	s3 =	sadd.s32 s3, s9;
	s6 =	sadd.s32 @!p0 $0x88, s6;
	s7 =	simm.s32 @p2 $0x1082  }
0x22: {  	[simem:s7], [sflag:s8] =	dma.local @!p0 [hbm:s6], $0xF7A  }
0x23: {  	s9 =	sor.u32 $0xD0000000, s2;
	s6 =	simm.s32 $0x108;
	_ =	swait.ge @!p0 [sflag:s8], $0x0  }
0x24: {  	s3 =	sadd.s32 $0x88, s3;
	s6 =	simm.s32 @!p1 $0x1082;
	[sflag:s4] =	ssyncset.s32 $0xFFFFF086  }
0x25: {  	[simem:s6], [sflag:s4] =	dma.local [hbm:s3], $0xF7A  }
0x26: {  	[smem:$0x3F96] =	sst s1;
	(tag) =	ssettag s2;
	_ =	strace s9  }
0x27: {  	s1 =	sld [smem:$0x3FA6]  }
0x28: {  	s2 =	sld [smem:$0x3FA7]  }
0x29: {  	s4 =	sld [smem:$0x3FA9]  }
0x2a: {  	p0 =	seq.s32 s5, $0x0;
	s5 =	sld [smem:$0x3FAA]  }
0x2b: {  	s6 =	sld [smem:$0x3FAB]  }
0x2c: {  	s7 =	sld [smem:$0x3FAC]  }
0x2d: {  	s3 =	simm.s32 $0x108;
	s8 =	sld [smem:$0x3FAD]  }
0x2e: {  	s3 =	simm.s32 @!p0 $0x1082;
	s9 =	sld [smem:$0x3FAE]  }
0x2f: {  	lr =	sadd.s32 s0, s3;
	s0 =	sld [smem:$0x3FA5]  }
0x30: {  	s3 =	sld [smem:$0x3FA8]  }
0x31: {  	[smem:$0x3FB1] =	sst s10  }
0x32: {  	s10 =	sld [smem:$0x3FAF];
	_ =	sdelay $0x3  }
0x33: {  	p0 =	seq.s32 s10, $0x1;
	s10 =	sld [smem:$0x3FB1];
	_ =	sdelay $0x3  }
0x34: {  	[smem:$0x3FB1] =	sst s10  }
0x35: {  	s10 =	sld [smem:$0x3FB0];
	_ =	sdelay $0x3  }
0x36: {  	p1 =	seq.s32 s10, $0x1;
	s10 =	sld [smem:$0x3FB1];
	_ =	sdelay $0x3  }
0x37: {  	[smem:$0x3FB1] =	sst s10  }
0x38: {  	s10 =	sld [smem:$0x3FB2]  }
0x39: {  	_ = 	snop;
	(pc) =	sbr.ind lr, $3  }
0x3a: {  	_ = 	snop  }
0x3b: {  	_ = 	snop  }
0x3c: {  	p2 =	seq.s32 s10, $0x1;
	s10 =	sld [smem:$0x3FB1]  }
0x3d: {  	_ =	shalt  }
0x3e: {  	_ =	shalt  }
0x3f: {  	_ =	shalt  }
0x40: {  	_ =	shalt  }
0x41: {  	_ =	shalt  }
0x42: {  	_ =	shalt  }
0x43: {  	_ =	shalt  }
0x44: {  	_ =	shalt  }
0x45: {  	_ =	shalt  }
0x46: {  	_ =	shalt  }
0x47: {  	_ =	shalt  }
0x48: {  	_ =	shalt  }
0x49: {  	_ =	shalt  }
0x4a: {  	_ =	shalt  }
0x4b: {  	_ =	shalt  }
0x4c: {  	_ =	shalt  }
0x4d: {  	_ =	shalt  }
0x4e: {  	_ =	shalt  }
0x4f: {  	_ =	shalt  }
0x50: {  	_ =	shalt  }
0x51: {  	_ =	shalt  }
0x52: {  	_ =	shalt  }
0x53: {  	_ =	shalt  }
0x54: {  	_ =	shalt  }
0x55: {  	_ =	shalt  }
0x56: {  	_ =	shalt  }
0x57: {  	_ =	shalt  }
0x58: {  	_ =	shalt  }
0x59: {  	_ =	shalt  }
0x5a: {  	_ =	shalt  }
0x5b: {  	_ =	shalt  }
0x5c: {  	_ =	shalt  }
0x5d: {  	_ =	shalt  }
0x5e: {  	_ =	shalt  }
0x5f: {  	_ =	shalt  }
0x60: {  	_ =	shalt  }
0x61: {  	_ =	shalt  }
0x62: {  	_ =	shalt  }
0x63: {  	_ =	shalt  }
0x64: {  	_ =	shalt  }
0x65: {  	_ =	shalt  }
0x66: {  	_ =	shalt  }
0x67: {  	_ =	shalt  }
0x68: {  	_ =	shalt  }
0x69: {  	_ =	shalt  }
0x6a: {  	_ =	shalt  }
0x6b: {  	_ =	shalt  }
0x6c: {  	_ =	shalt  }
0x6d: {  	_ =	shalt  }
0x6e: {  	_ =	shalt  }
0x6f: {  	_ =	shalt  }
0x70: {  	_ =	shalt  }
0x71: {  	_ =	shalt  }
0x72: {  	_ =	shalt  }
0x73: {  	_ =	shalt  }
0x74: {  	_ =	shalt  }
0x75: {  	_ =	shalt  }
0x76: {  	_ =	shalt  }
0x77: {  	_ =	shalt  }
0x78: {  	_ =	shalt  }
0x79: {  	_ =	shalt  }
0x7a: {  	_ =	shalt  }
0x7b: {  	_ =	shalt  }
0x7c: {  	_ =	shalt  }
0x7d: {  	_ =	shalt  }
0x7e: {  	_ =	shalt  }
0x7f: {  	_ =	shalt  }
0x80: {  	_ =	shalt  }
0x81: {  	_ =	shalt  }
0x82: {  	_ =	shalt  }
0x83: {  	_ =	shalt  }
0x84: {  	_ =	shalt  }
0x85: {  	_ =	shalt  }
0x86: {  	_ =	shalt  }
0x87: {  	_ =	shalt  }
.Lfunc_end0:
.L_simem_size_0:
called_computation_lowered:
.L_overlay_start_0:
0x88: {  	s2 =	sld [smem:$0x3FD9]  }
0x89: {  	s3 =	sld [smem:$0x3FFE];
	_ =	sdelay $0x1  }
0x8a: {  	s1 =	srdreg.scid  }
0x8b: {  	s0 =	sand.u32 $0x1, s1  }
0x8c: {  	s17 =	sshll.u32 s0, $0xA;
	s2 =	sadd.s32 s3, s2  }
0x8d: {  	s2 =	sadd.s32 s2, s17  }
0x8e: {  	[smem:$0x3FBD] =	sst s2  }
0x8f: {  	_ = 	snop  }
0x90: {  	s2 =	sld [smem:$0x3FC9];
	(tm) =	ssettm $0x1  }
0x91: {  	s18 =	sld [smem:$0x3FFB];
	_ =	sdelay $0x3  }
0x92: {  	_ =	strace s18  }
0x93: {  	s3 =	sld [smem:$0x3FFC];
	_ =	sdelay $0x3  }
0x94: {  	_ =	strace s3  }
0x95: {  	s3 =	sld [smem:$0x3FFD];
	_ =	sdelay $0x3  }
0x96: {  	_ =	strace s3  }
0x97: {  	_ =	strace $0x8FFFFFFF  }
0x98: {  	s19 =	sld [smem:$0x3FDB];
	_ =	sdelay $0x1  }
0x99: {  	s4 =	simm.s32 $_scs_section_size  }
0x9a: {  	s5 =	simm.s32 $_size__tile_overlayer_lowered;
	s6 =	simm.s32 $_tile_overlayer_lowered  }
0x9b: {  	s22 =	simm.s32 $0x1BFF;
	s21 =	sshll.u32 s6, $0x1;
	s3 =	sadd.s32 s4, s19  }
0x9c: {  	s7 =	simm.s32 $0x0;
	s20 =	sshll.u32 s5, $0x1;
	s5 =	sadd.s32 s21, s3  }
0x9d: {  	[timem:s7], [sflag:s22] =	dma.local [hbm:s5], s20  }
0x9e: {  	_ =	swait.ge [sflag:s22], s20  }
0x9f: {  	s4 =	ssub.s32 $0x0, s20;
	[sflag:s22] =	ssyncset.done $0x0  }
0xa0: {  	[sflag:s22] =	ssyncadd.s32 s4;
	_ =	sdelay $0x1  }
0xa1: {  	s23 =	simm.s32 $0x1B8B  }
0xa2: {  	_ =	swait.ge [sflag:s23], $0x1  }
0xa3: {  	[sflag:s23] =	ssyncset.done $0x0  }
0xa4: {  	s25 =	simm.s32 $0x1B8E;
	s24 =	sld [smem:$0x3FFE];
	[sflag:s23] =	ssyncadd.s32 $0xFFFFFFFF  }
0xa5: {  	s26 =	simm.s32 $execute0_lowered;
	[smem:$0x3FD2] =	sst s25  }
0xa6: {  	s5 =	sshll.u32 s26, $0x1;
	_ =	strace $0x80000046;
	[dreg:$0x1] =	wrdreg $0xFFFFFFFF  }
0xa7: {  	s28 =	simm.s32 $_size_execute0_lowered;
	s3 =	sadd.s32 s3, s5;
	[dreg:$0x0] =	wrdreg $0x0  }
0xa8: {  	s5 =	sshll.u32 s28, $0x1;
	[dreg:$0x2] =	wrdreg s3  }
0xa9: {  	[dreg:$0x3] =	wrdreg s5  }
0xaa: {  	[dreg:$0x4] =	wrdreg $0xC0  }
0xab: {  	_ =	task [dreg:s7], $0x5FFFF  }
0xac: {  	[dreg:$0x1] =	wrdreg $0xFFFFFFFF  }
0xad: {  	[dreg:$0x0] =	wrdreg $0x60  }
0xae: {  	[dreg:$0x2] =	wrdreg s2  }
0xaf: {  	[dreg:$0x3] =	wrdreg s24  }
0xb0: {  	[dreg:$0x4] =	wrdreg $0x80000  }
0xb1: {  	[dreg:$0x5] =	wrdreg $0xA  }
0xb2: {  	_ =	task.clear_ibuf [dreg:s7], $0x6FFFF;
	_ =	strace $0x90000046  }
0xb3: {  	s29 =	simm.s32 $0xA;
	_ =	strace $0x80000048  }
0xb4: {  	_ =	swait.ge [sflag:s29], $0x1  }
0xb5: {  	[sflag:s29] =	ssyncadd.s32 $0xFFFFFFFF  }
0xb6: {  	_ =	strace $0x90000048  }
0xb7: {  	_ =	sfence  }
0xb8: {  	s30 =	sld [smem:$0x0];
	_ =	sdelay $0x2  }
0xb9: {  	s31 =	sshll.u32 s1, $0xD;
	s1 =	sshrl.u32 s1, $0x2  }
0xba: {  	s3 =	sand.u32 $0x4000, s31;
	s1 =	sadd.s32 s1, s30  }
0xbb: {  	s0 =	sor.u32 s3, s0;
	s1 =	sshll.u32 s1, $0x11  }
0xbc: {  	s0 =	sor.u32 s1, s0  }
0xbd: {  	s0 =	sadd.s32 $0x8F2B, s0  }
0xbe: {  	[sflag:s0] =	ssyncadd.remote.s32 $0x1  }
0xbf: {  	_ =	sfence.sel $0xFFFF  }
0xc0: {  	[dreg:$0x0] =	wrdreg $0xFFFFFFFF;
	(pc) =	sbr.abs _section_cstart, $3  }
0xc1: {  	[dreg:$0x1] =	wrdreg $0xFFFFFFFF  }
0xc2: {  	_ =	task.clear_ibuf [dreg:s7], $0x2FFFF;
	_ =	strace $0x9FFFFFFF  }
0xc3: {  	(tm) =	ssettm $0x7FFFFFFF  }
tec
execute0_lowered:
.L_overlay_start_1:
0x0: {  	(tag) =	ssettag $0x1  }
0x1: {  	s1 =	rddreg [dreg:$0x0]  }
0x2: {  	s0 =	rddreg [dreg:$0x1]  }
0x3: {  	s11 =	stileid.u32;
	s2 =	srdreg.scid  }
0x4: {  	s3 =	rddreg [dreg:$0x2];
	s4 =	simm.s32 $0x0;
	s24 =	simm.s32 $0x80  }
0x5: {  	s26 =	simm.s32 $0xC80;
	s12 =	simm.s32 $0xD00;
	s13 =	simm.s32 $0x180  }
0x6: {  	s14 =	simm.s32 $0xD80;
	s15 =	simm.s32 $0x200;
	[smem:$0x7FF] =	sst s4  }
0x7: {  	s16 =	simm.s32 $0xE00;
	_ =	strace $0x80000047;
	[dreg:$0x6] =	wrdreg s24  }
0x8: {  	s17 =	simm.s32 $0x280;
	s19 =	simm.s32 $0xE80;
	[dreg:$0x7] =	wrdreg s26  }
0x9: {  	s20 =	simm.s32 $0x300;
	s21 =	simm.s32 $0xF00;
	[dreg:$0x9] =	wrdreg s12  }
0xa: {  	s28 =	simm.s32 $0x780;
	s29 =	simm.s32 $0x1380;
	[dreg:$0xa] =	wrdreg s13  }
0xb: {  	s30 =	simm.s32 $0x800;
	s5 =	smul.u32 $0x7800, s11;
	[dreg:$0xb] =	wrdreg s14  }
0xc: {  	s31 =	simm.s32 $0x1400;
	s7 =	smul.u32 $0x2800, s11;
	[dreg:$0xc] =	wrdreg s15  }
0xd: {  	s2 =	sand.u32 $0x1, s2;
	s8 =	smul.u32 $0x50000, s11;
	[dreg:$0xd] =	wrdreg s16  }
0xe: {  	s10 =	sadd.s32 $0x47C00, s0;
	s25 =	smul.u32 $0x14000, s11;
	[dreg:$0xe] =	wrdreg s17  }
0xf: {  	p0 =	seq.s32 s11, $0xF;
	s6 =	smul.u32 $0x3C00, s2;
	[dreg:$0xf] =	wrdreg s19  }
0x10: {  	s22 =	ssub.s32 $0x2, s2;
	s2 =	smul.u32 $0x138800, s2;
	[dreg:$0x10] =	wrdreg s20  }
0x11: {  	[dreg:$0x11] =	wrdreg s21;
	s24 =	simm.s32 $0x400;
	s13 =	simm.s32 $0x5  }
0x12: {  	s14 =	simm.s32 $0xC00;
	s26 =	simm.s32 $0x480;
	s15 =	simm.s32 $0x64  }
0x13: {  	s16 =	simm.s32 $0x1800;
	s17 =	simm.s32 $0x1;
	s19 =	simm.s32 $0x2  }
0x14: {  	s20 =	simm.s32 $0x3;
	s21 =	simm.s32 $0x4;
	s7 =	sadd.s32 s7, s0  }
0x15: {  	s9 =	sshrl.u32 s22, $0x1;
	s8 =	sshrl.u32 s8, $0x2;
	[dreg:$0x14] =	wrdreg s24  }
0x16: {  	[dreg:$0x16] =	wrdreg s26;
	s5 =	sadd.s32 s6, s5;
	s7 =	sadd.s32 $0x20A00, s7  }
0x17: {  	s6 =	ssub.s32 s22, s9;
	s22 =	simm.s32 $0x380;
	[dreg:$0x1d] =	wrdreg s7  }
0x18: {  	s24 =	simm.s32 $0x1280;
	s18 =	smax.u32 s6, $0x1;
	[dreg:$0x12] =	wrdreg s22  }
0x19: {  	s7 =	sadd.s32 s25, s2;
	s25 =	simm.s32 $0x1000;
	[smem:$0x7F9] =	sst s18  }
0x1a: {  	s8 =	sadd.s32 s8, s3;
	s6 =	simm.s32 $0x1100;
	[dreg:$0x15] =	wrdreg s25  }
0x1b: {  	s12 =	sshrl.u32 @!p0 s8, $0x3;
	s8 =	simm.s32 $0x1180;
	[dreg:$0x19] =	wrdreg s6  }
0x1c: {  	s26 =	simm.s32 $0x1300;
	s5 =	sshrl.u32 s5, $0x3;
	[dreg:$0x1b] =	wrdreg s8  }
0x1d: {  	s5 =	sadd.s32 s5, s0;
	s0 =	sadd.s32 $0x46200, s0;
	[smem:$0x7FD] =	sst s12  }
0x1e: {  	s2 =	sshrl.u32 s2, $0x3;
	s23 =	sadd.s32 $0x11A00, s5;
	[dreg:$0x1e] =	wrdreg s0  }
0x1f: {  	s2 =	sadd.s32 s10, s2;
	s5 =	sadd.s32 $0x2A00, s5;
	[dreg:$0x4] =	wrdreg s23  }
0x20: {  	s9 =	sadd.s32 $0x12C000, s3;
	s2 =	sadd.s32 $0x25800, s2;
	[dreg:$0x5] =	wrdreg s5  }
0x21: {  	s22 =	simm.s32 $0x1200;
	s5 =	simm.s32 $0x100;
	[smem:$0x7F8] =	sst s2  }
0x22: {  	s18 =	simm.s32 $0x4C00;
	s2 =	sshrl.u32 @p0 s9, $0x3;
	[dreg:$0x8] =	wrdreg s5  }
0x23: {  	s25 =	simm.s32 $0x700;
	s23 =	simm.s32 $0xF80;
	[smem:$0x7FA] =	sst s2  }
0x24: {  	s6 =	simm.s32 $0x1500;
	s9 =	simm.s32 $0x600;
	[dreg:$0x13] =	wrdreg s23  }
0x25: {  	s5 =	sshrl.u32 s7, $0x3;
	s7 =	simm.s32 $0x580;
	[dreg:$0x1c] =	wrdreg s9  }
0x26: {  	s2 =	sshll.u32 @!p0 s11, $0x6;
	s5 =	sadd.s32 s10, s5;
	[dreg:$0x1a] =	wrdreg s7  }
0x27: {  	s11 =	sor.u32 @!p0 $0x1C05, s2;
	s2 =	simm.s32 $0x1080;
	[dreg:$0x1f] =	wrdreg s5  }
0x28: {  	s8 =	simm.s32 $0x1580;
	s10 =	simm.s32 $0x0;
	[dreg:$0x17] =	wrdreg s2  }
0x29: {  	s0 =	simm.s32 $0x1480;
	s23 =	simm.s32 $0x680;
	[smem:$0x7FB] =	sst s10  }
0x2a: {  	s7 =	simm.s32 $0x980;
	s5 =	simm.s32 $0x500;
	[smem:$0x7FC] =	sst s11  }
0x2b: {  	s2 =	simm.s32 $0x880;
	[dreg:$0x18] =	wrdreg s5;
	s5 =	simm.s32 $0x900  }
.LBB2_1:
0x2c: {  	s11 =	sld [smem:$0x7FA];
	_ =	sdelay $0x1  }
0x2d: {  	s10 =	simm.s32 @p0 $0x1FC5;
	s9 =	rddreg [dreg:$0x1e]  }
0x2e: {  	[spmem:s11], [sflag:s10] =	dma.local @p0 [hbm:s9], $0x1900  }
0x2f: {  	s10 =	simm.s32 @p0 $0x5  }
0x30: {  	_ =	swait.ge @p0 [sflag:s10], $0x1900  }
0x31: {  	[sflag:s10] =	ssyncset.done @p0 $0x0  }
0x32: {  	[sflag:s10] =	ssyncadd.s32 @p0 $0xFFFFE700;
	s10 =	sld [smem:$0x7FC];
	_ =	sdelay $0x1  }
0x33: {  	s9 =	rddreg [dreg:$0x1d]  }
0x34: {  	[spmem:s12], [sflag:s10] =	dma.local @!p0 [hbm:s9], $0x2800  }
0x35: {  	s10 =	simm.s32 @!p0 $0x5  }
0x36: {  	_ =	swait.ge @!p0 [sflag:s10], $0x2800  }
0x37: {  	[sflag:s10] =	ssyncset.done @!p0 $0x0  }
0x38: {  	[sflag:s10] =	ssyncadd.s32 @!p0 $0xFFFFD800  }
0x39: {  	[bflag:$0x0] =	sbarrier.arrive $0xFFFF  }
0x3a: {  	s12 =	rddreg [dreg:$0x5]  }
0x3b: {  	s10 =	sadd.s32 $0x0, s12  }
0x3c: {  	[tilespmem:s4], [sflag:$0x5] =	stream.linear.gather [hbm4b:s10+s4], $0xA00, $0x38;
	[tilespmem:$0x1B880] =	vst v63  }
0x3d: {  	_ =	swait.ge [sflag:s13], $0xA00  }
0x3e: {  	s9 =	rddreg [dreg:$0x4];
	[sflag:s13] =	ssyncset.done $0x0  }
0x3f: {  	[sflag:s13] =	ssyncadd.s32 $0xFFFFF600;
	s10 =	sadd.s32 $0x0, s9  }
0x40: {  	[tilespmem:s14], [sflag:$0x5] =	stream.linear.gather [hbm4b:s10+s4], $0xA00, $0x38;
	[tilespmem:$0x1B880] =	vst v63  }
0x41: {  	_ =	swait.ge [sflag:s13], $0xA00  }
0x42: {  	[sflag:s13] =	ssyncset.done $0x0  }
0x43: {  	[sflag:s13] =	ssyncadd.s32 $0xFFFFF600  }
0x44: {  	[tilespmem:s16], [sflag:$0x1] =	stream.indirect.gather [hbm4b:s1+s15], $0x80, s4, s15, $0xb8;
	[tilespmem:$0x1B880] =	vst v63  }
0x45: {  	_ =	swait.ge [sflag:s17], $0x3200  }
0x46: {  	[sflag:s17] =	ssyncset.done $0x0  }
0x47: {  	[sflag:s17] =	ssyncadd.s32 $0xFFFFCE00  }
0x48: {  	[spmem:s3] =	stream.indirect.scatter.add.f32 [tilespmem:s16], [sflag:$0x3], $0x80, s14, s15, $0xb8;
	[tilespmem:$0x1B880] =	vst v63  }
0x49: {  	s11 =	rddreg [dreg:$0x6]  }
0x4a: {  	[tilespmem:s18], [sflag:$0x2] =	stream.indirect.gather [hbm4b:s1+s15], $0x80, s11, s15, $0xb8;
	[tilespmem:$0x1B880] =	vst v63  }
0x4b: {  	_ =	swait.ge [sflag:s19], $0x3200  }
0x4c: {  	[sflag:s19] =	ssyncset.done $0x0  }
0x4d: {  	s12 =	rddreg [dreg:$0x7];
	[sflag:s19] =	ssyncadd.s32 $0xFFFFCE00  }
0x4e: {  	[spmem:s3] =	stream.indirect.scatter.add.f32 [tilespmem:s18], [sflag:$0x4], $0x80, s12, s15, $0xb8;
	[tilespmem:$0x1B880] =	vst v63  }
0x4f: {  	_ =	swait.ge [sflag:s20], $0x3200  }
0x50: {  	[sflag:s20] =	ssyncset.done $0x0  }
0x51: {  	s9 =	rddreg [dreg:$0x8];
	[sflag:s20] =	ssyncadd.s32 $0xFFFFCE00  }
0x52: {  	[tilespmem:s16], [sflag:$0x1] =	stream.indirect.gather [hbm4b:s1+s15], $0x80, s9, s15, $0xb8;
	[tilespmem:$0x1B880] =	vst v63  }
0x53: {  	_ =	swait.ge [sflag:s17], $0x3200  }
0x54: {  	[sflag:s17] =	ssyncset.done $0x0  }
0x55: {  	s11 =	rddreg [dreg:$0x9];
	[sflag:s17] =	ssyncadd.s32 $0xFFFFCE00  }
0x56: {  	[spmem:s3] =	stream.indirect.scatter.add.f32 [tilespmem:s16], [sflag:$0x3], $0x80, s11, s15, $0xb8;
	[tilespmem:$0x1B880] =	vst v63  }
0x57: {  	_ =	swait.ge [sflag:s21], $0x3200  }
0x58: {  	[sflag:s21] =	ssyncset.done $0x0  }
0x59: {  	s12 =	rddreg [dreg:$0xa];
	[sflag:s21] =	ssyncadd.s32 $0xFFFFCE00  }
0x5a: {  	[tilespmem:s18], [sflag:$0x2] =	stream.indirect.gather [hbm4b:s1+s15], $0x80, s12, s15, $0xb8;
	[tilespmem:$0x1B880] =	vst v63  }
0x5b: {  	_ =	swait.ge [sflag:s19], $0x3200  }
0x5c: {  	[sflag:s19] =	ssyncset.done $0x0  }
0x5d: {  	s9 =	rddreg [dreg:$0xb];
	[sflag:s19] =	ssyncadd.s32 $0xFFFFCE00  }
0x5e: {  	[spmem:s3] =	stream.indirect.scatter.add.f32 [tilespmem:s18], [sflag:$0x4], $0x80, s9, s15, $0xb8;
	[tilespmem:$0x1B880] =	vst v63  }
0x5f: {  	_ =	swait.ge [sflag:s20], $0x3200  }
0x60: {  	[sflag:s20] =	ssyncset.done $0x0  }
0x61: {  	s11 =	rddreg [dreg:$0xc];
	[sflag:s20] =	ssyncadd.s32 $0xFFFFCE00  }
0x62: {  	[tilespmem:s16], [sflag:$0x1] =	stream.indirect.gather [hbm4b:s1+s15], $0x80, s11, s15, $0xb8;
	[tilespmem:$0x1B880] =	vst v63  }
0x63: {  	_ =	swait.ge [sflag:s17], $0x3200  }
0x64: {  	[sflag:s17] =	ssyncset.done $0x0  }
0x65: {  	s12 =	rddreg [dreg:$0xd];
	[sflag:s17] =	ssyncadd.s32 $0xFFFFCE00  }
0x66: {  	[spmem:s3] =	stream.indirect.scatter.add.f32 [tilespmem:s16], [sflag:$0x3], $0x80, s12, s15, $0xb8;
	[tilespmem:$0x1B880] =	vst v63  }
0x67: {  	_ =	swait.ge [sflag:s21], $0x3200  }
0x68: {  	[sflag:s21] =	ssyncset.done $0x0  }
0x69: {  	s9 =	rddreg [dreg:$0xe];
	[sflag:s21] =	ssyncadd.s32 $0xFFFFCE00  }
0x6a: {  	[tilespmem:s18], [sflag:$0x2] =	stream.indirect.gather [hbm4b:s1+s15], $0x80, s9, s15, $0xb8;
	[tilespmem:$0x1B880] =	vst v63  }
0x6b: {  	_ =	swait.ge [sflag:s19], $0x3200  }
0x6c: {  	[sflag:s19] =	ssyncset.done $0x0  }
0x6d: {  	s11 =	rddreg [dreg:$0xf];
	[sflag:s19] =	ssyncadd.s32 $0xFFFFCE00  }
0x6e: {  	[spmem:s3] =	stream.indirect.scatter.add.f32 [tilespmem:s18], [sflag:$0x4], $0x80, s11, s15, $0xb8;
	[tilespmem:$0x1B880] =	vst v63  }
0x6f: {  	_ =	swait.ge [sflag:s20], $0x3200  }
0x70: {  	[sflag:s20] =	ssyncset.done $0x0  }
0x71: {  	s12 =	rddreg [dreg:$0x10];
	[sflag:s20] =	ssyncadd.s32 $0xFFFFCE00  }
0x72: {  	[tilespmem:s16], [sflag:$0x1] =	stream.indirect.gather [hbm4b:s1+s15], $0x80, s12, s15, $0xb8;
	[tilespmem:$0x1B880] =	vst v63  }
0x73: {  	_ =	swait.ge [sflag:s17], $0x3200  }
0x74: {  	[sflag:s17] =	ssyncset.done $0x0  }
0x75: {  	s9 =	rddreg [dreg:$0x11];
	[sflag:s17] =	ssyncadd.s32 $0xFFFFCE00  }
0x76: {  	[spmem:s3] =	stream.indirect.scatter.add.f32 [tilespmem:s16], [sflag:$0x3], $0x80, s9, s15, $0xb8;
	[tilespmem:$0x1B880] =	vst v63  }
0x77: {  	_ =	swait.ge [sflag:s21], $0x3200  }
0x78: {  	[sflag:s21] =	ssyncset.done $0x0  }
0x79: {  	s11 =	rddreg [dreg:$0x12];
	[sflag:s21] =	ssyncadd.s32 $0xFFFFCE00  }
0x7a: {  	[tilespmem:s18], [sflag:$0x2] =	stream.indirect.gather [hbm4b:s1+s15], $0x80, s11, s15, $0xb8;
	[tilespmem:$0x1B880] =	vst v63  }
0x7b: {  	_ =	swait.ge [sflag:s19], $0x3200  }
0x7c: {  	[sflag:s19] =	ssyncset.done $0x0  }
0x7d: {  	s12 =	rddreg [dreg:$0x13];
	[sflag:s19] =	ssyncadd.s32 $0xFFFFCE00  }
0x7e: {  	[spmem:s3] =	stream.indirect.scatter.add.f32 [tilespmem:s18], [sflag:$0x4], $0x80, s12, s15, $0xb8;
	[tilespmem:$0x1B880] =	vst v63  }
0x7f: {  	_ =	swait.ge [sflag:s20], $0x3200  }
0x80: {  	[sflag:s20] =	ssyncset.done $0x0  }
0x81: {  	s9 =	rddreg [dreg:$0x14];
	[sflag:s20] =	ssyncadd.s32 $0xFFFFCE00  }
0x82: {  	[tilespmem:s16], [sflag:$0x1] =	stream.indirect.gather [hbm4b:s1+s15], $0x80, s9, s15, $0xb8;
	[tilespmem:$0x1B880] =	vst v63  }
0x83: {  	_ =	swait.ge [sflag:s17], $0x3200  }
0x84: {  	[sflag:s17] =	ssyncset.done $0x0  }
0x85: {  	s11 =	rddreg [dreg:$0x15];
	[sflag:s17] =	ssyncadd.s32 $0xFFFFCE00  }
0x86: {  	[spmem:s3] =	stream.indirect.scatter.add.f32 [tilespmem:s16], [sflag:$0x3], $0x80, s11, s15, $0xb8;
	[tilespmem:$0x1B880] =	vst v63  }
0x87: {  	_ =	swait.ge [sflag:s21], $0x3200  }
0x88: {  	[sflag:s21] =	ssyncset.done $0x0  }
0x89: {  	s12 =	rddreg [dreg:$0x16];
	[sflag:s21] =	ssyncadd.s32 $0xFFFFCE00  }
0x8a: {  	[tilespmem:s18], [sflag:$0x2] =	stream.indirect.gather [hbm4b:s1+s15], $0x80, s12, s15, $0xb8;
	[tilespmem:$0x1B880] =	vst v63  }
0x8b: {  	_ =	swait.ge [sflag:s19], $0x3200  }
0x8c: {  	[sflag:s19] =	ssyncset.done $0x0  }
0x8d: {  	s9 =	rddreg [dreg:$0x17];
	[sflag:s19] =	ssyncadd.s32 $0xFFFFCE00  }
0x8e: {  	[spmem:s3] =	stream.indirect.scatter.add.f32 [tilespmem:s18], [sflag:$0x4], $0x80, s9, s15, $0xb8;
	[tilespmem:$0x1B880] =	vst v63  }
0x8f: {  	_ =	swait.ge [sflag:s20], $0x3200  }
0x90: {  	[sflag:s20] =	ssyncset.done $0x0  }
0x91: {  	s11 =	rddreg [dreg:$0x18];
	[sflag:s20] =	ssyncadd.s32 $0xFFFFCE00  }
0x92: {  	[tilespmem:s16], [sflag:$0x1] =	stream.indirect.gather [hbm4b:s1+s15], $0x80, s11, s15, $0xb8;
	[tilespmem:$0x1B880] =	vst v63  }
0x93: {  	_ =	swait.ge [sflag:s17], $0x3200  }
0x94: {  	[sflag:s17] =	ssyncset.done $0x0  }
0x95: {  	s12 =	rddreg [dreg:$0x19];
	[sflag:s17] =	ssyncadd.s32 $0xFFFFCE00  }
0x96: {  	[spmem:s3] =	stream.indirect.scatter.add.f32 [tilespmem:s16], [sflag:$0x3], $0x80, s12, s15, $0xb8;
	[tilespmem:$0x1B880] =	vst v63  }
0x97: {  	_ =	swait.ge [sflag:s21], $0x3200  }
0x98: {  	[sflag:s21] =	ssyncset.done $0x0  }
0x99: {  	s9 =	rddreg [dreg:$0x1a];
	[sflag:s21] =	ssyncadd.s32 $0xFFFFCE00  }
0x9a: {  	[tilespmem:s18], [sflag:$0x2] =	stream.indirect.gather [hbm4b:s1+s15], $0x80, s9, s15, $0xb8;
	[tilespmem:$0x1B880] =	vst v63  }
0x9b: {  	_ =	swait.ge [sflag:s19], $0x3200  }
0x9c: {  	[sflag:s19] =	ssyncset.done $0x0  }
0x9d: {  	s11 =	rddreg [dreg:$0x1b];
	[sflag:s19] =	ssyncadd.s32 $0xFFFFCE00  }
0x9e: {  	[spmem:s3] =	stream.indirect.scatter.add.f32 [tilespmem:s18], [sflag:$0x4], $0x80, s11, s15, $0xb8;
	[tilespmem:$0x1B880] =	vst v63  }
0x9f: {  	_ =	swait.ge [sflag:s20], $0x3200  }
0xa0: {  	[sflag:s20] =	ssyncset.done $0x0  }
0xa1: {  	s12 =	rddreg [dreg:$0x1c];
	[sflag:s20] =	ssyncadd.s32 $0xFFFFCE00  }
0xa2: {  	[tilespmem:s16], [sflag:$0x1] =	stream.indirect.gather [hbm4b:s1+s15], $0x80, s12, s15, $0xb8;
	[tilespmem:$0x1B880] =	vst v63  }
0xa3: {  	_ =	swait.ge [sflag:s17], $0x3200  }
0xa4: {  	[sflag:s17] =	ssyncset.done $0x0  }
0xa5: {  	[sflag:s17] =	ssyncadd.s32 $0xFFFFCE00  }
0xa6: {  	[spmem:s3] =	stream.indirect.scatter.add.f32 [tilespmem:s16], [sflag:$0x3], $0x80, s22, s15, $0xb8;
	[tilespmem:$0x1B880] =	vst v63  }
0xa7: {  	_ =	swait.ge [sflag:s21], $0x3200  }
0xa8: {  	[sflag:s21] =	ssyncset.done $0x0  }
0xa9: {  	[sflag:s21] =	ssyncadd.s32 $0xFFFFCE00  }
0xaa: {  	[tilespmem:s18], [sflag:$0x2] =	stream.indirect.gather [hbm4b:s1+s15], $0x80, s23, s15, $0xb8;
	[tilespmem:$0x1B880] =	vst v63  }
0xab: {  	_ =	swait.ge [sflag:s19], $0x3200  }
0xac: {  	[sflag:s19] =	ssyncset.done $0x0  }
0xad: {  	[sflag:s19] =	ssyncadd.s32 $0xFFFFCE00  }
0xae: {  	[spmem:s3] =	stream.indirect.scatter.add.f32 [tilespmem:s18], [sflag:$0x4], $0x80, s24, s15, $0xb8;
	[tilespmem:$0x1B880] =	vst v63  }
0xaf: {  	_ =	swait.ge [sflag:s20], $0x3200  }
0xb0: {  	[sflag:s20] =	ssyncset.done $0x0  }
0xb1: {  	[sflag:s20] =	ssyncadd.s32 $0xFFFFCE00  }
0xb2: {  	[tilespmem:s16], [sflag:$0x1] =	stream.indirect.gather [hbm4b:s1+s15], $0x80, s25, s15, $0xb8;
	[tilespmem:$0x1B880] =	vst v63  }
0xb3: {  	_ =	swait.ge [sflag:s17], $0x3200  }
0xb4: {  	[sflag:s17] =	ssyncset.done $0x0  }
0xb5: {  	[sflag:s17] =	ssyncadd.s32 $0xFFFFCE00  }
0xb6: {  	[spmem:s3] =	stream.indirect.scatter.add.f32 [tilespmem:s16], [sflag:$0x3], $0x80, s26, s15, $0xb8;
	[tilespmem:$0x1B880] =	vst v63  }
0xb7: {  	_ =	swait.ge [sflag:s21], $0x3200  }
0xb8: {  	[sflag:s21] =	ssyncset.done $0x0  }
0xb9: {  	[sflag:s21] =	ssyncadd.s32 $0xFFFFCE00  }
0xba: {  	[tilespmem:s18], [sflag:$0x2] =	stream.indirect.gather [hbm4b:s1+s15], $0x80, s28, s15, $0xb8;
	[tilespmem:$0x1B880] =	vst v63  }
0xbb: {  	_ =	swait.ge [sflag:s19], $0x3200  }
0xbc: {  	[sflag:s19] =	ssyncset.done $0x0  }
0xbd: {  	[sflag:s19] =	ssyncadd.s32 $0xFFFFCE00  }
0xbe: {  	[spmem:s3] =	stream.indirect.scatter.add.f32 [tilespmem:s18], [sflag:$0x4], $0x80, s29, s15, $0xb8;
	[tilespmem:$0x1B880] =	vst v63  }
0xbf: {  	_ =	swait.ge [sflag:s20], $0x3200  }
0xc0: {  	[sflag:s20] =	ssyncset.done $0x0  }
0xc1: {  	[sflag:s20] =	ssyncadd.s32 $0xFFFFCE00  }
0xc2: {  	[tilespmem:s16], [sflag:$0x1] =	stream.indirect.gather [hbm4b:s1+s15], $0x80, s30, s15, $0xb8;
	[tilespmem:$0x1B880] =	vst v63  }
0xc3: {  	_ =	swait.ge [sflag:s17], $0x3200  }
0xc4: {  	[sflag:s17] =	ssyncset.done $0x0  }
0xc5: {  	[sflag:s17] =	ssyncadd.s32 $0xFFFFCE00  }
0xc6: {  	[spmem:s3] =	stream.indirect.scatter.add.f32 [tilespmem:s16], [sflag:$0x3], $0x80, s31, s15, $0xb8;
	[tilespmem:$0x1B880] =	vst v63  }
0xc7: {  	_ =	swait.ge [sflag:s21], $0x3200  }
0xc8: {  	[sflag:s21] =	ssyncset.done $0x0  }
0xc9: {  	[sflag:s21] =	ssyncadd.s32 $0xFFFFCE00  }
0xca: {  	[tilespmem:s18], [sflag:$0x2] =	stream.indirect.gather [hbm4b:s1+s15], $0x80, s2, s15, $0xb8;
	[tilespmem:$0x1B880] =	vst v63  }
0xcb: {  	_ =	swait.ge [sflag:s19], $0x3200  }
0xcc: {  	[sflag:s19] =	ssyncset.done $0x0  }
0xcd: {  	[sflag:s19] =	ssyncadd.s32 $0xFFFFCE00  }
0xce: {  	[spmem:s3] =	stream.indirect.scatter.add.f32 [tilespmem:s18], [sflag:$0x4], $0x80, s0, s15, $0xb8;
	[tilespmem:$0x1B880] =	vst v63  }
0xcf: {  	_ =	swait.ge [sflag:s20], $0x3200  }
0xd0: {  	[sflag:s20] =	ssyncset.done $0x0  }
0xd1: {  	[sflag:s20] =	ssyncadd.s32 $0xFFFFCE00  }
0xd2: {  	[tilespmem:s16], [sflag:$0x1] =	stream.indirect.gather [hbm4b:s1+s15], $0x80, s5, s15, $0xb8;
	[tilespmem:$0x1B880] =	vst v63  }
0xd3: {  	_ =	swait.ge [sflag:s17], $0x3200  }
0xd4: {  	[sflag:s17] =	ssyncset.done $0x0  }
0xd5: {  	[sflag:s17] =	ssyncadd.s32 $0xFFFFCE00  }
0xd6: {  	[spmem:s3] =	stream.indirect.scatter.add.f32 [tilespmem:s16], [sflag:$0x3], $0x80, s6, s15, $0xb8;
	[tilespmem:$0x1B880] =	vst v63  }
0xd7: {  	_ =	swait.ge [sflag:s21], $0x3200  }
0xd8: {  	[sflag:s21] =	ssyncset.done $0x0  }
0xd9: {  	[sflag:s21] =	ssyncadd.s32 $0xFFFFCE00  }
0xda: {  	[tilespmem:s18], [sflag:$0x2] =	stream.indirect.gather [hbm4b:s1+s15], $0x80, s7, s15, $0xb8;
	[tilespmem:$0x1B880] =	vst v63  }
0xdb: {  	_ =	swait.ge [sflag:s19], $0x3200  }
0xdc: {  	[sflag:s19] =	ssyncset.done $0x0  }
0xdd: {  	[sflag:s19] =	ssyncadd.s32 $0xFFFFCE00  }
0xde: {  	[spmem:s3] =	stream.indirect.scatter.add.f32 [tilespmem:s18], [sflag:$0x4], $0x80, s8, s15, $0xb8;
	[tilespmem:$0x1B880] =	vst v63  }
0xdf: {  	_ =	swait.ge [sflag:s21], $0x3200  }
0xe0: {  	[sflag:s21] =	ssyncset.done $0x0  }
0xe1: {  	[sflag:s21] =	ssyncadd.s32 $0xFFFFCE00  }
0xe2: {  	s10 =	simm.s32 $0x180;
	_ =	swait.ge [sflag:s20], $0x3200  }
0xe3: {  	s11 =	simm.s32 $0x300;
	s12 =	rddreg [dreg:$0x5];
	[sflag:s20] =	ssyncset.done $0x0  }
.LBB2_2:
0xe4: {  	[sflag:s20] =	ssyncadd.s32 $0xFFFFCE00;
	s12 =	sadd.s32 s10, s12  }
0xe5: {  	[tilespmem:s4], [sflag:$0x5] =	stream.linear.gather [hbm4b:s12+s4], $0xA00, $0x38;
	[tilespmem:$0x1B880] =	vst v63  }
0xe6: {  	_ =	swait.ge [sflag:s13], $0xA00  }
0xe7: {  	s12 =	rddreg [dreg:$0x4];
	[sflag:s13] =	ssyncset.done $0x0  }
0xe8: {  	[sflag:s13] =	ssyncadd.s32 $0xFFFFF600;
	s12 =	sadd.s32 s10, s12  }
0xe9: {  	[tilespmem:s14], [sflag:$0x5] =	stream.linear.gather [hbm4b:s12+s4], $0xA00, $0x38;
	[tilespmem:$0x1B880] =	vst v63  }
0xea: {  	_ =	swait.ge [sflag:s13], $0xA00  }
0xeb: {  	[sflag:s13] =	ssyncset.done $0x0  }
0xec: {  	[sflag:s13] =	ssyncadd.s32 $0xFFFFF600  }
0xed: {  	[tilespmem:s16], [sflag:$0x1] =	stream.indirect.gather [hbm4b:s1+s15], $0x80, s4, s15, $0xb8;
	[tilespmem:$0x1B880] =	vst v63  }
0xee: {  	_ =	swait.ge [sflag:s17], $0x3200  }
0xef: {  	[sflag:s17] =	ssyncset.done $0x0  }
0xf0: {  	[sflag:s17] =	ssyncadd.s32 $0xFFFFCE00  }
0xf1: {  	[spmem:s3] =	stream.indirect.scatter.add.f32 [tilespmem:s16], [sflag:$0x3], $0x80, s14, s15, $0xb8;
	[tilespmem:$0x1B880] =	vst v63  }
0xf2: {  	s12 =	rddreg [dreg:$0x6]  }
0xf3: {  	[tilespmem:s18], [sflag:$0x2] =	stream.indirect.gather [hbm4b:s1+s15], $0x80, s12, s15, $0xb8;
	[tilespmem:$0x1B880] =	vst v63  }
0xf4: {  	_ =	swait.ge [sflag:s19], $0x3200  }
0xf5: {  	[sflag:s19] =	ssyncset.done $0x0  }
0xf6: {  	s12 =	rddreg [dreg:$0x7];
	[sflag:s19] =	ssyncadd.s32 $0xFFFFCE00  }
0xf7: {  	[spmem:s3] =	stream.indirect.scatter.add.f32 [tilespmem:s18], [sflag:$0x4], $0x80, s12, s15, $0xb8;
	[tilespmem:$0x1B880] =	vst v63  }
0xf8: {  	_ =	swait.ge [sflag:s20], $0x3200  }
0xf9: {  	[sflag:s20] =	ssyncset.done $0x0  }
0xfa: {  	s12 =	rddreg [dreg:$0x8];
	[sflag:s20] =	ssyncadd.s32 $0xFFFFCE00  }
0xfb: {  	[tilespmem:s16], [sflag:$0x1] =	stream.indirect.gather [hbm4b:s1+s15], $0x80, s12, s15, $0xb8;
	[tilespmem:$0x1B880] =	vst v63  }
0xfc: {  	_ =	swait.ge [sflag:s17], $0x3200  }
0xfd: {  	[sflag:s17] =	ssyncset.done $0x0  }
0xfe: {  	s12 =	rddreg [dreg:$0x9];
	[sflag:s17] =	ssyncadd.s32 $0xFFFFCE00  }
0xff: {  	[spmem:s3] =	stream.indirect.scatter.add.f32 [tilespmem:s16], [sflag:$0x3], $0x80, s12, s15, $0xb8;
	[tilespmem:$0x1B880] =	vst v63  }
0x100: {  	_ =	swait.ge [sflag:s21], $0x3200  }
0x101: {  	[sflag:s21] =	ssyncset.done $0x0  }
0x102: {  	s12 =	rddreg [dreg:$0xa];
	[sflag:s21] =	ssyncadd.s32 $0xFFFFCE00  }
0x103: {  	[tilespmem:s18], [sflag:$0x2] =	stream.indirect.gather [hbm4b:s1+s15], $0x80, s12, s15, $0xb8;
	[tilespmem:$0x1B880] =	vst v63  }
0x104: {  	_ =	swait.ge [sflag:s19], $0x3200  }
0x105: {  	[sflag:s19] =	ssyncset.done $0x0  }
0x106: {  	s12 =	rddreg [dreg:$0xb];
	[sflag:s19] =	ssyncadd.s32 $0xFFFFCE00  }
0x107: {  	[spmem:s3] =	stream.indirect.scatter.add.f32 [tilespmem:s18], [sflag:$0x4], $0x80, s12, s15, $0xb8;
	[tilespmem:$0x1B880] =	vst v63  }
0x108: {  	_ =	swait.ge [sflag:s20], $0x3200  }
0x109: {  	[sflag:s20] =	ssyncset.done $0x0  }
0x10a: {  	s12 =	rddreg [dreg:$0xc];
	[sflag:s20] =	ssyncadd.s32 $0xFFFFCE00  }
0x10b: {  	[tilespmem:s16], [sflag:$0x1] =	stream.indirect.gather [hbm4b:s1+s15], $0x80, s12, s15, $0xb8;
	[tilespmem:$0x1B880] =	vst v63  }
0x10c: {  	_ =	swait.ge [sflag:s17], $0x3200  }
0x10d: {  	[sflag:s17] =	ssyncset.done $0x0  }
0x10e: {  	s12 =	rddreg [dreg:$0xd];
	[sflag:s17] =	ssyncadd.s32 $0xFFFFCE00  }
0x10f: {  	[spmem:s3] =	stream.indirect.scatter.add.f32 [tilespmem:s16], [sflag:$0x3], $0x80, s12, s15, $0xb8;
	[tilespmem:$0x1B880] =	vst v63  }
0x110: {  	_ =	swait.ge [sflag:s21], $0x3200  }
0x111: {  	[sflag:s21] =	ssyncset.done $0x0  }
0x112: {  	s12 =	rddreg [dreg:$0xe];
	[sflag:s21] =	ssyncadd.s32 $0xFFFFCE00  }
0x113: {  	[tilespmem:s18], [sflag:$0x2] =	stream.indirect.gather [hbm4b:s1+s15], $0x80, s12, s15, $0xb8;
	[tilespmem:$0x1B880] =	vst v63  }
0x114: {  	_ =	swait.ge [sflag:s19], $0x3200  }
0x115: {  	[sflag:s19] =	ssyncset.done $0x0  }
0x116: {  	s12 =	rddreg [dreg:$0xf];
	[sflag:s19] =	ssyncadd.s32 $0xFFFFCE00  }
0x117: {  	[spmem:s3] =	stream.indirect.scatter.add.f32 [tilespmem:s18], [sflag:$0x4], $0x80, s12, s15, $0xb8;
	[tilespmem:$0x1B880] =	vst v63  }
0x118: {  	_ =	swait.ge [sflag:s20], $0x3200  }
0x119: {  	[sflag:s20] =	ssyncset.done $0x0  }
0x11a: {  	s12 =	rddreg [dreg:$0x10];
	[sflag:s20] =	ssyncadd.s32 $0xFFFFCE00  }
0x11b: {  	[tilespmem:s16], [sflag:$0x1] =	stream.indirect.gather [hbm4b:s1+s15], $0x80, s12, s15, $0xb8;
	[tilespmem:$0x1B880] =	vst v63  }
0x11c: {  	_ =	swait.ge [sflag:s17], $0x3200  }
0x11d: {  	[sflag:s17] =	ssyncset.done $0x0  }
0x11e: {  	s12 =	rddreg [dreg:$0x11];
	[sflag:s17] =	ssyncadd.s32 $0xFFFFCE00  }
0x11f: {  	[spmem:s3] =	stream.indirect.scatter.add.f32 [tilespmem:s16], [sflag:$0x3], $0x80, s12, s15, $0xb8;
	[tilespmem:$0x1B880] =	vst v63  }
0x120: {  	_ =	swait.ge [sflag:s21], $0x3200  }
0x121: {  	[sflag:s21] =	ssyncset.done $0x0  }
0x122: {  	s12 =	rddreg [dreg:$0x12];
	[sflag:s21] =	ssyncadd.s32 $0xFFFFCE00  }
0x123: {  	[tilespmem:s18], [sflag:$0x2] =	stream.indirect.gather [hbm4b:s1+s15], $0x80, s12, s15, $0xb8;
	[tilespmem:$0x1B880] =	vst v63  }
0x124: {  	_ =	swait.ge [sflag:s19], $0x3200  }
0x125: {  	[sflag:s19] =	ssyncset.done $0x0  }
0x126: {  	s12 =	rddreg [dreg:$0x13];
	[sflag:s19] =	ssyncadd.s32 $0xFFFFCE00  }
0x127: {  	[spmem:s3] =	stream.indirect.scatter.add.f32 [tilespmem:s18], [sflag:$0x4], $0x80, s12, s15, $0xb8;
	[tilespmem:$0x1B880] =	vst v63  }
0x128: {  	_ =	swait.ge [sflag:s20], $0x3200  }
0x129: {  	[sflag:s20] =	ssyncset.done $0x0  }
0x12a: {  	s12 =	rddreg [dreg:$0x14];
	[sflag:s20] =	ssyncadd.s32 $0xFFFFCE00  }
0x12b: {  	[tilespmem:s16], [sflag:$0x1] =	stream.indirect.gather [hbm4b:s1+s15], $0x80, s12, s15, $0xb8;
	[tilespmem:$0x1B880] =	vst v63  }
0x12c: {  	_ =	swait.ge [sflag:s17], $0x3200  }
0x12d: {  	[sflag:s17] =	ssyncset.done $0x0  }
0x12e: {  	s12 =	rddreg [dreg:$0x15];
	[sflag:s17] =	ssyncadd.s32 $0xFFFFCE00  }
0x12f: {  	[spmem:s3] =	stream.indirect.scatter.add.f32 [tilespmem:s16], [sflag:$0x3], $0x80, s12, s15, $0xb8;
	[tilespmem:$0x1B880] =	vst v63  }
0x130: {  	_ =	swait.ge [sflag:s21], $0x3200  }
0x131: {  	[sflag:s21] =	ssyncset.done $0x0  }
0x132: {  	s12 =	rddreg [dreg:$0x16];
	[sflag:s21] =	ssyncadd.s32 $0xFFFFCE00  }
0x133: {  	[tilespmem:s18], [sflag:$0x2] =	stream.indirect.gather [hbm4b:s1+s15], $0x80, s12, s15, $0xb8;
	[tilespmem:$0x1B880] =	vst v63  }
0x134: {  	_ =	swait.ge [sflag:s19], $0x3200  }
0x135: {  	[sflag:s19] =	ssyncset.done $0x0  }
0x136: {  	s12 =	rddreg [dreg:$0x17];
	[sflag:s19] =	ssyncadd.s32 $0xFFFFCE00  }
0x137: {  	[spmem:s3] =	stream.indirect.scatter.add.f32 [tilespmem:s18], [sflag:$0x4], $0x80, s12, s15, $0xb8;
	[tilespmem:$0x1B880] =	vst v63  }
0x138: {  	_ =	swait.ge [sflag:s20], $0x3200  }
0x139: {  	[sflag:s20] =	ssyncset.done $0x0  }
0x13a: {  	s12 =	rddreg [dreg:$0x18];
	[sflag:s20] =	ssyncadd.s32 $0xFFFFCE00  }
0x13b: {  	[tilespmem:s16], [sflag:$0x1] =	stream.indirect.gather [hbm4b:s1+s15], $0x80, s12, s15, $0xb8;
	[tilespmem:$0x1B880] =	vst v63  }
0x13c: {  	_ =	swait.ge [sflag:s17], $0x3200  }
0x13d: {  	[sflag:s17] =	ssyncset.done $0x0  }
0x13e: {  	s12 =	rddreg [dreg:$0x19];
	[sflag:s17] =	ssyncadd.s32 $0xFFFFCE00  }
0x13f: {  	[spmem:s3] =	stream.indirect.scatter.add.f32 [tilespmem:s16], [sflag:$0x3], $0x80, s12, s15, $0xb8;
	[tilespmem:$0x1B880] =	vst v63  }
0x140: {  	_ =	swait.ge [sflag:s21], $0x3200  }
0x141: {  	[sflag:s21] =	ssyncset.done $0x0  }
0x142: {  	s12 =	rddreg [dreg:$0x1a];
	[sflag:s21] =	ssyncadd.s32 $0xFFFFCE00  }
0x143: {  	[tilespmem:s18], [sflag:$0x2] =	stream.indirect.gather [hbm4b:s1+s15], $0x80, s12, s15, $0xb8;
	[tilespmem:$0x1B880] =	vst v63  }
0x144: {  	_ =	swait.ge [sflag:s19], $0x3200  }
0x145: {  	[sflag:s19] =	ssyncset.done $0x0  }
0x146: {  	s12 =	rddreg [dreg:$0x1b];
	[sflag:s19] =	ssyncadd.s32 $0xFFFFCE00  }
0x147: {  	[spmem:s3] =	stream.indirect.scatter.add.f32 [tilespmem:s18], [sflag:$0x4], $0x80, s12, s15, $0xb8;
	[tilespmem:$0x1B880] =	vst v63  }
0x148: {  	_ =	swait.ge [sflag:s20], $0x3200  }
0x149: {  	[sflag:s20] =	ssyncset.done $0x0  }
0x14a: {  	s12 =	rddreg [dreg:$0x1c];
	[sflag:s20] =	ssyncadd.s32 $0xFFFFCE00  }
0x14b: {  	[tilespmem:s16], [sflag:$0x1] =	stream.indirect.gather [hbm4b:s1+s15], $0x80, s12, s15, $0xb8;
	[tilespmem:$0x1B880] =	vst v63  }
0x14c: {  	_ =	swait.ge [sflag:s17], $0x3200  }
0x14d: {  	[sflag:s17] =	ssyncset.done $0x0  }
0x14e: {  	[sflag:s17] =	ssyncadd.s32 $0xFFFFCE00  }
0x14f: {  	[spmem:s3] =	stream.indirect.scatter.add.f32 [tilespmem:s16], [sflag:$0x3], $0x80, s22, s15, $0xb8;
	[tilespmem:$0x1B880] =	vst v63  }
0x150: {  	_ =	swait.ge [sflag:s21], $0x3200  }
0x151: {  	[sflag:s21] =	ssyncset.done $0x0  }
0x152: {  	[sflag:s21] =	ssyncadd.s32 $0xFFFFCE00  }
0x153: {  	[tilespmem:s18], [sflag:$0x2] =	stream.indirect.gather [hbm4b:s1+s15], $0x80, s23, s15, $0xb8;
	[tilespmem:$0x1B880] =	vst v63  }
0x154: {  	_ =	swait.ge [sflag:s19], $0x3200  }
0x155: {  	[sflag:s19] =	ssyncset.done $0x0  }
0x156: {  	[sflag:s19] =	ssyncadd.s32 $0xFFFFCE00  }
0x157: {  	[spmem:s3] =	stream.indirect.scatter.add.f32 [tilespmem:s18], [sflag:$0x4], $0x80, s24, s15, $0xb8;
	[tilespmem:$0x1B880] =	vst v63  }
0x158: {  	_ =	swait.ge [sflag:s20], $0x3200  }
0x159: {  	[sflag:s20] =	ssyncset.done $0x0  }
0x15a: {  	[sflag:s20] =	ssyncadd.s32 $0xFFFFCE00  }
0x15b: {  	[tilespmem:s16], [sflag:$0x1] =	stream.indirect.gather [hbm4b:s1+s15], $0x80, s25, s15, $0xb8;
	[tilespmem:$0x1B880] =	vst v63  }
0x15c: {  	_ =	swait.ge [sflag:s17], $0x3200  }
0x15d: {  	[sflag:s17] =	ssyncset.done $0x0  }
0x15e: {  	[sflag:s17] =	ssyncadd.s32 $0xFFFFCE00  }
0x15f: {  	[spmem:s3] =	stream.indirect.scatter.add.f32 [tilespmem:s16], [sflag:$0x3], $0x80, s26, s15, $0xb8;
	[tilespmem:$0x1B880] =	vst v63  }
0x160: {  	_ =	swait.ge [sflag:s21], $0x3200  }
0x161: {  	[sflag:s21] =	ssyncset.done $0x0  }
0x162: {  	[sflag:s21] =	ssyncadd.s32 $0xFFFFCE00  }
0x163: {  	[tilespmem:s18], [sflag:$0x2] =	stream.indirect.gather [hbm4b:s1+s15], $0x80, s28, s15, $0xb8;
	[tilespmem:$0x1B880] =	vst v63  }
0x164: {  	_ =	swait.ge [sflag:s19], $0x3200  }
0x165: {  	[sflag:s19] =	ssyncset.done $0x0  }
0x166: {  	[sflag:s19] =	ssyncadd.s32 $0xFFFFCE00  }
0x167: {  	[spmem:s3] =	stream.indirect.scatter.add.f32 [tilespmem:s18], [sflag:$0x4], $0x80, s29, s15, $0xb8;
	[tilespmem:$0x1B880] =	vst v63  }
0x168: {  	_ =	swait.ge [sflag:s20], $0x3200  }
0x169: {  	[sflag:s20] =	ssyncset.done $0x0  }
0x16a: {  	[sflag:s20] =	ssyncadd.s32 $0xFFFFCE00  }
0x16b: {  	[tilespmem:s16], [sflag:$0x1] =	stream.indirect.gather [hbm4b:s1+s15], $0x80, s30, s15, $0xb8;
	[tilespmem:$0x1B880] =	vst v63  }
0x16c: {  	_ =	swait.ge [sflag:s17], $0x3200  }
0x16d: {  	[sflag:s17] =	ssyncset.done $0x0  }
0x16e: {  	[sflag:s17] =	ssyncadd.s32 $0xFFFFCE00  }
0x16f: {  	[spmem:s3] =	stream.indirect.scatter.add.f32 [tilespmem:s16], [sflag:$0x3], $0x80, s31, s15, $0xb8;
	[tilespmem:$0x1B880] =	vst v63  }
0x170: {  	_ =	swait.ge [sflag:s21], $0x3200  }
0x171: {  	[sflag:s21] =	ssyncset.done $0x0  }
0x172: {  	[sflag:s21] =	ssyncadd.s32 $0xFFFFCE00  }
0x173: {  	[tilespmem:s18], [sflag:$0x2] =	stream.indirect.gather [hbm4b:s1+s15], $0x80, s2, s15, $0xb8;
	[tilespmem:$0x1B880] =	vst v63  }
0x174: {  	_ =	swait.ge [sflag:s19], $0x3200  }
0x175: {  	[sflag:s19] =	ssyncset.done $0x0  }
0x176: {  	[sflag:s19] =	ssyncadd.s32 $0xFFFFCE00  }
0x177: {  	[spmem:s3] =	stream.indirect.scatter.add.f32 [tilespmem:s18], [sflag:$0x4], $0x80, s0, s15, $0xb8;
	[tilespmem:$0x1B880] =	vst v63  }
0x178: {  	_ =	swait.ge [sflag:s20], $0x3200  }
0x179: {  	[sflag:s20] =	ssyncset.done $0x0  }
0x17a: {  	[sflag:s20] =	ssyncadd.s32 $0xFFFFCE00  }
0x17b: {  	[tilespmem:s16], [sflag:$0x1] =	stream.indirect.gather [hbm4b:s1+s15], $0x80, s5, s15, $0xb8;
	[tilespmem:$0x1B880] =	vst v63  }
0x17c: {  	_ =	swait.ge [sflag:s17], $0x3200  }
0x17d: {  	[sflag:s17] =	ssyncset.done $0x0  }
0x17e: {  	[sflag:s17] =	ssyncadd.s32 $0xFFFFCE00  }
0x17f: {  	[spmem:s3] =	stream.indirect.scatter.add.f32 [tilespmem:s16], [sflag:$0x3], $0x80, s6, s15, $0xb8;
	[tilespmem:$0x1B880] =	vst v63  }
0x180: {  	_ =	swait.ge [sflag:s21], $0x3200  }
0x181: {  	[sflag:s21] =	ssyncset.done $0x0  }
0x182: {  	[sflag:s21] =	ssyncadd.s32 $0xFFFFCE00  }
0x183: {  	[tilespmem:s18], [sflag:$0x2] =	stream.indirect.gather [hbm4b:s1+s15], $0x80, s7, s15, $0xb8;
	[tilespmem:$0x1B880] =	vst v63  }
0x184: {  	_ =	swait.ge [sflag:s19], $0x3200  }
0x185: {  	[sflag:s19] =	ssyncset.done $0x0  }
0x186: {  	p1 =	sne.s32 s11, $0x600;
	[sflag:s19] =	ssyncadd.s32 $0xFFFFCE00  }
0x187: {  	[spmem:s3] =	stream.indirect.scatter.add.f32 [tilespmem:s18], [sflag:$0x4], $0x80, s8, s15, $0xb8;
	[tilespmem:$0x1B880] =	vst v63  }
.Ltmp0:
0x188: {  	_ =	swait.ge [sflag:s21], $0x3200;
	(pc) =	sbr.rel @p1 .LBB2_2-.Ltmp0, $4  }
0x189: {  	[sflag:s21] =	ssyncset.done $0x0  }
0x18a: {  	[sflag:s21] =	ssyncadd.s32 $0xFFFFCE00  }
0x18b: {  	s9 =	smov.u32 s11;
	s11 =	sadd.s32 $0x180, s11;
	_ =	swait.ge [sflag:s20], $0x3200  }
0x18c: {  	s10 =	smov.u32 s9;
	s12 =	rddreg [dreg:$0x5];
	[sflag:s20] =	ssyncset.done $0x0  }
0x18d: {  	[sflag:s20] =	ssyncadd.s32 $0xFFFFCE00;
	s9 =	sadd.s32 s10, s12  }
0x18e: {  	[tilespmem:s4], [sflag:$0x5] =	stream.linear.gather [hbm4b:s9+s4], $0xA00, $0x38;
	[tilespmem:$0x1B880] =	vst v63  }
0x18f: {  	_ =	swait.ge [sflag:s13], $0xA00  }
0x190: {  	s11 =	rddreg [dreg:$0x4];
	[sflag:s13] =	ssyncset.done $0x0  }
0x191: {  	s9 =	sadd.s32 s10, s11;
	[sflag:s13] =	ssyncadd.s32 $0xFFFFF600  }
0x192: {  	[tilespmem:s14], [sflag:$0x5] =	stream.linear.gather [hbm4b:s9+s4], $0xA00, $0x38;
	[tilespmem:$0x1B880] =	vst v63  }
0x193: {  	_ =	swait.ge [sflag:s13], $0xA00  }
0x194: {  	[sflag:s13] =	ssyncset.done $0x0  }
0x195: {  	[sflag:s13] =	ssyncadd.s32 $0xFFFFF600  }
0x196: {  	[tilespmem:s16], [sflag:$0x1] =	stream.indirect.gather [hbm4b:s1+s15], $0x80, s4, s15, $0xb8;
	[tilespmem:$0x1B880] =	vst v63  }
0x197: {  	_ =	swait.ge [sflag:s17], $0x3200  }
0x198: {  	[sflag:s17] =	ssyncset.done $0x0  }
0x199: {  	[sflag:s17] =	ssyncadd.s32 $0xFFFFCE00  }
0x19a: {  	[spmem:s3] =	stream.indirect.scatter.add.f32 [tilespmem:s16], [sflag:$0x3], $0x80, s14, s15, $0xb8;
	[tilespmem:$0x1B880] =	vst v63  }
0x19b: {  	s12 =	rddreg [dreg:$0x6]  }
0x19c: {  	[tilespmem:s18], [sflag:$0x2] =	stream.indirect.gather [hbm4b:s1+s15], $0x80, s12, s15, $0xb8;
	[tilespmem:$0x1B880] =	vst v63  }
0x19d: {  	_ =	swait.ge [sflag:s19], $0x3200  }
0x19e: {  	[sflag:s19] =	ssyncset.done $0x0  }
0x19f: {  	s10 =	rddreg [dreg:$0x7];
	[sflag:s19] =	ssyncadd.s32 $0xFFFFCE00  }
0x1a0: {  	[spmem:s3] =	stream.indirect.scatter.add.f32 [tilespmem:s18], [sflag:$0x4], $0x80, s10, s15, $0xb8;
	[tilespmem:$0x1B880] =	vst v63  }
0x1a1: {  	_ =	swait.ge [sflag:s20], $0x3200  }
0x1a2: {  	[sflag:s20] =	ssyncset.done $0x0  }
0x1a3: {  	s11 =	rddreg [dreg:$0x8];
	[sflag:s20] =	ssyncadd.s32 $0xFFFFCE00  }
0x1a4: {  	[tilespmem:s16], [sflag:$0x1] =	stream.indirect.gather [hbm4b:s1+s15], $0x80, s11, s15, $0xb8;
	[tilespmem:$0x1B880] =	vst v63  }
0x1a5: {  	_ =	swait.ge [sflag:s17], $0x3200  }
0x1a6: {  	[sflag:s17] =	ssyncset.done $0x0  }
0x1a7: {  	s12 =	rddreg [dreg:$0x9];
	[sflag:s17] =	ssyncadd.s32 $0xFFFFCE00  }
0x1a8: {  	[spmem:s3] =	stream.indirect.scatter.add.f32 [tilespmem:s16], [sflag:$0x3], $0x80, s12, s15, $0xb8;
	[tilespmem:$0x1B880] =	vst v63  }
0x1a9: {  	_ =	swait.ge [sflag:s21], $0x3200  }
0x1aa: {  	[sflag:s21] =	ssyncset.done $0x0  }
0x1ab: {  	s10 =	rddreg [dreg:$0xa];
	[sflag:s21] =	ssyncadd.s32 $0xFFFFCE00  }
0x1ac: {  	[tilespmem:s18], [sflag:$0x2] =	stream.indirect.gather [hbm4b:s1+s15], $0x80, s10, s15, $0xb8;
	[tilespmem:$0x1B880] =	vst v63  }
0x1ad: {  	_ =	swait.ge [sflag:s19], $0x3200  }
0x1ae: {  	[sflag:s19] =	ssyncset.done $0x0  }
0x1af: {  	s11 =	rddreg [dreg:$0xb];
	[sflag:s19] =	ssyncadd.s32 $0xFFFFCE00  }
0x1b0: {  	[spmem:s3] =	stream.indirect.scatter.add.f32 [tilespmem:s18], [sflag:$0x4], $0x80, s11, s15, $0xb8;
	[tilespmem:$0x1B880] =	vst v63  }
0x1b1: {  	_ =	swait.ge [sflag:s20], $0x3200  }
0x1b2: {  	[sflag:s20] =	ssyncset.done $0x0  }
0x1b3: {  	s12 =	rddreg [dreg:$0xc];
	[sflag:s20] =	ssyncadd.s32 $0xFFFFCE00  }
0x1b4: {  	[tilespmem:s16], [sflag:$0x1] =	stream.indirect.gather [hbm4b:s1+s15], $0x80, s12, s15, $0xb8;
	[tilespmem:$0x1B880] =	vst v63  }
0x1b5: {  	_ =	swait.ge [sflag:s17], $0x3200  }
0x1b6: {  	[sflag:s17] =	ssyncset.done $0x0  }
0x1b7: {  	s10 =	rddreg [dreg:$0xd];
	[sflag:s17] =	ssyncadd.s32 $0xFFFFCE00  }
0x1b8: {  	[spmem:s3] =	stream.indirect.scatter.add.f32 [tilespmem:s16], [sflag:$0x3], $0x80, s10, s15, $0xb8;
	[tilespmem:$0x1B880] =	vst v63  }
0x1b9: {  	_ =	swait.ge [sflag:s21], $0x3200  }
0x1ba: {  	[sflag:s21] =	ssyncset.done $0x0  }
0x1bb: {  	s11 =	rddreg [dreg:$0xe];
	[sflag:s21] =	ssyncadd.s32 $0xFFFFCE00  }
0x1bc: {  	[tilespmem:s18], [sflag:$0x2] =	stream.indirect.gather [hbm4b:s1+s15], $0x80, s11, s15, $0xb8;
	[tilespmem:$0x1B880] =	vst v63  }
0x1bd: {  	_ =	swait.ge [sflag:s19], $0x3200  }
0x1be: {  	[sflag:s19] =	ssyncset.done $0x0  }
0x1bf: {  	s12 =	rddreg [dreg:$0xf];
	[sflag:s19] =	ssyncadd.s32 $0xFFFFCE00  }
0x1c0: {  	[spmem:s3] =	stream.indirect.scatter.add.f32 [tilespmem:s18], [sflag:$0x4], $0x80, s12, s15, $0xb8;
	[tilespmem:$0x1B880] =	vst v63  }
0x1c1: {  	_ =	swait.ge [sflag:s20], $0x3200  }
0x1c2: {  	[sflag:s20] =	ssyncset.done $0x0  }
0x1c3: {  	s10 =	rddreg [dreg:$0x10];
	[sflag:s20] =	ssyncadd.s32 $0xFFFFCE00  }
0x1c4: {  	[tilespmem:s16], [sflag:$0x1] =	stream.indirect.gather [hbm4b:s1+s15], $0x80, s10, s15, $0xb8;
	[tilespmem:$0x1B880] =	vst v63  }
0x1c5: {  	_ =	swait.ge [sflag:s17], $0x3200  }
0x1c6: {  	[sflag:s17] =	ssyncset.done $0x0  }
0x1c7: {  	s11 =	rddreg [dreg:$0x11];
	[sflag:s17] =	ssyncadd.s32 $0xFFFFCE00  }
0x1c8: {  	[spmem:s3] =	stream.indirect.scatter.add.f32 [tilespmem:s16], [sflag:$0x3], $0x80, s11, s15, $0xb8;
	[tilespmem:$0x1B880] =	vst v63  }
0x1c9: {  	_ =	swait.ge [sflag:s21], $0x3200  }
0x1ca: {  	[sflag:s21] =	ssyncset.done $0x0  }
0x1cb: {  	s12 =	rddreg [dreg:$0x12];
	[sflag:s21] =	ssyncadd.s32 $0xFFFFCE00  }
0x1cc: {  	[tilespmem:s18], [sflag:$0x2] =	stream.indirect.gather [hbm4b:s1+s15], $0x80, s12, s15, $0xb8;
	[tilespmem:$0x1B880] =	vst v63  }
0x1cd: {  	_ =	swait.ge [sflag:s19], $0x3200  }
0x1ce: {  	[sflag:s19] =	ssyncset.done $0x0  }
0x1cf: {  	s10 =	rddreg [dreg:$0x13];
	[sflag:s19] =	ssyncadd.s32 $0xFFFFCE00  }
0x1d0: {  	[spmem:s3] =	stream.indirect.scatter.add.f32 [tilespmem:s18], [sflag:$0x4], $0x80, s10, s15, $0xb8;
	[tilespmem:$0x1B880] =	vst v63  }
0x1d1: {  	_ =	swait.ge [sflag:s20], $0x3200  }
0x1d2: {  	[sflag:s20] =	ssyncset.done $0x0  }
0x1d3: {  	s11 =	rddreg [dreg:$0x14];
	[sflag:s20] =	ssyncadd.s32 $0xFFFFCE00  }
0x1d4: {  	[tilespmem:s16], [sflag:$0x1] =	stream.indirect.gather [hbm4b:s1+s15], $0x80, s11, s15, $0xb8;
	[tilespmem:$0x1B880] =	vst v63  }
0x1d5: {  	_ =	swait.ge [sflag:s17], $0x3200  }
0x1d6: {  	[sflag:s17] =	ssyncset.done $0x0  }
0x1d7: {  	s12 =	rddreg [dreg:$0x15];
	[sflag:s17] =	ssyncadd.s32 $0xFFFFCE00  }
0x1d8: {  	[spmem:s3] =	stream.indirect.scatter.add.f32 [tilespmem:s16], [sflag:$0x3], $0x80, s12, s15, $0xb8;
	[tilespmem:$0x1B880] =	vst v63  }
0x1d9: {  	_ =	swait.ge [sflag:s21], $0x3200  }
0x1da: {  	[sflag:s21] =	ssyncset.done $0x0  }
0x1db: {  	s10 =	rddreg [dreg:$0x16];
	[sflag:s21] =	ssyncadd.s32 $0xFFFFCE00  }
0x1dc: {  	[tilespmem:s18], [sflag:$0x2] =	stream.indirect.gather [hbm4b:s1+s15], $0x80, s10, s15, $0xb8;
	[tilespmem:$0x1B880] =	vst v63  }
0x1dd: {  	_ =	swait.ge [sflag:s19], $0x3200  }
0x1de: {  	[sflag:s19] =	ssyncset.done $0x0  }
0x1df: {  	s11 =	rddreg [dreg:$0x17];
	[sflag:s19] =	ssyncadd.s32 $0xFFFFCE00  }
0x1e0: {  	[spmem:s3] =	stream.indirect.scatter.add.f32 [tilespmem:s18], [sflag:$0x4], $0x80, s11, s15, $0xb8;
	[tilespmem:$0x1B880] =	vst v63  }
0x1e1: {  	_ =	swait.ge [sflag:s20], $0x3200  }
0x1e2: {  	[sflag:s20] =	ssyncset.done $0x0  }
0x1e3: {  	s12 =	rddreg [dreg:$0x18];
	[sflag:s20] =	ssyncadd.s32 $0xFFFFCE00  }
0x1e4: {  	[tilespmem:s16], [sflag:$0x1] =	stream.indirect.gather [hbm4b:s1+s15], $0x80, s12, s15, $0xb8;
	[tilespmem:$0x1B880] =	vst v63  }
0x1e5: {  	_ =	swait.ge [sflag:s17], $0x3200  }
0x1e6: {  	[sflag:s17] =	ssyncset.done $0x0  }
0x1e7: {  	s10 =	rddreg [dreg:$0x19];
	[sflag:s17] =	ssyncadd.s32 $0xFFFFCE00  }
0x1e8: {  	[spmem:s3] =	stream.indirect.scatter.add.f32 [tilespmem:s16], [sflag:$0x3], $0x80, s10, s15, $0xb8;
	[tilespmem:$0x1B880] =	vst v63  }
0x1e9: {  	_ =	swait.ge [sflag:s21], $0x3200  }
0x1ea: {  	[sflag:s21] =	ssyncset.done $0x0  }
0x1eb: {  	s11 =	rddreg [dreg:$0x1a];
	[sflag:s21] =	ssyncadd.s32 $0xFFFFCE00  }
0x1ec: {  	[tilespmem:s18], [sflag:$0x2] =	stream.indirect.gather [hbm4b:s1+s15], $0x80, s11, s15, $0xb8;
	[tilespmem:$0x1B880] =	vst v63  }
0x1ed: {  	_ =	swait.ge [sflag:s19], $0x3200  }
0x1ee: {  	[sflag:s19] =	ssyncset.done $0x0  }
0x1ef: {  	s12 =	rddreg [dreg:$0x1b];
	[sflag:s19] =	ssyncadd.s32 $0xFFFFCE00  }
0x1f0: {  	[spmem:s3] =	stream.indirect.scatter.add.f32 [tilespmem:s18], [sflag:$0x4], $0x80, s12, s15, $0xb8;
	[tilespmem:$0x1B880] =	vst v63  }
0x1f1: {  	_ =	swait.ge [sflag:s20], $0x3200  }
0x1f2: {  	[sflag:s20] =	ssyncset.done $0x0  }
0x1f3: {  	s10 =	rddreg [dreg:$0x1c];
	[sflag:s20] =	ssyncadd.s32 $0xFFFFCE00  }
0x1f4: {  	[tilespmem:s16], [sflag:$0x1] =	stream.indirect.gather [hbm4b:s1+s15], $0x80, s10, s15, $0xb8;
	[tilespmem:$0x1B880] =	vst v63  }
0x1f5: {  	_ =	swait.ge [sflag:s17], $0x3200  }
0x1f6: {  	[sflag:s17] =	ssyncset.done $0x0  }
0x1f7: {  	[sflag:s17] =	ssyncadd.s32 $0xFFFFCE00  }
0x1f8: {  	[spmem:s3] =	stream.indirect.scatter.add.f32 [tilespmem:s16], [sflag:$0x3], $0x80, s22, s15, $0xb8;
	[tilespmem:$0x1B880] =	vst v63  }
0x1f9: {  	_ =	swait.ge [sflag:s21], $0x3200  }
0x1fa: {  	[sflag:s21] =	ssyncset.done $0x0  }
0x1fb: {  	[sflag:s21] =	ssyncadd.s32 $0xFFFFCE00  }
0x1fc: {  	[tilespmem:s18], [sflag:$0x2] =	stream.indirect.gather [hbm4b:s1+s15], $0x80, s23, s15, $0xb8;
	[tilespmem:$0x1B880] =	vst v63  }
0x1fd: {  	_ =	swait.ge [sflag:s19], $0x3200  }
0x1fe: {  	[sflag:s19] =	ssyncset.done $0x0  }
0x1ff: {  	[sflag:s19] =	ssyncadd.s32 $0xFFFFCE00  }
0x200: {  	[spmem:s3] =	stream.indirect.scatter.add.f32 [tilespmem:s18], [sflag:$0x4], $0x80, s24, s15, $0xb8;
	[tilespmem:$0x1B880] =	vst v63  }
0x201: {  	_ =	swait.ge [sflag:s20], $0x3200  }
0x202: {  	[sflag:s20] =	ssyncset.done $0x0  }
0x203: {  	[sflag:s20] =	ssyncadd.s32 $0xFFFFCE00  }
0x204: {  	[tilespmem:s16], [sflag:$0x1] =	stream.indirect.gather [hbm4b:s1+s15], $0x80, s25, s15, $0xb8;
	[tilespmem:$0x1B880] =	vst v63  }
0x205: {  	_ =	swait.ge [sflag:s17], $0x3200  }
0x206: {  	[sflag:s17] =	ssyncset.done $0x0  }
0x207: {  	[sflag:s17] =	ssyncadd.s32 $0xFFFFCE00  }
0x208: {  	[spmem:s3] =	stream.indirect.scatter.add.f32 [tilespmem:s16], [sflag:$0x3], $0x80, s26, s15, $0xb8;
	[tilespmem:$0x1B880] =	vst v63  }
0x209: {  	_ =	swait.ge [sflag:s21], $0x3200  }
0x20a: {  	[sflag:s21] =	ssyncset.done $0x0  }
0x20b: {  	[sflag:s21] =	ssyncadd.s32 $0xFFFFCE00  }
0x20c: {  	[tilespmem:s18], [sflag:$0x2] =	stream.indirect.gather [hbm4b:s1+s15], $0x80, s28, s15, $0xb8;
	[tilespmem:$0x1B880] =	vst v63  }
0x20d: {  	_ =	swait.ge [sflag:s19], $0x3200  }
0x20e: {  	[sflag:s19] =	ssyncset.done $0x0  }
0x20f: {  	[sflag:s19] =	ssyncadd.s32 $0xFFFFCE00  }
0x210: {  	[spmem:s3] =	stream.indirect.scatter.add.f32 [tilespmem:s18], [sflag:$0x4], $0x80, s29, s15, $0xb8;
	[tilespmem:$0x1B880] =	vst v63  }
0x211: {  	_ =	swait.ge [sflag:s20], $0x3200  }
0x212: {  	[sflag:s20] =	ssyncset.done $0x0  }
0x213: {  	[sflag:s20] =	ssyncadd.s32 $0xFFFFCE00  }
0x214: {  	[tilespmem:s16], [sflag:$0x1] =	stream.indirect.gather [hbm4b:s1+s15], $0x80, s30, s15, $0xb8;
	[tilespmem:$0x1B880] =	vst v63  }
0x215: {  	_ =	swait.ge [sflag:s17], $0x3200  }
0x216: {  	[sflag:s17] =	ssyncset.done $0x0  }
0x217: {  	[sflag:s17] =	ssyncadd.s32 $0xFFFFCE00  }
0x218: {  	[spmem:s3] =	stream.indirect.scatter.add.f32 [tilespmem:s16], [sflag:$0x3], $0x80, s31, s15, $0xb8;
	[tilespmem:$0x1B880] =	vst v63  }
0x219: {  	_ =	swait.ge [sflag:s21], $0x3200  }
0x21a: {  	[sflag:s21] =	ssyncset.done $0x0  }
0x21b: {  	[sflag:s21] =	ssyncadd.s32 $0xFFFFCE00  }
0x21c: {  	[tilespmem:s18], [sflag:$0x2] =	stream.indirect.gather [hbm4b:s1+s15], $0x80, s2, s15, $0xb8;
	[tilespmem:$0x1B880] =	vst v63  }
0x21d: {  	_ =	swait.ge [sflag:s19], $0x3200  }
0x21e: {  	[sflag:s19] =	ssyncset.done $0x0  }
0x21f: {  	[sflag:s19] =	ssyncadd.s32 $0xFFFFCE00  }
0x220: {  	[spmem:s3] =	stream.indirect.scatter.add.f32 [tilespmem:s18], [sflag:$0x4], $0x80, s0, s15, $0xb8;
	[tilespmem:$0x1B880] =	vst v63  }
0x221: {  	_ =	swait.ge [sflag:s20], $0x3200  }
0x222: {  	[sflag:s20] =	ssyncset.done $0x0  }
0x223: {  	[sflag:s20] =	ssyncadd.s32 $0xFFFFCE00  }
0x224: {  	[tilespmem:s16], [sflag:$0x1] =	stream.indirect.gather [hbm4b:s1+s15], $0x80, s5, s15, $0xb8;
	[tilespmem:$0x1B880] =	vst v63  }
0x225: {  	_ =	swait.ge [sflag:s17], $0x3200  }
0x226: {  	[sflag:s17] =	ssyncset.done $0x0  }
0x227: {  	[sflag:s17] =	ssyncadd.s32 $0xFFFFCE00  }
0x228: {  	[spmem:s3] =	stream.indirect.scatter.add.f32 [tilespmem:s16], [sflag:$0x3], $0x80, s6, s15, $0xb8;
	[tilespmem:$0x1B880] =	vst v63  }
0x229: {  	_ =	swait.ge [sflag:s21], $0x3200  }
0x22a: {  	[sflag:s21] =	ssyncset.done $0x0  }
0x22b: {  	[sflag:s21] =	ssyncadd.s32 $0xFFFFCE00  }
0x22c: {  	[tilespmem:s18], [sflag:$0x2] =	stream.indirect.gather [hbm4b:s1+s15], $0x80, s7, s15, $0xb8;
	[tilespmem:$0x1B880] =	vst v63  }
0x22d: {  	_ =	swait.ge [sflag:s19], $0x3200  }
0x22e: {  	[sflag:s19] =	ssyncset.done $0x0  }
0x22f: {  	[sflag:s19] =	ssyncadd.s32 $0xFFFFCE00  }
0x230: {  	[spmem:s3] =	stream.indirect.scatter.add.f32 [tilespmem:s18], [sflag:$0x4], $0x80, s8, s15, $0xb8;
	[tilespmem:$0x1B880] =	vst v63  }
0x231: {  	_ =	swait.ge [sflag:s21], $0x3200  }
0x232: {  	[sflag:s21] =	ssyncset.done $0x0  }
0x233: {  	[sflag:s21] =	ssyncadd.s32 $0xFFFFCE00  }
0x234: {  	_ =	swait.ge [sflag:s20], $0x3200  }
0x235: {  	[sflag:s20] =	ssyncset.done $0x0  }
0x236: {  	[sflag:s20] =	ssyncadd.s32 $0xFFFFCE00  }
0x237: {  	[bflag:$0x0] =	sbarrier.arrive $0xFFFF  }
0x238: {  	s10 =	sld [smem:$0x7F8]  }
0x239: {  	s11 =	sld [smem:$0x7FA];
	_ =	sdelay $0x1  }
0x23a: {  	s9 =	simm.s32 @p0 $0x1FC5  }
0x23b: {  	[hbm:s10], [sflag:s9] =	dma.local @p0 [spmem:s11], $0x1900  }
0x23c: {  	s9 =	simm.s32 @p0 $0x5  }
0x23d: {  	_ =	swait.ge @p0 [sflag:s9], $0x1900  }
0x23e: {  	s11 =	sld [smem:$0x7FC]  }
0x23f: {  	s12 =	sld [smem:$0x7FD]  }
0x240: {  	[sflag:s9] =	ssyncset.done @p0 $0x0  }
0x241: {  	s10 =	simm.s32 @!p0 $0x5;
	[sflag:s9] =	ssyncadd.s32 @p0 $0xFFFFE700;
	s9 =	rddreg [dreg:$0x1f]  }
0x242: {  	[hbm:s9], [sflag:s11] =	dma.local @!p0 [spmem:s12], $0x2800  }
0x243: {  	_ =	swait.ge @!p0 [sflag:s10], $0x2800  }
0x244: {  	s11 =	sld [smem:$0x7FB];
	_ =	sdelay $0x2  }
0x245: {  	s9 =	sadd.s32 $0x1, s11;
	s11 =	sld [smem:$0x7F9];
	_ =	sdelay $0x2  }
0x246: {  	p1 =	sne.s32 s9, s11  }
.Ltmp1:
0x247: {  	_ = 	snop;
	(pc) =	sbr.rel @p1 .LBB2_1-.Ltmp1, $3  }
0x248: {  	_ =	sdelay $0x1  }
0x249: {  	[sflag:s10] =	ssyncset.done @!p0 $0x0;
	[smem:$0x7FB] =	sst s9;
	s9 =	simm.s32 @!p0 $0x5  }
0x24a: {  	[sflag:s9] =	ssyncadd.s32 @!p0 $0xFFFFD800  }
0x24b: {  	_ =	sfence.sel $0x180000  }
0x24c: {  	[bflag:$0x0] =	sbarrier.arrive $0xFFFF  }
0x24d: {  	_ =	strace $0x90000047  }
0x24e: {  	s0 =	stileid.u32;
	[bflag:$0x2] =	sbarrier.arrive $0xFFFF  }
0x24f: {  	p0 =	sne.s32 s0, $0x0;
	s0 =	rddreg [dreg:$0x3]  }
0x250: {  	s0 =	sadd.s32 @!p0 $0x100000, s0  }
0x251: {  	[sflag:s0] =	ssyncadd.tile.s32 @!p0 $0x1;
	_ =	shalt  }
.Lfunc_end2:
_tile_overlayer_lowered:
.L_overlay_start_2:
0x252: {  	(tag) =	ssettag $0x2  }
0x253: {  	s0 =	rddreg [dreg:$0x0];
	s2 =	stileid.u32  }
0x254: {  	s1 =	rddreg [dreg:$0x1];
	p0 =	sne.s32 s2, $0x0  }
0x255: {  	s3 =	rddreg [dreg:$0x2];
	[bflag:$0x3] =	sbarrier.arrive $0xFFFF;
	s2 =	simm.s32 @!p0 $0x1C05  }
0x256: {  	[timem:s3], [sflag:s2] =	dma.local @!p0 [hbm:s0], s1  }
0x257: {  	s0 =	simm.s32 @!p0 $0x5  }
0x258: {  	_ =	swait.ge @!p0 [sflag:s0], s1  }
0x259: {  	s1 =	ssub.s32 @!p0 $0x0, s1;
	[sflag:s0] =	ssyncset.done @!p0 $0x0  }
0x25a: {  	[sflag:s0] =	ssyncadd.s32 @!p0 s1  }
0x25b: {  	[bflag:$0x3] =	sbarrier.arrive $0xFFFF  }
0x25c: {  	_ =	shalt  }

</sc_bundles>
